<compile_context>
chip_gen: v7x
topology: tpu7x:2x2x1
jax: 0.10.2.dev20260603
libtpu: 0.0.44.dev20260713+nightly
codegen_flags: <defaults>
</compile_context>

<pallas_src>
import functools

import jax
import jax.numpy as jnp
from jax import lax
from jax.experimental import pallas as pl
from jax.experimental.pallas import tpu as pltpu
from jax.experimental.pallas import tpu_sc as plsc

N = 50000
E = 800000
L = 16
D = 32
PL = N * L
NLAYERS = 4
NATOM = 28

NC = 2
NS = 16
NW = NC * NS

NPAD = 50176
NPT = 3136
PADN = 51200
EPAD = 819200

_mesh = plsc.VectorSubcoreMesh(core_axis_name="c", subcore_axis_name="s")
f32 = jnp.float32


_DEG_T = 200


@functools.partial(
    pl.kernel,
    mesh=_mesh,
    compiler_params=pltpu.CompilerParams(use_tc_tiling_on_sc=False),
    out_type=jax.ShapeDtypeStruct((NC, NPAD, 16), f32),
    scratch_types=[
        pltpu.VMEM_SHARED((NPAD, 16), f32),
        pltpu.VMEM((_DEG_T, 128), jnp.int32),
        pltpu.VMEM((128, 16), f32),
        pltpu.VMEM((128, 16), f32),
        pltpu.SemaphoreType.DMA,
    ],
)
def _sc_degs(edst_hbm, out_hbm, acc, idxb, onesb, zb, sem):
    cid = lax.axis_index("c")
    t = lax.axis_index("s")

    def fill_ones(r, _):
        onesb[r, pl.ds(0, 16)] = jnp.full((16,), 1.0, f32)
        zb[r, pl.ds(0, 16)] = jnp.zeros((16,), f32)
        return 0

    lax.fori_loop(0, 128, fill_ones, 0)

    def zcp(j, _):
        pltpu.sync_copy(
            zb, acc.at[pl.ds(pl.multiple_of(t * NPT + j * 128, 8), 128)])
        return 0

    lax.fori_loop(0, 24, zcp, 0)
    pltpu.sync_copy(zb.at[pl.ds(0, 64)],
                    acc.at[pl.ds(t * NPT + 24 * 128, 64)])
    plsc.subcore_barrier()

    base = cid * (NS * _DEG_T) + t * _DEG_T
    pltpu.sync_copy(edst_hbm.at[pl.ds(base, _DEG_T)], idxb)

    def scat(j, _):
        pltpu.sync_copy(onesb, acc.at[idxb.at[j]], add=True)
        return 0

    lax.fori_loop(0, _DEG_T, scat, 0)
    plsc.subcore_barrier()
    pltpu.sync_copy(acc.at[pl.ds(t * NPT, NPT)],
                    out_hbm.at[cid, pl.ds(t * NPT, NPT)])


_G_CH = 1024
_G_FULL = 24
_G_TAIL = 424
_G_PW = 25000


@functools.partial(
    pl.kernel,
    mesh=_mesh,
    compiler_params=pltpu.CompilerParams(use_tc_tiling_on_sc=False),
    out_type=jax.ShapeDtypeStruct((PL, D), f32),
    scratch_types=[
        pltpu.VMEM((_G_CH,), jnp.int32),
        pltpu.VMEM((_G_CH, D), f32),
        pltpu.VMEM((_G_TAIL,), jnp.int32),
        pltpu.VMEM((_G_TAIL, D), f32),
        pltpu.SemaphoreType.DMA,
    ],
)
def _sc_gather(h_hbm, cols_hbm, out_hbm, idxb, rowsb, tidxb, trowsb, sem):
    cid = lax.axis_index("c")
    t = lax.axis_index("s")
    base = (t * NC + cid) * _G_PW

    def chunk(j, _):
        off = pl.multiple_of(base + j * _G_CH, 8)
        pltpu.sync_copy(cols_hbm.at[pl.ds(off, _G_CH)], idxb)
        pltpu.async_copy(h_hbm.at[idxb], rowsb, sem).wait()
        pltpu.sync_copy(rowsb, out_hbm.at[pl.ds(off, _G_CH)])
        return 0

    lax.fori_loop(0, _G_FULL, chunk, 0)
    toff = pl.multiple_of(base + _G_FULL * _G_CH, 8)
    pltpu.sync_copy(cols_hbm.at[pl.ds(toff, _G_TAIL)], tidxb)
    pltpu.async_copy(h_hbm.at[tidxb], trowsb, sem).wait()
    pltpu.sync_copy(trowsb, out_hbm.at[pl.ds(toff, _G_TAIL)])


_S_PW = 3200


@functools.partial(
    pl.kernel,
    mesh=_mesh,
    compiler_params=pltpu.CompilerParams(use_tc_tiling_on_sc=False),
    out_type=jax.ShapeDtypeStruct((NPAD, D), f32),
    scratch_types=[
        pltpu.VMEM_SHARED((NPAD, D), f32),
        pltpu.VMEM((128, D), f32),
        pltpu.VMEM((25, 128), jnp.int32),
        pltpu.VMEM((128, D), f32),
        pltpu.VMEM((128, D), f32),
        pltpu.SemaphoreType.DMA,
    ],
)
def _sc_scatter(out2_hbm, prows_hbm, fd_hbm, h_hbm, acc, datab, idxb,
                ab, fb, sem):
    cid = lax.axis_index("c")
    t = lax.axis_index("s")

    @pl.when(cid == 0)
    def _():
        def zrow(r, _):
            datab[r, pl.ds(0, 16)] = jnp.zeros((16,), f32)
            datab[r, pl.ds(16, 16)] = jnp.zeros((16,), f32)
            return 0

        lax.fori_loop(0, 128, zrow, 0)

        def zcp(j, _):
            pltpu.sync_copy(
                datab, acc.at[pl.ds(pl.multiple_of(t * NPT + j * 128, 8),
                                    128)])
            return 0

        lax.fori_loop(0, 24, zcp, 0)
        pltpu.sync_copy(datab.at[pl.ds(0, 64)],
                        acc.at[pl.ds(t * NPT + 24 * 128, 64)])
        plsc.subcore_barrier()

        def ldidx(j, _):
            pltpu.sync_copy(prows_hbm.at[pl.ds(t * _S_PW + j * 128, 128)],
                            idxb.at[j])
            return 0

        lax.fori_loop(0, 25, ldidx, 0)

        def scat(j, _):
            pltpu.sync_copy(
                out2_hbm.at[pl.ds(pl.multiple_of(t * _S_PW + j * 128, 8),
                                  128)], datab)
            pltpu.sync_copy(datab, acc.at[idxb.at[j]], add=True)
            return 0

        lax.fori_loop(0, 25, scat, 0)
        plsc.subcore_barrier()

        base = t * NPT

        def mulrows(nrows):
            def mrow(r, _):
                ab[r, pl.ds(0, 16)] = (ab[r, pl.ds(0, 16)]
                                       * fb[r, pl.ds(0, 16)])
                ab[r, pl.ds(16, 16)] = (ab[r, pl.ds(16, 16)]
                                        * fb[r, pl.ds(16, 16)])
                return 0

            lax.fori_loop(0, nrows, mrow, 0)

        def rb(j, _):
            off = pl.multiple_of(base + j * 128, 8)
            pltpu.sync_copy(acc.at[pl.ds(off, 128)], ab)
            pltpu.sync_copy(fd_hbm.at[pl.ds(off, 128)], fb)
            mulrows(128)
            pltpu.sync_copy(ab, h_hbm.at[pl.ds(off, 128)])
            return 0

        lax.fori_loop(0, 24, rb, 0)
        toff = pl.multiple_of(base + 24 * 128, 8)
        pltpu.sync_copy(acc.at[pl.ds(toff, 64)], ab.at[pl.ds(0, 64)])
        pltpu.sync_copy(fd_hbm.at[pl.ds(toff, 64)], fb.at[pl.ds(0, 64)])
        mulrows(64)
        pltpu.sync_copy(ab.at[pl.ds(0, 64)], h_hbm.at[pl.ds(toff, 64)])


_BN = 1024
_NBLK = 50


def _mm_body(g_ref, v_ref, e_ref, p_ref, W2_ref, evW_ref, b_ref, EXP_ref,
             o_ref):
    i = pl.program_id(0)
    ve = jnp.dot(v_ref[...], EXP_ref[...], preferred_element_type=f32)
    acc = jnp.dot(g_ref[...] * ve, W2_ref[...], preferred_element_type=f32)
    acc = acc + jnp.dot(e_ref[...], evW_ref[...], preferred_element_type=f32)
    acc = jnp.maximum(acc + b_ref[...], 0.0) * p_ref[...]
    rows = i * _BN + lax.broadcasted_iota(jnp.int32, (_BN, D), 0)
    o_ref[...] = jnp.where(rows < N, acc, 0.0)


def _tc_mm(g2, valsNL, e2pNL, pv2d, W2i, evWi, bi, EXP):
    clamp = lambda i: (jnp.minimum(i, _NBLK - 2), 0)
    return pl.pallas_call(
        _mm_body,
        grid=(_NBLK,),
        in_specs=[
            pl.BlockSpec((_BN, L * D), clamp),
            pl.BlockSpec((_BN, L), clamp),
            pl.BlockSpec((_BN, L), clamp),
            pl.BlockSpec((_BN, 1), clamp),
            pl.BlockSpec((L * D, D), lambda i: (0, 0)),
            pl.BlockSpec((L, D), lambda i: (0, 0)),
            pl.BlockSpec((1, D), lambda i: (0, 0)),
            pl.BlockSpec((L, L * D), lambda i: (0, 0)),
        ],
        out_specs=pl.BlockSpec((_BN, D), lambda i: (i, 0)),
        out_shape=jax.ShapeDtypeStruct((PADN, D), f32),
    )(g2, valsNL, e2pNL, pv2d, W2i, evWi, bi, EXP)


_PBLK = 49


def _prep_body(x_ref, dp_ref, aWT_ref, ab_ref, d0w_ref, d0b_ref, d1WT_ref,
               d1b_ref, h0_ref, f0_ref, f1_ref, f2_ref, f3_ref):
    h0 = jnp.dot(x_ref[...], aWT_ref[...], preferred_element_type=f32)
    h0_ref[...] = h0 + ab_ref[...]
    degs = dp_ref[0, :, 0:1] + dp_ref[1, :, 0:1]
    outs = (f0_ref, f1_ref, f2_ref, f3_ref)
    for i in range(NLAYERS):
        tmp = jnp.maximum(degs * d0w_ref[i:i + 1, :] + d0b_ref[i:i + 1, :],
                          0.0)
        outs[i][...] = (jnp.dot(tmp, d1WT_ref[i],
                                preferred_element_type=f32)
                        + d1b_ref[i:i + 1, :])


def _tc_prep(x, dparts, atom_WT, atom_b2, deg0w, deg0_b, deg1_WT, deg1_b):
    fshape = jax.ShapeDtypeStruct((NPAD, D), f32)
    return pl.pallas_call(
        _prep_body,
        grid=(_PBLK,),
        in_specs=[
            pl.BlockSpec((_BN, NATOM), lambda i: (i, 0)),
            pl.BlockSpec((NC, _BN, 16), lambda i: (0, i, 0)),
            pl.BlockSpec((NATOM, D), lambda i: (0, 0)),
            pl.BlockSpec((1, D), lambda i: (0, 0)),
            pl.BlockSpec((NLAYERS, 2 * D), lambda i: (0, 0)),
            pl.BlockSpec((NLAYERS, 2 * D), lambda i: (0, 0)),
            pl.BlockSpec((NLAYERS, 2 * D, D), lambda i: (0, 0, 0)),
            pl.BlockSpec((NLAYERS, D), lambda i: (0, 0)),
        ],
        out_specs=[pl.BlockSpec((_BN, D), lambda i: (i, 0))] * 5,
        out_shape=[fshape] * 5,
    )(x, dparts, atom_WT, atom_b2, deg0w, deg0_b, deg1_WT, deg1_b)


def kernel(x, edge_index, n2p_rows, n2p_cols, n2p_vals, e2p_rows, e2p_cols,
           e2p_vals, pool_rows, pool_cols, pool_vals, atom_W, atom_b,
           edge_W, edge_b, lrp_W, lrp_b, deg0_W, deg0_b, deg1_W, deg1_b):
    valsNL = n2p_vals.reshape(N, L)
    e2pNL = e2p_vals.reshape(N, L)
    pv2d = pool_vals.reshape(N, 1)
    prows_p = jnp.concatenate(
        [pool_rows, jnp.full((PADN - N,), N, jnp.int32)])
    edst2d = jnp.concatenate(
        [edge_index[1], jnp.full((EPAD - E,), N, jnp.int32)]).reshape(
            EPAD // 128, 128)
    ev = edge_W[:, 0] + edge_b
    W2 = jnp.transpose(lrp_W, (0, 3, 1, 2)).reshape(NLAYERS, L * D, D)
    evW = jnp.einsum('b,nbcl->nlc', ev, lrp_W)
    EXP = jnp.kron(jnp.eye(L, dtype=f32), jnp.ones((1, D), f32))
    atom_WT = atom_W.T
    atom_b2 = atom_b.reshape(1, D)
    deg0w = deg0_W[:, :, 0]
    deg1_WT = jnp.transpose(deg1_W, (0, 2, 1))

    dparts = _sc_degs(edst2d)
    h, f0, f1, f2, f3 = _tc_prep(x, dparts, atom_WT, atom_b2, deg0w,
                                 deg0_b, deg1_WT, deg1_b)
    fds = (f0, f1, f2, f3)
    for i in range(NLAYERS):
        g = _sc_gather(h, n2p_cols)
        out2 = _tc_mm(g.reshape(N, L * D), valsNL, e2pNL, pv2d, W2[i],
                      evW[i], lrp_b[i], EXP)
        h = _sc_scatter(out2, prows_p, fds[i])
    return h[:N]

# --- scband reference (transcript-rebuilt; emitter-appended) ---
"""Pipeline reference for scband-lrp-graph-emb-module-54374285967908 (READ-ONLY COPY).

The authoritative reference and input builder live on the scoring server;
editing this copy changes nothing except your own understanding.
"""

import jax, jax.numpy as jnp
import numpy as np

N = 50000
E = 800000
L = 16
D = 32
PL = N * L
NLAYERS = 4
NATOM = 28


def setup_inputs(seed: int = 0):
    key = jax.random.key(seed)
    ks = jax.random.split(key, 16)
    inp = {}
    inp["x"] = jax.random.normal(ks[0], (N, NATOM), dtype=jnp.float32)
    inp["edge_index"] = jax.random.randint(ks[1], (2, E), 0, N, dtype=jnp.int32)
    inp["n2p_rows"] = jnp.arange(PL, dtype=jnp.int32)
    inp["n2p_cols"] = jax.random.randint(ks[2], (PL,), 0, N, dtype=jnp.int32)
    inp["n2p_vals"] = jax.random.uniform(ks[3], (PL,), dtype=jnp.float32)
    inp["e2p_rows"] = jnp.arange(PL, dtype=jnp.int32)
    inp["e2p_cols"] = jax.random.randint(ks[4], (PL,), 0, E, dtype=jnp.int32)
    inp["e2p_vals"] = jax.random.uniform(ks[5], (PL,), dtype=jnp.float32)
    inp["pool_rows"] = jax.random.randint(ks[6], (N,), 0, N, dtype=jnp.int32)
    inp["pool_cols"] = jnp.arange(N, dtype=jnp.int32)
    inp["pool_vals"] = jax.random.uniform(ks[7], (N,), dtype=jnp.float32)
    inp["atom_W"] = jax.random.normal(ks[8], (D, NATOM), dtype=jnp.float32) * (1.0 / np.sqrt(NATOM))
    inp["atom_b"] = jnp.zeros((D,), dtype=jnp.float32)
    inp["edge_W"] = jax.random.normal(ks[9], (D, 1), dtype=jnp.float32)
    inp["edge_b"] = jnp.zeros((D,), dtype=jnp.float32)
    inp["lrp_W"] = jax.random.normal(ks[10], (NLAYERS, D, D, L), dtype=jnp.float32) * 0.04
    inp["lrp_b"] = jnp.zeros((NLAYERS, 1, D), dtype=jnp.float32)
    inp["deg0_W"] = jax.random.normal(ks[11], (NLAYERS, 2 * D, 1), dtype=jnp.float32) * 0.05
    inp["deg0_b"] = jnp.zeros((NLAYERS, 2 * D), dtype=jnp.float32)
    inp["deg1_W"] = jax.random.normal(ks[12], (NLAYERS, D, 2 * D), dtype=jnp.float32) * (1.0 / np.sqrt(2 * D))
    inp["deg1_b"] = jnp.zeros((NLAYERS, D), dtype=jnp.float32)
    return inp


def _spmm(rows, cols, vals, n_rows, mat):
    # torch_sparse.spmm(index, value, m, n, mat) equivalent
    return jax.ops.segment_sum(vals[:, None] * mat[cols], rows, num_segments=n_rows)


def reference(x, edge_index, n2p_rows, n2p_cols, n2p_vals, e2p_rows, e2p_cols, e2p_vals,
              pool_rows, pool_cols, pool_vals, atom_W, atom_b, edge_W, edge_b,
              lrp_W, lrp_b, deg0_W, deg0_b, deg1_W, deg1_b):
    # atom_encoder / edge_encoder (edge feats are all-ones per the module)
    h = x @ atom_W.T + atom_b
    ef = jnp.ones((E, 1), dtype=jnp.float32) @ edge_W.T + edge_b
    # degs = pyg.utils.degree(edge_index[1])
    degs = jnp.zeros((N,), dtype=jnp.float32).at[edge_index[1]].add(1.0)
    for i in range(NLAYERS):
        # LRP_PURE_layer forward
        nf = _spmm(n2p_rows, n2p_cols, n2p_vals, PL, h) + _spmm(e2p_rows, e2p_cols, e2p_vals, PL, ef)
        nf = jnp.transpose(nf).reshape(D, -1, L).transpose(1, 2, 0)  # [N, L, D]
        nf = jax.nn.relu(jnp.einsum('dab,bca->dc', nf, lrp_W[i]) + lrp_b[i])  # [N, D]
        nf = _spmm(pool_rows, pool_cols, pool_vals, N, nf)
        fd = jax.nn.relu(degs[:, None] @ deg0_W[i].T + deg0_b[i])
        fd = fd @ deg1_W[i].T + deg1_b[i]
        h = nf * fd  # einsum('ab,ab->ab')
    return h

if __name__ == "__main__":
    import jax
    _d = setup_inputs()
    print(jax.jit(kernel)(*tuple(_d.values())))

</pallas_src>

<mosaic_0001>
#map = affine_map<(d0, d1) -> (0, 0)>
#map1 = affine_map<(d0, d1) -> (0, 0, 0)>
module attributes {stable_mosaic.version = 14 : i64} {
  func.func @_sc_degs(%arg0: i32, %arg1: i32, %arg2: memref<6400x128xi32, #tpu.memory_space<hbm>>, %arg3: memref<2x50176x16xf32, #tpu.memory_space<hbm>>, %arg4: memref<50176x16xf32, #tpu.memory_space<vmem_shared>>, %arg5: memref<200x128xi32, #tpu.memory_space<vmem>>, %arg6: memref<128x16xf32, #tpu.memory_space<vmem>>, %arg7: memref<128x16xf32, #tpu.memory_space<vmem>>, %arg8: memref<!tpu.dma_semaphore, #tpu.memory_space<semaphore_mem>>) attributes {dimension_semantics = [#tpu.dimension_semantics<core_parallel>, #tpu.dimension_semantics<subcore_parallel>], iteration_bounds = array<i64: 2, 16>, scalar_prefetch = 0 : i64, scratch_operands = 5 : i64, tpu.core_type = #tpu.core_type<sc_vector_subcore>, window_params = [{transform_indices = #map}, {transform_indices = #map1}]} {
    %scan3A = arith.constant 0 : i32
    %scan3A_0 = arith.constant 0 : i32
    %scan3A_1 = arith.constant 128 : i32
    %scan3A_2 = arith.addi %scan3A_0, %scan3A_1 : i32
    %scan3A_3 = arith.constant 1 : i32
    %scan3A_4 = scf.for %scan3A_32 = %scan3A_0 to %scan3A_2 step %scan3A_3 iter_args(%scan3A_33 = %scan3A) -> (i32)  : i32 {
      %broadcast_in_dim3A = arith.constant 1.000000e+00 : f32
      %broadcast_in_dim3A_34 = vector.broadcast %broadcast_in_dim3A : f32 to vector<16xf32>
      %swap3A = arith.index_cast %scan3A_32 : i32 to index
      %swap3A_35 = arith.constant 0 : index
      %swap3A_36 = tpu.vector_load %arg6[%swap3A, %swap3A_35] {strides = array<i32>} : memref<128x16xf32, #tpu.memory_space<vmem>>, vector<1x16xf32>,
      %swap3A_37 = vector.shape_cast %swap3A_36 : vector<1x16xf32> to vector<16xf32>
      %swap3A_38 = vector.shape_cast %broadcast_in_dim3A_34 : vector<16xf32> to vector<1x16xf32>
      tpu.vector_store %arg6[%swap3A, %swap3A_35], %swap3A_38 {strides = array<i32>} : memref<128x16xf32, #tpu.memory_space<vmem>>, vector<1x16xf32>,
      %broadcast_in_dim3A_39 = arith.constant 0.000000e+00 : f32
      %broadcast_in_dim3A_40 = vector.broadcast %broadcast_in_dim3A_39 : f32 to vector<16xf32>
      %swap3A_41 = arith.index_cast %scan3A_32 : i32 to index
      %swap3A_42 = arith.constant 0 : index
      %swap3A_43 = tpu.vector_load %arg7[%swap3A_41, %swap3A_42] {strides = array<i32>} : memref<128x16xf32, #tpu.memory_space<vmem>>, vector<1x16xf32>,
      %swap3A_44 = vector.shape_cast %swap3A_43 : vector<1x16xf32> to vector<16xf32>
      %swap3A_45 = vector.shape_cast %broadcast_in_dim3A_40 : vector<16xf32> to vector<1x16xf32>
      tpu.vector_store %arg7[%swap3A_41, %swap3A_42], %swap3A_45 {strides = array<i32>} : memref<128x16xf32, #tpu.memory_space<vmem>>, vector<1x16xf32>,
      %scan3A_46 = arith.constant 0 : i32
      scf.yield %scan3A_46 : i32
    }
    %scan3A_5 = arith.constant 128 : i32
    %scan3A_6 = arith.constant 0 : i32
    %scan3A_7 = arith.constant 0 : i32
    %scan3A_8 = arith.constant 24 : i32
    %scan3A_9 = arith.addi %scan3A_7, %scan3A_8 : i32
    %scan3A_10 = arith.constant 1 : i32
    %scan3A_11 = scf.for %scan3A_32 = %scan3A_7 to %scan3A_9 step %scan3A_10 iter_args(%scan3A_33 = %scan3A_6) -> (i32)  : i32 {
      %mul3A_34 = arith.constant 3136 : i32
      %mul3A_35 = arith.muli %arg1, %mul3A_34 : i32
      %mul3A_36 = arith.constant 128 : i32
      %mul3A_37 = arith.muli %scan3A_32, %mul3A_36 : i32
      %add3A_38 = arith.addi %mul3A_35, %mul3A_37 : i32
      %multiple_of3A = tpu.assume_multiple %add3A_38, 8 : i32
      "tpu.region"() ({
        %run_scoped3A = tpu.sem_alloc : memref<!tpu.dma_semaphore, #tpu.memory_space<semaphore_mem>>
        %dma_start3A = arith.constant 0 : i32
        %dma_start3A_40 = tpu.memref_slice %arg4[%multiple_of3A, %dma_start3A] : memref<50176x16xf32, #tpu.memory_space<vmem_shared>> -> memref<128x16xf32, #tpu.memory_space<vmem_shared>>
        %dma_start3A_41 = arith.constant 0 : i32
        %dma_start3A_42 = tpu.memref_slice %arg4[%multiple_of3A, %dma_start3A_41] : memref<50176x16xf32, #tpu.memory_space<vmem_shared>> -> memref<128x16xf32, #tpu.memory_space<vmem_shared>>
        tpu.enqueue_dma source(%arg7 : memref<128x16xf32, #tpu.memory_space<vmem>>) target(%dma_start3A_42 : memref<128x16xf32, #tpu.memory_space<vmem_shared>>) target_semaphore(%run_scoped3A : memref<!tpu.dma_semaphore, #tpu.memory_space<semaphore_mem>>)
        %dma_wait3A = arith.constant 0 : i32
        %dma_wait3A_43 = tpu.memref_slice %arg4[%multiple_of3A, %dma_wait3A] : memref<50176x16xf32, #tpu.memory_space<vmem_shared>> -> memref<128x16xf32, #tpu.memory_space<vmem_shared>>
        %dma_wait3A_44 = arith.constant 0 : i32
        %dma_wait3A_45 = tpu.memref_slice %arg4[%multiple_of3A, %dma_wait3A_44] : memref<50176x16xf32, #tpu.memory_space<vmem_shared>> -> memref<128x16xf32, #tpu.memory_space<vmem_shared>>
        tpu.wait_dma2 semaphore(%run_scoped3A : memref<!tpu.dma_semaphore, #tpu.memory_space<semaphore_mem>>) src(%arg7 : memref<128x16xf32, #tpu.memory_space<vmem>>) dst(%dma_wait3A_45 : memref<128x16xf32, #tpu.memory_space<vmem_shared>>)
        tpu.yield
      }) : () -> ()
      %scan3A_39 = arith.constant 0 : i32
      scf.yield %scan3A_39 : i32
    }
    %scan3A_12 = arith.constant 24 : i32
    %mul3A = arith.constant 3136 : i32
    %mul3A_13 = arith.muli %arg1, %mul3A : i32
    %add3A = arith.constant 3072 : i32
    %add3A_14 = arith.addi %mul3A_13, %add3A : i32
    "tpu.region"() ({
      %run_scoped3A = tpu.sem_alloc : memref<!tpu.dma_semaphore, #tpu.memory_space<semaphore_mem>>
      %dma_start3A = arith.constant 0 : i32
      %dma_start3A_32 = arith.constant 0 : i32
      %dma_start3A_33 = tpu.memref_slice %arg7[%dma_start3A, %dma_start3A_32] : memref<128x16xf32, #tpu.memory_space<vmem>> -> memref<64x16xf32, #tpu.memory_space<vmem>>
      %dma_start3A_34 = arith.constant 0 : i32
      %dma_start3A_35 = tpu.memref_slice %arg4[%add3A_14, %dma_start3A_34] : memref<50176x16xf32, #tpu.memory_space<vmem_shared>> -> memref<64x16xf32, #tpu.memory_space<vmem_shared>>
      %dma_start3A_36 = arith.constant 0 : i32
      %dma_start3A_37 = tpu.memref_slice %arg4[%add3A_14, %dma_start3A_36] : memref<50176x16xf32, #tpu.memory_space<vmem_shared>> -> memref<64x16xf32, #tpu.memory_space<vmem_shared>>
      %dma_start3A_38 = arith.constant 0 : i32
      %dma_start3A_39 = arith.constant 0 : i32
      %dma_start3A_40 = tpu.memref_slice %arg7[%dma_start3A_38, %dma_start3A_39] : memref<128x16xf32, #tpu.memory_space<vmem>> -> memref<64x16xf32, #tpu.memory_space<vmem>>
      tpu.enqueue_dma source(%dma_start3A_40 : memref<64x16xf32, #tpu.memory_space<vmem>>) target(%dma_start3A_37 : memref<64x16xf32, #tpu.memory_space<vmem_shared>>) target_semaphore(%run_scoped3A : memref<!tpu.dma_semaphore, #tpu.memory_space<semaphore_mem>>)
      %dma_wait3A = arith.constant 0 : i32
      %dma_wait3A_41 = arith.constant 0 : i32
      %dma_wait3A_42 = tpu.memref_slice %arg7[%dma_wait3A, %dma_wait3A_41] : memref<128x16xf32, #tpu.memory_space<vmem>> -> memref<64x16xf32, #tpu.memory_space<vmem>>
      %dma_wait3A_43 = arith.constant 0 : i32
      %dma_wait3A_44 = tpu.memref_slice %arg4[%add3A_14, %dma_wait3A_43] : memref<50176x16xf32, #tpu.memory_space<vmem_shared>> -> memref<64x16xf32, #tpu.memory_space<vmem_shared>>
      %dma_wait3A_45 = arith.constant 0 : i32
      %dma_wait3A_46 = tpu.memref_slice %arg4[%add3A_14, %dma_wait3A_45] : memref<50176x16xf32, #tpu.memory_space<vmem_shared>> -> memref<64x16xf32, #tpu.memory_space<vmem_shared>>
      %dma_wait3A_47 = arith.constant 0 : i32
      %dma_wait3A_48 = arith.constant 0 : i32
      %dma_wait3A_49 = tpu.memref_slice %arg7[%dma_wait3A_47, %dma_wait3A_48] : memref<128x16xf32, #tpu.memory_space<vmem>> -> memref<64x16xf32, #tpu.memory_space<vmem>>
      tpu.wait_dma2 semaphore(%run_scoped3A : memref<!tpu.dma_semaphore, #tpu.memory_space<semaphore_mem>>) src(%dma_wait3A_49 : memref<64x16xf32, #tpu.memory_space<vmem>>) dst(%dma_wait3A_46 : memref<64x16xf32, #tpu.memory_space<vmem_shared>>)
      tpu.yield
    }) : () -> ()
    %barrier3A = arith.constant 0 : index
    tpu.barrier barrier_id(%barrier3A)
    %mul3A_15 = arith.constant 3200 : i32
    %mul3A_16 = arith.muli %arg0, %mul3A_15 : i32
    %mul3A_17 = arith.constant 200 : i32
    %mul3A_18 = arith.muli %arg1, %mul3A_17 : i32
    %add3A_19 = arith.addi %mul3A_16, %mul3A_18 : i32
    "tpu.region"() ({
      %run_scoped3A = tpu.sem_alloc : memref<!tpu.dma_semaphore, #tpu.memory_space<semaphore_mem>>
      %dma_start3A = arith.constant 0 : i32
      %dma_start3A_32 = tpu.memref_slice %arg2[%add3A_19, %dma_start3A] : memref<6400x128xi32, #tpu.memory_space<hbm>> -> memref<200x128xi32, #tpu.memory_space<hbm>>
      %dma_start3A_33 = arith.constant 0 : i32
      %dma_start3A_34 = tpu.memref_slice %arg2[%add3A_19, %dma_start3A_33] : memref<6400x128xi32, #tpu.memory_space<hbm>> -> memref<200x128xi32, #tpu.memory_space<hbm>>
      tpu.enqueue_dma source(%dma_start3A_34 : memref<200x128xi32, #tpu.memory_space<hbm>>) target(%arg5 : memref<200x128xi32, #tpu.memory_space<vmem>>) target_semaphore(%run_scoped3A : memref<!tpu.dma_semaphore, #tpu.memory_space<semaphore_mem>>)
      %dma_wait3A = arith.constant 0 : i32
      %dma_wait3A_35 = tpu.memref_slice %arg2[%add3A_19, %dma_wait3A] : memref<6400x128xi32, #tpu.memory_space<hbm>> -> memref<200x128xi32, #tpu.memory_space<hbm>>
      %dma_wait3A_36 = arith.constant 0 : i32
      %dma_wait3A_37 = tpu.memref_slice %arg2[%add3A_19, %dma_wait3A_36] : memref<6400x128xi32, #tpu.memory_space<hbm>> -> memref<200x128xi32, #tpu.memory_space<hbm>>
      tpu.wait_dma2 semaphore(%run_scoped3A : memref<!tpu.dma_semaphore, #tpu.memory_space<semaphore_mem>>) src(%dma_wait3A_37 : memref<200x128xi32, #tpu.memory_space<hbm>>) dst(%arg5 : memref<200x128xi32, #tpu.memory_space<vmem>>)
      tpu.yield
    }) : () -> ()
    %scan3A_20 = arith.constant 0 : i32
    %scan3A_21 = arith.constant 0 : i32
    %scan3A_22 = arith.constant 200 : i32
    %scan3A_23 = arith.addi %scan3A_21, %scan3A_22 : i32
    %scan3A_24 = arith.constant 1 : i32
    %scan3A_25 = scf.for %scan3A_32 = %scan3A_21 to %scan3A_23 step %scan3A_24 iter_args(%scan3A_33 = %scan3A_20) -> (i32)  : i32 {
      "tpu.region"() ({
        %run_scoped3A = tpu.sem_alloc : memref<!tpu.dma_semaphore, #tpu.memory_space<semaphore_mem>>
        %dma_start3A = arith.constant 0 : i32
        %dma_start3A_35 = tpu.memref_slice %arg5[%scan3A_32, %dma_start3A] : memref<200x128xi32, #tpu.memory_space<vmem>> -> memref<1x128xi32, #tpu.memory_space<vmem>>
        %dma_start3A_36 = tpu.memref_squeeze %dma_start3A_35 : memref<1x128xi32, #tpu.memory_space<vmem>> -> memref<128xi32, #tpu.memory_space<vmem>>
        %dma_start3A_37 = arith.constant 0 : i32
        %dma_start3A_38 = arith.constant 0 : i32
        %dma_start3A_39 = tpu.memref_slice %arg4[%dma_start3A_37, %dma_start3A_38] : memref<50176x16xf32, #tpu.memory_space<vmem_shared>> -> memref<50176x16xf32, #tpu.memory_space<vmem_shared>>
        tpu.enqueue_indirect_dma source(%arg6 : memref<128x16xf32, #tpu.memory_space<vmem>>) target(%dma_start3A_39 : memref<50176x16xf32, #tpu.memory_space<vmem_shared>>) offsets(%dma_start3A_36 : memref<128xi32, #tpu.memory_space<vmem>>) semaphore(%run_scoped3A : memref<!tpu.dma_semaphore, #tpu.memory_space<semaphore_mem>>) {add = true}
        %dma_wait3A = arith.constant 0 : i32
        %dma_wait3A_40 = tpu.memref_slice %arg5[%scan3A_32, %dma_wait3A] : memref<200x128xi32, #tpu.memory_space<vmem>> -> memref<1x128xi32, #tpu.memory_space<vmem>>
        %dma_wait3A_41 = tpu.memref_squeeze %dma_wait3A_40 : memref<1x128xi32, #tpu.memory_space<vmem>> -> memref<128xi32, #tpu.memory_space<vmem>>
        %dma_wait3A_42 = arith.constant 0 : i32
        %dma_wait3A_43 = arith.constant 0 : i32
        %dma_wait3A_44 = tpu.memref_slice %arg4[%dma_wait3A_42, %dma_wait3A_43] : memref<50176x16xf32, #tpu.memory_space<vmem_shared>> -> memref<50176x16xf32, #tpu.memory_space<vmem_shared>>
        tpu.wait_indirect_dma semaphore(%run_scoped3A : memref<!tpu.dma_semaphore, #tpu.memory_space<semaphore_mem>>) src(%arg6 : memref<128x16xf32, #tpu.memory_space<vmem>>) dst(%dma_wait3A_44 : memref<50176x16xf32, #tpu.memory_space<vmem_shared>>)
        tpu.yield
      }) : () -> ()
      %scan3A_34 = arith.constant 0 : i32
      scf.yield %scan3A_34 : i32
    }
    %scan3A_26 = arith.constant 200 : i32
    %barrier3A_27 = arith.constant 0 : index
    tpu.barrier barrier_id(%barrier3A_27)
    %mul3A_28 = arith.constant 3136 : i32
    %mul3A_29 = arith.muli %arg1, %mul3A_28 : i32
    %mul3A_30 = arith.constant 3136 : i32
    %mul3A_31 = arith.muli %arg1, %mul3A_30 : i32
    "tpu.region"() ({
      %run_scoped3A = tpu.sem_alloc : memref<!tpu.dma_semaphore, #tpu.memory_space<semaphore_mem>>
      %dma_start3A = arith.constant 0 : i32
      %dma_start3A_32 = tpu.memref_slice %arg3[%arg0, %mul3A_31, %dma_start3A] : memref<2x50176x16xf32, #tpu.memory_space<hbm>> -> memref<1x3136x16xf32, #tpu.memory_space<hbm>>
      %dma_start3A_33 = tpu.memref_squeeze %dma_start3A_32 : memref<1x3136x16xf32, #tpu.memory_space<hbm>> -> memref<3136x16xf32, #tpu.memory_space<hbm>>
      %dma_start3A_34 = arith.constant 0 : i32
      %dma_start3A_35 = tpu.memref_slice %arg4[%mul3A_29, %dma_start3A_34] : memref<50176x16xf32, #tpu.memory_space<vmem_shared>> -> memref<3136x16xf32, #tpu.memory_space<vmem_shared>>
      tpu.enqueue_dma source(%dma_start3A_35 : memref<3136x16xf32, #tpu.memory_space<vmem_shared>>) target(%dma_start3A_33 : memref<3136x16xf32, #tpu.memory_space<hbm>>) target_semaphore(%run_scoped3A : memref<!tpu.dma_semaphore, #tpu.memory_space<semaphore_mem>>)
      %dma_wait3A = arith.constant 0 : i32
      %dma_wait3A_36 = tpu.memref_slice %arg3[%arg0, %mul3A_31, %dma_wait3A] : memref<2x50176x16xf32, #tpu.memory_space<hbm>> -> memref<1x3136x16xf32, #tpu.memory_space<hbm>>
      %dma_wait3A_37 = tpu.memref_squeeze %dma_wait3A_36 : memref<1x3136x16xf32, #tpu.memory_space<hbm>> -> memref<3136x16xf32, #tpu.memory_space<hbm>>
      %dma_wait3A_38 = arith.constant 0 : i32
      %dma_wait3A_39 = tpu.memref_slice %arg4[%mul3A_29, %dma_wait3A_38] : memref<50176x16xf32, #tpu.memory_space<vmem_shared>> -> memref<3136x16xf32, #tpu.memory_space<vmem_shared>>
      tpu.wait_dma2 semaphore(%run_scoped3A : memref<!tpu.dma_semaphore, #tpu.memory_space<semaphore_mem>>) src(%dma_wait3A_39 : memref<3136x16xf32, #tpu.memory_space<vmem_shared>>) dst(%dma_wait3A_37 : memref<3136x16xf32, #tpu.memory_space<hbm>>)
      tpu.yield
    }) : () -> ()
    return
  }
}

#map = affine_map<(d0, d1) -> (0, 0)>
#map1 = affine_map<(d0, d1) -> (0)>
module attributes {stable_mosaic.version = 14 : i64} {
  func.func @_sc_scatter(%arg0: i32, %arg1: i32, %arg2: memref<51200x32xf32, #tpu.memory_space<hbm>>, %arg3: memref<51200xi32, #tpu.memory_space<hbm>>, %arg4: memref<50176x32xf32, #tpu.memory_space<hbm>>, %arg5: memref<50176x32xf32, #tpu.memory_space<hbm>>, %arg6: memref<50176x32xf32, #tpu.memory_space<vmem_shared>>, %arg7: memref<128x32xf32, #tpu.memory_space<vmem>>, %arg8: memref<25x128xi32, #tpu.memory_space<vmem>>, %arg9: memref<128x32xf32, #tpu.memory_space<vmem>>, %arg10: memref<128x32xf32, #tpu.memory_space<vmem>>, %arg11: memref<!tpu.dma_semaphore, #tpu.memory_space<semaphore_mem>>) attributes {dimension_semantics = [#tpu.dimension_semantics<core_parallel>, #tpu.dimension_semantics<subcore_parallel>], iteration_bounds = array<i64: 2, 16>, scalar_prefetch = 0 : i64, scratch_operands = 6 : i64, tpu.core_type = #tpu.core_type<sc_vector_subcore>, window_params = [{transform_indices = #map}, {transform_indices = #map1}, {transform_indices = #map}, {transform_indices = #map}]} {
    %eq3A = arith.constant 0 : i32
    %eq3A_0 = arith.cmpi eq, %arg0, %eq3A : i32
    %convert_element_type3A = arith.extui %eq3A_0 : i1 to i32
    %cond3A = arith.constant 0 : i32
    %cond3A_1 = arith.cmpi ne, %convert_element_type3A, %cond3A : i32
    scf.if %cond3A_1 {
      %scan3A = arith.constant 0 : i32
      %scan3A_2 = arith.constant 0 : i32
      %scan3A_3 = arith.constant 128 : i32
      %scan3A_4 = arith.addi %scan3A_2, %scan3A_3 : i32
      %scan3A_5 = arith.constant 1 : i32
      %scan3A_6 = scf.for %scan3A_50 = %scan3A_2 to %scan3A_4 step %scan3A_5 iter_args(%scan3A_51 = %scan3A) -> (i32)  : i32 {
        %broadcast_in_dim3A = arith.constant 0.000000e+00 : f32
        %broadcast_in_dim3A_52 = vector.broadcast %broadcast_in_dim3A : f32 to vector<16xf32>
        %swap3A = arith.index_cast %scan3A_50 : i32 to index
        %swap3A_53 = arith.constant 0 : index
        %swap3A_54 = tpu.vector_load %arg7[%swap3A, %swap3A_53] {strides = array<i32>} : memref<128x32xf32, #tpu.memory_space<vmem>>, vector<1x16xf32>,
        %swap3A_55 = vector.shape_cast %swap3A_54 : vector<1x16xf32> to vector<16xf32>
        %swap3A_56 = vector.shape_cast %broadcast_in_dim3A_52 : vector<16xf32> to vector<1x16xf32>
        tpu.vector_store %arg7[%swap3A, %swap3A_53], %swap3A_56 {strides = array<i32>} : memref<128x32xf32, #tpu.memory_space<vmem>>, vector<1x16xf32>,
        %broadcast_in_dim3A_57 = arith.constant 0.000000e+00 : f32
        %broadcast_in_dim3A_58 = vector.broadcast %broadcast_in_dim3A_57 : f32 to vector<16xf32>
        %swap3A_59 = arith.index_cast %scan3A_50 : i32 to index
        %swap3A_60 = arith.constant 16 : index
        %swap3A_61 = tpu.vector_load %arg7[%swap3A_59, %swap3A_60] {strides = array<i32>} : memref<128x32xf32, #tpu.memory_space<vmem>>, vector<1x16xf32>,
        %swap3A_62 = vector.shape_cast %swap3A_61 : vector<1x16xf32> to vector<16xf32>
        %swap3A_63 = vector.shape_cast %broadcast_in_dim3A_58 : vector<16xf32> to vector<1x16xf32>
        tpu.vector_store %arg7[%swap3A_59, %swap3A_60], %swap3A_63 {strides = array<i32>} : memref<128x32xf32, #tpu.memory_space<vmem>>, vector<1x16xf32>,
        %scan3A_64 = arith.constant 0 : i32
        scf.yield %scan3A_64 : i32
      }
      %scan3A_7 = arith.constant 128 : i32
      %scan3A_8 = arith.constant 0 : i32
      %scan3A_9 = arith.constant 0 : i32
      %scan3A_10 = arith.constant 24 : i32
      %scan3A_11 = arith.addi %scan3A_9, %scan3A_10 : i32
      %scan3A_12 = arith.constant 1 : i32
      %scan3A_13 = scf.for %scan3A_50 = %scan3A_9 to %scan3A_11 step %scan3A_12 iter_args(%scan3A_51 = %scan3A_8) -> (i32)  : i32 {
        %mul3A_52 = arith.constant 3136 : i32
        %mul3A_53 = arith.muli %arg1, %mul3A_52 : i32
        %mul3A_54 = arith.constant 128 : i32
        %mul3A_55 = arith.muli %scan3A_50, %mul3A_54 : i32
        %add3A_56 = arith.addi %mul3A_53, %mul3A_55 : i32
        %multiple_of3A_57 = tpu.assume_multiple %add3A_56, 8 : i32
        "tpu.region"() ({
          %run_scoped3A = tpu.sem_alloc : memref<!tpu.dma_semaphore, #tpu.memory_space<semaphore_mem>>
          %dma_start3A = arith.constant 0 : i32
          %dma_start3A_59 = tpu.memref_slice %arg6[%multiple_of3A_57, %dma_start3A] : memref<50176x32xf32, #tpu.memory_space<vmem_shared>> -> memref<128x32xf32, #tpu.memory_space<vmem_shared>>
          %dma_start3A_60 = arith.constant 0 : i32
          %dma_start3A_61 = tpu.memref_slice %arg6[%multiple_of3A_57, %dma_start3A_60] : memref<50176x32xf32, #tpu.memory_space<vmem_shared>> -> memref<128x32xf32, #tpu.memory_space<vmem_shared>>
          tpu.enqueue_dma source(%arg7 : memref<128x32xf32, #tpu.memory_space<vmem>>) target(%dma_start3A_61 : memref<128x32xf32, #tpu.memory_space<vmem_shared>>) target_semaphore(%run_scoped3A : memref<!tpu.dma_semaphore, #tpu.memory_space<semaphore_mem>>)
          %dma_wait3A = arith.constant 0 : i32
          %dma_wait3A_62 = tpu.memref_slice %arg6[%multiple_of3A_57, %dma_wait3A] : memref<50176x32xf32, #tpu.memory_space<vmem_shared>> -> memref<128x32xf32, #tpu.memory_space<vmem_shared>>
          %dma_wait3A_63 = arith.constant 0 : i32
          %dma_wait3A_64 = tpu.memref_slice %arg6[%multiple_of3A_57, %dma_wait3A_63] : memref<50176x32xf32, #tpu.memory_space<vmem_shared>> -> memref<128x32xf32, #tpu.memory_space<vmem_shared>>
          tpu.wait_dma2 semaphore(%run_scoped3A : memref<!tpu.dma_semaphore, #tpu.memory_space<semaphore_mem>>) src(%arg7 : memref<128x32xf32, #tpu.memory_space<vmem>>) dst(%dma_wait3A_64 : memref<128x32xf32, #tpu.memory_space<vmem_shared>>)
          tpu.yield
        }) : () -> ()
        %scan3A_58 = arith.constant 0 : i32
        scf.yield %scan3A_58 : i32
      }
      %scan3A_14 = arith.constant 24 : i32
      %mul3A = arith.constant 3136 : i32
      %mul3A_15 = arith.muli %arg1, %mul3A : i32
      %add3A = arith.constant 3072 : i32
      %add3A_16 = arith.addi %mul3A_15, %add3A : i32
      "tpu.region"() ({
        %run_scoped3A = tpu.sem_alloc : memref<!tpu.dma_semaphore, #tpu.memory_space<semaphore_mem>>
        %dma_start3A = arith.constant 0 : i32
        %dma_start3A_50 = arith.constant 0 : i32
        %dma_start3A_51 = tpu.memref_slice %arg7[%dma_start3A, %dma_start3A_50] : memref<128x32xf32, #tpu.memory_space<vmem>> -> memref<64x32xf32, #tpu.memory_space<vmem>>
        %dma_start3A_52 = arith.constant 0 : i32
        %dma_start3A_53 = tpu.memref_slice %arg6[%add3A_16, %dma_start3A_52] : memref<50176x32xf32, #tpu.memory_space<vmem_shared>> -> memref<64x32xf32, #tpu.memory_space<vmem_shared>>
        %dma_start3A_54 = arith.constant 0 : i32
        %dma_start3A_55 = tpu.memref_slice %arg6[%add3A_16, %dma_start3A_54] : memref<50176x32xf32, #tpu.memory_space<vmem_shared>> -> memref<64x32xf32, #tpu.memory_space<vmem_shared>>
        %dma_start3A_56 = arith.constant 0 : i32
        %dma_start3A_57 = arith.constant 0 : i32
        %dma_start3A_58 = tpu.memref_slice %arg7[%dma_start3A_56, %dma_start3A_57] : memref<128x32xf32, #tpu.memory_space<vmem>> -> memref<64x32xf32, #tpu.memory_space<vmem>>
        tpu.enqueue_dma source(%dma_start3A_58 : memref<64x32xf32, #tpu.memory_space<vmem>>) target(%dma_start3A_55 : memref<64x32xf32, #tpu.memory_space<vmem_shared>>) target_semaphore(%run_scoped3A : memref<!tpu.dma_semaphore, #tpu.memory_space<semaphore_mem>>)
        %dma_wait3A = arith.constant 0 : i32
        %dma_wait3A_59 = arith.constant 0 : i32
        %dma_wait3A_60 = tpu.memref_slice %arg7[%dma_wait3A, %dma_wait3A_59] : memref<128x32xf32, #tpu.memory_space<vmem>> -> memref<64x32xf32, #tpu.memory_space<vmem>>
        %dma_wait3A_61 = arith.constant 0 : i32
        %dma_wait3A_62 = tpu.memref_slice %arg6[%add3A_16, %dma_wait3A_61] : memref<50176x32xf32, #tpu.memory_space<vmem_shared>> -> memref<64x32xf32, #tpu.memory_space<vmem_shared>>
        %dma_wait3A_63 = arith.constant 0 : i32
        %dma_wait3A_64 = tpu.memref_slice %arg6[%add3A_16, %dma_wait3A_63] : memref<50176x32xf32, #tpu.memory_space<vmem_shared>> -> memref<64x32xf32, #tpu.memory_space<vmem_shared>>
        %dma_wait3A_65 = arith.constant 0 : i32
        %dma_wait3A_66 = arith.constant 0 : i32
        %dma_wait3A_67 = tpu.memref_slice %arg7[%dma_wait3A_65, %dma_wait3A_66] : memref<128x32xf32, #tpu.memory_space<vmem>> -> memref<64x32xf32, #tpu.memory_space<vmem>>
        tpu.wait_dma2 semaphore(%run_scoped3A : memref<!tpu.dma_semaphore, #tpu.memory_space<semaphore_mem>>) src(%dma_wait3A_67 : memref<64x32xf32, #tpu.memory_space<vmem>>) dst(%dma_wait3A_64 : memref<64x32xf32, #tpu.memory_space<vmem_shared>>)
        tpu.yield
      }) : () -> ()
      %barrier3A = arith.constant 0 : index
      tpu.barrier barrier_id(%barrier3A)
      %scan3A_17 = arith.constant 0 : i32
      %scan3A_18 = arith.constant 0 : i32
      %scan3A_19 = arith.constant 25 : i32
      %scan3A_20 = arith.addi %scan3A_18, %scan3A_19 : i32
      %scan3A_21 = arith.constant 1 : i32
      %scan3A_22 = scf.for %scan3A_50 = %scan3A_18 to %scan3A_20 step %scan3A_21 iter_args(%scan3A_51 = %scan3A_17) -> (i32)  : i32 {
        %mul3A_52 = arith.constant 3200 : i32
        %mul3A_53 = arith.muli %arg1, %mul3A_52 : i32
        %mul3A_54 = arith.constant 128 : i32
        %mul3A_55 = arith.muli %scan3A_50, %mul3A_54 : i32
        %add3A_56 = arith.addi %mul3A_53, %mul3A_55 : i32
        "tpu.region"() ({
          %run_scoped3A = tpu.sem_alloc : memref<!tpu.dma_semaphore, #tpu.memory_space<semaphore_mem>>
          %dma_start3A = arith.constant 0 : i32
          %dma_start3A_58 = tpu.memref_slice %arg8[%scan3A_50, %dma_start3A] : memref<25x128xi32, #tpu.memory_space<vmem>> -> memref<1x128xi32, #tpu.memory_space<vmem>>
          %dma_start3A_59 = tpu.memref_squeeze %dma_start3A_58 : memref<1x128xi32, #tpu.memory_space<vmem>> -> memref<128xi32, #tpu.memory_space<vmem>>
          %dma_start3A_60 = tpu.memref_slice %arg3[%add3A_56] : memref<51200xi32, #tpu.memory_space<hbm>> -> memref<128xi32, #tpu.memory_space<hbm>>
          %dma_start3A_61 = arith.constant 0 : i32
          %dma_start3A_62 = tpu.memref_slice %arg8[%scan3A_50, %dma_start3A_61] : memref<25x128xi32, #tpu.memory_space<vmem>> -> memref<1x128xi32, #tpu.memory_space<vmem>>
          %dma_start3A_63 = tpu.memref_squeeze %dma_start3A_62 : memref<1x128xi32, #tpu.memory_space<vmem>> -> memref<128xi32, #tpu.memory_space<vmem>>
          %dma_start3A_64 = tpu.memref_slice %arg3[%add3A_56] : memref<51200xi32, #tpu.memory_space<hbm>> -> memref<128xi32, #tpu.memory_space<hbm>>
          tpu.enqueue_dma source(%dma_start3A_64 : memref<128xi32, #tpu.memory_space<hbm>>) target(%dma_start3A_63 : memref<128xi32, #tpu.memory_space<vmem>>) target_semaphore(%run_scoped3A : memref<!tpu.dma_semaphore, #tpu.memory_space<semaphore_mem>>)
          %dma_wait3A = arith.constant 0 : i32
          %dma_wait3A_65 = tpu.memref_slice %arg8[%scan3A_50, %dma_wait3A] : memref<25x128xi32, #tpu.memory_space<vmem>> -> memref<1x128xi32, #tpu.memory_space<vmem>>
          %dma_wait3A_66 = tpu.memref_squeeze %dma_wait3A_65 : memref<1x128xi32, #tpu.memory_space<vmem>> -> memref<128xi32, #tpu.memory_space<vmem>>
          %dma_wait3A_67 = tpu.memref_slice %arg3[%add3A_56] : memref<51200xi32, #tpu.memory_space<hbm>> -> memref<128xi32, #tpu.memory_space<hbm>>
          %dma_wait3A_68 = arith.constant 0 : i32
          %dma_wait3A_69 = tpu.memref_slice %arg8[%scan3A_50, %dma_wait3A_68] : memref<25x128xi32, #tpu.memory_space<vmem>> -> memref<1x128xi32, #tpu.memory_space<vmem>>
          %dma_wait3A_70 = tpu.memref_squeeze %dma_wait3A_69 : memref<1x128xi32, #tpu.memory_space<vmem>> -> memref<128xi32, #tpu.memory_space<vmem>>
          %dma_wait3A_71 = tpu.memref_slice %arg3[%add3A_56] : memref<51200xi32, #tpu.memory_space<hbm>> -> memref<128xi32, #tpu.memory_space<hbm>>
          tpu.wait_dma2 semaphore(%run_scoped3A : memref<!tpu.dma_semaphore, #tpu.memory_space<semaphore_mem>>) src(%dma_wait3A_71 : memref<128xi32, #tpu.memory_space<hbm>>) dst(%dma_wait3A_70 : memref<128xi32, #tpu.memory_space<vmem>>)
          tpu.yield
        }) : () -> ()
        %scan3A_57 = arith.constant 0 : i32
        scf.yield %scan3A_57 : i32
      }
      %scan3A_23 = arith.constant 25 : i32
      %scan3A_24 = arith.constant 0 : i32
      %scan3A_25 = arith.constant 0 : i32
      %scan3A_26 = arith.constant 25 : i32
      %scan3A_27 = arith.addi %scan3A_25, %scan3A_26 : i32
      %scan3A_28 = arith.constant 1 : i32
      %scan3A_29 = scf.for %scan3A_50 = %scan3A_25 to %scan3A_27 step %scan3A_28 iter_args(%scan3A_51 = %scan3A_24) -> (i32)  : i32 {
        %mul3A_52 = arith.constant 3200 : i32
        %mul3A_53 = arith.muli %arg1, %mul3A_52 : i32
        %mul3A_54 = arith.constant 128 : i32
        %mul3A_55 = arith.muli %scan3A_50, %mul3A_54 : i32
        %add3A_56 = arith.addi %mul3A_53, %mul3A_55 : i32
        %multiple_of3A_57 = tpu.assume_multiple %add3A_56, 8 : i32
        "tpu.region"() ({
          %run_scoped3A = tpu.sem_alloc : memref<!tpu.dma_semaphore, #tpu.memory_space<semaphore_mem>>
          %dma_start3A = arith.constant 0 : i32
          %dma_start3A_59 = tpu.memref_slice %arg2[%multiple_of3A_57, %dma_start3A] : memref<51200x32xf32, #tpu.memory_space<hbm>> -> memref<128x32xf32, #tpu.memory_space<hbm>>
          %dma_start3A_60 = arith.constant 0 : i32
          %dma_start3A_61 = tpu.memref_slice %arg2[%multiple_of3A_57, %dma_start3A_60] : memref<51200x32xf32, #tpu.memory_space<hbm>> -> memref<128x32xf32, #tpu.memory_space<hbm>>
          tpu.enqueue_dma source(%dma_start3A_61 : memref<128x32xf32, #tpu.memory_space<hbm>>) target(%arg7 : memref<128x32xf32, #tpu.memory_space<vmem>>) target_semaphore(%run_scoped3A : memref<!tpu.dma_semaphore, #tpu.memory_space<semaphore_mem>>)
          %dma_wait3A = arith.constant 0 : i32
          %dma_wait3A_62 = tpu.memref_slice %arg2[%multiple_of3A_57, %dma_wait3A] : memref<51200x32xf32, #tpu.memory_space<hbm>> -> memref<128x32xf32, #tpu.memory_space<hbm>>
          %dma_wait3A_63 = arith.constant 0 : i32
          %dma_wait3A_64 = tpu.memref_slice %arg2[%multiple_of3A_57, %dma_wait3A_63] : memref<51200x32xf32, #tpu.memory_space<hbm>> -> memref<128x32xf32, #tpu.memory_space<hbm>>
          tpu.wait_dma2 semaphore(%run_scoped3A : memref<!tpu.dma_semaphore, #tpu.memory_space<semaphore_mem>>) src(%dma_wait3A_64 : memref<128x32xf32, #tpu.memory_space<hbm>>) dst(%arg7 : memref<128x32xf32, #tpu.memory_space<vmem>>)
          tpu.yield
        }) : () -> ()
        "tpu.region"() ({
          %run_scoped3A = tpu.sem_alloc : memref<!tpu.dma_semaphore, #tpu.memory_space<semaphore_mem>>
          %dma_start3A = arith.constant 0 : i32
          %dma_start3A_59 = tpu.memref_slice %arg8[%scan3A_50, %dma_start3A] : memref<25x128xi32, #tpu.memory_space<vmem>> -> memref<1x128xi32, #tpu.memory_space<vmem>>
          %dma_start3A_60 = tpu.memref_squeeze %dma_start3A_59 : memref<1x128xi32, #tpu.memory_space<vmem>> -> memref<128xi32, #tpu.memory_space<vmem>>
          %dma_start3A_61 = arith.constant 0 : i32
          %dma_start3A_62 = arith.constant 0 : i32
          %dma_start3A_63 = tpu.memref_slice %arg6[%dma_start3A_61, %dma_start3A_62] : memref<50176x32xf32, #tpu.memory_space<vmem_shared>> -> memref<50176x32xf32, #tpu.memory_space<vmem_shared>>
          tpu.enqueue_indirect_dma source(%arg7 : memref<128x32xf32, #tpu.memory_space<vmem>>) target(%dma_start3A_63 : memref<50176x32xf32, #tpu.memory_space<vmem_shared>>) offsets(%dma_start3A_60 : memref<128xi32, #tpu.memory_space<vmem>>) semaphore(%run_scoped3A : memref<!tpu.dma_semaphore, #tpu.memory_space<semaphore_mem>>) {add = true}
          %dma_wait3A = arith.constant 0 : i32
          %dma_wait3A_64 = tpu.memref_slice %arg8[%scan3A_50, %dma_wait3A] : memref<25x128xi32, #tpu.memory_space<vmem>> -> memref<1x128xi32, #tpu.memory_space<vmem>>
          %dma_wait3A_65 = tpu.memref_squeeze %dma_wait3A_64 : memref<1x128xi32, #tpu.memory_space<vmem>> -> memref<128xi32, #tpu.memory_space<vmem>>
          %dma_wait3A_66 = arith.constant 0 : i32
          %dma_wait3A_67 = arith.constant 0 : i32
          %dma_wait3A_68 = tpu.memref_slice %arg6[%dma_wait3A_66, %dma_wait3A_67] : memref<50176x32xf32, #tpu.memory_space<vmem_shared>> -> memref<50176x32xf32, #tpu.memory_space<vmem_shared>>
          tpu.wait_indirect_dma semaphore(%run_scoped3A : memref<!tpu.dma_semaphore, #tpu.memory_space<semaphore_mem>>) src(%arg7 : memref<128x32xf32, #tpu.memory_space<vmem>>) dst(%dma_wait3A_68 : memref<50176x32xf32, #tpu.memory_space<vmem_shared>>)
          tpu.yield
        }) : () -> ()
        %scan3A_58 = arith.constant 0 : i32
        scf.yield %scan3A_58 : i32
      }
      %scan3A_30 = arith.constant 25 : i32
      %barrier3A_31 = arith.constant 0 : index
      tpu.barrier barrier_id(%barrier3A_31)
      %mul3A_32 = arith.constant 3136 : i32
      %mul3A_33 = arith.muli %arg1, %mul3A_32 : i32
      %scan3A_34 = arith.constant 0 : i32
      %scan3A_35 = arith.constant 0 : i32
      %scan3A_36 = arith.constant 24 : i32
      %scan3A_37 = arith.addi %scan3A_35, %scan3A_36 : i32
      %scan3A_38 = arith.constant 1 : i32
      %scan3A_39 = scf.for %scan3A_50 = %scan3A_35 to %scan3A_37 step %scan3A_38 iter_args(%scan3A_51 = %scan3A_34) -> (i32)  : i32 {
        %mul3A_52 = arith.constant 128 : i32
        %mul3A_53 = arith.muli %scan3A_50, %mul3A_52 : i32
        %add3A_54 = arith.addi %mul3A_33, %mul3A_53 : i32
        %multiple_of3A_55 = tpu.assume_multiple %add3A_54, 8 : i32
        "tpu.region"() ({
          %run_scoped3A = tpu.sem_alloc : memref<!tpu.dma_semaphore, #tpu.memory_space<semaphore_mem>>
          %dma_start3A = arith.constant 0 : i32
          %dma_start3A_64 = tpu.memref_slice %arg6[%multiple_of3A_55, %dma_start3A] : memref<50176x32xf32, #tpu.memory_space<vmem_shared>> -> memref<128x32xf32, #tpu.memory_space<vmem_shared>>
          %dma_start3A_65 = arith.constant 0 : i32
          %dma_start3A_66 = tpu.memref_slice %arg6[%multiple_of3A_55, %dma_start3A_65] : memref<50176x32xf32, #tpu.memory_space<vmem_shared>> -> memref<128x32xf32, #tpu.memory_space<vmem_shared>>
          tpu.enqueue_dma source(%dma_start3A_66 : memref<128x32xf32, #tpu.memory_space<vmem_shared>>) target(%arg9 : memref<128x32xf32, #tpu.memory_space<vmem>>) target_semaphore(%run_scoped3A : memref<!tpu.dma_semaphore, #tpu.memory_space<semaphore_mem>>)
          %dma_wait3A = arith.constant 0 : i32
          %dma_wait3A_67 = tpu.memref_slice %arg6[%multiple_of3A_55, %dma_wait3A] : memref<50176x32xf32, #tpu.memory_space<vmem_shared>> -> memref<128x32xf32, #tpu.memory_space<vmem_shared>>
          %dma_wait3A_68 = arith.constant 0 : i32
          %dma_wait3A_69 = tpu.memref_slice %arg6[%multiple_of3A_55, %dma_wait3A_68] : memref<50176x32xf32, #tpu.memory_space<vmem_shared>> -> memref<128x32xf32, #tpu.memory_space<vmem_shared>>
          tpu.wait_dma2 semaphore(%run_scoped3A : memref<!tpu.dma_semaphore, #tpu.memory_space<semaphore_mem>>) src(%dma_wait3A_69 : memref<128x32xf32, #tpu.memory_space<vmem_shared>>) dst(%arg9 : memref<128x32xf32, #tpu.memory_space<vmem>>)
          tpu.yield
        }) : () -> ()
        "tpu.region"() ({
          %run_scoped3A = tpu.sem_alloc : memref<!tpu.dma_semaphore, #tpu.memory_space<semaphore_mem>>
          %dma_start3A = arith.constant 0 : i32
          %dma_start3A_64 = tpu.memref_slice %arg4[%multiple_of3A_55, %dma_start3A] : memref<50176x32xf32, #tpu.memory_space<hbm>> -> memref<128x32xf32, #tpu.memory_space<hbm>>
          %dma_start3A_65 = arith.constant 0 : i32
          %dma_start3A_66 = tpu.memref_slice %arg4[%multiple_of3A_55, %dma_start3A_65] : memref<50176x32xf32, #tpu.memory_space<hbm>> -> memref<128x32xf32, #tpu.memory_space<hbm>>
          tpu.enqueue_dma source(%dma_start3A_66 : memref<128x32xf32, #tpu.memory_space<hbm>>) target(%arg10 : memref<128x32xf32, #tpu.memory_space<vmem>>) target_semaphore(%run_scoped3A : memref<!tpu.dma_semaphore, #tpu.memory_space<semaphore_mem>>)
          %dma_wait3A = arith.constant 0 : i32
          %dma_wait3A_67 = tpu.memref_slice %arg4[%multiple_of3A_55, %dma_wait3A] : memref<50176x32xf32, #tpu.memory_space<hbm>> -> memref<128x32xf32, #tpu.memory_space<hbm>>
          %dma_wait3A_68 = arith.constant 0 : i32
          %dma_wait3A_69 = tpu.memref_slice %arg4[%multiple_of3A_55, %dma_wait3A_68] : memref<50176x32xf32, #tpu.memory_space<hbm>> -> memref<128x32xf32, #tpu.memory_space<hbm>>
          tpu.wait_dma2 semaphore(%run_scoped3A : memref<!tpu.dma_semaphore, #tpu.memory_space<semaphore_mem>>) src(%dma_wait3A_69 : memref<128x32xf32, #tpu.memory_space<hbm>>) dst(%arg10 : memref<128x32xf32, #tpu.memory_space<vmem>>)
          tpu.yield
        }) : () -> ()
        %scan3A_56 = arith.constant 0 : i32
        %scan3A_57 = arith.constant 0 : i32
        %scan3A_58 = arith.constant 128 : i32
        %scan3A_59 = arith.addi %scan3A_57, %scan3A_58 : i32
        %scan3A_60 = arith.constant 1 : i32
        %scan3A_61 = scf.for %scan3A_64 = %scan3A_57 to %scan3A_59 step %scan3A_60 iter_args(%scan3A_65 = %scan3A_56) -> (i32)  : i32 {
          %get3A = arith.index_cast %scan3A_64 : i32 to index
          %get3A_66 = arith.constant 0 : index
          %get3A_67 = tpu.vector_load %arg9[%get3A, %get3A_66] {strides = array<i32>} : memref<128x32xf32, #tpu.memory_space<vmem>>, vector<1x16xf32>,
          %get3A_68 = vector.shape_cast %get3A_67 : vector<1x16xf32> to vector<16xf32>
          %get3A_69 = arith.index_cast %scan3A_64 : i32 to index
          %get3A_70 = arith.constant 0 : index
          %get3A_71 = tpu.vector_load %arg10[%get3A_69, %get3A_70] {strides = array<i32>} : memref<128x32xf32, #tpu.memory_space<vmem>>, vector<1x16xf32>,
          %get3A_72 = vector.shape_cast %get3A_71 : vector<1x16xf32> to vector<16xf32>
          %mul3A_73 = arith.mulf %get3A_68, %get3A_72 : vector<16xf32>
          %swap3A = arith.index_cast %scan3A_64 : i32 to index
          %swap3A_74 = arith.constant 0 : index
          %swap3A_75 = tpu.vector_load %arg9[%swap3A, %swap3A_74] {strides = array<i32>} : memref<128x32xf32, #tpu.memory_space<vmem>>, vector<1x16xf32>,
          %swap3A_76 = vector.shape_cast %swap3A_75 : vector<1x16xf32> to vector<16xf32>
          %swap3A_77 = vector.shape_cast %mul3A_73 : vector<16xf32> to vector<1x16xf32>
          tpu.vector_store %arg9[%swap3A, %swap3A_74], %swap3A_77 {strides = array<i32>} : memref<128x32xf32, #tpu.memory_space<vmem>>, vector<1x16xf32>,
          %get3A_78 = arith.index_cast %scan3A_64 : i32 to index
          %get3A_79 = arith.constant 16 : index
          %get3A_80 = tpu.vector_load %arg9[%get3A_78, %get3A_79] {strides = array<i32>} : memref<128x32xf32, #tpu.memory_space<vmem>>, vector<1x16xf32>,
          %get3A_81 = vector.shape_cast %get3A_80 : vector<1x16xf32> to vector<16xf32>
          %get3A_82 = arith.index_cast %scan3A_64 : i32 to index
          %get3A_83 = arith.constant 16 : index
          %get3A_84 = tpu.vector_load %arg10[%get3A_82, %get3A_83] {strides = array<i32>} : memref<128x32xf32, #tpu.memory_space<vmem>>, vector<1x16xf32>,
          %get3A_85 = vector.shape_cast %get3A_84 : vector<1x16xf32> to vector<16xf32>
          %mul3A_86 = arith.mulf %get3A_81, %get3A_85 : vector<16xf32>
          %swap3A_87 = arith.index_cast %scan3A_64 : i32 to index
          %swap3A_88 = arith.constant 16 : index
          %swap3A_89 = tpu.vector_load %arg9[%swap3A_87, %swap3A_88] {strides = array<i32>} : memref<128x32xf32, #tpu.memory_space<vmem>>, vector<1x16xf32>,
          %swap3A_90 = vector.shape_cast %swap3A_89 : vector<1x16xf32> to vector<16xf32>
          %swap3A_91 = vector.shape_cast %mul3A_86 : vector<16xf32> to vector<1x16xf32>
          tpu.vector_store %arg9[%swap3A_87, %swap3A_88], %swap3A_91 {strides = array<i32>} : memref<128x32xf32, #tpu.memory_space<vmem>>, vector<1x16xf32>,
          %scan3A_92 = arith.constant 0 : i32
          scf.yield %scan3A_92 : i32
        }
        %scan3A_62 = arith.constant 128 : i32
        "tpu.region"() ({
          %run_scoped3A = tpu.sem_alloc : memref<!tpu.dma_semaphore, #tpu.memory_space<semaphore_mem>>
          %dma_start3A = arith.constant 0 : i32
          %dma_start3A_64 = tpu.memref_slice %arg5[%multiple_of3A_55, %dma_start3A] : memref<50176x32xf32, #tpu.memory_space<hbm>> -> memref<128x32xf32, #tpu.memory_space<hbm>>
          %dma_start3A_65 = arith.constant 0 : i32
          %dma_start3A_66 = tpu.memref_slice %arg5[%multiple_of3A_55, %dma_start3A_65] : memref<50176x32xf32, #tpu.memory_space<hbm>> -> memref<128x32xf32, #tpu.memory_space<hbm>>
          tpu.enqueue_dma source(%arg9 : memref<128x32xf32, #tpu.memory_space<vmem>>) target(%dma_start3A_66 : memref<128x32xf32, #tpu.memory_space<hbm>>) target_semaphore(%run_scoped3A : memref<!tpu.dma_semaphore, #tpu.memory_space<semaphore_mem>>)
          %dma_wait3A = arith.constant 0 : i32
          %dma_wait3A_67 = tpu.memref_slice %arg5[%multiple_of3A_55, %dma_wait3A] : memref<50176x32xf32, #tpu.memory_space<hbm>> -> memref<128x32xf32, #tpu.memory_space<hbm>>
          %dma_wait3A_68 = arith.constant 0 : i32
          %dma_wait3A_69 = tpu.memref_slice %arg5[%multiple_of3A_55, %dma_wait3A_68] : memref<50176x32xf32, #tpu.memory_space<hbm>> -> memref<128x32xf32, #tpu.memory_space<hbm>>
          tpu.wait_dma2 semaphore(%run_scoped3A : memref<!tpu.dma_semaphore, #tpu.memory_space<semaphore_mem>>) src(%arg9 : memref<128x32xf32, #tpu.memory_space<vmem>>) dst(%dma_wait3A_69 : memref<128x32xf32, #tpu.memory_space<hbm>>)
          tpu.yield
        }) : () -> ()
        %scan3A_63 = arith.constant 0 : i32
        scf.yield %scan3A_63 : i32
      }
      %scan3A_40 = arith.constant 24 : i32
      %add3A_41 = arith.constant 3072 : i32
      %add3A_42 = arith.addi %mul3A_33, %add3A_41 : i32
      %multiple_of3A = tpu.assume_multiple %add3A_42, 8 : i32
      "tpu.region"() ({
        %run_scoped3A = tpu.sem_alloc : memref<!tpu.dma_semaphore, #tpu.memory_space<semaphore_mem>>
        %dma_start3A = arith.constant 0 : i32
        %dma_start3A_50 = arith.constant 0 : i32
        %dma_start3A_51 = tpu.memref_slice %arg9[%dma_start3A, %dma_start3A_50] : memref<128x32xf32, #tpu.memory_space<vmem>> -> memref<64x32xf32, #tpu.memory_space<vmem>>
        %dma_start3A_52 = arith.constant 0 : i32
        %dma_start3A_53 = tpu.memref_slice %arg6[%multiple_of3A, %dma_start3A_52] : memref<50176x32xf32, #tpu.memory_space<vmem_shared>> -> memref<64x32xf32, #tpu.memory_space<vmem_shared>>
        %dma_start3A_54 = arith.constant 0 : i32
        %dma_start3A_55 = arith.constant 0 : i32
        %dma_start3A_56 = tpu.memref_slice %arg9[%dma_start3A_54, %dma_start3A_55] : memref<128x32xf32, #tpu.memory_space<vmem>> -> memref<64x32xf32, #tpu.memory_space<vmem>>
        %dma_start3A_57 = arith.constant 0 : i32
        %dma_start3A_58 = tpu.memref_slice %arg6[%multiple_of3A, %dma_start3A_57] : memref<50176x32xf32, #tpu.memory_space<vmem_shared>> -> memref<64x32xf32, #tpu.memory_space<vmem_shared>>
        tpu.enqueue_dma source(%dma_start3A_58 : memref<64x32xf32, #tpu.memory_space<vmem_shared>>) target(%dma_start3A_56 : memref<64x32xf32, #tpu.memory_space<vmem>>) target_semaphore(%run_scoped3A : memref<!tpu.dma_semaphore, #tpu.memory_space<semaphore_mem>>)
        %dma_wait3A = arith.constant 0 : i32
        %dma_wait3A_59 = arith.constant 0 : i32
        %dma_wait3A_60 = tpu.memref_slice %arg9[%dma_wait3A, %dma_wait3A_59] : memref<128x32xf32, #tpu.memory_space<vmem>> -> memref<64x32xf32, #tpu.memory_space<vmem>>
        %dma_wait3A_61 = arith.constant 0 : i32
        %dma_wait3A_62 = tpu.memref_slice %arg6[%multiple_of3A, %dma_wait3A_61] : memref<50176x32xf32, #tpu.memory_space<vmem_shared>> -> memref<64x32xf32, #tpu.memory_space<vmem_shared>>
        %dma_wait3A_63 = arith.constant 0 : i32
        %dma_wait3A_64 = arith.constant 0 : i32
        %dma_wait3A_65 = tpu.memref_slice %arg9[%dma_wait3A_63, %dma_wait3A_64] : memref<128x32xf32, #tpu.memory_space<vmem>> -> memref<64x32xf32, #tpu.memory_space<vmem>>
        %dma_wait3A_66 = arith.constant 0 : i32
        %dma_wait3A_67 = tpu.memref_slice %arg6[%multiple_of3A, %dma_wait3A_66] : memref<50176x32xf32, #tpu.memory_space<vmem_shared>> -> memref<64x32xf32, #tpu.memory_space<vmem_shared>>
        tpu.wait_dma2 semaphore(%run_scoped3A : memref<!tpu.dma_semaphore, #tpu.memory_space<semaphore_mem>>) src(%dma_wait3A_67 : memref<64x32xf32, #tpu.memory_space<vmem_shared>>) dst(%dma_wait3A_65 : memref<64x32xf32, #tpu.memory_space<vmem>>)
        tpu.yield
      }) : () -> ()
      "tpu.region"() ({
        %run_scoped3A = tpu.sem_alloc : memref<!tpu.dma_semaphore, #tpu.memory_space<semaphore_mem>>
        %dma_start3A = arith.constant 0 : i32
        %dma_start3A_50 = arith.constant 0 : i32
        %dma_start3A_51 = tpu.memref_slice %arg10[%dma_start3A, %dma_start3A_50] : memref<128x32xf32, #tpu.memory_space<vmem>> -> memref<64x32xf32, #tpu.memory_space<vmem>>
        %dma_start3A_52 = arith.constant 0 : i32
        %dma_start3A_53 = tpu.memref_slice %arg4[%multiple_of3A, %dma_start3A_52] : memref<50176x32xf32, #tpu.memory_space<hbm>> -> memref<64x32xf32, #tpu.memory_space<hbm>>
        %dma_start3A_54 = arith.constant 0 : i32
        %dma_start3A_55 = arith.constant 0 : i32
        %dma_start3A_56 = tpu.memref_slice %arg10[%dma_start3A_54, %dma_start3A_55] : memref<128x32xf32, #tpu.memory_space<vmem>> -> memref<64x32xf32, #tpu.memory_space<vmem>>
        %dma_start3A_57 = arith.constant 0 : i32
        %dma_start3A_58 = tpu.memref_slice %arg4[%multiple_of3A, %dma_start3A_57] : memref<50176x32xf32, #tpu.memory_space<hbm>> -> memref<64x32xf32, #tpu.memory_space<hbm>>
        tpu.enqueue_dma source(%dma_start3A_58 : memref<64x32xf32, #tpu.memory_space<hbm>>) target(%dma_start3A_56 : memref<64x32xf32, #tpu.memory_space<vmem>>) target_semaphore(%run_scoped3A : memref<!tpu.dma_semaphore, #tpu.memory_space<semaphore_mem>>)
        %dma_wait3A = arith.constant 0 : i32
        %dma_wait3A_59 = arith.constant 0 : i32
        %dma_wait3A_60 = tpu.memref_slice %arg10[%dma_wait3A, %dma_wait3A_59] : memref<128x32xf32, #tpu.memory_space<vmem>> -> memref<64x32xf32, #tpu.memory_space<vmem>>
        %dma_wait3A_61 = arith.constant 0 : i32
        %dma_wait3A_62 = tpu.memref_slice %arg4[%multiple_of3A, %dma_wait3A_61] : memref<50176x32xf32, #tpu.memory_space<hbm>> -> memref<64x32xf32, #tpu.memory_space<hbm>>
        %dma_wait3A_63 = arith.constant 0 : i32
        %dma_wait3A_64 = arith.constant 0 : i32
        %dma_wait3A_65 = tpu.memref_slice %arg10[%dma_wait3A_63, %dma_wait3A_64] : memref<128x32xf32, #tpu.memory_space<vmem>> -> memref<64x32xf32, #tpu.memory_space<vmem>>
        %dma_wait3A_66 = arith.constant 0 : i32
        %dma_wait3A_67 = tpu.memref_slice %arg4[%multiple_of3A, %dma_wait3A_66] : memref<50176x32xf32, #tpu.memory_space<hbm>> -> memref<64x32xf32, #tpu.memory_space<hbm>>
        tpu.wait_dma2 semaphore(%run_scoped3A : memref<!tpu.dma_semaphore, #tpu.memory_space<semaphore_mem>>) src(%dma_wait3A_67 : memref<64x32xf32, #tpu.memory_space<hbm>>) dst(%dma_wait3A_65 : memref<64x32xf32, #tpu.memory_space<vmem>>)
        tpu.yield
      }) : () -> ()
      %scan3A_43 = arith.constant 0 : i32
      %scan3A_44 = arith.constant 0 : i32
      %scan3A_45 = arith.constant 64 : i32
      %scan3A_46 = arith.addi %scan3A_44, %scan3A_45 : i32
      %scan3A_47 = arith.constant 1 : i32
      %scan3A_48 = scf.for %scan3A_50 = %scan3A_44 to %scan3A_46 step %scan3A_47 iter_args(%scan3A_51 = %scan3A_43) -> (i32)  : i32 {
        %get3A = arith.index_cast %scan3A_50 : i32 to index
        %get3A_52 = arith.constant 0 : index
        %get3A_53 = tpu.vector_load %arg9[%get3A, %get3A_52] {strides = array<i32>} : memref<128x32xf32, #tpu.memory_space<vmem>>, vector<1x16xf32>,
        %get3A_54 = vector.shape_cast %get3A_53 : vector<1x16xf32> to vector<16xf32>
        %get3A_55 = arith.index_cast %scan3A_50 : i32 to index
        %get3A_56 = arith.constant 0 : index
        %get3A_57 = tpu.vector_load %arg10[%get3A_55, %get3A_56] {strides = array<i32>} : memref<128x32xf32, #tpu.memory_space<vmem>>, vector<1x16xf32>,
        %get3A_58 = vector.shape_cast %get3A_57 : vector<1x16xf32> to vector<16xf32>
        %mul3A_59 = arith.mulf %get3A_54, %get3A_58 : vector<16xf32>
        %swap3A = arith.index_cast %scan3A_50 : i32 to index
        %swap3A_60 = arith.constant 0 : index
        %swap3A_61 = tpu.vector_load %arg9[%swap3A, %swap3A_60] {strides = array<i32>} : memref<128x32xf32, #tpu.memory_space<vmem>>, vector<1x16xf32>,
        %swap3A_62 = vector.shape_cast %swap3A_61 : vector<1x16xf32> to vector<16xf32>
        %swap3A_63 = vector.shape_cast %mul3A_59 : vector<16xf32> to vector<1x16xf32>
        tpu.vector_store %arg9[%swap3A, %swap3A_60], %swap3A_63 {strides = array<i32>} : memref<128x32xf32, #tpu.memory_space<vmem>>, vector<1x16xf32>,
        %get3A_64 = arith.index_cast %scan3A_50 : i32 to index
        %get3A_65 = arith.constant 16 : index
        %get3A_66 = tpu.vector_load %arg9[%get3A_64, %get3A_65] {strides = array<i32>} : memref<128x32xf32, #tpu.memory_space<vmem>>, vector<1x16xf32>,
        %get3A_67 = vector.shape_cast %get3A_66 : vector<1x16xf32> to vector<16xf32>
        %get3A_68 = arith.index_cast %scan3A_50 : i32 to index
        %get3A_69 = arith.constant 16 : index
        %get3A_70 = tpu.vector_load %arg10[%get3A_68, %get3A_69] {strides = array<i32>} : memref<128x32xf32, #tpu.memory_space<vmem>>, vector<1x16xf32>,
        %get3A_71 = vector.shape_cast %get3A_70 : vector<1x16xf32> to vector<16xf32>
        %mul3A_72 = arith.mulf %get3A_67, %get3A_71 : vector<16xf32>
        %swap3A_73 = arith.index_cast %scan3A_50 : i32 to index
        %swap3A_74 = arith.constant 16 : index
        %swap3A_75 = tpu.vector_load %arg9[%swap3A_73, %swap3A_74] {strides = array<i32>} : memref<128x32xf32, #tpu.memory_space<vmem>>, vector<1x16xf32>,
        %swap3A_76 = vector.shape_cast %swap3A_75 : vector<1x16xf32> to vector<16xf32>
        %swap3A_77 = vector.shape_cast %mul3A_72 : vector<16xf32> to vector<1x16xf32>
        tpu.vector_store %arg9[%swap3A_73, %swap3A_74], %swap3A_77 {strides = array<i32>} : memref<128x32xf32, #tpu.memory_space<vmem>>, vector<1x16xf32>,
        %scan3A_78 = arith.constant 0 : i32
        scf.yield %scan3A_78 : i32
      }
      %scan3A_49 = arith.constant 64 : i32
      "tpu.region"() ({
        %run_scoped3A = tpu.sem_alloc : memref<!tpu.dma_semaphore, #tpu.memory_space<semaphore_mem>>
        %dma_start3A = arith.constant 0 : i32
        %dma_start3A_50 = arith.constant 0 : i32
        %dma_start3A_51 = tpu.memref_slice %arg9[%dma_start3A, %dma_start3A_50] : memref<128x32xf32, #tpu.memory_space<vmem>> -> memref<64x32xf32, #tpu.memory_space<vmem>>
        %dma_start3A_52 = arith.constant 0 : i32
        %dma_start3A_53 = tpu.memref_slice %arg5[%multiple_of3A, %dma_start3A_52] : memref<50176x32xf32, #tpu.memory_space<hbm>> -> memref<64x32xf32, #tpu.memory_space<hbm>>
        %dma_start3A_54 = arith.constant 0 : i32
        %dma_start3A_55 = tpu.memref_slice %arg5[%multiple_of3A, %dma_start3A_54] : memref<50176x32xf32, #tpu.memory_space<hbm>> -> memref<64x32xf32, #tpu.memory_space<hbm>>
        %dma_start3A_56 = arith.constant 0 : i32
        %dma_start3A_57 = arith.constant 0 : i32
        %dma_start3A_58 = tpu.memref_slice %arg9[%dma_start3A_56, %dma_start3A_57] : memref<128x32xf32, #tpu.memory_space<vmem>> -> memref<64x32xf32, #tpu.memory_space<vmem>>
        tpu.enqueue_dma source(%dma_start3A_58 : memref<64x32xf32, #tpu.memory_space<vmem>>) target(%dma_start3A_55 : memref<64x32xf32, #tpu.memory_space<hbm>>) target_semaphore(%run_scoped3A : memref<!tpu.dma_semaphore, #tpu.memory_space<semaphore_mem>>)
        %dma_wait3A = arith.constant 0 : i32
        %dma_wait3A_59 = arith.constant 0 : i32
        %dma_wait3A_60 = tpu.memref_slice %arg9[%dma_wait3A, %dma_wait3A_59] : memref<128x32xf32, #tpu.memory_space<vmem>> -> memref<64x32xf32, #tpu.memory_space<vmem>>
        %dma_wait3A_61 = arith.constant 0 : i32
        %dma_wait3A_62 = tpu.memref_slice %arg5[%multiple_of3A, %dma_wait3A_61] : memref<50176x32xf32, #tpu.memory_space<hbm>> -> memref<64x32xf32, #tpu.memory_space<hbm>>
        %dma_wait3A_63 = arith.constant 0 : i32
        %dma_wait3A_64 = tpu.memref_slice %arg5[%multiple_of3A, %dma_wait3A_63] : memref<50176x32xf32, #tpu.memory_space<hbm>> -> memref<64x32xf32, #tpu.memory_space<hbm>>
        %dma_wait3A_65 = arith.constant 0 : i32
        %dma_wait3A_66 = arith.constant 0 : i32
        %dma_wait3A_67 = tpu.memref_slice %arg9[%dma_wait3A_65, %dma_wait3A_66] : memref<128x32xf32, #tpu.memory_space<vmem>> -> memref<64x32xf32, #tpu.memory_space<vmem>>
        tpu.wait_dma2 semaphore(%run_scoped3A : memref<!tpu.dma_semaphore, #tpu.memory_space<semaphore_mem>>) src(%dma_wait3A_67 : memref<64x32xf32, #tpu.memory_space<vmem>>) dst(%dma_wait3A_64 : memref<64x32xf32, #tpu.memory_space<hbm>>)
        tpu.yield
      }) : () -> ()
    } else {
    }
    return
  }
}

#map = affine_map<(d0, d1) -> (0, 0)>
#map1 = affine_map<(d0, d1) -> (0)>
module attributes {stable_mosaic.version = 14 : i64} {
  func.func @_sc_gather(%arg0: i32, %arg1: i32, %arg2: memref<50176x32xf32, #tpu.memory_space<hbm>>, %arg3: memref<800000xi32, #tpu.memory_space<hbm>>, %arg4: memref<800000x32xf32, #tpu.memory_space<hbm>>, %arg5: memref<1024xi32, #tpu.memory_space<vmem>>, %arg6: memref<1024x32xf32, #tpu.memory_space<vmem>>, %arg7: memref<424xi32, #tpu.memory_space<vmem>>, %arg8: memref<424x32xf32, #tpu.memory_space<vmem>>, %arg9: memref<!tpu.dma_semaphore, #tpu.memory_space<semaphore_mem>>) attributes {dimension_semantics = [#tpu.dimension_semantics<core_parallel>, #tpu.dimension_semantics<subcore_parallel>], iteration_bounds = array<i64: 2, 16>, scalar_prefetch = 0 : i64, scratch_operands = 5 : i64, tpu.core_type = #tpu.core_type<sc_vector_subcore>, window_params = [{transform_indices = #map}, {transform_indices = #map1}, {transform_indices = #map}]} {
    %mul3A = arith.constant 2 : i32
    %mul3A_0 = arith.muli %arg1, %mul3A : i32
    %add3A = arith.addi %mul3A_0, %arg0 : i32
    %mul3A_1 = arith.constant 25000 : i32
    %mul3A_2 = arith.muli %add3A, %mul3A_1 : i32
    %scan3A = arith.constant 0 : i32
    %scan3A_3 = arith.constant 0 : i32
    %scan3A_4 = arith.constant 24 : i32
    %scan3A_5 = arith.addi %scan3A_3, %scan3A_4 : i32
    %scan3A_6 = arith.constant 1 : i32
    %scan3A_7 = scf.for %scan3A_15 = %scan3A_3 to %scan3A_5 step %scan3A_6 iter_args(%scan3A_16 = %scan3A) -> (i32)  : i32 {
      %mul3A_17 = arith.constant 1024 : i32
      %mul3A_18 = arith.muli %scan3A_15, %mul3A_17 : i32
      %add3A_19 = arith.addi %mul3A_2, %mul3A_18 : i32
      %multiple_of3A_20 = tpu.assume_multiple %add3A_19, 8 : i32
      "tpu.region"() ({
        %run_scoped3A = tpu.sem_alloc : memref<!tpu.dma_semaphore, #tpu.memory_space<semaphore_mem>>
        %dma_start3A_28 = tpu.memref_slice %arg3[%multiple_of3A_20] : memref<800000xi32, #tpu.memory_space<hbm>> -> memref<1024xi32, #tpu.memory_space<hbm>>
        %dma_start3A_29 = tpu.memref_slice %arg3[%multiple_of3A_20] : memref<800000xi32, #tpu.memory_space<hbm>> -> memref<1024xi32, #tpu.memory_space<hbm>>
        tpu.enqueue_dma source(%dma_start3A_29 : memref<1024xi32, #tpu.memory_space<hbm>>) target(%arg5 : memref<1024xi32, #tpu.memory_space<vmem>>) target_semaphore(%run_scoped3A : memref<!tpu.dma_semaphore, #tpu.memory_space<semaphore_mem>>)
        %dma_wait3A_30 = tpu.memref_slice %arg3[%multiple_of3A_20] : memref<800000xi32, #tpu.memory_space<hbm>> -> memref<1024xi32, #tpu.memory_space<hbm>>
        %dma_wait3A_31 = tpu.memref_slice %arg3[%multiple_of3A_20] : memref<800000xi32, #tpu.memory_space<hbm>> -> memref<1024xi32, #tpu.memory_space<hbm>>
        tpu.wait_dma2 semaphore(%run_scoped3A : memref<!tpu.dma_semaphore, #tpu.memory_space<semaphore_mem>>) src(%dma_wait3A_31 : memref<1024xi32, #tpu.memory_space<hbm>>) dst(%arg5 : memref<1024xi32, #tpu.memory_space<vmem>>)
        tpu.yield
      }) : () -> ()
      %dma_start3A_21 = arith.constant 0 : i32
      %dma_start3A_22 = arith.constant 0 : i32
      %dma_start3A_23 = tpu.memref_slice %arg2[%dma_start3A_21, %dma_start3A_22] : memref<50176x32xf32, #tpu.memory_space<hbm>> -> memref<50176x32xf32, #tpu.memory_space<hbm>>
      tpu.enqueue_indirect_dma source(%dma_start3A_23 : memref<50176x32xf32, #tpu.memory_space<hbm>>) target(%arg6 : memref<1024x32xf32, #tpu.memory_space<vmem>>) offsets(%arg5 : memref<1024xi32, #tpu.memory_space<vmem>>) semaphore(%arg9 : memref<!tpu.dma_semaphore, #tpu.memory_space<semaphore_mem>>)
      %dma_wait3A_24 = arith.constant 0 : i32
      %dma_wait3A_25 = arith.constant 0 : i32
      %dma_wait3A_26 = tpu.memref_slice %arg2[%dma_wait3A_24, %dma_wait3A_25] : memref<50176x32xf32, #tpu.memory_space<hbm>> -> memref<50176x32xf32, #tpu.memory_space<hbm>>
      tpu.wait_indirect_dma semaphore(%arg9 : memref<!tpu.dma_semaphore, #tpu.memory_space<semaphore_mem>>) src(%dma_wait3A_26 : memref<50176x32xf32, #tpu.memory_space<hbm>>) dst(%arg6 : memref<1024x32xf32, #tpu.memory_space<vmem>>)
      "tpu.region"() ({
        %run_scoped3A = tpu.sem_alloc : memref<!tpu.dma_semaphore, #tpu.memory_space<semaphore_mem>>
        %dma_start3A_28 = arith.constant 0 : i32
        %dma_start3A_29 = tpu.memref_slice %arg4[%multiple_of3A_20, %dma_start3A_28] : memref<800000x32xf32, #tpu.memory_space<hbm>> -> memref<1024x32xf32, #tpu.memory_space<hbm>>
        %dma_start3A_30 = arith.constant 0 : i32
        %dma_start3A_31 = tpu.memref_slice %arg4[%multiple_of3A_20, %dma_start3A_30] : memref<800000x32xf32, #tpu.memory_space<hbm>> -> memref<1024x32xf32, #tpu.memory_space<hbm>>
        tpu.enqueue_dma source(%arg6 : memref<1024x32xf32, #tpu.memory_space<vmem>>) target(%dma_start3A_31 : memref<1024x32xf32, #tpu.memory_space<hbm>>) target_semaphore(%run_scoped3A : memref<!tpu.dma_semaphore, #tpu.memory_space<semaphore_mem>>)
        %dma_wait3A_32 = arith.constant 0 : i32
        %dma_wait3A_33 = tpu.memref_slice %arg4[%multiple_of3A_20, %dma_wait3A_32] : memref<800000x32xf32, #tpu.memory_space<hbm>> -> memref<1024x32xf32, #tpu.memory_space<hbm>>
        %dma_wait3A_34 = arith.constant 0 : i32
        %dma_wait3A_35 = tpu.memref_slice %arg4[%multiple_of3A_20, %dma_wait3A_34] : memref<800000x32xf32, #tpu.memory_space<hbm>> -> memref<1024x32xf32, #tpu.memory_space<hbm>>
        tpu.wait_dma2 semaphore(%run_scoped3A : memref<!tpu.dma_semaphore, #tpu.memory_space<semaphore_mem>>) src(%arg6 : memref<1024x32xf32, #tpu.memory_space<vmem>>) dst(%dma_wait3A_35 : memref<1024x32xf32, #tpu.memory_space<hbm>>)
        tpu.yield
      }) : () -> ()
      %scan3A_27 = arith.constant 0 : i32
      scf.yield %scan3A_27 : i32
    }
    %scan3A_8 = arith.constant 24 : i32
    %add3A_9 = arith.constant 24576 : i32
    %add3A_10 = arith.addi %mul3A_2, %add3A_9 : i32
    %multiple_of3A = tpu.assume_multiple %add3A_10, 8 : i32
    "tpu.region"() ({
      %run_scoped3A = tpu.sem_alloc : memref<!tpu.dma_semaphore, #tpu.memory_space<semaphore_mem>>
      %dma_start3A_15 = tpu.memref_slice %arg3[%multiple_of3A] : memref<800000xi32, #tpu.memory_space<hbm>> -> memref<424xi32, #tpu.memory_space<hbm>>
      %dma_start3A_16 = tpu.memref_slice %arg3[%multiple_of3A] : memref<800000xi32, #tpu.memory_space<hbm>> -> memref<424xi32, #tpu.memory_space<hbm>>
      tpu.enqueue_dma source(%dma_start3A_16 : memref<424xi32, #tpu.memory_space<hbm>>) target(%arg7 : memref<424xi32, #tpu.memory_space<vmem>>) target_semaphore(%run_scoped3A : memref<!tpu.dma_semaphore, #tpu.memory_space<semaphore_mem>>)
      %dma_wait3A_17 = tpu.memref_slice %arg3[%multiple_of3A] : memref<800000xi32, #tpu.memory_space<hbm>> -> memref<424xi32, #tpu.memory_space<hbm>>
      %dma_wait3A_18 = tpu.memref_slice %arg3[%multiple_of3A] : memref<800000xi32, #tpu.memory_space<hbm>> -> memref<424xi32, #tpu.memory_space<hbm>>
      tpu.wait_dma2 semaphore(%run_scoped3A : memref<!tpu.dma_semaphore, #tpu.memory_space<semaphore_mem>>) src(%dma_wait3A_18 : memref<424xi32, #tpu.memory_space<hbm>>) dst(%arg7 : memref<424xi32, #tpu.memory_space<vmem>>)
      tpu.yield
    }) : () -> ()
    %dma_start3A = arith.constant 0 : i32
    %dma_start3A_11 = arith.constant 0 : i32
    %dma_start3A_12 = tpu.memref_slice %arg2[%dma_start3A, %dma_start3A_11] : memref<50176x32xf32, #tpu.memory_space<hbm>> -> memref<50176x32xf32, #tpu.memory_space<hbm>>
    tpu.enqueue_indirect_dma source(%dma_start3A_12 : memref<50176x32xf32, #tpu.memory_space<hbm>>) target(%arg8 : memref<424x32xf32, #tpu.memory_space<vmem>>) offsets(%arg7 : memref<424xi32, #tpu.memory_space<vmem>>) semaphore(%arg9 : memref<!tpu.dma_semaphore, #tpu.memory_space<semaphore_mem>>)
    %dma_wait3A = arith.constant 0 : i32
    %dma_wait3A_13 = arith.constant 0 : i32
    %dma_wait3A_14 = tpu.memref_slice %arg2[%dma_wait3A, %dma_wait3A_13] : memref<50176x32xf32, #tpu.memory_space<hbm>> -> memref<50176x32xf32, #tpu.memory_space<hbm>>
    tpu.wait_indirect_dma semaphore(%arg9 : memref<!tpu.dma_semaphore, #tpu.memory_space<semaphore_mem>>) src(%dma_wait3A_14 : memref<50176x32xf32, #tpu.memory_space<hbm>>) dst(%arg8 : memref<424x32xf32, #tpu.memory_space<vmem>>)
    "tpu.region"() ({
      %run_scoped3A = tpu.sem_alloc : memref<!tpu.dma_semaphore, #tpu.memory_space<semaphore_mem>>
      %dma_start3A_15 = arith.constant 0 : i32
      %dma_start3A_16 = tpu.memref_slice %arg4[%multiple_of3A, %dma_start3A_15] : memref<800000x32xf32, #tpu.memory_space<hbm>> -> memref<424x32xf32, #tpu.memory_space<hbm>>
      %dma_start3A_17 = arith.constant 0 : i32
      %dma_start3A_18 = tpu.memref_slice %arg4[%multiple_of3A, %dma_start3A_17] : memref<800000x32xf32, #tpu.memory_space<hbm>> -> memref<424x32xf32, #tpu.memory_space<hbm>>
      tpu.enqueue_dma source(%arg8 : memref<424x32xf32, #tpu.memory_space<vmem>>) target(%dma_start3A_18 : memref<424x32xf32, #tpu.memory_space<hbm>>) target_semaphore(%run_scoped3A : memref<!tpu.dma_semaphore, #tpu.memory_space<semaphore_mem>>)
      %dma_wait3A_19 = arith.constant 0 : i32
      %dma_wait3A_20 = tpu.memref_slice %arg4[%multiple_of3A, %dma_wait3A_19] : memref<800000x32xf32, #tpu.memory_space<hbm>> -> memref<424x32xf32, #tpu.memory_space<hbm>>
      %dma_wait3A_21 = arith.constant 0 : i32
      %dma_wait3A_22 = tpu.memref_slice %arg4[%multiple_of3A, %dma_wait3A_21] : memref<800000x32xf32, #tpu.memory_space<hbm>> -> memref<424x32xf32, #tpu.memory_space<hbm>>
      tpu.wait_dma2 semaphore(%run_scoped3A : memref<!tpu.dma_semaphore, #tpu.memory_space<semaphore_mem>>) src(%arg8 : memref<424x32xf32, #tpu.memory_space<vmem>>) dst(%dma_wait3A_22 : memref<424x32xf32, #tpu.memory_space<hbm>>)
      tpu.yield
    }) : () -> ()
    return
  }
}

#map = affine_map<(d0, d1) -> (0, 0)>
#map1 = affine_map<(d0, d1) -> (0)>
module attributes {stable_mosaic.version = 14 : i64} {
  func.func @_sc_gather(%arg0: i32, %arg1: i32, %arg2: memref<50176x32xf32, #tpu.memory_space<hbm>>, %arg3: memref<800000xi32, #tpu.memory_space<hbm>>, %arg4: memref<800000x32xf32, #tpu.memory_space<hbm>>, %arg5: memref<1024xi32, #tpu.memory_space<vmem>>, %arg6: memref<1024x32xf32, #tpu.memory_space<vmem>>, %arg7: memref<424xi32, #tpu.memory_space<vmem>>, %arg8: memref<424x32xf32, #tpu.memory_space<vmem>>, %arg9: memref<!tpu.dma_semaphore, #tpu.memory_space<semaphore_mem>>) attributes {dimension_semantics = [#tpu.dimension_semantics<core_parallel>, #tpu.dimension_semantics<subcore_parallel>], iteration_bounds = array<i64: 2, 16>, scalar_prefetch = 0 : i64, scratch_operands = 5 : i64, tpu.core_type = #tpu.core_type<sc_vector_subcore>, window_params = [{transform_indices = #map}, {transform_indices = #map1}, {transform_indices = #map}]} {
    %mul3A = arith.constant 2 : i32
    %mul3A_0 = arith.muli %arg1, %mul3A : i32
    %add3A = arith.addi %mul3A_0, %arg0 : i32
    %mul3A_1 = arith.constant 25000 : i32
    %mul3A_2 = arith.muli %add3A, %mul3A_1 : i32
    %scan3A = arith.constant 0 : i32
    %scan3A_3 = arith.constant 0 : i32
    %scan3A_4 = arith.constant 24 : i32
    %scan3A_5 = arith.addi %scan3A_3, %scan3A_4 : i32
    %scan3A_6 = arith.constant 1 : i32
    %scan3A_7 = scf.for %scan3A_15 = %scan3A_3 to %scan3A_5 step %scan3A_6 iter_args(%scan3A_16 = %scan3A) -> (i32)  : i32 {
      %mul3A_17 = arith.constant 1024 : i32
      %mul3A_18 = arith.muli %scan3A_15, %mul3A_17 : i32
      %add3A_19 = arith.addi %mul3A_2, %mul3A_18 : i32
      %multiple_of3A_20 = tpu.assume_multiple %add3A_19, 8 : i32
      "tpu.region"() ({
        %run_scoped3A = tpu.sem_alloc : memref<!tpu.dma_semaphore, #tpu.memory_space<semaphore_mem>>
        %dma_start3A_28 = tpu.memref_slice %arg3[%multiple_of3A_20] : memref<800000xi32, #tpu.memory_space<hbm>> -> memref<1024xi32, #tpu.memory_space<hbm>>
        %dma_start3A_29 = tpu.memref_slice %arg3[%multiple_of3A_20] : memref<800000xi32, #tpu.memory_space<hbm>> -> memref<1024xi32, #tpu.memory_space<hbm>>
        tpu.enqueue_dma source(%dma_start3A_29 : memref<1024xi32, #tpu.memory_space<hbm>>) target(%arg5 : memref<1024xi32, #tpu.memory_space<vmem>>) target_semaphore(%run_scoped3A : memref<!tpu.dma_semaphore, #tpu.memory_space<semaphore_mem>>)
        %dma_wait3A_30 = tpu.memref_slice %arg3[%multiple_of3A_20] : memref<800000xi32, #tpu.memory_space<hbm>> -> memref<1024xi32, #tpu.memory_space<hbm>>
        %dma_wait3A_31 = tpu.memref_slice %arg3[%multiple_of3A_20] : memref<800000xi32, #tpu.memory_space<hbm>> -> memref<1024xi32, #tpu.memory_space<hbm>>
        tpu.wait_dma2 semaphore(%run_scoped3A : memref<!tpu.dma_semaphore, #tpu.memory_space<semaphore_mem>>) src(%dma_wait3A_31 : memref<1024xi32, #tpu.memory_space<hbm>>) dst(%arg5 : memref<1024xi32, #tpu.memory_space<vmem>>)
        tpu.yield
      }) : () -> ()
      %dma_start3A_21 = arith.constant 0 : i32
      %dma_start3A_22 = arith.constant 0 : i32
      %dma_start3A_23 = tpu.memref_slice %arg2[%dma_start3A_21, %dma_start3A_22] : memref<50176x32xf32, #tpu.memory_space<hbm>> -> memref<50176x32xf32, #tpu.memory_space<hbm>>
      tpu.enqueue_indirect_dma source(%dma_start3A_23 : memref<50176x32xf32, #tpu.memory_space<hbm>>) target(%arg6 : memref<1024x32xf32, #tpu.memory_space<vmem>>) offsets(%arg5 : memref<1024xi32, #tpu.memory_space<vmem>>) semaphore(%arg9 : memref<!tpu.dma_semaphore, #tpu.memory_space<semaphore_mem>>)
      %dma_wait3A_24 = arith.constant 0 : i32
      %dma_wait3A_25 = arith.constant 0 : i32
      %dma_wait3A_26 = tpu.memref_slice %arg2[%dma_wait3A_24, %dma_wait3A_25] : memref<50176x32xf32, #tpu.memory_space<hbm>> -> memref<50176x32xf32, #tpu.memory_space<hbm>>
      tpu.wait_indirect_dma semaphore(%arg9 : memref<!tpu.dma_semaphore, #tpu.memory_space<semaphore_mem>>) src(%dma_wait3A_26 : memref<50176x32xf32, #tpu.memory_space<hbm>>) dst(%arg6 : memref<1024x32xf32, #tpu.memory_space<vmem>>)
      "tpu.region"() ({
        %run_scoped3A = tpu.sem_alloc : memref<!tpu.dma_semaphore, #tpu.memory_space<semaphore_mem>>
        %dma_start3A_28 = arith.constant 0 : i32
        %dma_start3A_29 = tpu.memref_slice %arg4[%multiple_of3A_20, %dma_start3A_28] : memref<800000x32xf32, #tpu.memory_space<hbm>> -> memref<1024x32xf32, #tpu.memory_space<hbm>>
        %dma_start3A_30 = arith.constant 0 : i32
        %dma_start3A_31 = tpu.memref_slice %arg4[%multiple_of3A_20, %dma_start3A_30] : memref<800000x32xf32, #tpu.memory_space<hbm>> -> memref<1024x32xf32, #tpu.memory_space<hbm>>
        tpu.enqueue_dma source(%arg6 : memref<1024x32xf32, #tpu.memory_space<vmem>>) target(%dma_start3A_31 : memref<1024x32xf32, #tpu.memory_space<hbm>>) target_semaphore(%run_scoped3A : memref<!tpu.dma_semaphore, #tpu.memory_space<semaphore_mem>>)
        %dma_wait3A_32 = arith.constant 0 : i32
        %dma_wait3A_33 = tpu.memref_slice %arg4[%multiple_of3A_20, %dma_wait3A_32] : memref<800000x32xf32, #tpu.memory_space<hbm>> -> memref<1024x32xf32, #tpu.memory_space<hbm>>
        %dma_wait3A_34 = arith.constant 0 : i32
        %dma_wait3A_35 = tpu.memref_slice %arg4[%multiple_of3A_20, %dma_wait3A_34] : memref<800000x32xf32, #tpu.memory_space<hbm>> -> memref<1024x32xf32, #tpu.memory_space<hbm>>
        tpu.wait_dma2 semaphore(%run_scoped3A : memref<!tpu.dma_semaphore, #tpu.memory_space<semaphore_mem>>) src(%arg6 : memref<1024x32xf32, #tpu.memory_space<vmem>>) dst(%dma_wait3A_35 : memref<1024x32xf32, #tpu.memory_space<hbm>>)
        tpu.yield
      }) : () -> ()
      %scan3A_27 = arith.constant 0 : i32
      scf.yield %scan3A_27 : i32
    }
    %scan3A_8 = arith.constant 24 : i32
    %add3A_9 = arith.constant 24576 : i32
    %add3A_10 = arith.addi %mul3A_2, %add3A_9 : i32
    %multiple_of3A = tpu.assume_multiple %add3A_10, 8 : i32
    "tpu.region"() ({
      %run_scoped3A = tpu.sem_alloc : memref<!tpu.dma_semaphore, #tpu.memory_space<semaphore_mem>>
      %dma_start3A_15 = tpu.memref_slice %arg3[%multiple_of3A] : memref<800000xi32, #tpu.memory_space<hbm>> -> memref<424xi32, #tpu.memory_space<hbm>>
      %dma_start3A_16 = tpu.memref_slice %arg3[%multiple_of3A] : memref<800000xi32, #tpu.memory_space<hbm>> -> memref<424xi32, #tpu.memory_space<hbm>>
      tpu.enqueue_dma source(%dma_start3A_16 : memref<424xi32, #tpu.memory_space<hbm>>) target(%arg7 : memref<424xi32, #tpu.memory_space<vmem>>) target_semaphore(%run_scoped3A : memref<!tpu.dma_semaphore, #tpu.memory_space<semaphore_mem>>)
      %dma_wait3A_17 = tpu.memref_slice %arg3[%multiple_of3A] : memref<800000xi32, #tpu.memory_space<hbm>> -> memref<424xi32, #tpu.memory_space<hbm>>
      %dma_wait3A_18 = tpu.memref_slice %arg3[%multiple_of3A] : memref<800000xi32, #tpu.memory_space<hbm>> -> memref<424xi32, #tpu.memory_space<hbm>>
      tpu.wait_dma2 semaphore(%run_scoped3A : memref<!tpu.dma_semaphore, #tpu.memory_space<semaphore_mem>>) src(%dma_wait3A_18 : memref<424xi32, #tpu.memory_space<hbm>>) dst(%arg7 : memref<424xi32, #tpu.memory_space<vmem>>)
      tpu.yield
    }) : () -> ()
    %dma_start3A = arith.constant 0 : i32
    %dma_start3A_11 = arith.constant 0 : i32
    %dma_start3A_12 = tpu.memref_slice %arg2[%dma_start3A, %dma_start3A_11] : memref<50176x32xf32, #tpu.memory_space<hbm>> -> memref<50176x32xf32, #tpu.memory_space<hbm>>
    tpu.enqueue_indirect_dma source(%dma_start3A_12 : memref<50176x32xf32, #tpu.memory_space<hbm>>) target(%arg8 : memref<424x32xf32, #tpu.memory_space<vmem>>) offsets(%arg7 : memref<424xi32, #tpu.memory_space<vmem>>) semaphore(%arg9 : memref<!tpu.dma_semaphore, #tpu.memory_space<semaphore_mem>>)
    %dma_wait3A = arith.constant 0 : i32
    %dma_wait3A_13 = arith.constant 0 : i32
    %dma_wait3A_14 = tpu.memref_slice %arg2[%dma_wait3A, %dma_wait3A_13] : memref<50176x32xf32, #tpu.memory_space<hbm>> -> memref<50176x32xf32, #tpu.memory_space<hbm>>
    tpu.wait_indirect_dma semaphore(%arg9 : memref<!tpu.dma_semaphore, #tpu.memory_space<semaphore_mem>>) src(%dma_wait3A_14 : memref<50176x32xf32, #tpu.memory_space<hbm>>) dst(%arg8 : memref<424x32xf32, #tpu.memory_space<vmem>>)
    "tpu.region"() ({
      %run_scoped3A = tpu.sem_alloc : memref<!tpu.dma_semaphore, #tpu.memory_space<semaphore_mem>>
      %dma_start3A_15 = arith.constant 0 : i32
      %dma_start3A_16 = tpu.memref_slice %arg4[%multiple_of3A, %dma_start3A_15] : memref<800000x32xf32, #tpu.memory_space<hbm>> -> memref<424x32xf32, #tpu.memory_space<hbm>>
      %dma_start3A_17 = arith.constant 0 : i32
      %dma_start3A_18 = tpu.memref_slice %arg4[%multiple_of3A, %dma_start3A_17] : memref<800000x32xf32, #tpu.memory_space<hbm>> -> memref<424x32xf32, #tpu.memory_space<hbm>>
      tpu.enqueue_dma source(%arg8 : memref<424x32xf32, #tpu.memory_space<vmem>>) target(%dma_start3A_18 : memref<424x32xf32, #tpu.memory_space<hbm>>) target_semaphore(%run_scoped3A : memref<!tpu.dma_semaphore, #tpu.memory_space<semaphore_mem>>)
      %dma_wait3A_19 = arith.constant 0 : i32
      %dma_wait3A_20 = tpu.memref_slice %arg4[%multiple_of3A, %dma_wait3A_19] : memref<800000x32xf32, #tpu.memory_space<hbm>> -> memref<424x32xf32, #tpu.memory_space<hbm>>
      %dma_wait3A_21 = arith.constant 0 : i32
      %dma_wait3A_22 = tpu.memref_slice %arg4[%multiple_of3A, %dma_wait3A_21] : memref<800000x32xf32, #tpu.memory_space<hbm>> -> memref<424x32xf32, #tpu.memory_space<hbm>>
      tpu.wait_dma2 semaphore(%run_scoped3A : memref<!tpu.dma_semaphore, #tpu.memory_space<semaphore_mem>>) src(%arg8 : memref<424x32xf32, #tpu.memory_space<vmem>>) dst(%dma_wait3A_22 : memref<424x32xf32, #tpu.memory_space<hbm>>)
      tpu.yield
    }) : () -> ()
    return
  }
}

#map = affine_map<(d0, d1) -> (0, 0)>
#map1 = affine_map<(d0, d1) -> (0)>
module attributes {stable_mosaic.version = 14 : i64} {
  func.func @_sc_scatter(%arg0: i32, %arg1: i32, %arg2: memref<51200x32xf32, #tpu.memory_space<hbm>>, %arg3: memref<51200xi32, #tpu.memory_space<hbm>>, %arg4: memref<50176x32xf32, #tpu.memory_space<hbm>>, %arg5: memref<50176x32xf32, #tpu.memory_space<hbm>>, %arg6: memref<50176x32xf32, #tpu.memory_space<vmem_shared>>, %arg7: memref<128x32xf32, #tpu.memory_space<vmem>>, %arg8: memref<25x128xi32, #tpu.memory_space<vmem>>, %arg9: memref<128x32xf32, #tpu.memory_space<vmem>>, %arg10: memref<128x32xf32, #tpu.memory_space<vmem>>, %arg11: memref<!tpu.dma_semaphore, #tpu.memory_space<semaphore_mem>>) attributes {dimension_semantics = [#tpu.dimension_semantics<core_parallel>, #tpu.dimension_semantics<subcore_parallel>], iteration_bounds = array<i64: 2, 16>, scalar_prefetch = 0 : i64, scratch_operands = 6 : i64, tpu.core_type = #tpu.core_type<sc_vector_subcore>, window_params = [{transform_indices = #map}, {transform_indices = #map1}, {transform_indices = #map}, {transform_indices = #map}]} {
    %eq3A = arith.constant 0 : i32
    %eq3A_0 = arith.cmpi eq, %arg0, %eq3A : i32
    %convert_element_type3A = arith.extui %eq3A_0 : i1 to i32
    %cond3A = arith.constant 0 : i32
    %cond3A_1 = arith.cmpi ne, %convert_element_type3A, %cond3A : i32
    scf.if %cond3A_1 {
      %scan3A = arith.constant 0 : i32
      %scan3A_2 = arith.constant 0 : i32
      %scan3A_3 = arith.constant 128 : i32
      %scan3A_4 = arith.addi %scan3A_2, %scan3A_3 : i32
      %scan3A_5 = arith.constant 1 : i32
      %scan3A_6 = scf.for %scan3A_50 = %scan3A_2 to %scan3A_4 step %scan3A_5 iter_args(%scan3A_51 = %scan3A) -> (i32)  : i32 {
        %broadcast_in_dim3A = arith.constant 0.000000e+00 : f32
        %broadcast_in_dim3A_52 = vector.broadcast %broadcast_in_dim3A : f32 to vector<16xf32>
        %swap3A = arith.index_cast %scan3A_50 : i32 to index
        %swap3A_53 = arith.constant 0 : index
        %swap3A_54 = tpu.vector_load %arg7[%swap3A, %swap3A_53] {strides = array<i32>} : memref<128x32xf32, #tpu.memory_space<vmem>>, vector<1x16xf32>,
        %swap3A_55 = vector.shape_cast %swap3A_54 : vector<1x16xf32> to vector<16xf32>
        %swap3A_56 = vector.shape_cast %broadcast_in_dim3A_52 : vector<16xf32> to vector<1x16xf32>
        tpu.vector_store %arg7[%swap3A, %swap3A_53], %swap3A_56 {strides = array<i32>} : memref<128x32xf32, #tpu.memory_space<vmem>>, vector<1x16xf32>,
        %broadcast_in_dim3A_57 = arith.constant 0.000000e+00 : f32
        %broadcast_in_dim3A_58 = vector.broadcast %broadcast_in_dim3A_57 : f32 to vector<16xf32>
        %swap3A_59 = arith.index_cast %scan3A_50 : i32 to index
        %swap3A_60 = arith.constant 16 : index
        %swap3A_61 = tpu.vector_load %arg7[%swap3A_59, %swap3A_60] {strides = array<i32>} : memref<128x32xf32, #tpu.memory_space<vmem>>, vector<1x16xf32>,
        %swap3A_62 = vector.shape_cast %swap3A_61 : vector<1x16xf32> to vector<16xf32>
        %swap3A_63 = vector.shape_cast %broadcast_in_dim3A_58 : vector<16xf32> to vector<1x16xf32>
        tpu.vector_store %arg7[%swap3A_59, %swap3A_60], %swap3A_63 {strides = array<i32>} : memref<128x32xf32, #tpu.memory_space<vmem>>, vector<1x16xf32>,
        %scan3A_64 = arith.constant 0 : i32
        scf.yield %scan3A_64 : i32
      }
      %scan3A_7 = arith.constant 128 : i32
      %scan3A_8 = arith.constant 0 : i32
      %scan3A_9 = arith.constant 0 : i32
      %scan3A_10 = arith.constant 24 : i32
      %scan3A_11 = arith.addi %scan3A_9, %scan3A_10 : i32
      %scan3A_12 = arith.constant 1 : i32
      %scan3A_13 = scf.for %scan3A_50 = %scan3A_9 to %scan3A_11 step %scan3A_12 iter_args(%scan3A_51 = %scan3A_8) -> (i32)  : i32 {
        %mul3A_52 = arith.constant 3136 : i32
        %mul3A_53 = arith.muli %arg1, %mul3A_52 : i32
        %mul3A_54 = arith.constant 128 : i32
        %mul3A_55 = arith.muli %scan3A_50, %mul3A_54 : i32
        %add3A_56 = arith.addi %mul3A_53, %mul3A_55 : i32
        %multiple_of3A_57 = tpu.assume_multiple %add3A_56, 8 : i32
        "tpu.region"() ({
          %run_scoped3A = tpu.sem_alloc : memref<!tpu.dma_semaphore, #tpu.memory_space<semaphore_mem>>
          %dma_start3A = arith.constant 0 : i32
          %dma_start3A_59 = tpu.memref_slice %arg6[%multiple_of3A_57, %dma_start3A] : memref<50176x32xf32, #tpu.memory_space<vmem_shared>> -> memref<128x32xf32, #tpu.memory_space<vmem_shared>>
          %dma_start3A_60 = arith.constant 0 : i32
          %dma_start3A_61 = tpu.memref_slice %arg6[%multiple_of3A_57, %dma_start3A_60] : memref<50176x32xf32, #tpu.memory_space<vmem_shared>> -> memref<128x32xf32, #tpu.memory_space<vmem_shared>>
          tpu.enqueue_dma source(%arg7 : memref<128x32xf32, #tpu.memory_space<vmem>>) target(%dma_start3A_61 : memref<128x32xf32, #tpu.memory_space<vmem_shared>>) target_semaphore(%run_scoped3A : memref<!tpu.dma_semaphore, #tpu.memory_space<semaphore_mem>>)
          %dma_wait3A = arith.constant 0 : i32
          %dma_wait3A_62 = tpu.memref_slice %arg6[%multiple_of3A_57, %dma_wait3A] : memref<50176x32xf32, #tpu.memory_space<vmem_shared>> -> memref<128x32xf32, #tpu.memory_space<vmem_shared>>
          %dma_wait3A_63 = arith.constant 0 : i32
          %dma_wait3A_64 = tpu.memref_slice %arg6[%multiple_of3A_57, %dma_wait3A_63] : memref<50176x32xf32, #tpu.memory_space<vmem_shared>> -> memref<128x32xf32, #tpu.memory_space<vmem_shared>>
          tpu.wait_dma2 semaphore(%run_scoped3A : memref<!tpu.dma_semaphore, #tpu.memory_space<semaphore_mem>>) src(%arg7 : memref<128x32xf32, #tpu.memory_space<vmem>>) dst(%dma_wait3A_64 : memref<128x32xf32, #tpu.memory_space<vmem_shared>>)
          tpu.yield
        }) : () -> ()
        %scan3A_58 = arith.constant 0 : i32
        scf.yield %scan3A_58 : i32
      }
      %scan3A_14 = arith.constant 24 : i32
      %mul3A = arith.constant 3136 : i32
      %mul3A_15 = arith.muli %arg1, %mul3A : i32
      %add3A = arith.constant 3072 : i32
      %add3A_16 = arith.addi %mul3A_15, %add3A : i32
      "tpu.region"() ({
        %run_scoped3A = tpu.sem_alloc : memref<!tpu.dma_semaphore, #tpu.memory_space<semaphore_mem>>
        %dma_start3A = arith.constant 0 : i32
        %dma_start3A_50 = arith.constant 0 : i32
        %dma_start3A_51 = tpu.memref_slice %arg7[%dma_start3A, %dma_start3A_50] : memref<128x32xf32, #tpu.memory_space<vmem>> -> memref<64x32xf32, #tpu.memory_space<vmem>>
        %dma_start3A_52 = arith.constant 0 : i32
        %dma_start3A_53 = tpu.memref_slice %arg6[%add3A_16, %dma_start3A_52] : memref<50176x32xf32, #tpu.memory_space<vmem_shared>> -> memref<64x32xf32, #tpu.memory_space<vmem_shared>>
        %dma_start3A_54 = arith.constant 0 : i32
        %dma_start3A_55 = tpu.memref_slice %arg6[%add3A_16, %dma_start3A_54] : memref<50176x32xf32, #tpu.memory_space<vmem_shared>> -> memref<64x32xf32, #tpu.memory_space<vmem_shared>>
        %dma_start3A_56 = arith.constant 0 : i32
        %dma_start3A_57 = arith.constant 0 : i32
        %dma_start3A_58 = tpu.memref_slice %arg7[%dma_start3A_56, %dma_start3A_57] : memref<128x32xf32, #tpu.memory_space<vmem>> -> memref<64x32xf32, #tpu.memory_space<vmem>>
        tpu.enqueue_dma source(%dma_start3A_58 : memref<64x32xf32, #tpu.memory_space<vmem>>) target(%dma_start3A_55 : memref<64x32xf32, #tpu.memory_space<vmem_shared>>) target_semaphore(%run_scoped3A : memref<!tpu.dma_semaphore, #tpu.memory_space<semaphore_mem>>)
        %dma_wait3A = arith.constant 0 : i32
        %dma_wait3A_59 = arith.constant 0 : i32
        %dma_wait3A_60 = tpu.memref_slice %arg7[%dma_wait3A, %dma_wait3A_59] : memref<128x32xf32, #tpu.memory_space<vmem>> -> memref<64x32xf32, #tpu.memory_space<vmem>>
        %dma_wait3A_61 = arith.constant 0 : i32
        %dma_wait3A_62 = tpu.memref_slice %arg6[%add3A_16, %dma_wait3A_61] : memref<50176x32xf32, #tpu.memory_space<vmem_shared>> -> memref<64x32xf32, #tpu.memory_space<vmem_shared>>
        %dma_wait3A_63 = arith.constant 0 : i32
        %dma_wait3A_64 = tpu.memref_slice %arg6[%add3A_16, %dma_wait3A_63] : memref<50176x32xf32, #tpu.memory_space<vmem_shared>> -> memref<64x32xf32, #tpu.memory_space<vmem_shared>>
        %dma_wait3A_65 = arith.constant 0 : i32
        %dma_wait3A_66 = arith.constant 0 : i32
        %dma_wait3A_67 = tpu.memref_slice %arg7[%dma_wait3A_65, %dma_wait3A_66] : memref<128x32xf32, #tpu.memory_space<vmem>> -> memref<64x32xf32, #tpu.memory_space<vmem>>
        tpu.wait_dma2 semaphore(%run_scoped3A : memref<!tpu.dma_semaphore, #tpu.memory_space<semaphore_mem>>) src(%dma_wait3A_67 : memref<64x32xf32, #tpu.memory_space<vmem>>) dst(%dma_wait3A_64 : memref<64x32xf32, #tpu.memory_space<vmem_shared>>)
        tpu.yield
      }) : () -> ()
      %barrier3A = arith.constant 0 : index
      tpu.barrier barrier_id(%barrier3A)
      %scan3A_17 = arith.constant 0 : i32
      %scan3A_18 = arith.constant 0 : i32
      %scan3A_19 = arith.constant 25 : i32
      %scan3A_20 = arith.addi %scan3A_18, %scan3A_19 : i32
      %scan3A_21 = arith.constant 1 : i32
      %scan3A_22 = scf.for %scan3A_50 = %scan3A_18 to %scan3A_20 step %scan3A_21 iter_args(%scan3A_51 = %scan3A_17) -> (i32)  : i32 {
        %mul3A_52 = arith.constant 3200 : i32
        %mul3A_53 = arith.muli %arg1, %mul3A_52 : i32
        %mul3A_54 = arith.constant 128 : i32
        %mul3A_55 = arith.muli %scan3A_50, %mul3A_54 : i32
        %add3A_56 = arith.addi %mul3A_53, %mul3A_55 : i32
        "tpu.region"() ({
          %run_scoped3A = tpu.sem_alloc : memref<!tpu.dma_semaphore, #tpu.memory_space<semaphore_mem>>
          %dma_start3A = arith.constant 0 : i32
          %dma_start3A_58 = tpu.memref_slice %arg8[%scan3A_50, %dma_start3A] : memref<25x128xi32, #tpu.memory_space<vmem>> -> memref<1x128xi32, #tpu.memory_space<vmem>>
          %dma_start3A_59 = tpu.memref_squeeze %dma_start3A_58 : memref<1x128xi32, #tpu.memory_space<vmem>> -> memref<128xi32, #tpu.memory_space<vmem>>
          %dma_start3A_60 = tpu.memref_slice %arg3[%add3A_56] : memref<51200xi32, #tpu.memory_space<hbm>> -> memref<128xi32, #tpu.memory_space<hbm>>
          %dma_start3A_61 = arith.constant 0 : i32
          %dma_start3A_62 = tpu.memref_slice %arg8[%scan3A_50, %dma_start3A_61] : memref<25x128xi32, #tpu.memory_space<vmem>> -> memref<1x128xi32, #tpu.memory_space<vmem>>
          %dma_start3A_63 = tpu.memref_squeeze %dma_start3A_62 : memref<1x128xi32, #tpu.memory_space<vmem>> -> memref<128xi32, #tpu.memory_space<vmem>>
          %dma_start3A_64 = tpu.memref_slice %arg3[%add3A_56] : memref<51200xi32, #tpu.memory_space<hbm>> -> memref<128xi32, #tpu.memory_space<hbm>>
          tpu.enqueue_dma source(%dma_start3A_64 : memref<128xi32, #tpu.memory_space<hbm>>) target(%dma_start3A_63 : memref<128xi32, #tpu.memory_space<vmem>>) target_semaphore(%run_scoped3A : memref<!tpu.dma_semaphore, #tpu.memory_space<semaphore_mem>>)
          %dma_wait3A = arith.constant 0 : i32
          %dma_wait3A_65 = tpu.memref_slice %arg8[%scan3A_50, %dma_wait3A] : memref<25x128xi32, #tpu.memory_space<vmem>> -> memref<1x128xi32, #tpu.memory_space<vmem>>
          %dma_wait3A_66 = tpu.memref_squeeze %dma_wait3A_65 : memref<1x128xi32, #tpu.memory_space<vmem>> -> memref<128xi32, #tpu.memory_space<vmem>>
          %dma_wait3A_67 = tpu.memref_slice %arg3[%add3A_56] : memref<51200xi32, #tpu.memory_space<hbm>> -> memref<128xi32, #tpu.memory_space<hbm>>
          %dma_wait3A_68 = arith.constant 0 : i32
          %dma_wait3A_69 = tpu.memref_slice %arg8[%scan3A_50, %dma_wait3A_68] : memref<25x128xi32, #tpu.memory_space<vmem>> -> memref<1x128xi32, #tpu.memory_space<vmem>>
          %dma_wait3A_70 = tpu.memref_squeeze %dma_wait3A_69 : memref<1x128xi32, #tpu.memory_space<vmem>> -> memref<128xi32, #tpu.memory_space<vmem>>
          %dma_wait3A_71 = tpu.memref_slice %arg3[%add3A_56] : memref<51200xi32, #tpu.memory_space<hbm>> -> memref<128xi32, #tpu.memory_space<hbm>>
          tpu.wait_dma2 semaphore(%run_scoped3A : memref<!tpu.dma_semaphore, #tpu.memory_space<semaphore_mem>>) src(%dma_wait3A_71 : memref<128xi32, #tpu.memory_space<hbm>>) dst(%dma_wait3A_70 : memref<128xi32, #tpu.memory_space<vmem>>)
          tpu.yield
        }) : () -> ()
        %scan3A_57 = arith.constant 0 : i32
        scf.yield %scan3A_57 : i32
      }
      %scan3A_23 = arith.constant 25 : i32
      %scan3A_24 = arith.constant 0 : i32
      %scan3A_25 = arith.constant 0 : i32
      %scan3A_26 = arith.constant 25 : i32
      %scan3A_27 = arith.addi %scan3A_25, %scan3A_26 : i32
      %scan3A_28 = arith.constant 1 : i32
      %scan3A_29 = scf.for %scan3A_50 = %scan3A_25 to %scan3A_27 step %scan3A_28 iter_args(%scan3A_51 = %scan3A_24) -> (i32)  : i32 {
        %mul3A_52 = arith.constant 3200 : i32
        %mul3A_53 = arith.muli %arg1, %mul3A_52 : i32
        %mul3A_54 = arith.constant 128 : i32
        %mul3A_55 = arith.muli %scan3A_50, %mul3A_54 : i32
        %add3A_56 = arith.addi %mul3A_53, %mul3A_55 : i32
        %multiple_of3A_57 = tpu.assume_multiple %add3A_56, 8 : i32
        "tpu.region"() ({
          %run_scoped3A = tpu.sem_alloc : memref<!tpu.dma_semaphore, #tpu.memory_space<semaphore_mem>>
          %dma_start3A = arith.constant 0 : i32
          %dma_start3A_59 = tpu.memref_slice %arg2[%multiple_of3A_57, %dma_start3A] : memref<51200x32xf32, #tpu.memory_space<hbm>> -> memref<128x32xf32, #tpu.memory_space<hbm>>
          %dma_start3A_60 = arith.constant 0 : i32
          %dma_start3A_61 = tpu.memref_slice %arg2[%multiple_of3A_57, %dma_start3A_60] : memref<51200x32xf32, #tpu.memory_space<hbm>> -> memref<128x32xf32, #tpu.memory_space<hbm>>
          tpu.enqueue_dma source(%dma_start3A_61 : memref<128x32xf32, #tpu.memory_space<hbm>>) target(%arg7 : memref<128x32xf32, #tpu.memory_space<vmem>>) target_semaphore(%run_scoped3A : memref<!tpu.dma_semaphore, #tpu.memory_space<semaphore_mem>>)
          %dma_wait3A = arith.constant 0 : i32
          %dma_wait3A_62 = tpu.memref_slice %arg2[%multiple_of3A_57, %dma_wait3A] : memref<51200x32xf32, #tpu.memory_space<hbm>> -> memref<128x32xf32, #tpu.memory_space<hbm>>
          %dma_wait3A_63 = arith.constant 0 : i32
          %dma_wait3A_64 = tpu.memref_slice %arg2[%multiple_of3A_57, %dma_wait3A_63] : memref<51200x32xf32, #tpu.memory_space<hbm>> -> memref<128x32xf32, #tpu.memory_space<hbm>>
          tpu.wait_dma2 semaphore(%run_scoped3A : memref<!tpu.dma_semaphore, #tpu.memory_space<semaphore_mem>>) src(%dma_wait3A_64 : memref<128x32xf32, #tpu.memory_space<hbm>>) dst(%arg7 : memref<128x32xf32, #tpu.memory_space<vmem>>)
          tpu.yield
        }) : () -> ()
        "tpu.region"() ({
          %run_scoped3A = tpu.sem_alloc : memref<!tpu.dma_semaphore, #tpu.memory_space<semaphore_mem>>
          %dma_start3A = arith.constant 0 : i32
          %dma_start3A_59 = tpu.memref_slice %arg8[%scan3A_50, %dma_start3A] : memref<25x128xi32, #tpu.memory_space<vmem>> -> memref<1x128xi32, #tpu.memory_space<vmem>>
          %dma_start3A_60 = tpu.memref_squeeze %dma_start3A_59 : memref<1x128xi32, #tpu.memory_space<vmem>> -> memref<128xi32, #tpu.memory_space<vmem>>
          %dma_start3A_61 = arith.constant 0 : i32
          %dma_start3A_62 = arith.constant 0 : i32
          %dma_start3A_63 = tpu.memref_slice %arg6[%dma_start3A_61, %dma_start3A_62] : memref<50176x32xf32, #tpu.memory_space<vmem_shared>> -> memref<50176x32xf32, #tpu.memory_space<vmem_shared>>
          tpu.enqueue_indirect_dma source(%arg7 : memref<128x32xf32, #tpu.memory_space<vmem>>) target(%dma_start3A_63 : memref<50176x32xf32, #tpu.memory_space<vmem_shared>>) offsets(%dma_start3A_60 : memref<128xi32, #tpu.memory_space<vmem>>) semaphore(%run_scoped3A : memref<!tpu.dma_semaphore, #tpu.memory_space<semaphore_mem>>) {add = true}
          %dma_wait3A = arith.constant 0 : i32
          %dma_wait3A_64 = tpu.memref_slice %arg8[%scan3A_50, %dma_wait3A] : memref<25x128xi32, #tpu.memory_space<vmem>> -> memref<1x128xi32, #tpu.memory_space<vmem>>
          %dma_wait3A_65 = tpu.memref_squeeze %dma_wait3A_64 : memref<1x128xi32, #tpu.memory_space<vmem>> -> memref<128xi32, #tpu.memory_space<vmem>>
          %dma_wait3A_66 = arith.constant 0 : i32
          %dma_wait3A_67 = arith.constant 0 : i32
          %dma_wait3A_68 = tpu.memref_slice %arg6[%dma_wait3A_66, %dma_wait3A_67] : memref<50176x32xf32, #tpu.memory_space<vmem_shared>> -> memref<50176x32xf32, #tpu.memory_space<vmem_shared>>
          tpu.wait_indirect_dma semaphore(%run_scoped3A : memref<!tpu.dma_semaphore, #tpu.memory_space<semaphore_mem>>) src(%arg7 : memref<128x32xf32, #tpu.memory_space<vmem>>) dst(%dma_wait3A_68 : memref<50176x32xf32, #tpu.memory_space<vmem_shared>>)
          tpu.yield
        }) : () -> ()
        %scan3A_58 = arith.constant 0 : i32
        scf.yield %scan3A_58 : i32
      }
      %scan3A_30 = arith.constant 25 : i32
      %barrier3A_31 = arith.constant 0 : index
      tpu.barrier barrier_id(%barrier3A_31)
      %mul3A_32 = arith.constant 3136 : i32
      %mul3A_33 = arith.muli %arg1, %mul3A_32 : i32
      %scan3A_34 = arith.constant 0 : i32
      %scan3A_35 = arith.constant 0 : i32
      %scan3A_36 = arith.constant 24 : i32
      %scan3A_37 = arith.addi %scan3A_35, %scan3A_36 : i32
      %scan3A_38 = arith.constant 1 : i32
      %scan3A_39 = scf.for %scan3A_50 = %scan3A_35 to %scan3A_37 step %scan3A_38 iter_args(%scan3A_51 = %scan3A_34) -> (i32)  : i32 {
        %mul3A_52 = arith.constant 128 : i32
        %mul3A_53 = arith.muli %scan3A_50, %mul3A_52 : i32
        %add3A_54 = arith.addi %mul3A_33, %mul3A_53 : i32
        %multiple_of3A_55 = tpu.assume_multiple %add3A_54, 8 : i32
        "tpu.region"() ({
          %run_scoped3A = tpu.sem_alloc : memref<!tpu.dma_semaphore, #tpu.memory_space<semaphore_mem>>
          %dma_start3A = arith.constant 0 : i32
          %dma_start3A_64 = tpu.memref_slice %arg6[%multiple_of3A_55, %dma_start3A] : memref<50176x32xf32, #tpu.memory_space<vmem_shared>> -> memref<128x32xf32, #tpu.memory_space<vmem_shared>>
          %dma_start3A_65 = arith.constant 0 : i32
          %dma_start3A_66 = tpu.memref_slice %arg6[%multiple_of3A_55, %dma_start3A_65] : memref<50176x32xf32, #tpu.memory_space<vmem_shared>> -> memref<128x32xf32, #tpu.memory_space<vmem_shared>>
          tpu.enqueue_dma source(%dma_start3A_66 : memref<128x32xf32, #tpu.memory_space<vmem_shared>>) target(%arg9 : memref<128x32xf32, #tpu.memory_space<vmem>>) target_semaphore(%run_scoped3A : memref<!tpu.dma_semaphore, #tpu.memory_space<semaphore_mem>>)
          %dma_wait3A = arith.constant 0 : i32
          %dma_wait3A_67 = tpu.memref_slice %arg6[%multiple_of3A_55, %dma_wait3A] : memref<50176x32xf32, #tpu.memory_space<vmem_shared>> -> memref<128x32xf32, #tpu.memory_space<vmem_shared>>
          %dma_wait3A_68 = arith.constant 0 : i32
          %dma_wait3A_69 = tpu.memref_slice %arg6[%multiple_of3A_55, %dma_wait3A_68] : memref<50176x32xf32, #tpu.memory_space<vmem_shared>> -> memref<128x32xf32, #tpu.memory_space<vmem_shared>>
          tpu.wait_dma2 semaphore(%run_scoped3A : memref<!tpu.dma_semaphore, #tpu.memory_space<semaphore_mem>>) src(%dma_wait3A_69 : memref<128x32xf32, #tpu.memory_space<vmem_shared>>) dst(%arg9 : memref<128x32xf32, #tpu.memory_space<vmem>>)
          tpu.yield
        }) : () -> ()
        "tpu.region"() ({
          %run_scoped3A = tpu.sem_alloc : memref<!tpu.dma_semaphore, #tpu.memory_space<semaphore_mem>>
          %dma_start3A = arith.constant 0 : i32
          %dma_start3A_64 = tpu.memref_slice %arg4[%multiple_of3A_55, %dma_start3A] : memref<50176x32xf32, #tpu.memory_space<hbm>> -> memref<128x32xf32, #tpu.memory_space<hbm>>
          %dma_start3A_65 = arith.constant 0 : i32
          %dma_start3A_66 = tpu.memref_slice %arg4[%multiple_of3A_55, %dma_start3A_65] : memref<50176x32xf32, #tpu.memory_space<hbm>> -> memref<128x32xf32, #tpu.memory_space<hbm>>
          tpu.enqueue_dma source(%dma_start3A_66 : memref<128x32xf32, #tpu.memory_space<hbm>>) target(%arg10 : memref<128x32xf32, #tpu.memory_space<vmem>>) target_semaphore(%run_scoped3A : memref<!tpu.dma_semaphore, #tpu.memory_space<semaphore_mem>>)
          %dma_wait3A = arith.constant 0 : i32
          %dma_wait3A_67 = tpu.memref_slice %arg4[%multiple_of3A_55, %dma_wait3A] : memref<50176x32xf32, #tpu.memory_space<hbm>> -> memref<128x32xf32, #tpu.memory_space<hbm>>
          %dma_wait3A_68 = arith.constant 0 : i32
          %dma_wait3A_69 = tpu.memref_slice %arg4[%multiple_of3A_55, %dma_wait3A_68] : memref<50176x32xf32, #tpu.memory_space<hbm>> -> memref<128x32xf32, #tpu.memory_space<hbm>>
          tpu.wait_dma2 semaphore(%run_scoped3A : memref<!tpu.dma_semaphore, #tpu.memory_space<semaphore_mem>>) src(%dma_wait3A_69 : memref<128x32xf32, #tpu.memory_space<hbm>>) dst(%arg10 : memref<128x32xf32, #tpu.memory_space<vmem>>)
          tpu.yield
        }) : () -> ()
        %scan3A_56 = arith.constant 0 : i32
        %scan3A_57 = arith.constant 0 : i32
        %scan3A_58 = arith.constant 128 : i32
        %scan3A_59 = arith.addi %scan3A_57, %scan3A_58 : i32
        %scan3A_60 = arith.constant 1 : i32
        %scan3A_61 = scf.for %scan3A_64 = %scan3A_57 to %scan3A_59 step %scan3A_60 iter_args(%scan3A_65 = %scan3A_56) -> (i32)  : i32 {
          %get3A = arith.index_cast %scan3A_64 : i32 to index
          %get3A_66 = arith.constant 0 : index
          %get3A_67 = tpu.vector_load %arg9[%get3A, %get3A_66] {strides = array<i32>} : memref<128x32xf32, #tpu.memory_space<vmem>>, vector<1x16xf32>,
          %get3A_68 = vector.shape_cast %get3A_67 : vector<1x16xf32> to vector<16xf32>
          %get3A_69 = arith.index_cast %scan3A_64 : i32 to index
          %get3A_70 = arith.constant 0 : index
          %get3A_71 = tpu.vector_load %arg10[%get3A_69, %get3A_70] {strides = array<i32>} : memref<128x32xf32, #tpu.memory_space<vmem>>, vector<1x16xf32>,
          %get3A_72 = vector.shape_cast %get3A_71 : vector<1x16xf32> to vector<16xf32>
          %mul3A_73 = arith.mulf %get3A_68, %get3A_72 : vector<16xf32>
          %swap3A = arith.index_cast %scan3A_64 : i32 to index
          %swap3A_74 = arith.constant 0 : index
          %swap3A_75 = tpu.vector_load %arg9[%swap3A, %swap3A_74] {strides = array<i32>} : memref<128x32xf32, #tpu.memory_space<vmem>>, vector<1x16xf32>,
          %swap3A_76 = vector.shape_cast %swap3A_75 : vector<1x16xf32> to vector<16xf32>
          %swap3A_77 = vector.shape_cast %mul3A_73 : vector<16xf32> to vector<1x16xf32>
          tpu.vector_store %arg9[%swap3A, %swap3A_74], %swap3A_77 {strides = array<i32>} : memref<128x32xf32, #tpu.memory_space<vmem>>, vector<1x16xf32>,
          %get3A_78 = arith.index_cast %scan3A_64 : i32 to index
          %get3A_79 = arith.constant 16 : index
          %get3A_80 = tpu.vector_load %arg9[%get3A_78, %get3A_79] {strides = array<i32>} : memref<128x32xf32, #tpu.memory_space<vmem>>, vector<1x16xf32>,
          %get3A_81 = vector.shape_cast %get3A_80 : vector<1x16xf32> to vector<16xf32>
          %get3A_82 = arith.index_cast %scan3A_64 : i32 to index
          %get3A_83 = arith.constant 16 : index
          %get3A_84 = tpu.vector_load %arg10[%get3A_82, %get3A_83] {strides = array<i32>} : memref<128x32xf32, #tpu.memory_space<vmem>>, vector<1x16xf32>,
          %get3A_85 = vector.shape_cast %get3A_84 : vector<1x16xf32> to vector<16xf32>
          %mul3A_86 = arith.mulf %get3A_81, %get3A_85 : vector<16xf32>
          %swap3A_87 = arith.index_cast %scan3A_64 : i32 to index
          %swap3A_88 = arith.constant 16 : index
          %swap3A_89 = tpu.vector_load %arg9[%swap3A_87, %swap3A_88] {strides = array<i32>} : memref<128x32xf32, #tpu.memory_space<vmem>>, vector<1x16xf32>,
          %swap3A_90 = vector.shape_cast %swap3A_89 : vector<1x16xf32> to vector<16xf32>
          %swap3A_91 = vector.shape_cast %mul3A_86 : vector<16xf32> to vector<1x16xf32>
          tpu.vector_store %arg9[%swap3A_87, %swap3A_88], %swap3A_91 {strides = array<i32>} : memref<128x32xf32, #tpu.memory_space<vmem>>, vector<1x16xf32>,
          %scan3A_92 = arith.constant 0 : i32
          scf.yield %scan3A_92 : i32
        }
        %scan3A_62 = arith.constant 128 : i32
        "tpu.region"() ({
          %run_scoped3A = tpu.sem_alloc : memref<!tpu.dma_semaphore, #tpu.memory_space<semaphore_mem>>
          %dma_start3A = arith.constant 0 : i32
          %dma_start3A_64 = tpu.memref_slice %arg5[%multiple_of3A_55, %dma_start3A] : memref<50176x32xf32, #tpu.memory_space<hbm>> -> memref<128x32xf32, #tpu.memory_space<hbm>>
          %dma_start3A_65 = arith.constant 0 : i32
          %dma_start3A_66 = tpu.memref_slice %arg5[%multiple_of3A_55, %dma_start3A_65] : memref<50176x32xf32, #tpu.memory_space<hbm>> -> memref<128x32xf32, #tpu.memory_space<hbm>>
          tpu.enqueue_dma source(%arg9 : memref<128x32xf32, #tpu.memory_space<vmem>>) target(%dma_start3A_66 : memref<128x32xf32, #tpu.memory_space<hbm>>) target_semaphore(%run_scoped3A : memref<!tpu.dma_semaphore, #tpu.memory_space<semaphore_mem>>)
          %dma_wait3A = arith.constant 0 : i32
          %dma_wait3A_67 = tpu.memref_slice %arg5[%multiple_of3A_55, %dma_wait3A] : memref<50176x32xf32, #tpu.memory_space<hbm>> -> memref<128x32xf32, #tpu.memory_space<hbm>>
          %dma_wait3A_68 = arith.constant 0 : i32
          %dma_wait3A_69 = tpu.memref_slice %arg5[%multiple_of3A_55, %dma_wait3A_68] : memref<50176x32xf32, #tpu.memory_space<hbm>> -> memref<128x32xf32, #tpu.memory_space<hbm>>
          tpu.wait_dma2 semaphore(%run_scoped3A : memref<!tpu.dma_semaphore, #tpu.memory_space<semaphore_mem>>) src(%arg9 : memref<128x32xf32, #tpu.memory_space<vmem>>) dst(%dma_wait3A_69 : memref<128x32xf32, #tpu.memory_space<hbm>>)
          tpu.yield
        }) : () -> ()
        %scan3A_63 = arith.constant 0 : i32
        scf.yield %scan3A_63 : i32
      }
      %scan3A_40 = arith.constant 24 : i32
      %add3A_41 = arith.constant 3072 : i32
      %add3A_42 = arith.addi %mul3A_33, %add3A_41 : i32
      %multiple_of3A = tpu.assume_multiple %add3A_42, 8 : i32
      "tpu.region"() ({
        %run_scoped3A = tpu.sem_alloc : memref<!tpu.dma_semaphore, #tpu.memory_space<semaphore_mem>>
        %dma_start3A = arith.constant 0 : i32
        %dma_start3A_50 = arith.constant 0 : i32
        %dma_start3A_51 = tpu.memref_slice %arg9[%dma_start3A, %dma_start3A_50] : memref<128x32xf32, #tpu.memory_space<vmem>> -> memref<64x32xf32, #tpu.memory_space<vmem>>
        %dma_start3A_52 = arith.constant 0 : i32
        %dma_start3A_53 = tpu.memref_slice %arg6[%multiple_of3A, %dma_start3A_52] : memref<50176x32xf32, #tpu.memory_space<vmem_shared>> -> memref<64x32xf32, #tpu.memory_space<vmem_shared>>
        %dma_start3A_54 = arith.constant 0 : i32
        %dma_start3A_55 = arith.constant 0 : i32
        %dma_start3A_56 = tpu.memref_slice %arg9[%dma_start3A_54, %dma_start3A_55] : memref<128x32xf32, #tpu.memory_space<vmem>> -> memref<64x32xf32, #tpu.memory_space<vmem>>
        %dma_start3A_57 = arith.constant 0 : i32
        %dma_start3A_58 = tpu.memref_slice %arg6[%multiple_of3A, %dma_start3A_57] : memref<50176x32xf32, #tpu.memory_space<vmem_shared>> -> memref<64x32xf32, #tpu.memory_space<vmem_shared>>
        tpu.enqueue_dma source(%dma_start3A_58 : memref<64x32xf32, #tpu.memory_space<vmem_shared>>) target(%dma_start3A_56 : memref<64x32xf32, #tpu.memory_space<vmem>>) target_semaphore(%run_scoped3A : memref<!tpu.dma_semaphore, #tpu.memory_space<semaphore_mem>>)
        %dma_wait3A = arith.constant 0 : i32
        %dma_wait3A_59 = arith.constant 0 : i32
        %dma_wait3A_60 = tpu.memref_slice %arg9[%dma_wait3A, %dma_wait3A_59] : memref<128x32xf32, #tpu.memory_space<vmem>> -> memref<64x32xf32, #tpu.memory_space<vmem>>
        %dma_wait3A_61 = arith.constant 0 : i32
        %dma_wait3A_62 = tpu.memref_slice %arg6[%multiple_of3A, %dma_wait3A_61] : memref<50176x32xf32, #tpu.memory_space<vmem_shared>> -> memref<64x32xf32, #tpu.memory_space<vmem_shared>>
        %dma_wait3A_63 = arith.constant 0 : i32
        %dma_wait3A_64 = arith.constant 0 : i32
        %dma_wait3A_65 = tpu.memref_slice %arg9[%dma_wait3A_63, %dma_wait3A_64] : memref<128x32xf32, #tpu.memory_space<vmem>> -> memref<64x32xf32, #tpu.memory_space<vmem>>
        %dma_wait3A_66 = arith.constant 0 : i32
        %dma_wait3A_67 = tpu.memref_slice %arg6[%multiple_of3A, %dma_wait3A_66] : memref<50176x32xf32, #tpu.memory_space<vmem_shared>> -> memref<64x32xf32, #tpu.memory_space<vmem_shared>>
        tpu.wait_dma2 semaphore(%run_scoped3A : memref<!tpu.dma_semaphore, #tpu.memory_space<semaphore_mem>>) src(%dma_wait3A_67 : memref<64x32xf32, #tpu.memory_space<vmem_shared>>) dst(%dma_wait3A_65 : memref<64x32xf32, #tpu.memory_space<vmem>>)
        tpu.yield
      }) : () -> ()
      "tpu.region"() ({
        %run_scoped3A = tpu.sem_alloc : memref<!tpu.dma_semaphore, #tpu.memory_space<semaphore_mem>>
        %dma_start3A = arith.constant 0 : i32
        %dma_start3A_50 = arith.constant 0 : i32
        %dma_start3A_51 = tpu.memref_slice %arg10[%dma_start3A, %dma_start3A_50] : memref<128x32xf32, #tpu.memory_space<vmem>> -> memref<64x32xf32, #tpu.memory_space<vmem>>
        %dma_start3A_52 = arith.constant 0 : i32
        %dma_start3A_53 = tpu.memref_slice %arg4[%multiple_of3A, %dma_start3A_52] : memref<50176x32xf32, #tpu.memory_space<hbm>> -> memref<64x32xf32, #tpu.memory_space<hbm>>
        %dma_start3A_54 = arith.constant 0 : i32
        %dma_start3A_55 = arith.constant 0 : i32
        %dma_start3A_56 = tpu.memref_slice %arg10[%dma_start3A_54, %dma_start3A_55] : memref<128x32xf32, #tpu.memory_space<vmem>> -> memref<64x32xf32, #tpu.memory_space<vmem>>
        %dma_start3A_57 = arith.constant 0 : i32
        %dma_start3A_58 = tpu.memref_slice %arg4[%multiple_of3A, %dma_start3A_57] : memref<50176x32xf32, #tpu.memory_space<hbm>> -> memref<64x32xf32, #tpu.memory_space<hbm>>
        tpu.enqueue_dma source(%dma_start3A_58 : memref<64x32xf32, #tpu.memory_space<hbm>>) target(%dma_start3A_56 : memref<64x32xf32, #tpu.memory_space<vmem>>) target_semaphore(%run_scoped3A : memref<!tpu.dma_semaphore, #tpu.memory_space<semaphore_mem>>)
        %dma_wait3A = arith.constant 0 : i32
        %dma_wait3A_59 = arith.constant 0 : i32
        %dma_wait3A_60 = tpu.memref_slice %arg10[%dma_wait3A, %dma_wait3A_59] : memref<128x32xf32, #tpu.memory_space<vmem>> -> memref<64x32xf32, #tpu.memory_space<vmem>>
        %dma_wait3A_61 = arith.constant 0 : i32
        %dma_wait3A_62 = tpu.memref_slice %arg4[%multiple_of3A, %dma_wait3A_61] : memref<50176x32xf32, #tpu.memory_space<hbm>> -> memref<64x32xf32, #tpu.memory_space<hbm>>
        %dma_wait3A_63 = arith.constant 0 : i32
        %dma_wait3A_64 = arith.constant 0 : i32
        %dma_wait3A_65 = tpu.memref_slice %arg10[%dma_wait3A_63, %dma_wait3A_64] : memref<128x32xf32, #tpu.memory_space<vmem>> -> memref<64x32xf32, #tpu.memory_space<vmem>>
        %dma_wait3A_66 = arith.constant 0 : i32
        %dma_wait3A_67 = tpu.memref_slice %arg4[%multiple_of3A, %dma_wait3A_66] : memref<50176x32xf32, #tpu.memory_space<hbm>> -> memref<64x32xf32, #tpu.memory_space<hbm>>
        tpu.wait_dma2 semaphore(%run_scoped3A : memref<!tpu.dma_semaphore, #tpu.memory_space<semaphore_mem>>) src(%dma_wait3A_67 : memref<64x32xf32, #tpu.memory_space<hbm>>) dst(%dma_wait3A_65 : memref<64x32xf32, #tpu.memory_space<vmem>>)
        tpu.yield
      }) : () -> ()
      %scan3A_43 = arith.constant 0 : i32
      %scan3A_44 = arith.constant 0 : i32
      %scan3A_45 = arith.constant 64 : i32
      %scan3A_46 = arith.addi %scan3A_44, %scan3A_45 : i32
      %scan3A_47 = arith.constant 1 : i32
      %scan3A_48 = scf.for %scan3A_50 = %scan3A_44 to %scan3A_46 step %scan3A_47 iter_args(%scan3A_51 = %scan3A_43) -> (i32)  : i32 {
        %get3A = arith.index_cast %scan3A_50 : i32 to index
        %get3A_52 = arith.constant 0 : index
        %get3A_53 = tpu.vector_load %arg9[%get3A, %get3A_52] {strides = array<i32>} : memref<128x32xf32, #tpu.memory_space<vmem>>, vector<1x16xf32>,
        %get3A_54 = vector.shape_cast %get3A_53 : vector<1x16xf32> to vector<16xf32>
        %get3A_55 = arith.index_cast %scan3A_50 : i32 to index
        %get3A_56 = arith.constant 0 : index
        %get3A_57 = tpu.vector_load %arg10[%get3A_55, %get3A_56] {strides = array<i32>} : memref<128x32xf32, #tpu.memory_space<vmem>>, vector<1x16xf32>,
        %get3A_58 = vector.shape_cast %get3A_57 : vector<1x16xf32> to vector<16xf32>
        %mul3A_59 = arith.mulf %get3A_54, %get3A_58 : vector<16xf32>
        %swap3A = arith.index_cast %scan3A_50 : i32 to index
        %swap3A_60 = arith.constant 0 : index
        %swap3A_61 = tpu.vector_load %arg9[%swap3A, %swap3A_60] {strides = array<i32>} : memref<128x32xf32, #tpu.memory_space<vmem>>, vector<1x16xf32>,
        %swap3A_62 = vector.shape_cast %swap3A_61 : vector<1x16xf32> to vector<16xf32>
        %swap3A_63 = vector.shape_cast %mul3A_59 : vector<16xf32> to vector<1x16xf32>
        tpu.vector_store %arg9[%swap3A, %swap3A_60], %swap3A_63 {strides = array<i32>} : memref<128x32xf32, #tpu.memory_space<vmem>>, vector<1x16xf32>,
        %get3A_64 = arith.index_cast %scan3A_50 : i32 to index
        %get3A_65 = arith.constant 16 : index
        %get3A_66 = tpu.vector_load %arg9[%get3A_64, %get3A_65] {strides = array<i32>} : memref<128x32xf32, #tpu.memory_space<vmem>>, vector<1x16xf32>,
        %get3A_67 = vector.shape_cast %get3A_66 : vector<1x16xf32> to vector<16xf32>
        %get3A_68 = arith.index_cast %scan3A_50 : i32 to index
        %get3A_69 = arith.constant 16 : index
        %get3A_70 = tpu.vector_load %arg10[%get3A_68, %get3A_69] {strides = array<i32>} : memref<128x32xf32, #tpu.memory_space<vmem>>, vector<1x16xf32>,
        %get3A_71 = vector.shape_cast %get3A_70 : vector<1x16xf32> to vector<16xf32>
        %mul3A_72 = arith.mulf %get3A_67, %get3A_71 : vector<16xf32>
        %swap3A_73 = arith.index_cast %scan3A_50 : i32 to index
        %swap3A_74 = arith.constant 16 : index
        %swap3A_75 = tpu.vector_load %arg9[%swap3A_73, %swap3A_74] {strides = array<i32>} : memref<128x32xf32, #tpu.memory_space<vmem>>, vector<1x16xf32>,
        %swap3A_76 = vector.shape_cast %swap3A_75 : vector<1x16xf32> to vector<16xf32>
        %swap3A_77 = vector.shape_cast %mul3A_72 : vector<16xf32> to vector<1x16xf32>
        tpu.vector_store %arg9[%swap3A_73, %swap3A_74], %swap3A_77 {strides = array<i32>} : memref<128x32xf32, #tpu.memory_space<vmem>>, vector<1x16xf32>,
        %scan3A_78 = arith.constant 0 : i32
        scf.yield %scan3A_78 : i32
      }
      %scan3A_49 = arith.constant 64 : i32
      "tpu.region"() ({
        %run_scoped3A = tpu.sem_alloc : memref<!tpu.dma_semaphore, #tpu.memory_space<semaphore_mem>>
        %dma_start3A = arith.constant 0 : i32
        %dma_start3A_50 = arith.constant 0 : i32
        %dma_start3A_51 = tpu.memref_slice %arg9[%dma_start3A, %dma_start3A_50] : memref<128x32xf32, #tpu.memory_space<vmem>> -> memref<64x32xf32, #tpu.memory_space<vmem>>
        %dma_start3A_52 = arith.constant 0 : i32
        %dma_start3A_53 = tpu.memref_slice %arg5[%multiple_of3A, %dma_start3A_52] : memref<50176x32xf32, #tpu.memory_space<hbm>> -> memref<64x32xf32, #tpu.memory_space<hbm>>
        %dma_start3A_54 = arith.constant 0 : i32
        %dma_start3A_55 = tpu.memref_slice %arg5[%multiple_of3A, %dma_start3A_54] : memref<50176x32xf32, #tpu.memory_space<hbm>> -> memref<64x32xf32, #tpu.memory_space<hbm>>
        %dma_start3A_56 = arith.constant 0 : i32
        %dma_start3A_57 = arith.constant 0 : i32
        %dma_start3A_58 = tpu.memref_slice %arg9[%dma_start3A_56, %dma_start3A_57] : memref<128x32xf32, #tpu.memory_space<vmem>> -> memref<64x32xf32, #tpu.memory_space<vmem>>
        tpu.enqueue_dma source(%dma_start3A_58 : memref<64x32xf32, #tpu.memory_space<vmem>>) target(%dma_start3A_55 : memref<64x32xf32, #tpu.memory_space<hbm>>) target_semaphore(%run_scoped3A : memref<!tpu.dma_semaphore, #tpu.memory_space<semaphore_mem>>)
        %dma_wait3A = arith.constant 0 : i32
        %dma_wait3A_59 = arith.constant 0 : i32
        %dma_wait3A_60 = tpu.memref_slice %arg9[%dma_wait3A, %dma_wait3A_59] : memref<128x32xf32, #tpu.memory_space<vmem>> -> memref<64x32xf32, #tpu.memory_space<vmem>>
        %dma_wait3A_61 = arith.constant 0 : i32
        %dma_wait3A_62 = tpu.memref_slice %arg5[%multiple_of3A, %dma_wait3A_61] : memref<50176x32xf32, #tpu.memory_space<hbm>> -> memref<64x32xf32, #tpu.memory_space<hbm>>
        %dma_wait3A_63 = arith.constant 0 : i32
        %dma_wait3A_64 = tpu.memref_slice %arg5[%multiple_of3A, %dma_wait3A_63] : memref<50176x32xf32, #tpu.memory_space<hbm>> -> memref<64x32xf32, #tpu.memory_space<hbm>>
        %dma_wait3A_65 = arith.constant 0 : i32
        %dma_wait3A_66 = arith.constant 0 : i32
        %dma_wait3A_67 = tpu.memref_slice %arg9[%dma_wait3A_65, %dma_wait3A_66] : memref<128x32xf32, #tpu.memory_space<vmem>> -> memref<64x32xf32, #tpu.memory_space<vmem>>
        tpu.wait_dma2 semaphore(%run_scoped3A : memref<!tpu.dma_semaphore, #tpu.memory_space<semaphore_mem>>) src(%dma_wait3A_67 : memref<64x32xf32, #tpu.memory_space<vmem>>) dst(%dma_wait3A_64 : memref<64x32xf32, #tpu.memory_space<hbm>>)
        tpu.yield
      }) : () -> ()
    } else {
    }
    return
  }
}

#map = affine_map<(d0, d1) -> (0, 0)>
#map1 = affine_map<(d0, d1) -> (0)>
module attributes {stable_mosaic.version = 14 : i64} {
  func.func @_sc_gather(%arg0: i32, %arg1: i32, %arg2: memref<50176x32xf32, #tpu.memory_space<hbm>>, %arg3: memref<800000xi32, #tpu.memory_space<hbm>>, %arg4: memref<800000x32xf32, #tpu.memory_space<hbm>>, %arg5: memref<1024xi32, #tpu.memory_space<vmem>>, %arg6: memref<1024x32xf32, #tpu.memory_space<vmem>>, %arg7: memref<424xi32, #tpu.memory_space<vmem>>, %arg8: memref<424x32xf32, #tpu.memory_space<vmem>>, %arg9: memref<!tpu.dma_semaphore, #tpu.memory_space<semaphore_mem>>) attributes {dimension_semantics = [#tpu.dimension_semantics<core_parallel>, #tpu.dimension_semantics<subcore_parallel>], iteration_bounds = array<i64: 2, 16>, scalar_prefetch = 0 : i64, scratch_operands = 5 : i64, tpu.core_type = #tpu.core_type<sc_vector_subcore>, window_params = [{transform_indices = #map}, {transform_indices = #map1}, {transform_indices = #map}]} {
    %mul3A = arith.constant 2 : i32
    %mul3A_0 = arith.muli %arg1, %mul3A : i32
    %add3A = arith.addi %mul3A_0, %arg0 : i32
    %mul3A_1 = arith.constant 25000 : i32
    %mul3A_2 = arith.muli %add3A, %mul3A_1 : i32
    %scan3A = arith.constant 0 : i32
    %scan3A_3 = arith.constant 0 : i32
    %scan3A_4 = arith.constant 24 : i32
    %scan3A_5 = arith.addi %scan3A_3, %scan3A_4 : i32
    %scan3A_6 = arith.constant 1 : i32
    %scan3A_7 = scf.for %scan3A_15 = %scan3A_3 to %scan3A_5 step %scan3A_6 iter_args(%scan3A_16 = %scan3A) -> (i32)  : i32 {
      %mul3A_17 = arith.constant 1024 : i32
      %mul3A_18 = arith.muli %scan3A_15, %mul3A_17 : i32
      %add3A_19 = arith.addi %mul3A_2, %mul3A_18 : i32
      %multiple_of3A_20 = tpu.assume_multiple %add3A_19, 8 : i32
      "tpu.region"() ({
        %run_scoped3A = tpu.sem_alloc : memref<!tpu.dma_semaphore, #tpu.memory_space<semaphore_mem>>
        %dma_start3A_28 = tpu.memref_slice %arg3[%multiple_of3A_20] : memref<800000xi32, #tpu.memory_space<hbm>> -> memref<1024xi32, #tpu.memory_space<hbm>>
        %dma_start3A_29 = tpu.memref_slice %arg3[%multiple_of3A_20] : memref<800000xi32, #tpu.memory_space<hbm>> -> memref<1024xi32, #tpu.memory_space<hbm>>
        tpu.enqueue_dma source(%dma_start3A_29 : memref<1024xi32, #tpu.memory_space<hbm>>) target(%arg5 : memref<1024xi32, #tpu.memory_space<vmem>>) target_semaphore(%run_scoped3A : memref<!tpu.dma_semaphore, #tpu.memory_space<semaphore_mem>>)
        %dma_wait3A_30 = tpu.memref_slice %arg3[%multiple_of3A_20] : memref<800000xi32, #tpu.memory_space<hbm>> -> memref<1024xi32, #tpu.memory_space<hbm>>
        %dma_wait3A_31 = tpu.memref_slice %arg3[%multiple_of3A_20] : memref<800000xi32, #tpu.memory_space<hbm>> -> memref<1024xi32, #tpu.memory_space<hbm>>
        tpu.wait_dma2 semaphore(%run_scoped3A : memref<!tpu.dma_semaphore, #tpu.memory_space<semaphore_mem>>) src(%dma_wait3A_31 : memref<1024xi32, #tpu.memory_space<hbm>>) dst(%arg5 : memref<1024xi32, #tpu.memory_space<vmem>>)
        tpu.yield
      }) : () -> ()
      %dma_start3A_21 = arith.constant 0 : i32
      %dma_start3A_22 = arith.constant 0 : i32
      %dma_start3A_23 = tpu.memref_slice %arg2[%dma_start3A_21, %dma_start3A_22] : memref<50176x32xf32, #tpu.memory_space<hbm>> -> memref<50176x32xf32, #tpu.memory_space<hbm>>
      tpu.enqueue_indirect_dma source(%dma_start3A_23 : memref<50176x32xf32, #tpu.memory_space<hbm>>) target(%arg6 : memref<1024x32xf32, #tpu.memory_space<vmem>>) offsets(%arg5 : memref<1024xi32, #tpu.memory_space<vmem>>) semaphore(%arg9 : memref<!tpu.dma_semaphore, #tpu.memory_space<semaphore_mem>>)
      %dma_wait3A_24 = arith.constant 0 : i32
      %dma_wait3A_25 = arith.constant 0 : i32
      %dma_wait3A_26 = tpu.memref_slice %arg2[%dma_wait3A_24, %dma_wait3A_25] : memref<50176x32xf32, #tpu.memory_space<hbm>> -> memref<50176x32xf32, #tpu.memory_space<hbm>>
      tpu.wait_indirect_dma semaphore(%arg9 : memref<!tpu.dma_semaphore, #tpu.memory_space<semaphore_mem>>) src(%dma_wait3A_26 : memref<50176x32xf32, #tpu.memory_space<hbm>>) dst(%arg6 : memref<1024x32xf32, #tpu.memory_space<vmem>>)
      "tpu.region"() ({
        %run_scoped3A = tpu.sem_alloc : memref<!tpu.dma_semaphore, #tpu.memory_space<semaphore_mem>>
        %dma_start3A_28 = arith.constant 0 : i32
        %dma_start3A_29 = tpu.memref_slice %arg4[%multiple_of3A_20, %dma_start3A_28] : memref<800000x32xf32, #tpu.memory_space<hbm>> -> memref<1024x32xf32, #tpu.memory_space<hbm>>
        %dma_start3A_30 = arith.constant 0 : i32
        %dma_start3A_31 = tpu.memref_slice %arg4[%multiple_of3A_20, %dma_start3A_30] : memref<800000x32xf32, #tpu.memory_space<hbm>> -> memref<1024x32xf32, #tpu.memory_space<hbm>>
        tpu.enqueue_dma source(%arg6 : memref<1024x32xf32, #tpu.memory_space<vmem>>) target(%dma_start3A_31 : memref<1024x32xf32, #tpu.memory_space<hbm>>) target_semaphore(%run_scoped3A : memref<!tpu.dma_semaphore, #tpu.memory_space<semaphore_mem>>)
        %dma_wait3A_32 = arith.constant 0 : i32
        %dma_wait3A_33 = tpu.memref_slice %arg4[%multiple_of3A_20, %dma_wait3A_32] : memref<800000x32xf32, #tpu.memory_space<hbm>> -> memref<1024x32xf32, #tpu.memory_space<hbm>>
        %dma_wait3A_34 = arith.constant 0 : i32
        %dma_wait3A_35 = tpu.memref_slice %arg4[%multiple_of3A_20, %dma_wait3A_34] : memref<800000x32xf32, #tpu.memory_space<hbm>> -> memref<1024x32xf32, #tpu.memory_space<hbm>>
        tpu.wait_dma2 semaphore(%run_scoped3A : memref<!tpu.dma_semaphore, #tpu.memory_space<semaphore_mem>>) src(%arg6 : memref<1024x32xf32, #tpu.memory_space<vmem>>) dst(%dma_wait3A_35 : memref<1024x32xf32, #tpu.memory_space<hbm>>)
        tpu.yield
      }) : () -> ()
      %scan3A_27 = arith.constant 0 : i32
      scf.yield %scan3A_27 : i32
    }
    %scan3A_8 = arith.constant 24 : i32
    %add3A_9 = arith.constant 24576 : i32
    %add3A_10 = arith.addi %mul3A_2, %add3A_9 : i32
    %multiple_of3A = tpu.assume_multiple %add3A_10, 8 : i32
    "tpu.region"() ({
      %run_scoped3A = tpu.sem_alloc : memref<!tpu.dma_semaphore, #tpu.memory_space<semaphore_mem>>
      %dma_start3A_15 = tpu.memref_slice %arg3[%multiple_of3A] : memref<800000xi32, #tpu.memory_space<hbm>> -> memref<424xi32, #tpu.memory_space<hbm>>
      %dma_start3A_16 = tpu.memref_slice %arg3[%multiple_of3A] : memref<800000xi32, #tpu.memory_space<hbm>> -> memref<424xi32, #tpu.memory_space<hbm>>
      tpu.enqueue_dma source(%dma_start3A_16 : memref<424xi32, #tpu.memory_space<hbm>>) target(%arg7 : memref<424xi32, #tpu.memory_space<vmem>>) target_semaphore(%run_scoped3A : memref<!tpu.dma_semaphore, #tpu.memory_space<semaphore_mem>>)
      %dma_wait3A_17 = tpu.memref_slice %arg3[%multiple_of3A] : memref<800000xi32, #tpu.memory_space<hbm>> -> memref<424xi32, #tpu.memory_space<hbm>>
      %dma_wait3A_18 = tpu.memref_slice %arg3[%multiple_of3A] : memref<800000xi32, #tpu.memory_space<hbm>> -> memref<424xi32, #tpu.memory_space<hbm>>
      tpu.wait_dma2 semaphore(%run_scoped3A : memref<!tpu.dma_semaphore, #tpu.memory_space<semaphore_mem>>) src(%dma_wait3A_18 : memref<424xi32, #tpu.memory_space<hbm>>) dst(%arg7 : memref<424xi32, #tpu.memory_space<vmem>>)
      tpu.yield
    }) : () -> ()
    %dma_start3A = arith.constant 0 : i32
    %dma_start3A_11 = arith.constant 0 : i32
    %dma_start3A_12 = tpu.memref_slice %arg2[%dma_start3A, %dma_start3A_11] : memref<50176x32xf32, #tpu.memory_space<hbm>> -> memref<50176x32xf32, #tpu.memory_space<hbm>>
    tpu.enqueue_indirect_dma source(%dma_start3A_12 : memref<50176x32xf32, #tpu.memory_space<hbm>>) target(%arg8 : memref<424x32xf32, #tpu.memory_space<vmem>>) offsets(%arg7 : memref<424xi32, #tpu.memory_space<vmem>>) semaphore(%arg9 : memref<!tpu.dma_semaphore, #tpu.memory_space<semaphore_mem>>)
    %dma_wait3A = arith.constant 0 : i32
    %dma_wait3A_13 = arith.constant 0 : i32
    %dma_wait3A_14 = tpu.memref_slice %arg2[%dma_wait3A, %dma_wait3A_13] : memref<50176x32xf32, #tpu.memory_space<hbm>> -> memref<50176x32xf32, #tpu.memory_space<hbm>>
    tpu.wait_indirect_dma semaphore(%arg9 : memref<!tpu.dma_semaphore, #tpu.memory_space<semaphore_mem>>) src(%dma_wait3A_14 : memref<50176x32xf32, #tpu.memory_space<hbm>>) dst(%arg8 : memref<424x32xf32, #tpu.memory_space<vmem>>)
    "tpu.region"() ({
      %run_scoped3A = tpu.sem_alloc : memref<!tpu.dma_semaphore, #tpu.memory_space<semaphore_mem>>
      %dma_start3A_15 = arith.constant 0 : i32
      %dma_start3A_16 = tpu.memref_slice %arg4[%multiple_of3A, %dma_start3A_15] : memref<800000x32xf32, #tpu.memory_space<hbm>> -> memref<424x32xf32, #tpu.memory_space<hbm>>
      %dma_start3A_17 = arith.constant 0 : i32
      %dma_start3A_18 = tpu.memref_slice %arg4[%multiple_of3A, %dma_start3A_17] : memref<800000x32xf32, #tpu.memory_space<hbm>> -> memref<424x32xf32, #tpu.memory_space<hbm>>
      tpu.enqueue_dma source(%arg8 : memref<424x32xf32, #tpu.memory_space<vmem>>) target(%dma_start3A_18 : memref<424x32xf32, #tpu.memory_space<hbm>>) target_semaphore(%run_scoped3A : memref<!tpu.dma_semaphore, #tpu.memory_space<semaphore_mem>>)
      %dma_wait3A_19 = arith.constant 0 : i32
      %dma_wait3A_20 = tpu.memref_slice %arg4[%multiple_of3A, %dma_wait3A_19] : memref<800000x32xf32, #tpu.memory_space<hbm>> -> memref<424x32xf32, #tpu.memory_space<hbm>>
      %dma_wait3A_21 = arith.constant 0 : i32
      %dma_wait3A_22 = tpu.memref_slice %arg4[%multiple_of3A, %dma_wait3A_21] : memref<800000x32xf32, #tpu.memory_space<hbm>> -> memref<424x32xf32, #tpu.memory_space<hbm>>
      tpu.wait_dma2 semaphore(%run_scoped3A : memref<!tpu.dma_semaphore, #tpu.memory_space<semaphore_mem>>) src(%arg8 : memref<424x32xf32, #tpu.memory_space<vmem>>) dst(%dma_wait3A_22 : memref<424x32xf32, #tpu.memory_space<hbm>>)
      tpu.yield
    }) : () -> ()
    return
  }
}

#map = affine_map<(d0, d1) -> (0, 0)>
#map1 = affine_map<(d0, d1) -> (0)>
module attributes {stable_mosaic.version = 14 : i64} {
  func.func @_sc_scatter(%arg0: i32, %arg1: i32, %arg2: memref<51200x32xf32, #tpu.memory_space<hbm>>, %arg3: memref<51200xi32, #tpu.memory_space<hbm>>, %arg4: memref<50176x32xf32, #tpu.memory_space<hbm>>, %arg5: memref<50176x32xf32, #tpu.memory_space<hbm>>, %arg6: memref<50176x32xf32, #tpu.memory_space<vmem_shared>>, %arg7: memref<128x32xf32, #tpu.memory_space<vmem>>, %arg8: memref<25x128xi32, #tpu.memory_space<vmem>>, %arg9: memref<128x32xf32, #tpu.memory_space<vmem>>, %arg10: memref<128x32xf32, #tpu.memory_space<vmem>>, %arg11: memref<!tpu.dma_semaphore, #tpu.memory_space<semaphore_mem>>) attributes {dimension_semantics = [#tpu.dimension_semantics<core_parallel>, #tpu.dimension_semantics<subcore_parallel>], iteration_bounds = array<i64: 2, 16>, scalar_prefetch = 0 : i64, scratch_operands = 6 : i64, tpu.core_type = #tpu.core_type<sc_vector_subcore>, window_params = [{transform_indices = #map}, {transform_indices = #map1}, {transform_indices = #map}, {transform_indices = #map}]} {
    %eq3A = arith.constant 0 : i32
    %eq3A_0 = arith.cmpi eq, %arg0, %eq3A : i32
    %convert_element_type3A = arith.extui %eq3A_0 : i1 to i32
    %cond3A = arith.constant 0 : i32
    %cond3A_1 = arith.cmpi ne, %convert_element_type3A, %cond3A : i32
    scf.if %cond3A_1 {
      %scan3A = arith.constant 0 : i32
      %scan3A_2 = arith.constant 0 : i32
      %scan3A_3 = arith.constant 128 : i32
      %scan3A_4 = arith.addi %scan3A_2, %scan3A_3 : i32
      %scan3A_5 = arith.constant 1 : i32
      %scan3A_6 = scf.for %scan3A_50 = %scan3A_2 to %scan3A_4 step %scan3A_5 iter_args(%scan3A_51 = %scan3A) -> (i32)  : i32 {
        %broadcast_in_dim3A = arith.constant 0.000000e+00 : f32
        %broadcast_in_dim3A_52 = vector.broadcast %broadcast_in_dim3A : f32 to vector<16xf32>
        %swap3A = arith.index_cast %scan3A_50 : i32 to index
        %swap3A_53 = arith.constant 0 : index
        %swap3A_54 = tpu.vector_load %arg7[%swap3A, %swap3A_53] {strides = array<i32>} : memref<128x32xf32, #tpu.memory_space<vmem>>, vector<1x16xf32>,
        %swap3A_55 = vector.shape_cast %swap3A_54 : vector<1x16xf32> to vector<16xf32>
        %swap3A_56 = vector.shape_cast %broadcast_in_dim3A_52 : vector<16xf32> to vector<1x16xf32>
        tpu.vector_store %arg7[%swap3A, %swap3A_53], %swap3A_56 {strides = array<i32>} : memref<128x32xf32, #tpu.memory_space<vmem>>, vector<1x16xf32>,
        %broadcast_in_dim3A_57 = arith.constant 0.000000e+00 : f32
        %broadcast_in_dim3A_58 = vector.broadcast %broadcast_in_dim3A_57 : f32 to vector<16xf32>
        %swap3A_59 = arith.index_cast %scan3A_50 : i32 to index
        %swap3A_60 = arith.constant 16 : index
        %swap3A_61 = tpu.vector_load %arg7[%swap3A_59, %swap3A_60] {strides = array<i32>} : memref<128x32xf32, #tpu.memory_space<vmem>>, vector<1x16xf32>,
        %swap3A_62 = vector.shape_cast %swap3A_61 : vector<1x16xf32> to vector<16xf32>
        %swap3A_63 = vector.shape_cast %broadcast_in_dim3A_58 : vector<16xf32> to vector<1x16xf32>
        tpu.vector_store %arg7[%swap3A_59, %swap3A_60], %swap3A_63 {strides = array<i32>} : memref<128x32xf32, #tpu.memory_space<vmem>>, vector<1x16xf32>,
        %scan3A_64 = arith.constant 0 : i32
        scf.yield %scan3A_64 : i32
      }
      %scan3A_7 = arith.constant 128 : i32
      %scan3A_8 = arith.constant 0 : i32
      %scan3A_9 = arith.constant 0 : i32
      %scan3A_10 = arith.constant 24 : i32
      %scan3A_11 = arith.addi %scan3A_9, %scan3A_10 : i32
      %scan3A_12 = arith.constant 1 : i32
      %scan3A_13 = scf.for %scan3A_50 = %scan3A_9 to %scan3A_11 step %scan3A_12 iter_args(%scan3A_51 = %scan3A_8) -> (i32)  : i32 {
        %mul3A_52 = arith.constant 3136 : i32
        %mul3A_53 = arith.muli %arg1, %mul3A_52 : i32
        %mul3A_54 = arith.constant 128 : i32
        %mul3A_55 = arith.muli %scan3A_50, %mul3A_54 : i32
        %add3A_56 = arith.addi %mul3A_53, %mul3A_55 : i32
        %multiple_of3A_57 = tpu.assume_multiple %add3A_56, 8 : i32
        "tpu.region"() ({
          %run_scoped3A = tpu.sem_alloc : memref<!tpu.dma_semaphore, #tpu.memory_space<semaphore_mem>>
          %dma_start3A = arith.constant 0 : i32
          %dma_start3A_59 = tpu.memref_slice %arg6[%multiple_of3A_57, %dma_start3A] : memref<50176x32xf32, #tpu.memory_space<vmem_shared>> -> memref<128x32xf32, #tpu.memory_space<vmem_shared>>
          %dma_start3A_60 = arith.constant 0 : i32
          %dma_start3A_61 = tpu.memref_slice %arg6[%multiple_of3A_57, %dma_start3A_60] : memref<50176x32xf32, #tpu.memory_space<vmem_shared>> -> memref<128x32xf32, #tpu.memory_space<vmem_shared>>
          tpu.enqueue_dma source(%arg7 : memref<128x32xf32, #tpu.memory_space<vmem>>) target(%dma_start3A_61 : memref<128x32xf32, #tpu.memory_space<vmem_shared>>) target_semaphore(%run_scoped3A : memref<!tpu.dma_semaphore, #tpu.memory_space<semaphore_mem>>)
          %dma_wait3A = arith.constant 0 : i32
          %dma_wait3A_62 = tpu.memref_slice %arg6[%multiple_of3A_57, %dma_wait3A] : memref<50176x32xf32, #tpu.memory_space<vmem_shared>> -> memref<128x32xf32, #tpu.memory_space<vmem_shared>>
          %dma_wait3A_63 = arith.constant 0 : i32
          %dma_wait3A_64 = tpu.memref_slice %arg6[%multiple_of3A_57, %dma_wait3A_63] : memref<50176x32xf32, #tpu.memory_space<vmem_shared>> -> memref<128x32xf32, #tpu.memory_space<vmem_shared>>
          tpu.wait_dma2 semaphore(%run_scoped3A : memref<!tpu.dma_semaphore, #tpu.memory_space<semaphore_mem>>) src(%arg7 : memref<128x32xf32, #tpu.memory_space<vmem>>) dst(%dma_wait3A_64 : memref<128x32xf32, #tpu.memory_space<vmem_shared>>)
          tpu.yield
        }) : () -> ()
        %scan3A_58 = arith.constant 0 : i32
        scf.yield %scan3A_58 : i32
      }
      %scan3A_14 = arith.constant 24 : i32
      %mul3A = arith.constant 3136 : i32
      %mul3A_15 = arith.muli %arg1, %mul3A : i32
      %add3A = arith.constant 3072 : i32
      %add3A_16 = arith.addi %mul3A_15, %add3A : i32
      "tpu.region"() ({
        %run_scoped3A = tpu.sem_alloc : memref<!tpu.dma_semaphore, #tpu.memory_space<semaphore_mem>>
        %dma_start3A = arith.constant 0 : i32
        %dma_start3A_50 = arith.constant 0 : i32
        %dma_start3A_51 = tpu.memref_slice %arg7[%dma_start3A, %dma_start3A_50] : memref<128x32xf32, #tpu.memory_space<vmem>> -> memref<64x32xf32, #tpu.memory_space<vmem>>
        %dma_start3A_52 = arith.constant 0 : i32
        %dma_start3A_53 = tpu.memref_slice %arg6[%add3A_16, %dma_start3A_52] : memref<50176x32xf32, #tpu.memory_space<vmem_shared>> -> memref<64x32xf32, #tpu.memory_space<vmem_shared>>
        %dma_start3A_54 = arith.constant 0 : i32
        %dma_start3A_55 = tpu.memref_slice %arg6[%add3A_16, %dma_start3A_54] : memref<50176x32xf32, #tpu.memory_space<vmem_shared>> -> memref<64x32xf32, #tpu.memory_space<vmem_shared>>
        %dma_start3A_56 = arith.constant 0 : i32
        %dma_start3A_57 = arith.constant 0 : i32
        %dma_start3A_58 = tpu.memref_slice %arg7[%dma_start3A_56, %dma_start3A_57] : memref<128x32xf32, #tpu.memory_space<vmem>> -> memref<64x32xf32, #tpu.memory_space<vmem>>
        tpu.enqueue_dma source(%dma_start3A_58 : memref<64x32xf32, #tpu.memory_space<vmem>>) target(%dma_start3A_55 : memref<64x32xf32, #tpu.memory_space<vmem_shared>>) target_semaphore(%run_scoped3A : memref<!tpu.dma_semaphore, #tpu.memory_space<semaphore_mem>>)
        %dma_wait3A = arith.constant 0 : i32
        %dma_wait3A_59 = arith.constant 0 : i32
        %dma_wait3A_60 = tpu.memref_slice %arg7[%dma_wait3A, %dma_wait3A_59] : memref<128x32xf32, #tpu.memory_space<vmem>> -> memref<64x32xf32, #tpu.memory_space<vmem>>
        %dma_wait3A_61 = arith.constant 0 : i32
        %dma_wait3A_62 = tpu.memref_slice %arg6[%add3A_16, %dma_wait3A_61] : memref<50176x32xf32, #tpu.memory_space<vmem_shared>> -> memref<64x32xf32, #tpu.memory_space<vmem_shared>>
        %dma_wait3A_63 = arith.constant 0 : i32
        %dma_wait3A_64 = tpu.memref_slice %arg6[%add3A_16, %dma_wait3A_63] : memref<50176x32xf32, #tpu.memory_space<vmem_shared>> -> memref<64x32xf32, #tpu.memory_space<vmem_shared>>
        %dma_wait3A_65 = arith.constant 0 : i32
        %dma_wait3A_66 = arith.constant 0 : i32
        %dma_wait3A_67 = tpu.memref_slice %arg7[%dma_wait3A_65, %dma_wait3A_66] : memref<128x32xf32, #tpu.memory_space<vmem>> -> memref<64x32xf32, #tpu.memory_space<vmem>>
        tpu.wait_dma2 semaphore(%run_scoped3A : memref<!tpu.dma_semaphore, #tpu.memory_space<semaphore_mem>>) src(%dma_wait3A_67 : memref<64x32xf32, #tpu.memory_space<vmem>>) dst(%dma_wait3A_64 : memref<64x32xf32, #tpu.memory_space<vmem_shared>>)
        tpu.yield
      }) : () -> ()
      %barrier3A = arith.constant 0 : index
      tpu.barrier barrier_id(%barrier3A)
      %scan3A_17 = arith.constant 0 : i32
      %scan3A_18 = arith.constant 0 : i32
      %scan3A_19 = arith.constant 25 : i32
      %scan3A_20 = arith.addi %scan3A_18, %scan3A_19 : i32
      %scan3A_21 = arith.constant 1 : i32
      %scan3A_22 = scf.for %scan3A_50 = %scan3A_18 to %scan3A_20 step %scan3A_21 iter_args(%scan3A_51 = %scan3A_17) -> (i32)  : i32 {
        %mul3A_52 = arith.constant 3200 : i32
        %mul3A_53 = arith.muli %arg1, %mul3A_52 : i32
        %mul3A_54 = arith.constant 128 : i32
        %mul3A_55 = arith.muli %scan3A_50, %mul3A_54 : i32
        %add3A_56 = arith.addi %mul3A_53, %mul3A_55 : i32
        "tpu.region"() ({
          %run_scoped3A = tpu.sem_alloc : memref<!tpu.dma_semaphore, #tpu.memory_space<semaphore_mem>>
          %dma_start3A = arith.constant 0 : i32
          %dma_start3A_58 = tpu.memref_slice %arg8[%scan3A_50, %dma_start3A] : memref<25x128xi32, #tpu.memory_space<vmem>> -> memref<1x128xi32, #tpu.memory_space<vmem>>
          %dma_start3A_59 = tpu.memref_squeeze %dma_start3A_58 : memref<1x128xi32, #tpu.memory_space<vmem>> -> memref<128xi32, #tpu.memory_space<vmem>>
          %dma_start3A_60 = tpu.memref_slice %arg3[%add3A_56] : memref<51200xi32, #tpu.memory_space<hbm>> -> memref<128xi32, #tpu.memory_space<hbm>>
          %dma_start3A_61 = arith.constant 0 : i32
          %dma_start3A_62 = tpu.memref_slice %arg8[%scan3A_50, %dma_start3A_61] : memref<25x128xi32, #tpu.memory_space<vmem>> -> memref<1x128xi32, #tpu.memory_space<vmem>>
          %dma_start3A_63 = tpu.memref_squeeze %dma_start3A_62 : memref<1x128xi32, #tpu.memory_space<vmem>> -> memref<128xi32, #tpu.memory_space<vmem>>
          %dma_start3A_64 = tpu.memref_slice %arg3[%add3A_56] : memref<51200xi32, #tpu.memory_space<hbm>> -> memref<128xi32, #tpu.memory_space<hbm>>
          tpu.enqueue_dma source(%dma_start3A_64 : memref<128xi32, #tpu.memory_space<hbm>>) target(%dma_start3A_63 : memref<128xi32, #tpu.memory_space<vmem>>) target_semaphore(%run_scoped3A : memref<!tpu.dma_semaphore, #tpu.memory_space<semaphore_mem>>)
          %dma_wait3A = arith.constant 0 : i32
          %dma_wait3A_65 = tpu.memref_slice %arg8[%scan3A_50, %dma_wait3A] : memref<25x128xi32, #tpu.memory_space<vmem>> -> memref<1x128xi32, #tpu.memory_space<vmem>>
          %dma_wait3A_66 = tpu.memref_squeeze %dma_wait3A_65 : memref<1x128xi32, #tpu.memory_space<vmem>> -> memref<128xi32, #tpu.memory_space<vmem>>
          %dma_wait3A_67 = tpu.memref_slice %arg3[%add3A_56] : memref<51200xi32, #tpu.memory_space<hbm>> -> memref<128xi32, #tpu.memory_space<hbm>>
          %dma_wait3A_68 = arith.constant 0 : i32
          %dma_wait3A_69 = tpu.memref_slice %arg8[%scan3A_50, %dma_wait3A_68] : memref<25x128xi32, #tpu.memory_space<vmem>> -> memref<1x128xi32, #tpu.memory_space<vmem>>
          %dma_wait3A_70 = tpu.memref_squeeze %dma_wait3A_69 : memref<1x128xi32, #tpu.memory_space<vmem>> -> memref<128xi32, #tpu.memory_space<vmem>>
          %dma_wait3A_71 = tpu.memref_slice %arg3[%add3A_56] : memref<51200xi32, #tpu.memory_space<hbm>> -> memref<128xi32, #tpu.memory_space<hbm>>
          tpu.wait_dma2 semaphore(%run_scoped3A : memref<!tpu.dma_semaphore, #tpu.memory_space<semaphore_mem>>) src(%dma_wait3A_71 : memref<128xi32, #tpu.memory_space<hbm>>) dst(%dma_wait3A_70 : memref<128xi32, #tpu.memory_space<vmem>>)
          tpu.yield
        }) : () -> ()
        %scan3A_57 = arith.constant 0 : i32
        scf.yield %scan3A_57 : i32
      }
      %scan3A_23 = arith.constant 25 : i32
      %scan3A_24 = arith.constant 0 : i32
      %scan3A_25 = arith.constant 0 : i32
      %scan3A_26 = arith.constant 25 : i32
      %scan3A_27 = arith.addi %scan3A_25, %scan3A_26 : i32
      %scan3A_28 = arith.constant 1 : i32
      %scan3A_29 = scf.for %scan3A_50 = %scan3A_25 to %scan3A_27 step %scan3A_28 iter_args(%scan3A_51 = %scan3A_24) -> (i32)  : i32 {
        %mul3A_52 = arith.constant 3200 : i32
        %mul3A_53 = arith.muli %arg1, %mul3A_52 : i32
        %mul3A_54 = arith.constant 128 : i32
        %mul3A_55 = arith.muli %scan3A_50, %mul3A_54 : i32
        %add3A_56 = arith.addi %mul3A_53, %mul3A_55 : i32
        %multiple_of3A_57 = tpu.assume_multiple %add3A_56, 8 : i32
        "tpu.region"() ({
          %run_scoped3A = tpu.sem_alloc : memref<!tpu.dma_semaphore, #tpu.memory_space<semaphore_mem>>
          %dma_start3A = arith.constant 0 : i32
          %dma_start3A_59 = tpu.memref_slice %arg2[%multiple_of3A_57, %dma_start3A] : memref<51200x32xf32, #tpu.memory_space<hbm>> -> memref<128x32xf32, #tpu.memory_space<hbm>>
          %dma_start3A_60 = arith.constant 0 : i32
          %dma_start3A_61 = tpu.memref_slice %arg2[%multiple_of3A_57, %dma_start3A_60] : memref<51200x32xf32, #tpu.memory_space<hbm>> -> memref<128x32xf32, #tpu.memory_space<hbm>>
          tpu.enqueue_dma source(%dma_start3A_61 : memref<128x32xf32, #tpu.memory_space<hbm>>) target(%arg7 : memref<128x32xf32, #tpu.memory_space<vmem>>) target_semaphore(%run_scoped3A : memref<!tpu.dma_semaphore, #tpu.memory_space<semaphore_mem>>)
          %dma_wait3A = arith.constant 0 : i32
          %dma_wait3A_62 = tpu.memref_slice %arg2[%multiple_of3A_57, %dma_wait3A] : memref<51200x32xf32, #tpu.memory_space<hbm>> -> memref<128x32xf32, #tpu.memory_space<hbm>>
          %dma_wait3A_63 = arith.constant 0 : i32
          %dma_wait3A_64 = tpu.memref_slice %arg2[%multiple_of3A_57, %dma_wait3A_63] : memref<51200x32xf32, #tpu.memory_space<hbm>> -> memref<128x32xf32, #tpu.memory_space<hbm>>
          tpu.wait_dma2 semaphore(%run_scoped3A : memref<!tpu.dma_semaphore, #tpu.memory_space<semaphore_mem>>) src(%dma_wait3A_64 : memref<128x32xf32, #tpu.memory_space<hbm>>) dst(%arg7 : memref<128x32xf32, #tpu.memory_space<vmem>>)
          tpu.yield
        }) : () -> ()
        "tpu.region"() ({
          %run_scoped3A = tpu.sem_alloc : memref<!tpu.dma_semaphore, #tpu.memory_space<semaphore_mem>>
          %dma_start3A = arith.constant 0 : i32
          %dma_start3A_59 = tpu.memref_slice %arg8[%scan3A_50, %dma_start3A] : memref<25x128xi32, #tpu.memory_space<vmem>> -> memref<1x128xi32, #tpu.memory_space<vmem>>
          %dma_start3A_60 = tpu.memref_squeeze %dma_start3A_59 : memref<1x128xi32, #tpu.memory_space<vmem>> -> memref<128xi32, #tpu.memory_space<vmem>>
          %dma_start3A_61 = arith.constant 0 : i32
          %dma_start3A_62 = arith.constant 0 : i32
          %dma_start3A_63 = tpu.memref_slice %arg6[%dma_start3A_61, %dma_start3A_62] : memref<50176x32xf32, #tpu.memory_space<vmem_shared>> -> memref<50176x32xf32, #tpu.memory_space<vmem_shared>>
          tpu.enqueue_indirect_dma source(%arg7 : memref<128x32xf32, #tpu.memory_space<vmem>>) target(%dma_start3A_63 : memref<50176x32xf32, #tpu.memory_space<vmem_shared>>) offsets(%dma_start3A_60 : memref<128xi32, #tpu.memory_space<vmem>>) semaphore(%run_scoped3A : memref<!tpu.dma_semaphore, #tpu.memory_space<semaphore_mem>>) {add = true}
          %dma_wait3A = arith.constant 0 : i32
          %dma_wait3A_64 = tpu.memref_slice %arg8[%scan3A_50, %dma_wait3A] : memref<25x128xi32, #tpu.memory_space<vmem>> -> memref<1x128xi32, #tpu.memory_space<vmem>>
          %dma_wait3A_65 = tpu.memref_squeeze %dma_wait3A_64 : memref<1x128xi32, #tpu.memory_space<vmem>> -> memref<128xi32, #tpu.memory_space<vmem>>
          %dma_wait3A_66 = arith.constant 0 : i32
          %dma_wait3A_67 = arith.constant 0 : i32
          %dma_wait3A_68 = tpu.memref_slice %arg6[%dma_wait3A_66, %dma_wait3A_67] : memref<50176x32xf32, #tpu.memory_space<vmem_shared>> -> memref<50176x32xf32, #tpu.memory_space<vmem_shared>>
          tpu.wait_indirect_dma semaphore(%run_scoped3A : memref<!tpu.dma_semaphore, #tpu.memory_space<semaphore_mem>>) src(%arg7 : memref<128x32xf32, #tpu.memory_space<vmem>>) dst(%dma_wait3A_68 : memref<50176x32xf32, #tpu.memory_space<vmem_shared>>)
          tpu.yield
        }) : () -> ()
        %scan3A_58 = arith.constant 0 : i32
        scf.yield %scan3A_58 : i32
      }
      %scan3A_30 = arith.constant 25 : i32
      %barrier3A_31 = arith.constant 0 : index
      tpu.barrier barrier_id(%barrier3A_31)
      %mul3A_32 = arith.constant 3136 : i32
      %mul3A_33 = arith.muli %arg1, %mul3A_32 : i32
      %scan3A_34 = arith.constant 0 : i32
      %scan3A_35 = arith.constant 0 : i32
      %scan3A_36 = arith.constant 24 : i32
      %scan3A_37 = arith.addi %scan3A_35, %scan3A_36 : i32
      %scan3A_38 = arith.constant 1 : i32
      %scan3A_39 = scf.for %scan3A_50 = %scan3A_35 to %scan3A_37 step %scan3A_38 iter_args(%scan3A_51 = %scan3A_34) -> (i32)  : i32 {
        %mul3A_52 = arith.constant 128 : i32
        %mul3A_53 = arith.muli %scan3A_50, %mul3A_52 : i32
        %add3A_54 = arith.addi %mul3A_33, %mul3A_53 : i32
        %multiple_of3A_55 = tpu.assume_multiple %add3A_54, 8 : i32
        "tpu.region"() ({
          %run_scoped3A = tpu.sem_alloc : memref<!tpu.dma_semaphore, #tpu.memory_space<semaphore_mem>>
          %dma_start3A = arith.constant 0 : i32
          %dma_start3A_64 = tpu.memref_slice %arg6[%multiple_of3A_55, %dma_start3A] : memref<50176x32xf32, #tpu.memory_space<vmem_shared>> -> memref<128x32xf32, #tpu.memory_space<vmem_shared>>
          %dma_start3A_65 = arith.constant 0 : i32
          %dma_start3A_66 = tpu.memref_slice %arg6[%multiple_of3A_55, %dma_start3A_65] : memref<50176x32xf32, #tpu.memory_space<vmem_shared>> -> memref<128x32xf32, #tpu.memory_space<vmem_shared>>
          tpu.enqueue_dma source(%dma_start3A_66 : memref<128x32xf32, #tpu.memory_space<vmem_shared>>) target(%arg9 : memref<128x32xf32, #tpu.memory_space<vmem>>) target_semaphore(%run_scoped3A : memref<!tpu.dma_semaphore, #tpu.memory_space<semaphore_mem>>)
          %dma_wait3A = arith.constant 0 : i32
          %dma_wait3A_67 = tpu.memref_slice %arg6[%multiple_of3A_55, %dma_wait3A] : memref<50176x32xf32, #tpu.memory_space<vmem_shared>> -> memref<128x32xf32, #tpu.memory_space<vmem_shared>>
          %dma_wait3A_68 = arith.constant 0 : i32
          %dma_wait3A_69 = tpu.memref_slice %arg6[%multiple_of3A_55, %dma_wait3A_68] : memref<50176x32xf32, #tpu.memory_space<vmem_shared>> -> memref<128x32xf32, #tpu.memory_space<vmem_shared>>
          tpu.wait_dma2 semaphore(%run_scoped3A : memref<!tpu.dma_semaphore, #tpu.memory_space<semaphore_mem>>) src(%dma_wait3A_69 : memref<128x32xf32, #tpu.memory_space<vmem_shared>>) dst(%arg9 : memref<128x32xf32, #tpu.memory_space<vmem>>)
          tpu.yield
        }) : () -> ()
        "tpu.region"() ({
          %run_scoped3A = tpu.sem_alloc : memref<!tpu.dma_semaphore, #tpu.memory_space<semaphore_mem>>
          %dma_start3A = arith.constant 0 : i32
          %dma_start3A_64 = tpu.memref_slice %arg4[%multiple_of3A_55, %dma_start3A] : memref<50176x32xf32, #tpu.memory_space<hbm>> -> memref<128x32xf32, #tpu.memory_space<hbm>>
          %dma_start3A_65 = arith.constant 0 : i32
          %dma_start3A_66 = tpu.memref_slice %arg4[%multiple_of3A_55, %dma_start3A_65] : memref<50176x32xf32, #tpu.memory_space<hbm>> -> memref<128x32xf32, #tpu.memory_space<hbm>>
          tpu.enqueue_dma source(%dma_start3A_66 : memref<128x32xf32, #tpu.memory_space<hbm>>) target(%arg10 : memref<128x32xf32, #tpu.memory_space<vmem>>) target_semaphore(%run_scoped3A : memref<!tpu.dma_semaphore, #tpu.memory_space<semaphore_mem>>)
          %dma_wait3A = arith.constant 0 : i32
          %dma_wait3A_67 = tpu.memref_slice %arg4[%multiple_of3A_55, %dma_wait3A] : memref<50176x32xf32, #tpu.memory_space<hbm>> -> memref<128x32xf32, #tpu.memory_space<hbm>>
          %dma_wait3A_68 = arith.constant 0 : i32
          %dma_wait3A_69 = tpu.memref_slice %arg4[%multiple_of3A_55, %dma_wait3A_68] : memref<50176x32xf32, #tpu.memory_space<hbm>> -> memref<128x32xf32, #tpu.memory_space<hbm>>
          tpu.wait_dma2 semaphore(%run_scoped3A : memref<!tpu.dma_semaphore, #tpu.memory_space<semaphore_mem>>) src(%dma_wait3A_69 : memref<128x32xf32, #tpu.memory_space<hbm>>) dst(%arg10 : memref<128x32xf32, #tpu.memory_space<vmem>>)
          tpu.yield
        }) : () -> ()
        %scan3A_56 = arith.constant 0 : i32
        %scan3A_57 = arith.constant 0 : i32
        %scan3A_58 = arith.constant 128 : i32
        %scan3A_59 = arith.addi %scan3A_57, %scan3A_58 : i32
        %scan3A_60 = arith.constant 1 : i32
        %scan3A_61 = scf.for %scan3A_64 = %scan3A_57 to %scan3A_59 step %scan3A_60 iter_args(%scan3A_65 = %scan3A_56) -> (i32)  : i32 {
          %get3A = arith.index_cast %scan3A_64 : i32 to index
          %get3A_66 = arith.constant 0 : index
          %get3A_67 = tpu.vector_load %arg9[%get3A, %get3A_66] {strides = array<i32>} : memref<128x32xf32, #tpu.memory_space<vmem>>, vector<1x16xf32>,
          %get3A_68 = vector.shape_cast %get3A_67 : vector<1x16xf32> to vector<16xf32>
          %get3A_69 = arith.index_cast %scan3A_64 : i32 to index
          %get3A_70 = arith.constant 0 : index
          %get3A_71 = tpu.vector_load %arg10[%get3A_69, %get3A_70] {strides = array<i32>} : memref<128x32xf32, #tpu.memory_space<vmem>>, vector<1x16xf32>,
          %get3A_72 = vector.shape_cast %get3A_71 : vector<1x16xf32> to vector<16xf32>
          %mul3A_73 = arith.mulf %get3A_68, %get3A_72 : vector<16xf32>
          %swap3A = arith.index_cast %scan3A_64 : i32 to index
          %swap3A_74 = arith.constant 0 : index
          %swap3A_75 = tpu.vector_load %arg9[%swap3A, %swap3A_74] {strides = array<i32>} : memref<128x32xf32, #tpu.memory_space<vmem>>, vector<1x16xf32>,
          %swap3A_76 = vector.shape_cast %swap3A_75 : vector<1x16xf32> to vector<16xf32>
          %swap3A_77 = vector.shape_cast %mul3A_73 : vector<16xf32> to vector<1x16xf32>
          tpu.vector_store %arg9[%swap3A, %swap3A_74], %swap3A_77 {strides = array<i32>} : memref<128x32xf32, #tpu.memory_space<vmem>>, vector<1x16xf32>,
          %get3A_78 = arith.index_cast %scan3A_64 : i32 to index
          %get3A_79 = arith.constant 16 : index
          %get3A_80 = tpu.vector_load %arg9[%get3A_78, %get3A_79] {strides = array<i32>} : memref<128x32xf32, #tpu.memory_space<vmem>>, vector<1x16xf32>,
          %get3A_81 = vector.shape_cast %get3A_80 : vector<1x16xf32> to vector<16xf32>
          %get3A_82 = arith.index_cast %scan3A_64 : i32 to index
          %get3A_83 = arith.constant 16 : index
          %get3A_84 = tpu.vector_load %arg10[%get3A_82, %get3A_83] {strides = array<i32>} : memref<128x32xf32, #tpu.memory_space<vmem>>, vector<1x16xf32>,
          %get3A_85 = vector.shape_cast %get3A_84 : vector<1x16xf32> to vector<16xf32>
          %mul3A_86 = arith.mulf %get3A_81, %get3A_85 : vector<16xf32>
          %swap3A_87 = arith.index_cast %scan3A_64 : i32 to index
          %swap3A_88 = arith.constant 16 : index
          %swap3A_89 = tpu.vector_load %arg9[%swap3A_87, %swap3A_88] {strides = array<i32>} : memref<128x32xf32, #tpu.memory_space<vmem>>, vector<1x16xf32>,
          %swap3A_90 = vector.shape_cast %swap3A_89 : vector<1x16xf32> to vector<16xf32>
          %swap3A_91 = vector.shape_cast %mul3A_86 : vector<16xf32> to vector<1x16xf32>
          tpu.vector_store %arg9[%swap3A_87, %swap3A_88], %swap3A_91 {strides = array<i32>} : memref<128x32xf32, #tpu.memory_space<vmem>>, vector<1x16xf32>,
          %scan3A_92 = arith.constant 0 : i32
          scf.yield %scan3A_92 : i32
        }
        %scan3A_62 = arith.constant 128 : i32
        "tpu.region"() ({
          %run_scoped3A = tpu.sem_alloc : memref<!tpu.dma_semaphore, #tpu.memory_space<semaphore_mem>>
          %dma_start3A = arith.constant 0 : i32
          %dma_start3A_64 = tpu.memref_slice %arg5[%multiple_of3A_55, %dma_start3A] : memref<50176x32xf32, #tpu.memory_space<hbm>> -> memref<128x32xf32, #tpu.memory_space<hbm>>
          %dma_start3A_65 = arith.constant 0 : i32
          %dma_start3A_66 = tpu.memref_slice %arg5[%multiple_of3A_55, %dma_start3A_65] : memref<50176x32xf32, #tpu.memory_space<hbm>> -> memref<128x32xf32, #tpu.memory_space<hbm>>
          tpu.enqueue_dma source(%arg9 : memref<128x32xf32, #tpu.memory_space<vmem>>) target(%dma_start3A_66 : memref<128x32xf32, #tpu.memory_space<hbm>>) target_semaphore(%run_scoped3A : memref<!tpu.dma_semaphore, #tpu.memory_space<semaphore_mem>>)
          %dma_wait3A = arith.constant 0 : i32
          %dma_wait3A_67 = tpu.memref_slice %arg5[%multiple_of3A_55, %dma_wait3A] : memref<50176x32xf32, #tpu.memory_space<hbm>> -> memref<128x32xf32, #tpu.memory_space<hbm>>
          %dma_wait3A_68 = arith.constant 0 : i32
          %dma_wait3A_69 = tpu.memref_slice %arg5[%multiple_of3A_55, %dma_wait3A_68] : memref<50176x32xf32, #tpu.memory_space<hbm>> -> memref<128x32xf32, #tpu.memory_space<hbm>>
          tpu.wait_dma2 semaphore(%run_scoped3A : memref<!tpu.dma_semaphore, #tpu.memory_space<semaphore_mem>>) src(%arg9 : memref<128x32xf32, #tpu.memory_space<vmem>>) dst(%dma_wait3A_69 : memref<128x32xf32, #tpu.memory_space<hbm>>)
          tpu.yield
        }) : () -> ()
        %scan3A_63 = arith.constant 0 : i32
        scf.yield %scan3A_63 : i32
      }
      %scan3A_40 = arith.constant 24 : i32
      %add3A_41 = arith.constant 3072 : i32
      %add3A_42 = arith.addi %mul3A_33, %add3A_41 : i32
      %multiple_of3A = tpu.assume_multiple %add3A_42, 8 : i32
      "tpu.region"() ({
        %run_scoped3A = tpu.sem_alloc : memref<!tpu.dma_semaphore, #tpu.memory_space<semaphore_mem>>
        %dma_start3A = arith.constant 0 : i32
        %dma_start3A_50 = arith.constant 0 : i32
        %dma_start3A_51 = tpu.memref_slice %arg9[%dma_start3A, %dma_start3A_50] : memref<128x32xf32, #tpu.memory_space<vmem>> -> memref<64x32xf32, #tpu.memory_space<vmem>>
        %dma_start3A_52 = arith.constant 0 : i32
        %dma_start3A_53 = tpu.memref_slice %arg6[%multiple_of3A, %dma_start3A_52] : memref<50176x32xf32, #tpu.memory_space<vmem_shared>> -> memref<64x32xf32, #tpu.memory_space<vmem_shared>>
        %dma_start3A_54 = arith.constant 0 : i32
        %dma_start3A_55 = arith.constant 0 : i32
        %dma_start3A_56 = tpu.memref_slice %arg9[%dma_start3A_54, %dma_start3A_55] : memref<128x32xf32, #tpu.memory_space<vmem>> -> memref<64x32xf32, #tpu.memory_space<vmem>>
        %dma_start3A_57 = arith.constant 0 : i32
        %dma_start3A_58 = tpu.memref_slice %arg6[%multiple_of3A, %dma_start3A_57] : memref<50176x32xf32, #tpu.memory_space<vmem_shared>> -> memref<64x32xf32, #tpu.memory_space<vmem_shared>>
        tpu.enqueue_dma source(%dma_start3A_58 : memref<64x32xf32, #tpu.memory_space<vmem_shared>>) target(%dma_start3A_56 : memref<64x32xf32, #tpu.memory_space<vmem>>) target_semaphore(%run_scoped3A : memref<!tpu.dma_semaphore, #tpu.memory_space<semaphore_mem>>)
        %dma_wait3A = arith.constant 0 : i32
        %dma_wait3A_59 = arith.constant 0 : i32
        %dma_wait3A_60 = tpu.memref_slice %arg9[%dma_wait3A, %dma_wait3A_59] : memref<128x32xf32, #tpu.memory_space<vmem>> -> memref<64x32xf32, #tpu.memory_space<vmem>>
        %dma_wait3A_61 = arith.constant 0 : i32
        %dma_wait3A_62 = tpu.memref_slice %arg6[%multiple_of3A, %dma_wait3A_61] : memref<50176x32xf32, #tpu.memory_space<vmem_shared>> -> memref<64x32xf32, #tpu.memory_space<vmem_shared>>
        %dma_wait3A_63 = arith.constant 0 : i32
        %dma_wait3A_64 = arith.constant 0 : i32
        %dma_wait3A_65 = tpu.memref_slice %arg9[%dma_wait3A_63, %dma_wait3A_64] : memref<128x32xf32, #tpu.memory_space<vmem>> -> memref<64x32xf32, #tpu.memory_space<vmem>>
        %dma_wait3A_66 = arith.constant 0 : i32
        %dma_wait3A_67 = tpu.memref_slice %arg6[%multiple_of3A, %dma_wait3A_66] : memref<50176x32xf32, #tpu.memory_space<vmem_shared>> -> memref<64x32xf32, #tpu.memory_space<vmem_shared>>
        tpu.wait_dma2 semaphore(%run_scoped3A : memref<!tpu.dma_semaphore, #tpu.memory_space<semaphore_mem>>) src(%dma_wait3A_67 : memref<64x32xf32, #tpu.memory_space<vmem_shared>>) dst(%dma_wait3A_65 : memref<64x32xf32, #tpu.memory_space<vmem>>)
        tpu.yield
      }) : () -> ()
      "tpu.region"() ({
        %run_scoped3A = tpu.sem_alloc : memref<!tpu.dma_semaphore, #tpu.memory_space<semaphore_mem>>
        %dma_start3A = arith.constant 0 : i32
        %dma_start3A_50 = arith.constant 0 : i32
        %dma_start3A_51 = tpu.memref_slice %arg10[%dma_start3A, %dma_start3A_50] : memref<128x32xf32, #tpu.memory_space<vmem>> -> memref<64x32xf32, #tpu.memory_space<vmem>>
        %dma_start3A_52 = arith.constant 0 : i32
        %dma_start3A_53 = tpu.memref_slice %arg4[%multiple_of3A, %dma_start3A_52] : memref<50176x32xf32, #tpu.memory_space<hbm>> -> memref<64x32xf32, #tpu.memory_space<hbm>>
        %dma_start3A_54 = arith.constant 0 : i32
        %dma_start3A_55 = arith.constant 0 : i32
        %dma_start3A_56 = tpu.memref_slice %arg10[%dma_start3A_54, %dma_start3A_55] : memref<128x32xf32, #tpu.memory_space<vmem>> -> memref<64x32xf32, #tpu.memory_space<vmem>>
        %dma_start3A_57 = arith.constant 0 : i32
        %dma_start3A_58 = tpu.memref_slice %arg4[%multiple_of3A, %dma_start3A_57] : memref<50176x32xf32, #tpu.memory_space<hbm>> -> memref<64x32xf32, #tpu.memory_space<hbm>>
        tpu.enqueue_dma source(%dma_start3A_58 : memref<64x32xf32, #tpu.memory_space<hbm>>) target(%dma_start3A_56 : memref<64x32xf32, #tpu.memory_space<vmem>>) target_semaphore(%run_scoped3A : memref<!tpu.dma_semaphore, #tpu.memory_space<semaphore_mem>>)
        %dma_wait3A = arith.constant 0 : i32
        %dma_wait3A_59 = arith.constant 0 : i32
        %dma_wait3A_60 = tpu.memref_slice %arg10[%dma_wait3A, %dma_wait3A_59] : memref<128x32xf32, #tpu.memory_space<vmem>> -> memref<64x32xf32, #tpu.memory_space<vmem>>
        %dma_wait3A_61 = arith.constant 0 : i32
        %dma_wait3A_62 = tpu.memref_slice %arg4[%multiple_of3A, %dma_wait3A_61] : memref<50176x32xf32, #tpu.memory_space<hbm>> -> memref<64x32xf32, #tpu.memory_space<hbm>>
        %dma_wait3A_63 = arith.constant 0 : i32
        %dma_wait3A_64 = arith.constant 0 : i32
        %dma_wait3A_65 = tpu.memref_slice %arg10[%dma_wait3A_63, %dma_wait3A_64] : memref<128x32xf32, #tpu.memory_space<vmem>> -> memref<64x32xf32, #tpu.memory_space<vmem>>
        %dma_wait3A_66 = arith.constant 0 : i32
        %dma_wait3A_67 = tpu.memref_slice %arg4[%multiple_of3A, %dma_wait3A_66] : memref<50176x32xf32, #tpu.memory_space<hbm>> -> memref<64x32xf32, #tpu.memory_space<hbm>>
        tpu.wait_dma2 semaphore(%run_scoped3A : memref<!tpu.dma_semaphore, #tpu.memory_space<semaphore_mem>>) src(%dma_wait3A_67 : memref<64x32xf32, #tpu.memory_space<hbm>>) dst(%dma_wait3A_65 : memref<64x32xf32, #tpu.memory_space<vmem>>)
        tpu.yield
      }) : () -> ()
      %scan3A_43 = arith.constant 0 : i32
      %scan3A_44 = arith.constant 0 : i32
      %scan3A_45 = arith.constant 64 : i32
      %scan3A_46 = arith.addi %scan3A_44, %scan3A_45 : i32
      %scan3A_47 = arith.constant 1 : i32
      %scan3A_48 = scf.for %scan3A_50 = %scan3A_44 to %scan3A_46 step %scan3A_47 iter_args(%scan3A_51 = %scan3A_43) -> (i32)  : i32 {
        %get3A = arith.index_cast %scan3A_50 : i32 to index
        %get3A_52 = arith.constant 0 : index
        %get3A_53 = tpu.vector_load %arg9[%get3A, %get3A_52] {strides = array<i32>} : memref<128x32xf32, #tpu.memory_space<vmem>>, vector<1x16xf32>,
        %get3A_54 = vector.shape_cast %get3A_53 : vector<1x16xf32> to vector<16xf32>
        %get3A_55 = arith.index_cast %scan3A_50 : i32 to index
        %get3A_56 = arith.constant 0 : index
        %get3A_57 = tpu.vector_load %arg10[%get3A_55, %get3A_56] {strides = array<i32>} : memref<128x32xf32, #tpu.memory_space<vmem>>, vector<1x16xf32>,
        %get3A_58 = vector.shape_cast %get3A_57 : vector<1x16xf32> to vector<16xf32>
        %mul3A_59 = arith.mulf %get3A_54, %get3A_58 : vector<16xf32>
        %swap3A = arith.index_cast %scan3A_50 : i32 to index
        %swap3A_60 = arith.constant 0 : index
        %swap3A_61 = tpu.vector_load %arg9[%swap3A, %swap3A_60] {strides = array<i32>} : memref<128x32xf32, #tpu.memory_space<vmem>>, vector<1x16xf32>,
        %swap3A_62 = vector.shape_cast %swap3A_61 : vector<1x16xf32> to vector<16xf32>
        %swap3A_63 = vector.shape_cast %mul3A_59 : vector<16xf32> to vector<1x16xf32>
        tpu.vector_store %arg9[%swap3A, %swap3A_60], %swap3A_63 {strides = array<i32>} : memref<128x32xf32, #tpu.memory_space<vmem>>, vector<1x16xf32>,
        %get3A_64 = arith.index_cast %scan3A_50 : i32 to index
        %get3A_65 = arith.constant 16 : index
        %get3A_66 = tpu.vector_load %arg9[%get3A_64, %get3A_65] {strides = array<i32>} : memref<128x32xf32, #tpu.memory_space<vmem>>, vector<1x16xf32>,
        %get3A_67 = vector.shape_cast %get3A_66 : vector<1x16xf32> to vector<16xf32>
        %get3A_68 = arith.index_cast %scan3A_50 : i32 to index
        %get3A_69 = arith.constant 16 : index
        %get3A_70 = tpu.vector_load %arg10[%get3A_68, %get3A_69] {strides = array<i32>} : memref<128x32xf32, #tpu.memory_space<vmem>>, vector<1x16xf32>,
        %get3A_71 = vector.shape_cast %get3A_70 : vector<1x16xf32> to vector<16xf32>
        %mul3A_72 = arith.mulf %get3A_67, %get3A_71 : vector<16xf32>
        %swap3A_73 = arith.index_cast %scan3A_50 : i32 to index
        %swap3A_74 = arith.constant 16 : index
        %swap3A_75 = tpu.vector_load %arg9[%swap3A_73, %swap3A_74] {strides = array<i32>} : memref<128x32xf32, #tpu.memory_space<vmem>>, vector<1x16xf32>,
        %swap3A_76 = vector.shape_cast %swap3A_75 : vector<1x16xf32> to vector<16xf32>
        %swap3A_77 = vector.shape_cast %mul3A_72 : vector<16xf32> to vector<1x16xf32>
        tpu.vector_store %arg9[%swap3A_73, %swap3A_74], %swap3A_77 {strides = array<i32>} : memref<128x32xf32, #tpu.memory_space<vmem>>, vector<1x16xf32>,
        %scan3A_78 = arith.constant 0 : i32
        scf.yield %scan3A_78 : i32
      }
      %scan3A_49 = arith.constant 64 : i32
      "tpu.region"() ({
        %run_scoped3A = tpu.sem_alloc : memref<!tpu.dma_semaphore, #tpu.memory_space<semaphore_mem>>
        %dma_start3A = arith.constant 0 : i32
        %dma_start3A_50 = arith.constant 0 : i32
        %dma_start3A_51 = tpu.memref_slice %arg9[%dma_start3A, %dma_start3A_50] : memref<128x32xf32, #tpu.memory_space<vmem>> -> memref<64x32xf32, #tpu.memory_space<vmem>>
        %dma_start3A_52 = arith.constant 0 : i32
        %dma_start3A_53 = tpu.memref_slice %arg5[%multiple_of3A, %dma_start3A_52] : memref<50176x32xf32, #tpu.memory_space<hbm>> -> memref<64x32xf32, #tpu.memory_space<hbm>>
        %dma_start3A_54 = arith.constant 0 : i32
        %dma_start3A_55 = tpu.memref_slice %arg5[%multiple_of3A, %dma_start3A_54] : memref<50176x32xf32, #tpu.memory_space<hbm>> -> memref<64x32xf32, #tpu.memory_space<hbm>>
        %dma_start3A_56 = arith.constant 0 : i32
        %dma_start3A_57 = arith.constant 0 : i32
        %dma_start3A_58 = tpu.memref_slice %arg9[%dma_start3A_56, %dma_start3A_57] : memref<128x32xf32, #tpu.memory_space<vmem>> -> memref<64x32xf32, #tpu.memory_space<vmem>>
        tpu.enqueue_dma source(%dma_start3A_58 : memref<64x32xf32, #tpu.memory_space<vmem>>) target(%dma_start3A_55 : memref<64x32xf32, #tpu.memory_space<hbm>>) target_semaphore(%run_scoped3A : memref<!tpu.dma_semaphore, #tpu.memory_space<semaphore_mem>>)
        %dma_wait3A = arith.constant 0 : i32
        %dma_wait3A_59 = arith.constant 0 : i32
        %dma_wait3A_60 = tpu.memref_slice %arg9[%dma_wait3A, %dma_wait3A_59] : memref<128x32xf32, #tpu.memory_space<vmem>> -> memref<64x32xf32, #tpu.memory_space<vmem>>
        %dma_wait3A_61 = arith.constant 0 : i32
        %dma_wait3A_62 = tpu.memref_slice %arg5[%multiple_of3A, %dma_wait3A_61] : memref<50176x32xf32, #tpu.memory_space<hbm>> -> memref<64x32xf32, #tpu.memory_space<hbm>>
        %dma_wait3A_63 = arith.constant 0 : i32
        %dma_wait3A_64 = tpu.memref_slice %arg5[%multiple_of3A, %dma_wait3A_63] : memref<50176x32xf32, #tpu.memory_space<hbm>> -> memref<64x32xf32, #tpu.memory_space<hbm>>
        %dma_wait3A_65 = arith.constant 0 : i32
        %dma_wait3A_66 = arith.constant 0 : i32
        %dma_wait3A_67 = tpu.memref_slice %arg9[%dma_wait3A_65, %dma_wait3A_66] : memref<128x32xf32, #tpu.memory_space<vmem>> -> memref<64x32xf32, #tpu.memory_space<vmem>>
        tpu.wait_dma2 semaphore(%run_scoped3A : memref<!tpu.dma_semaphore, #tpu.memory_space<semaphore_mem>>) src(%dma_wait3A_67 : memref<64x32xf32, #tpu.memory_space<vmem>>) dst(%dma_wait3A_64 : memref<64x32xf32, #tpu.memory_space<hbm>>)
        tpu.yield
      }) : () -> ()
    } else {
    }
    return
  }
}

#map = affine_map<(d0, d1) -> (0, 0)>
#map1 = affine_map<(d0, d1) -> (0)>
module attributes {stable_mosaic.version = 14 : i64} {
  func.func @_sc_gather(%arg0: i32, %arg1: i32, %arg2: memref<50176x32xf32, #tpu.memory_space<hbm>>, %arg3: memref<800000xi32, #tpu.memory_space<hbm>>, %arg4: memref<800000x32xf32, #tpu.memory_space<hbm>>, %arg5: memref<1024xi32, #tpu.memory_space<vmem>>, %arg6: memref<1024x32xf32, #tpu.memory_space<vmem>>, %arg7: memref<424xi32, #tpu.memory_space<vmem>>, %arg8: memref<424x32xf32, #tpu.memory_space<vmem>>, %arg9: memref<!tpu.dma_semaphore, #tpu.memory_space<semaphore_mem>>) attributes {dimension_semantics = [#tpu.dimension_semantics<core_parallel>, #tpu.dimension_semantics<subcore_parallel>], iteration_bounds = array<i64: 2, 16>, scalar_prefetch = 0 : i64, scratch_operands = 5 : i64, tpu.core_type = #tpu.core_type<sc_vector_subcore>, window_params = [{transform_indices = #map}, {transform_indices = #map1}, {transform_indices = #map}]} {
    %mul3A = arith.constant 2 : i32
    %mul3A_0 = arith.muli %arg1, %mul3A : i32
    %add3A = arith.addi %mul3A_0, %arg0 : i32
    %mul3A_1 = arith.constant 25000 : i32
    %mul3A_2 = arith.muli %add3A, %mul3A_1 : i32
    %scan3A = arith.constant 0 : i32
    %scan3A_3 = arith.constant 0 : i32
    %scan3A_4 = arith.constant 24 : i32
    %scan3A_5 = arith.addi %scan3A_3, %scan3A_4 : i32
    %scan3A_6 = arith.constant 1 : i32
    %scan3A_7 = scf.for %scan3A_15 = %scan3A_3 to %scan3A_5 step %scan3A_6 iter_args(%scan3A_16 = %scan3A) -> (i32)  : i32 {
      %mul3A_17 = arith.constant 1024 : i32
      %mul3A_18 = arith.muli %scan3A_15, %mul3A_17 : i32
      %add3A_19 = arith.addi %mul3A_2, %mul3A_18 : i32
      %multiple_of3A_20 = tpu.assume_multiple %add3A_19, 8 : i32
      "tpu.region"() ({
        %run_scoped3A = tpu.sem_alloc : memref<!tpu.dma_semaphore, #tpu.memory_space<semaphore_mem>>
        %dma_start3A_28 = tpu.memref_slice %arg3[%multiple_of3A_20] : memref<800000xi32, #tpu.memory_space<hbm>> -> memref<1024xi32, #tpu.memory_space<hbm>>
        %dma_start3A_29 = tpu.memref_slice %arg3[%multiple_of3A_20] : memref<800000xi32, #tpu.memory_space<hbm>> -> memref<1024xi32, #tpu.memory_space<hbm>>
        tpu.enqueue_dma source(%dma_start3A_29 : memref<1024xi32, #tpu.memory_space<hbm>>) target(%arg5 : memref<1024xi32, #tpu.memory_space<vmem>>) target_semaphore(%run_scoped3A : memref<!tpu.dma_semaphore, #tpu.memory_space<semaphore_mem>>)
        %dma_wait3A_30 = tpu.memref_slice %arg3[%multiple_of3A_20] : memref<800000xi32, #tpu.memory_space<hbm>> -> memref<1024xi32, #tpu.memory_space<hbm>>
        %dma_wait3A_31 = tpu.memref_slice %arg3[%multiple_of3A_20] : memref<800000xi32, #tpu.memory_space<hbm>> -> memref<1024xi32, #tpu.memory_space<hbm>>
        tpu.wait_dma2 semaphore(%run_scoped3A : memref<!tpu.dma_semaphore, #tpu.memory_space<semaphore_mem>>) src(%dma_wait3A_31 : memref<1024xi32, #tpu.memory_space<hbm>>) dst(%arg5 : memref<1024xi32, #tpu.memory_space<vmem>>)
        tpu.yield
      }) : () -> ()
      %dma_start3A_21 = arith.constant 0 : i32
      %dma_start3A_22 = arith.constant 0 : i32
      %dma_start3A_23 = tpu.memref_slice %arg2[%dma_start3A_21, %dma_start3A_22] : memref<50176x32xf32, #tpu.memory_space<hbm>> -> memref<50176x32xf32, #tpu.memory_space<hbm>>
      tpu.enqueue_indirect_dma source(%dma_start3A_23 : memref<50176x32xf32, #tpu.memory_space<hbm>>) target(%arg6 : memref<1024x32xf32, #tpu.memory_space<vmem>>) offsets(%arg5 : memref<1024xi32, #tpu.memory_space<vmem>>) semaphore(%arg9 : memref<!tpu.dma_semaphore, #tpu.memory_space<semaphore_mem>>)
      %dma_wait3A_24 = arith.constant 0 : i32
      %dma_wait3A_25 = arith.constant 0 : i32
      %dma_wait3A_26 = tpu.memref_slice %arg2[%dma_wait3A_24, %dma_wait3A_25] : memref<50176x32xf32, #tpu.memory_space<hbm>> -> memref<50176x32xf32, #tpu.memory_space<hbm>>
      tpu.wait_indirect_dma semaphore(%arg9 : memref<!tpu.dma_semaphore, #tpu.memory_space<semaphore_mem>>) src(%dma_wait3A_26 : memref<50176x32xf32, #tpu.memory_space<hbm>>) dst(%arg6 : memref<1024x32xf32, #tpu.memory_space<vmem>>)
      "tpu.region"() ({
        %run_scoped3A = tpu.sem_alloc : memref<!tpu.dma_semaphore, #tpu.memory_space<semaphore_mem>>
        %dma_start3A_28 = arith.constant 0 : i32
        %dma_start3A_29 = tpu.memref_slice %arg4[%multiple_of3A_20, %dma_start3A_28] : memref<800000x32xf32, #tpu.memory_space<hbm>> -> memref<1024x32xf32, #tpu.memory_space<hbm>>
        %dma_start3A_30 = arith.constant 0 : i32
        %dma_start3A_31 = tpu.memref_slice %arg4[%multiple_of3A_20, %dma_start3A_30] : memref<800000x32xf32, #tpu.memory_space<hbm>> -> memref<1024x32xf32, #tpu.memory_space<hbm>>
        tpu.enqueue_dma source(%arg6 : memref<1024x32xf32, #tpu.memory_space<vmem>>) target(%dma_start3A_31 : memref<1024x32xf32, #tpu.memory_space<hbm>>) target_semaphore(%run_scoped3A : memref<!tpu.dma_semaphore, #tpu.memory_space<semaphore_mem>>)
        %dma_wait3A_32 = arith.constant 0 : i32
        %dma_wait3A_33 = tpu.memref_slice %arg4[%multiple_of3A_20, %dma_wait3A_32] : memref<800000x32xf32, #tpu.memory_space<hbm>> -> memref<1024x32xf32, #tpu.memory_space<hbm>>
        %dma_wait3A_34 = arith.constant 0 : i32
        %dma_wait3A_35 = tpu.memref_slice %arg4[%multiple_of3A_20, %dma_wait3A_34] : memref<800000x32xf32, #tpu.memory_space<hbm>> -> memref<1024x32xf32, #tpu.memory_space<hbm>>
        tpu.wait_dma2 semaphore(%run_scoped3A : memref<!tpu.dma_semaphore, #tpu.memory_space<semaphore_mem>>) src(%arg6 : memref<1024x32xf32, #tpu.memory_space<vmem>>) dst(%dma_wait3A_35 : memref<1024x32xf32, #tpu.memory_space<hbm>>)
        tpu.yield
      }) : () -> ()
      %scan3A_27 = arith.constant 0 : i32
      scf.yield %scan3A_27 : i32
    }
    %scan3A_8 = arith.constant 24 : i32
    %add3A_9 = arith.constant 24576 : i32
    %add3A_10 = arith.addi %mul3A_2, %add3A_9 : i32
    %multiple_of3A = tpu.assume_multiple %add3A_10, 8 : i32
    "tpu.region"() ({
      %run_scoped3A = tpu.sem_alloc : memref<!tpu.dma_semaphore, #tpu.memory_space<semaphore_mem>>
      %dma_start3A_15 = tpu.memref_slice %arg3[%multiple_of3A] : memref<800000xi32, #tpu.memory_space<hbm>> -> memref<424xi32, #tpu.memory_space<hbm>>
      %dma_start3A_16 = tpu.memref_slice %arg3[%multiple_of3A] : memref<800000xi32, #tpu.memory_space<hbm>> -> memref<424xi32, #tpu.memory_space<hbm>>
      tpu.enqueue_dma source(%dma_start3A_16 : memref<424xi32, #tpu.memory_space<hbm>>) target(%arg7 : memref<424xi32, #tpu.memory_space<vmem>>) target_semaphore(%run_scoped3A : memref<!tpu.dma_semaphore, #tpu.memory_space<semaphore_mem>>)
      %dma_wait3A_17 = tpu.memref_slice %arg3[%multiple_of3A] : memref<800000xi32, #tpu.memory_space<hbm>> -> memref<424xi32, #tpu.memory_space<hbm>>
      %dma_wait3A_18 = tpu.memref_slice %arg3[%multiple_of3A] : memref<800000xi32, #tpu.memory_space<hbm>> -> memref<424xi32, #tpu.memory_space<hbm>>
      tpu.wait_dma2 semaphore(%run_scoped3A : memref<!tpu.dma_semaphore, #tpu.memory_space<semaphore_mem>>) src(%dma_wait3A_18 : memref<424xi32, #tpu.memory_space<hbm>>) dst(%arg7 : memref<424xi32, #tpu.memory_space<vmem>>)
      tpu.yield
    }) : () -> ()
    %dma_start3A = arith.constant 0 : i32
    %dma_start3A_11 = arith.constant 0 : i32
    %dma_start3A_12 = tpu.memref_slice %arg2[%dma_start3A, %dma_start3A_11] : memref<50176x32xf32, #tpu.memory_space<hbm>> -> memref<50176x32xf32, #tpu.memory_space<hbm>>
    tpu.enqueue_indirect_dma source(%dma_start3A_12 : memref<50176x32xf32, #tpu.memory_space<hbm>>) target(%arg8 : memref<424x32xf32, #tpu.memory_space<vmem>>) offsets(%arg7 : memref<424xi32, #tpu.memory_space<vmem>>) semaphore(%arg9 : memref<!tpu.dma_semaphore, #tpu.memory_space<semaphore_mem>>)
    %dma_wait3A = arith.constant 0 : i32
    %dma_wait3A_13 = arith.constant 0 : i32
    %dma_wait3A_14 = tpu.memref_slice %arg2[%dma_wait3A, %dma_wait3A_13] : memref<50176x32xf32, #tpu.memory_space<hbm>> -> memref<50176x32xf32, #tpu.memory_space<hbm>>
    tpu.wait_indirect_dma semaphore(%arg9 : memref<!tpu.dma_semaphore, #tpu.memory_space<semaphore_mem>>) src(%dma_wait3A_14 : memref<50176x32xf32, #tpu.memory_space<hbm>>) dst(%arg8 : memref<424x32xf32, #tpu.memory_space<vmem>>)
    "tpu.region"() ({
      %run_scoped3A = tpu.sem_alloc : memref<!tpu.dma_semaphore, #tpu.memory_space<semaphore_mem>>
      %dma_start3A_15 = arith.constant 0 : i32
      %dma_start3A_16 = tpu.memref_slice %arg4[%multiple_of3A, %dma_start3A_15] : memref<800000x32xf32, #tpu.memory_space<hbm>> -> memref<424x32xf32, #tpu.memory_space<hbm>>
      %dma_start3A_17 = arith.constant 0 : i32
      %dma_start3A_18 = tpu.memref_slice %arg4[%multiple_of3A, %dma_start3A_17] : memref<800000x32xf32, #tpu.memory_space<hbm>> -> memref<424x32xf32, #tpu.memory_space<hbm>>
      tpu.enqueue_dma source(%arg8 : memref<424x32xf32, #tpu.memory_space<vmem>>) target(%dma_start3A_18 : memref<424x32xf32, #tpu.memory_space<hbm>>) target_semaphore(%run_scoped3A : memref<!tpu.dma_semaphore, #tpu.memory_space<semaphore_mem>>)
      %dma_wait3A_19 = arith.constant 0 : i32
      %dma_wait3A_20 = tpu.memref_slice %arg4[%multiple_of3A, %dma_wait3A_19] : memref<800000x32xf32, #tpu.memory_space<hbm>> -> memref<424x32xf32, #tpu.memory_space<hbm>>
      %dma_wait3A_21 = arith.constant 0 : i32
      %dma_wait3A_22 = tpu.memref_slice %arg4[%multiple_of3A, %dma_wait3A_21] : memref<800000x32xf32, #tpu.memory_space<hbm>> -> memref<424x32xf32, #tpu.memory_space<hbm>>
      tpu.wait_dma2 semaphore(%run_scoped3A : memref<!tpu.dma_semaphore, #tpu.memory_space<semaphore_mem>>) src(%arg8 : memref<424x32xf32, #tpu.memory_space<vmem>>) dst(%dma_wait3A_22 : memref<424x32xf32, #tpu.memory_space<hbm>>)
      tpu.yield
    }) : () -> ()
    return
  }
}

#map = affine_map<(d0, d1) -> (0, 0)>
#map1 = affine_map<(d0, d1) -> (0)>
module attributes {stable_mosaic.version = 14 : i64} {
  func.func @_sc_scatter(%arg0: i32, %arg1: i32, %arg2: memref<51200x32xf32, #tpu.memory_space<hbm>>, %arg3: memref<51200xi32, #tpu.memory_space<hbm>>, %arg4: memref<50176x32xf32, #tpu.memory_space<hbm>>, %arg5: memref<50176x32xf32, #tpu.memory_space<hbm>>, %arg6: memref<50176x32xf32, #tpu.memory_space<vmem_shared>>, %arg7: memref<128x32xf32, #tpu.memory_space<vmem>>, %arg8: memref<25x128xi32, #tpu.memory_space<vmem>>, %arg9: memref<128x32xf32, #tpu.memory_space<vmem>>, %arg10: memref<128x32xf32, #tpu.memory_space<vmem>>, %arg11: memref<!tpu.dma_semaphore, #tpu.memory_space<semaphore_mem>>) attributes {dimension_semantics = [#tpu.dimension_semantics<core_parallel>, #tpu.dimension_semantics<subcore_parallel>], iteration_bounds = array<i64: 2, 16>, scalar_prefetch = 0 : i64, scratch_operands = 6 : i64, tpu.core_type = #tpu.core_type<sc_vector_subcore>, window_params = [{transform_indices = #map}, {transform_indices = #map1}, {transform_indices = #map}, {transform_indices = #map}]} {
    %eq3A = arith.constant 0 : i32
    %eq3A_0 = arith.cmpi eq, %arg0, %eq3A : i32
    %convert_element_type3A = arith.extui %eq3A_0 : i1 to i32
    %cond3A = arith.constant 0 : i32
    %cond3A_1 = arith.cmpi ne, %convert_element_type3A, %cond3A : i32
    scf.if %cond3A_1 {
      %scan3A = arith.constant 0 : i32
      %scan3A_2 = arith.constant 0 : i32
      %scan3A_3 = arith.constant 128 : i32
      %scan3A_4 = arith.addi %scan3A_2, %scan3A_3 : i32
      %scan3A_5 = arith.constant 1 : i32
      %scan3A_6 = scf.for %scan3A_50 = %scan3A_2 to %scan3A_4 step %scan3A_5 iter_args(%scan3A_51 = %scan3A) -> (i32)  : i32 {
        %broadcast_in_dim3A = arith.constant 0.000000e+00 : f32
        %broadcast_in_dim3A_52 = vector.broadcast %broadcast_in_dim3A : f32 to vector<16xf32>
        %swap3A = arith.index_cast %scan3A_50 : i32 to index
        %swap3A_53 = arith.constant 0 : index
        %swap3A_54 = tpu.vector_load %arg7[%swap3A, %swap3A_53] {strides = array<i32>} : memref<128x32xf32, #tpu.memory_space<vmem>>, vector<1x16xf32>,
        %swap3A_55 = vector.shape_cast %swap3A_54 : vector<1x16xf32> to vector<16xf32>
        %swap3A_56 = vector.shape_cast %broadcast_in_dim3A_52 : vector<16xf32> to vector<1x16xf32>
        tpu.vector_store %arg7[%swap3A, %swap3A_53], %swap3A_56 {strides = array<i32>} : memref<128x32xf32, #tpu.memory_space<vmem>>, vector<1x16xf32>,
        %broadcast_in_dim3A_57 = arith.constant 0.000000e+00 : f32
        %broadcast_in_dim3A_58 = vector.broadcast %broadcast_in_dim3A_57 : f32 to vector<16xf32>
        %swap3A_59 = arith.index_cast %scan3A_50 : i32 to index
        %swap3A_60 = arith.constant 16 : index
        %swap3A_61 = tpu.vector_load %arg7[%swap3A_59, %swap3A_60] {strides = array<i32>} : memref<128x32xf32, #tpu.memory_space<vmem>>, vector<1x16xf32>,
        %swap3A_62 = vector.shape_cast %swap3A_61 : vector<1x16xf32> to vector<16xf32>
        %swap3A_63 = vector.shape_cast %broadcast_in_dim3A_58 : vector<16xf32> to vector<1x16xf32>
        tpu.vector_store %arg7[%swap3A_59, %swap3A_60], %swap3A_63 {strides = array<i32>} : memref<128x32xf32, #tpu.memory_space<vmem>>, vector<1x16xf32>,
        %scan3A_64 = arith.constant 0 : i32
        scf.yield %scan3A_64 : i32
      }
      %scan3A_7 = arith.constant 128 : i32
      %scan3A_8 = arith.constant 0 : i32
      %scan3A_9 = arith.constant 0 : i32
      %scan3A_10 = arith.constant 24 : i32
      %scan3A_11 = arith.addi %scan3A_9, %scan3A_10 : i32
      %scan3A_12 = arith.constant 1 : i32
      %scan3A_13 = scf.for %scan3A_50 = %scan3A_9 to %scan3A_11 step %scan3A_12 iter_args(%scan3A_51 = %scan3A_8) -> (i32)  : i32 {
        %mul3A_52 = arith.constant 3136 : i32
        %mul3A_53 = arith.muli %arg1, %mul3A_52 : i32
        %mul3A_54 = arith.constant 128 : i32
        %mul3A_55 = arith.muli %scan3A_50, %mul3A_54 : i32
        %add3A_56 = arith.addi %mul3A_53, %mul3A_55 : i32
        %multiple_of3A_57 = tpu.assume_multiple %add3A_56, 8 : i32
        "tpu.region"() ({
          %run_scoped3A = tpu.sem_alloc : memref<!tpu.dma_semaphore, #tpu.memory_space<semaphore_mem>>
          %dma_start3A = arith.constant 0 : i32
          %dma_start3A_59 = tpu.memref_slice %arg6[%multiple_of3A_57, %dma_start3A] : memref<50176x32xf32, #tpu.memory_space<vmem_shared>> -> memref<128x32xf32, #tpu.memory_space<vmem_shared>>
          %dma_start3A_60 = arith.constant 0 : i32
          %dma_start3A_61 = tpu.memref_slice %arg6[%multiple_of3A_57, %dma_start3A_60] : memref<50176x32xf32, #tpu.memory_space<vmem_shared>> -> memref<128x32xf32, #tpu.memory_space<vmem_shared>>
          tpu.enqueue_dma source(%arg7 : memref<128x32xf32, #tpu.memory_space<vmem>>) target(%dma_start3A_61 : memref<128x32xf32, #tpu.memory_space<vmem_shared>>) target_semaphore(%run_scoped3A : memref<!tpu.dma_semaphore, #tpu.memory_space<semaphore_mem>>)
          %dma_wait3A = arith.constant 0 : i32
          %dma_wait3A_62 = tpu.memref_slice %arg6[%multiple_of3A_57, %dma_wait3A] : memref<50176x32xf32, #tpu.memory_space<vmem_shared>> -> memref<128x32xf32, #tpu.memory_space<vmem_shared>>
          %dma_wait3A_63 = arith.constant 0 : i32
          %dma_wait3A_64 = tpu.memref_slice %arg6[%multiple_of3A_57, %dma_wait3A_63] : memref<50176x32xf32, #tpu.memory_space<vmem_shared>> -> memref<128x32xf32, #tpu.memory_space<vmem_shared>>
          tpu.wait_dma2 semaphore(%run_scoped3A : memref<!tpu.dma_semaphore, #tpu.memory_space<semaphore_mem>>) src(%arg7 : memref<128x32xf32, #tpu.memory_space<vmem>>) dst(%dma_wait3A_64 : memref<128x32xf32, #tpu.memory_space<vmem_shared>>)
          tpu.yield
        }) : () -> ()
        %scan3A_58 = arith.constant 0 : i32
        scf.yield %scan3A_58 : i32
      }
      %scan3A_14 = arith.constant 24 : i32
      %mul3A = arith.constant 3136 : i32
      %mul3A_15 = arith.muli %arg1, %mul3A : i32
      %add3A = arith.constant 3072 : i32
      %add3A_16 = arith.addi %mul3A_15, %add3A : i32
      "tpu.region"() ({
        %run_scoped3A = tpu.sem_alloc : memref<!tpu.dma_semaphore, #tpu.memory_space<semaphore_mem>>
        %dma_start3A = arith.constant 0 : i32
        %dma_start3A_50 = arith.constant 0 : i32
        %dma_start3A_51 = tpu.memref_slice %arg7[%dma_start3A, %dma_start3A_50] : memref<128x32xf32, #tpu.memory_space<vmem>> -> memref<64x32xf32, #tpu.memory_space<vmem>>
        %dma_start3A_52 = arith.constant 0 : i32
        %dma_start3A_53 = tpu.memref_slice %arg6[%add3A_16, %dma_start3A_52] : memref<50176x32xf32, #tpu.memory_space<vmem_shared>> -> memref<64x32xf32, #tpu.memory_space<vmem_shared>>
        %dma_start3A_54 = arith.constant 0 : i32
        %dma_start3A_55 = tpu.memref_slice %arg6[%add3A_16, %dma_start3A_54] : memref<50176x32xf32, #tpu.memory_space<vmem_shared>> -> memref<64x32xf32, #tpu.memory_space<vmem_shared>>
        %dma_start3A_56 = arith.constant 0 : i32
        %dma_start3A_57 = arith.constant 0 : i32
        %dma_start3A_58 = tpu.memref_slice %arg7[%dma_start3A_56, %dma_start3A_57] : memref<128x32xf32, #tpu.memory_space<vmem>> -> memref<64x32xf32, #tpu.memory_space<vmem>>
        tpu.enqueue_dma source(%dma_start3A_58 : memref<64x32xf32, #tpu.memory_space<vmem>>) target(%dma_start3A_55 : memref<64x32xf32, #tpu.memory_space<vmem_shared>>) target_semaphore(%run_scoped3A : memref<!tpu.dma_semaphore, #tpu.memory_space<semaphore_mem>>)
        %dma_wait3A = arith.constant 0 : i32
        %dma_wait3A_59 = arith.constant 0 : i32
        %dma_wait3A_60 = tpu.memref_slice %arg7[%dma_wait3A, %dma_wait3A_59] : memref<128x32xf32, #tpu.memory_space<vmem>> -> memref<64x32xf32, #tpu.memory_space<vmem>>
        %dma_wait3A_61 = arith.constant 0 : i32
        %dma_wait3A_62 = tpu.memref_slice %arg6[%add3A_16, %dma_wait3A_61] : memref<50176x32xf32, #tpu.memory_space<vmem_shared>> -> memref<64x32xf32, #tpu.memory_space<vmem_shared>>
        %dma_wait3A_63 = arith.constant 0 : i32
        %dma_wait3A_64 = tpu.memref_slice %arg6[%add3A_16, %dma_wait3A_63] : memref<50176x32xf32, #tpu.memory_space<vmem_shared>> -> memref<64x32xf32, #tpu.memory_space<vmem_shared>>
        %dma_wait3A_65 = arith.constant 0 : i32
        %dma_wait3A_66 = arith.constant 0 : i32
        %dma_wait3A_67 = tpu.memref_slice %arg7[%dma_wait3A_65, %dma_wait3A_66] : memref<128x32xf32, #tpu.memory_space<vmem>> -> memref<64x32xf32, #tpu.memory_space<vmem>>
        tpu.wait_dma2 semaphore(%run_scoped3A : memref<!tpu.dma_semaphore, #tpu.memory_space<semaphore_mem>>) src(%dma_wait3A_67 : memref<64x32xf32, #tpu.memory_space<vmem>>) dst(%dma_wait3A_64 : memref<64x32xf32, #tpu.memory_space<vmem_shared>>)
        tpu.yield
      }) : () -> ()
      %barrier3A = arith.constant 0 : index
      tpu.barrier barrier_id(%barrier3A)
      %scan3A_17 = arith.constant 0 : i32
      %scan3A_18 = arith.constant 0 : i32
      %scan3A_19 = arith.constant 25 : i32
      %scan3A_20 = arith.addi %scan3A_18, %scan3A_19 : i32
      %scan3A_21 = arith.constant 1 : i32
      %scan3A_22 = scf.for %scan3A_50 = %scan3A_18 to %scan3A_20 step %scan3A_21 iter_args(%scan3A_51 = %scan3A_17) -> (i32)  : i32 {
        %mul3A_52 = arith.constant 3200 : i32
        %mul3A_53 = arith.muli %arg1, %mul3A_52 : i32
        %mul3A_54 = arith.constant 128 : i32
        %mul3A_55 = arith.muli %scan3A_50, %mul3A_54 : i32
        %add3A_56 = arith.addi %mul3A_53, %mul3A_55 : i32
        "tpu.region"() ({
          %run_scoped3A = tpu.sem_alloc : memref<!tpu.dma_semaphore, #tpu.memory_space<semaphore_mem>>
          %dma_start3A = arith.constant 0 : i32
          %dma_start3A_58 = tpu.memref_slice %arg8[%scan3A_50, %dma_start3A] : memref<25x128xi32, #tpu.memory_space<vmem>> -> memref<1x128xi32, #tpu.memory_space<vmem>>
          %dma_start3A_59 = tpu.memref_squeeze %dma_start3A_58 : memref<1x128xi32, #tpu.memory_space<vmem>> -> memref<128xi32, #tpu.memory_space<vmem>>
          %dma_start3A_60 = tpu.memref_slice %arg3[%add3A_56] : memref<51200xi32, #tpu.memory_space<hbm>> -> memref<128xi32, #tpu.memory_space<hbm>>
          %dma_start3A_61 = arith.constant 0 : i32
          %dma_start3A_62 = tpu.memref_slice %arg8[%scan3A_50, %dma_start3A_61] : memref<25x128xi32, #tpu.memory_space<vmem>> -> memref<1x128xi32, #tpu.memory_space<vmem>>
          %dma_start3A_63 = tpu.memref_squeeze %dma_start3A_62 : memref<1x128xi32, #tpu.memory_space<vmem>> -> memref<128xi32, #tpu.memory_space<vmem>>
          %dma_start3A_64 = tpu.memref_slice %arg3[%add3A_56] : memref<51200xi32, #tpu.memory_space<hbm>> -> memref<128xi32, #tpu.memory_space<hbm>>
          tpu.enqueue_dma source(%dma_start3A_64 : memref<128xi32, #tpu.memory_space<hbm>>) target(%dma_start3A_63 : memref<128xi32, #tpu.memory_space<vmem>>) target_semaphore(%run_scoped3A : memref<!tpu.dma_semaphore, #tpu.memory_space<semaphore_mem>>)
          %dma_wait3A = arith.constant 0 : i32
          %dma_wait3A_65 = tpu.memref_slice %arg8[%scan3A_50, %dma_wait3A] : memref<25x128xi32, #tpu.memory_space<vmem>> -> memref<1x128xi32, #tpu.memory_space<vmem>>
          %dma_wait3A_66 = tpu.memref_squeeze %dma_wait3A_65 : memref<1x128xi32, #tpu.memory_space<vmem>> -> memref<128xi32, #tpu.memory_space<vmem>>
          %dma_wait3A_67 = tpu.memref_slice %arg3[%add3A_56] : memref<51200xi32, #tpu.memory_space<hbm>> -> memref<128xi32, #tpu.memory_space<hbm>>
          %dma_wait3A_68 = arith.constant 0 : i32
          %dma_wait3A_69 = tpu.memref_slice %arg8[%scan3A_50, %dma_wait3A_68] : memref<25x128xi32, #tpu.memory_space<vmem>> -> memref<1x128xi32, #tpu.memory_space<vmem>>
          %dma_wait3A_70 = tpu.memref_squeeze %dma_wait3A_69 : memref<1x128xi32, #tpu.memory_space<vmem>> -> memref<128xi32, #tpu.memory_space<vmem>>
          %dma_wait3A_71 = tpu.memref_slice %arg3[%add3A_56] : memref<51200xi32, #tpu.memory_space<hbm>> -> memref<128xi32, #tpu.memory_space<hbm>>
          tpu.wait_dma2 semaphore(%run_scoped3A : memref<!tpu.dma_semaphore, #tpu.memory_space<semaphore_mem>>) src(%dma_wait3A_71 : memref<128xi32, #tpu.memory_space<hbm>>) dst(%dma_wait3A_70 : memref<128xi32, #tpu.memory_space<vmem>>)
          tpu.yield
        }) : () -> ()
        %scan3A_57 = arith.constant 0 : i32
        scf.yield %scan3A_57 : i32
      }
      %scan3A_23 = arith.constant 25 : i32
      %scan3A_24 = arith.constant 0 : i32
      %scan3A_25 = arith.constant 0 : i32
      %scan3A_26 = arith.constant 25 : i32
      %scan3A_27 = arith.addi %scan3A_25, %scan3A_26 : i32
      %scan3A_28 = arith.constant 1 : i32
      %scan3A_29 = scf.for %scan3A_50 = %scan3A_25 to %scan3A_27 step %scan3A_28 iter_args(%scan3A_51 = %scan3A_24) -> (i32)  : i32 {
        %mul3A_52 = arith.constant 3200 : i32
        %mul3A_53 = arith.muli %arg1, %mul3A_52 : i32
        %mul3A_54 = arith.constant 128 : i32
        %mul3A_55 = arith.muli %scan3A_50, %mul3A_54 : i32
        %add3A_56 = arith.addi %mul3A_53, %mul3A_55 : i32
        %multiple_of3A_57 = tpu.assume_multiple %add3A_56, 8 : i32
        "tpu.region"() ({
          %run_scoped3A = tpu.sem_alloc : memref<!tpu.dma_semaphore, #tpu.memory_space<semaphore_mem>>
          %dma_start3A = arith.constant 0 : i32
          %dma_start3A_59 = tpu.memref_slice %arg2[%multiple_of3A_57, %dma_start3A] : memref<51200x32xf32, #tpu.memory_space<hbm>> -> memref<128x32xf32, #tpu.memory_space<hbm>>
          %dma_start3A_60 = arith.constant 0 : i32
          %dma_start3A_61 = tpu.memref_slice %arg2[%multiple_of3A_57, %dma_start3A_60] : memref<51200x32xf32, #tpu.memory_space<hbm>> -> memref<128x32xf32, #tpu.memory_space<hbm>>
          tpu.enqueue_dma source(%dma_start3A_61 : memref<128x32xf32, #tpu.memory_space<hbm>>) target(%arg7 : memref<128x32xf32, #tpu.memory_space<vmem>>) target_semaphore(%run_scoped3A : memref<!tpu.dma_semaphore, #tpu.memory_space<semaphore_mem>>)
          %dma_wait3A = arith.constant 0 : i32
          %dma_wait3A_62 = tpu.memref_slice %arg2[%multiple_of3A_57, %dma_wait3A] : memref<51200x32xf32, #tpu.memory_space<hbm>> -> memref<128x32xf32, #tpu.memory_space<hbm>>
          %dma_wait3A_63 = arith.constant 0 : i32
          %dma_wait3A_64 = tpu.memref_slice %arg2[%multiple_of3A_57, %dma_wait3A_63] : memref<51200x32xf32, #tpu.memory_space<hbm>> -> memref<128x32xf32, #tpu.memory_space<hbm>>
          tpu.wait_dma2 semaphore(%run_scoped3A : memref<!tpu.dma_semaphore, #tpu.memory_space<semaphore_mem>>) src(%dma_wait3A_64 : memref<128x32xf32, #tpu.memory_space<hbm>>) dst(%arg7 : memref<128x32xf32, #tpu.memory_space<vmem>>)
          tpu.yield
        }) : () -> ()
        "tpu.region"() ({
          %run_scoped3A = tpu.sem_alloc : memref<!tpu.dma_semaphore, #tpu.memory_space<semaphore_mem>>
          %dma_start3A = arith.constant 0 : i32
          %dma_start3A_59 = tpu.memref_slice %arg8[%scan3A_50, %dma_start3A] : memref<25x128xi32, #tpu.memory_space<vmem>> -> memref<1x128xi32, #tpu.memory_space<vmem>>
          %dma_start3A_60 = tpu.memref_squeeze %dma_start3A_59 : memref<1x128xi32, #tpu.memory_space<vmem>> -> memref<128xi32, #tpu.memory_space<vmem>>
          %dma_start3A_61 = arith.constant 0 : i32
          %dma_start3A_62 = arith.constant 0 : i32
          %dma_start3A_63 = tpu.memref_slice %arg6[%dma_start3A_61, %dma_start3A_62] : memref<50176x32xf32, #tpu.memory_space<vmem_shared>> -> memref<50176x32xf32, #tpu.memory_space<vmem_shared>>
          tpu.enqueue_indirect_dma source(%arg7 : memref<128x32xf32, #tpu.memory_space<vmem>>) target(%dma_start3A_63 : memref<50176x32xf32, #tpu.memory_space<vmem_shared>>) offsets(%dma_start3A_60 : memref<128xi32, #tpu.memory_space<vmem>>) semaphore(%run_scoped3A : memref<!tpu.dma_semaphore, #tpu.memory_space<semaphore_mem>>) {add = true}
          %dma_wait3A = arith.constant 0 : i32
          %dma_wait3A_64 = tpu.memref_slice %arg8[%scan3A_50, %dma_wait3A] : memref<25x128xi32, #tpu.memory_space<vmem>> -> memref<1x128xi32, #tpu.memory_space<vmem>>
          %dma_wait3A_65 = tpu.memref_squeeze %dma_wait3A_64 : memref<1x128xi32, #tpu.memory_space<vmem>> -> memref<128xi32, #tpu.memory_space<vmem>>
          %dma_wait3A_66 = arith.constant 0 : i32
          %dma_wait3A_67 = arith.constant 0 : i32
          %dma_wait3A_68 = tpu.memref_slice %arg6[%dma_wait3A_66, %dma_wait3A_67] : memref<50176x32xf32, #tpu.memory_space<vmem_shared>> -> memref<50176x32xf32, #tpu.memory_space<vmem_shared>>
          tpu.wait_indirect_dma semaphore(%run_scoped3A : memref<!tpu.dma_semaphore, #tpu.memory_space<semaphore_mem>>) src(%arg7 : memref<128x32xf32, #tpu.memory_space<vmem>>) dst(%dma_wait3A_68 : memref<50176x32xf32, #tpu.memory_space<vmem_shared>>)
          tpu.yield
        }) : () -> ()
        %scan3A_58 = arith.constant 0 : i32
        scf.yield %scan3A_58 : i32
      }
      %scan3A_30 = arith.constant 25 : i32
      %barrier3A_31 = arith.constant 0 : index
      tpu.barrier barrier_id(%barrier3A_31)
      %mul3A_32 = arith.constant 3136 : i32
      %mul3A_33 = arith.muli %arg1, %mul3A_32 : i32
      %scan3A_34 = arith.constant 0 : i32
      %scan3A_35 = arith.constant 0 : i32
      %scan3A_36 = arith.constant 24 : i32
      %scan3A_37 = arith.addi %scan3A_35, %scan3A_36 : i32
      %scan3A_38 = arith.constant 1 : i32
      %scan3A_39 = scf.for %scan3A_50 = %scan3A_35 to %scan3A_37 step %scan3A_38 iter_args(%scan3A_51 = %scan3A_34) -> (i32)  : i32 {
        %mul3A_52 = arith.constant 128 : i32
        %mul3A_53 = arith.muli %scan3A_50, %mul3A_52 : i32
        %add3A_54 = arith.addi %mul3A_33, %mul3A_53 : i32
        %multiple_of3A_55 = tpu.assume_multiple %add3A_54, 8 : i32
        "tpu.region"() ({
          %run_scoped3A = tpu.sem_alloc : memref<!tpu.dma_semaphore, #tpu.memory_space<semaphore_mem>>
          %dma_start3A = arith.constant 0 : i32
          %dma_start3A_64 = tpu.memref_slice %arg6[%multiple_of3A_55, %dma_start3A] : memref<50176x32xf32, #tpu.memory_space<vmem_shared>> -> memref<128x32xf32, #tpu.memory_space<vmem_shared>>
          %dma_start3A_65 = arith.constant 0 : i32
          %dma_start3A_66 = tpu.memref_slice %arg6[%multiple_of3A_55, %dma_start3A_65] : memref<50176x32xf32, #tpu.memory_space<vmem_shared>> -> memref<128x32xf32, #tpu.memory_space<vmem_shared>>
          tpu.enqueue_dma source(%dma_start3A_66 : memref<128x32xf32, #tpu.memory_space<vmem_shared>>) target(%arg9 : memref<128x32xf32, #tpu.memory_space<vmem>>) target_semaphore(%run_scoped3A : memref<!tpu.dma_semaphore, #tpu.memory_space<semaphore_mem>>)
          %dma_wait3A = arith.constant 0 : i32
          %dma_wait3A_67 = tpu.memref_slice %arg6[%multiple_of3A_55, %dma_wait3A] : memref<50176x32xf32, #tpu.memory_space<vmem_shared>> -> memref<128x32xf32, #tpu.memory_space<vmem_shared>>
          %dma_wait3A_68 = arith.constant 0 : i32
          %dma_wait3A_69 = tpu.memref_slice %arg6[%multiple_of3A_55, %dma_wait3A_68] : memref<50176x32xf32, #tpu.memory_space<vmem_shared>> -> memref<128x32xf32, #tpu.memory_space<vmem_shared>>
          tpu.wait_dma2 semaphore(%run_scoped3A : memref<!tpu.dma_semaphore, #tpu.memory_space<semaphore_mem>>) src(%dma_wait3A_69 : memref<128x32xf32, #tpu.memory_space<vmem_shared>>) dst(%arg9 : memref<128x32xf32, #tpu.memory_space<vmem>>)
          tpu.yield
        }) : () -> ()
        "tpu.region"() ({
          %run_scoped3A = tpu.sem_alloc : memref<!tpu.dma_semaphore, #tpu.memory_space<semaphore_mem>>
          %dma_start3A = arith.constant 0 : i32
          %dma_start3A_64 = tpu.memref_slice %arg4[%multiple_of3A_55, %dma_start3A] : memref<50176x32xf32, #tpu.memory_space<hbm>> -> memref<128x32xf32, #tpu.memory_space<hbm>>
          %dma_start3A_65 = arith.constant 0 : i32
          %dma_start3A_66 = tpu.memref_slice %arg4[%multiple_of3A_55, %dma_start3A_65] : memref<50176x32xf32, #tpu.memory_space<hbm>> -> memref<128x32xf32, #tpu.memory_space<hbm>>
          tpu.enqueue_dma source(%dma_start3A_66 : memref<128x32xf32, #tpu.memory_space<hbm>>) target(%arg10 : memref<128x32xf32, #tpu.memory_space<vmem>>) target_semaphore(%run_scoped3A : memref<!tpu.dma_semaphore, #tpu.memory_space<semaphore_mem>>)
          %dma_wait3A = arith.constant 0 : i32
          %dma_wait3A_67 = tpu.memref_slice %arg4[%multiple_of3A_55, %dma_wait3A] : memref<50176x32xf32, #tpu.memory_space<hbm>> -> memref<128x32xf32, #tpu.memory_space<hbm>>
          %dma_wait3A_68 = arith.constant 0 : i32
          %dma_wait3A_69 = tpu.memref_slice %arg4[%multiple_of3A_55, %dma_wait3A_68] : memref<50176x32xf32, #tpu.memory_space<hbm>> -> memref<128x32xf32, #tpu.memory_space<hbm>>
          tpu.wait_dma2 semaphore(%run_scoped3A : memref<!tpu.dma_semaphore, #tpu.memory_space<semaphore_mem>>) src(%dma_wait3A_69 : memref<128x32xf32, #tpu.memory_space<hbm>>) dst(%arg10 : memref<128x32xf32, #tpu.memory_space<vmem>>)
          tpu.yield
        }) : () -> ()
        %scan3A_56 = arith.constant 0 : i32
        %scan3A_57 = arith.constant 0 : i32
        %scan3A_58 = arith.constant 128 : i32
        %scan3A_59 = arith.addi %scan3A_57, %scan3A_58 : i32
        %scan3A_60 = arith.constant 1 : i32
        %scan3A_61 = scf.for %scan3A_64 = %scan3A_57 to %scan3A_59 step %scan3A_60 iter_args(%scan3A_65 = %scan3A_56) -> (i32)  : i32 {
          %get3A = arith.index_cast %scan3A_64 : i32 to index
          %get3A_66 = arith.constant 0 : index
          %get3A_67 = tpu.vector_load %arg9[%get3A, %get3A_66] {strides = array<i32>} : memref<128x32xf32, #tpu.memory_space<vmem>>, vector<1x16xf32>,
          %get3A_68 = vector.shape_cast %get3A_67 : vector<1x16xf32> to vector<16xf32>
          %get3A_69 = arith.index_cast %scan3A_64 : i32 to index
          %get3A_70 = arith.constant 0 : index
          %get3A_71 = tpu.vector_load %arg10[%get3A_69, %get3A_70] {strides = array<i32>} : memref<128x32xf32, #tpu.memory_space<vmem>>, vector<1x16xf32>,
          %get3A_72 = vector.shape_cast %get3A_71 : vector<1x16xf32> to vector<16xf32>
          %mul3A_73 = arith.mulf %get3A_68, %get3A_72 : vector<16xf32>
          %swap3A = arith.index_cast %scan3A_64 : i32 to index
          %swap3A_74 = arith.constant 0 : index
          %swap3A_75 = tpu.vector_load %arg9[%swap3A, %swap3A_74] {strides = array<i32>} : memref<128x32xf32, #tpu.memory_space<vmem>>, vector<1x16xf32>,
          %swap3A_76 = vector.shape_cast %swap3A_75 : vector<1x16xf32> to vector<16xf32>
          %swap3A_77 = vector.shape_cast %mul3A_73 : vector<16xf32> to vector<1x16xf32>
          tpu.vector_store %arg9[%swap3A, %swap3A_74], %swap3A_77 {strides = array<i32>} : memref<128x32xf32, #tpu.memory_space<vmem>>, vector<1x16xf32>,
          %get3A_78 = arith.index_cast %scan3A_64 : i32 to index
          %get3A_79 = arith.constant 16 : index
          %get3A_80 = tpu.vector_load %arg9[%get3A_78, %get3A_79] {strides = array<i32>} : memref<128x32xf32, #tpu.memory_space<vmem>>, vector<1x16xf32>,
          %get3A_81 = vector.shape_cast %get3A_80 : vector<1x16xf32> to vector<16xf32>
          %get3A_82 = arith.index_cast %scan3A_64 : i32 to index
          %get3A_83 = arith.constant 16 : index
          %get3A_84 = tpu.vector_load %arg10[%get3A_82, %get3A_83] {strides = array<i32>} : memref<128x32xf32, #tpu.memory_space<vmem>>, vector<1x16xf32>,
          %get3A_85 = vector.shape_cast %get3A_84 : vector<1x16xf32> to vector<16xf32>
          %mul3A_86 = arith.mulf %get3A_81, %get3A_85 : vector<16xf32>
          %swap3A_87 = arith.index_cast %scan3A_64 : i32 to index
          %swap3A_88 = arith.constant 16 : index
          %swap3A_89 = tpu.vector_load %arg9[%swap3A_87, %swap3A_88] {strides = array<i32>} : memref<128x32xf32, #tpu.memory_space<vmem>>, vector<1x16xf32>,
          %swap3A_90 = vector.shape_cast %swap3A_89 : vector<1x16xf32> to vector<16xf32>
          %swap3A_91 = vector.shape_cast %mul3A_86 : vector<16xf32> to vector<1x16xf32>
          tpu.vector_store %arg9[%swap3A_87, %swap3A_88], %swap3A_91 {strides = array<i32>} : memref<128x32xf32, #tpu.memory_space<vmem>>, vector<1x16xf32>,
          %scan3A_92 = arith.constant 0 : i32
          scf.yield %scan3A_92 : i32
        }
        %scan3A_62 = arith.constant 128 : i32
        "tpu.region"() ({
          %run_scoped3A = tpu.sem_alloc : memref<!tpu.dma_semaphore, #tpu.memory_space<semaphore_mem>>
          %dma_start3A = arith.constant 0 : i32
          %dma_start3A_64 = tpu.memref_slice %arg5[%multiple_of3A_55, %dma_start3A] : memref<50176x32xf32, #tpu.memory_space<hbm>> -> memref<128x32xf32, #tpu.memory_space<hbm>>
          %dma_start3A_65 = arith.constant 0 : i32
          %dma_start3A_66 = tpu.memref_slice %arg5[%multiple_of3A_55, %dma_start3A_65] : memref<50176x32xf32, #tpu.memory_space<hbm>> -> memref<128x32xf32, #tpu.memory_space<hbm>>
          tpu.enqueue_dma source(%arg9 : memref<128x32xf32, #tpu.memory_space<vmem>>) target(%dma_start3A_66 : memref<128x32xf32, #tpu.memory_space<hbm>>) target_semaphore(%run_scoped3A : memref<!tpu.dma_semaphore, #tpu.memory_space<semaphore_mem>>)
          %dma_wait3A = arith.constant 0 : i32
          %dma_wait3A_67 = tpu.memref_slice %arg5[%multiple_of3A_55, %dma_wait3A] : memref<50176x32xf32, #tpu.memory_space<hbm>> -> memref<128x32xf32, #tpu.memory_space<hbm>>
          %dma_wait3A_68 = arith.constant 0 : i32
          %dma_wait3A_69 = tpu.memref_slice %arg5[%multiple_of3A_55, %dma_wait3A_68] : memref<50176x32xf32, #tpu.memory_space<hbm>> -> memref<128x32xf32, #tpu.memory_space<hbm>>
          tpu.wait_dma2 semaphore(%run_scoped3A : memref<!tpu.dma_semaphore, #tpu.memory_space<semaphore_mem>>) src(%arg9 : memref<128x32xf32, #tpu.memory_space<vmem>>) dst(%dma_wait3A_69 : memref<128x32xf32, #tpu.memory_space<hbm>>)
          tpu.yield
        }) : () -> ()
        %scan3A_63 = arith.constant 0 : i32
        scf.yield %scan3A_63 : i32
      }
      %scan3A_40 = arith.constant 24 : i32
      %add3A_41 = arith.constant 3072 : i32
      %add3A_42 = arith.addi %mul3A_33, %add3A_41 : i32
      %multiple_of3A = tpu.assume_multiple %add3A_42, 8 : i32
      "tpu.region"() ({
        %run_scoped3A = tpu.sem_alloc : memref<!tpu.dma_semaphore, #tpu.memory_space<semaphore_mem>>
        %dma_start3A = arith.constant 0 : i32
        %dma_start3A_50 = arith.constant 0 : i32
        %dma_start3A_51 = tpu.memref_slice %arg9[%dma_start3A, %dma_start3A_50] : memref<128x32xf32, #tpu.memory_space<vmem>> -> memref<64x32xf32, #tpu.memory_space<vmem>>
        %dma_start3A_52 = arith.constant 0 : i32
        %dma_start3A_53 = tpu.memref_slice %arg6[%multiple_of3A, %dma_start3A_52] : memref<50176x32xf32, #tpu.memory_space<vmem_shared>> -> memref<64x32xf32, #tpu.memory_space<vmem_shared>>
        %dma_start3A_54 = arith.constant 0 : i32
        %dma_start3A_55 = arith.constant 0 : i32
        %dma_start3A_56 = tpu.memref_slice %arg9[%dma_start3A_54, %dma_start3A_55] : memref<128x32xf32, #tpu.memory_space<vmem>> -> memref<64x32xf32, #tpu.memory_space<vmem>>
        %dma_start3A_57 = arith.constant 0 : i32
        %dma_start3A_58 = tpu.memref_slice %arg6[%multiple_of3A, %dma_start3A_57] : memref<50176x32xf32, #tpu.memory_space<vmem_shared>> -> memref<64x32xf32, #tpu.memory_space<vmem_shared>>
        tpu.enqueue_dma source(%dma_start3A_58 : memref<64x32xf32, #tpu.memory_space<vmem_shared>>) target(%dma_start3A_56 : memref<64x32xf32, #tpu.memory_space<vmem>>) target_semaphore(%run_scoped3A : memref<!tpu.dma_semaphore, #tpu.memory_space<semaphore_mem>>)
        %dma_wait3A = arith.constant 0 : i32
        %dma_wait3A_59 = arith.constant 0 : i32
        %dma_wait3A_60 = tpu.memref_slice %arg9[%dma_wait3A, %dma_wait3A_59] : memref<128x32xf32, #tpu.memory_space<vmem>> -> memref<64x32xf32, #tpu.memory_space<vmem>>
        %dma_wait3A_61 = arith.constant 0 : i32
        %dma_wait3A_62 = tpu.memref_slice %arg6[%multiple_of3A, %dma_wait3A_61] : memref<50176x32xf32, #tpu.memory_space<vmem_shared>> -> memref<64x32xf32, #tpu.memory_space<vmem_shared>>
        %dma_wait3A_63 = arith.constant 0 : i32
        %dma_wait3A_64 = arith.constant 0 : i32
        %dma_wait3A_65 = tpu.memref_slice %arg9[%dma_wait3A_63, %dma_wait3A_64] : memref<128x32xf32, #tpu.memory_space<vmem>> -> memref<64x32xf32, #tpu.memory_space<vmem>>
        %dma_wait3A_66 = arith.constant 0 : i32
        %dma_wait3A_67 = tpu.memref_slice %arg6[%multiple_of3A, %dma_wait3A_66] : memref<50176x32xf32, #tpu.memory_space<vmem_shared>> -> memref<64x32xf32, #tpu.memory_space<vmem_shared>>
        tpu.wait_dma2 semaphore(%run_scoped3A : memref<!tpu.dma_semaphore, #tpu.memory_space<semaphore_mem>>) src(%dma_wait3A_67 : memref<64x32xf32, #tpu.memory_space<vmem_shared>>) dst(%dma_wait3A_65 : memref<64x32xf32, #tpu.memory_space<vmem>>)
        tpu.yield
      }) : () -> ()
      "tpu.region"() ({
        %run_scoped3A = tpu.sem_alloc : memref<!tpu.dma_semaphore, #tpu.memory_space<semaphore_mem>>
        %dma_start3A = arith.constant 0 : i32
        %dma_start3A_50 = arith.constant 0 : i32
        %dma_start3A_51 = tpu.memref_slice %arg10[%dma_start3A, %dma_start3A_50] : memref<128x32xf32, #tpu.memory_space<vmem>> -> memref<64x32xf32, #tpu.memory_space<vmem>>
        %dma_start3A_52 = arith.constant 0 : i32
        %dma_start3A_53 = tpu.memref_slice %arg4[%multiple_of3A, %dma_start3A_52] : memref<50176x32xf32, #tpu.memory_space<hbm>> -> memref<64x32xf32, #tpu.memory_space<hbm>>
        %dma_start3A_54 = arith.constant 0 : i32
        %dma_start3A_55 = arith.constant 0 : i32
        %dma_start3A_56 = tpu.memref_slice %arg10[%dma_start3A_54, %dma_start3A_55] : memref<128x32xf32, #tpu.memory_space<vmem>> -> memref<64x32xf32, #tpu.memory_space<vmem>>
        %dma_start3A_57 = arith.constant 0 : i32
        %dma_start3A_58 = tpu.memref_slice %arg4[%multiple_of3A, %dma_start3A_57] : memref<50176x32xf32, #tpu.memory_space<hbm>> -> memref<64x32xf32, #tpu.memory_space<hbm>>
        tpu.enqueue_dma source(%dma_start3A_58 : memref<64x32xf32, #tpu.memory_space<hbm>>) target(%dma_start3A_56 : memref<64x32xf32, #tpu.memory_space<vmem>>) target_semaphore(%run_scoped3A : memref<!tpu.dma_semaphore, #tpu.memory_space<semaphore_mem>>)
        %dma_wait3A = arith.constant 0 : i32
        %dma_wait3A_59 = arith.constant 0 : i32
        %dma_wait3A_60 = tpu.memref_slice %arg10[%dma_wait3A, %dma_wait3A_59] : memref<128x32xf32, #tpu.memory_space<vmem>> -> memref<64x32xf32, #tpu.memory_space<vmem>>
        %dma_wait3A_61 = arith.constant 0 : i32
        %dma_wait3A_62 = tpu.memref_slice %arg4[%multiple_of3A, %dma_wait3A_61] : memref<50176x32xf32, #tpu.memory_space<hbm>> -> memref<64x32xf32, #tpu.memory_space<hbm>>
        %dma_wait3A_63 = arith.constant 0 : i32
        %dma_wait3A_64 = arith.constant 0 : i32
        %dma_wait3A_65 = tpu.memref_slice %arg10[%dma_wait3A_63, %dma_wait3A_64] : memref<128x32xf32, #tpu.memory_space<vmem>> -> memref<64x32xf32, #tpu.memory_space<vmem>>
        %dma_wait3A_66 = arith.constant 0 : i32
        %dma_wait3A_67 = tpu.memref_slice %arg4[%multiple_of3A, %dma_wait3A_66] : memref<50176x32xf32, #tpu.memory_space<hbm>> -> memref<64x32xf32, #tpu.memory_space<hbm>>
        tpu.wait_dma2 semaphore(%run_scoped3A : memref<!tpu.dma_semaphore, #tpu.memory_space<semaphore_mem>>) src(%dma_wait3A_67 : memref<64x32xf32, #tpu.memory_space<hbm>>) dst(%dma_wait3A_65 : memref<64x32xf32, #tpu.memory_space<vmem>>)
        tpu.yield
      }) : () -> ()
      %scan3A_43 = arith.constant 0 : i32
      %scan3A_44 = arith.constant 0 : i32
      %scan3A_45 = arith.constant 64 : i32
      %scan3A_46 = arith.addi %scan3A_44, %scan3A_45 : i32
      %scan3A_47 = arith.constant 1 : i32
      %scan3A_48 = scf.for %scan3A_50 = %scan3A_44 to %scan3A_46 step %scan3A_47 iter_args(%scan3A_51 = %scan3A_43) -> (i32)  : i32 {
        %get3A = arith.index_cast %scan3A_50 : i32 to index
        %get3A_52 = arith.constant 0 : index
        %get3A_53 = tpu.vector_load %arg9[%get3A, %get3A_52] {strides = array<i32>} : memref<128x32xf32, #tpu.memory_space<vmem>>, vector<1x16xf32>,
        %get3A_54 = vector.shape_cast %get3A_53 : vector<1x16xf32> to vector<16xf32>
        %get3A_55 = arith.index_cast %scan3A_50 : i32 to index
        %get3A_56 = arith.constant 0 : index
        %get3A_57 = tpu.vector_load %arg10[%get3A_55, %get3A_56] {strides = array<i32>} : memref<128x32xf32, #tpu.memory_space<vmem>>, vector<1x16xf32>,
        %get3A_58 = vector.shape_cast %get3A_57 : vector<1x16xf32> to vector<16xf32>
        %mul3A_59 = arith.mulf %get3A_54, %get3A_58 : vector<16xf32>
        %swap3A = arith.index_cast %scan3A_50 : i32 to index
        %swap3A_60 = arith.constant 0 : index
        %swap3A_61 = tpu.vector_load %arg9[%swap3A, %swap3A_60] {strides = array<i32>} : memref<128x32xf32, #tpu.memory_space<vmem>>, vector<1x16xf32>,
        %swap3A_62 = vector.shape_cast %swap3A_61 : vector<1x16xf32> to vector<16xf32>
        %swap3A_63 = vector.shape_cast %mul3A_59 : vector<16xf32> to vector<1x16xf32>
        tpu.vector_store %arg9[%swap3A, %swap3A_60], %swap3A_63 {strides = array<i32>} : memref<128x32xf32, #tpu.memory_space<vmem>>, vector<1x16xf32>,
        %get3A_64 = arith.index_cast %scan3A_50 : i32 to index
        %get3A_65 = arith.constant 16 : index
        %get3A_66 = tpu.vector_load %arg9[%get3A_64, %get3A_65] {strides = array<i32>} : memref<128x32xf32, #tpu.memory_space<vmem>>, vector<1x16xf32>,
        %get3A_67 = vector.shape_cast %get3A_66 : vector<1x16xf32> to vector<16xf32>
        %get3A_68 = arith.index_cast %scan3A_50 : i32 to index
        %get3A_69 = arith.constant 16 : index
        %get3A_70 = tpu.vector_load %arg10[%get3A_68, %get3A_69] {strides = array<i32>} : memref<128x32xf32, #tpu.memory_space<vmem>>, vector<1x16xf32>,
        %get3A_71 = vector.shape_cast %get3A_70 : vector<1x16xf32> to vector<16xf32>
        %mul3A_72 = arith.mulf %get3A_67, %get3A_71 : vector<16xf32>
        %swap3A_73 = arith.index_cast %scan3A_50 : i32 to index
        %swap3A_74 = arith.constant 16 : index
        %swap3A_75 = tpu.vector_load %arg9[%swap3A_73, %swap3A_74] {strides = array<i32>} : memref<128x32xf32, #tpu.memory_space<vmem>>, vector<1x16xf32>,
        %swap3A_76 = vector.shape_cast %swap3A_75 : vector<1x16xf32> to vector<16xf32>
        %swap3A_77 = vector.shape_cast %mul3A_72 : vector<16xf32> to vector<1x16xf32>
        tpu.vector_store %arg9[%swap3A_73, %swap3A_74], %swap3A_77 {strides = array<i32>} : memref<128x32xf32, #tpu.memory_space<vmem>>, vector<1x16xf32>,
        %scan3A_78 = arith.constant 0 : i32
        scf.yield %scan3A_78 : i32
      }
      %scan3A_49 = arith.constant 64 : i32
      "tpu.region"() ({
        %run_scoped3A = tpu.sem_alloc : memref<!tpu.dma_semaphore, #tpu.memory_space<semaphore_mem>>
        %dma_start3A = arith.constant 0 : i32
        %dma_start3A_50 = arith.constant 0 : i32
        %dma_start3A_51 = tpu.memref_slice %arg9[%dma_start3A, %dma_start3A_50] : memref<128x32xf32, #tpu.memory_space<vmem>> -> memref<64x32xf32, #tpu.memory_space<vmem>>
        %dma_start3A_52 = arith.constant 0 : i32
        %dma_start3A_53 = tpu.memref_slice %arg5[%multiple_of3A, %dma_start3A_52] : memref<50176x32xf32, #tpu.memory_space<hbm>> -> memref<64x32xf32, #tpu.memory_space<hbm>>
        %dma_start3A_54 = arith.constant 0 : i32
        %dma_start3A_55 = tpu.memref_slice %arg5[%multiple_of3A, %dma_start3A_54] : memref<50176x32xf32, #tpu.memory_space<hbm>> -> memref<64x32xf32, #tpu.memory_space<hbm>>
        %dma_start3A_56 = arith.constant 0 : i32
        %dma_start3A_57 = arith.constant 0 : i32
        %dma_start3A_58 = tpu.memref_slice %arg9[%dma_start3A_56, %dma_start3A_57] : memref<128x32xf32, #tpu.memory_space<vmem>> -> memref<64x32xf32, #tpu.memory_space<vmem>>
        tpu.enqueue_dma source(%dma_start3A_58 : memref<64x32xf32, #tpu.memory_space<vmem>>) target(%dma_start3A_55 : memref<64x32xf32, #tpu.memory_space<hbm>>) target_semaphore(%run_scoped3A : memref<!tpu.dma_semaphore, #tpu.memory_space<semaphore_mem>>)
        %dma_wait3A = arith.constant 0 : i32
        %dma_wait3A_59 = arith.constant 0 : i32
        %dma_wait3A_60 = tpu.memref_slice %arg9[%dma_wait3A, %dma_wait3A_59] : memref<128x32xf32, #tpu.memory_space<vmem>> -> memref<64x32xf32, #tpu.memory_space<vmem>>
        %dma_wait3A_61 = arith.constant 0 : i32
        %dma_wait3A_62 = tpu.memref_slice %arg5[%multiple_of3A, %dma_wait3A_61] : memref<50176x32xf32, #tpu.memory_space<hbm>> -> memref<64x32xf32, #tpu.memory_space<hbm>>
        %dma_wait3A_63 = arith.constant 0 : i32
        %dma_wait3A_64 = tpu.memref_slice %arg5[%multiple_of3A, %dma_wait3A_63] : memref<50176x32xf32, #tpu.memory_space<hbm>> -> memref<64x32xf32, #tpu.memory_space<hbm>>
        %dma_wait3A_65 = arith.constant 0 : i32
        %dma_wait3A_66 = arith.constant 0 : i32
        %dma_wait3A_67 = tpu.memref_slice %arg9[%dma_wait3A_65, %dma_wait3A_66] : memref<128x32xf32, #tpu.memory_space<vmem>> -> memref<64x32xf32, #tpu.memory_space<vmem>>
        tpu.wait_dma2 semaphore(%run_scoped3A : memref<!tpu.dma_semaphore, #tpu.memory_space<semaphore_mem>>) src(%dma_wait3A_67 : memref<64x32xf32, #tpu.memory_space<vmem>>) dst(%dma_wait3A_64 : memref<64x32xf32, #tpu.memory_space<hbm>>)
        tpu.yield
      }) : () -> ()
    } else {
    }
    return
  }
}

module attributes {stable_mosaic.version = 14 : i64} {
  func.func @_prep_body(%arg0: i32, %arg1: memref<1024x28xf32, #tpu.memory_space<vmem>>, %arg2: memref<2x1024x16xf32, #tpu.memory_space<vmem>>, %arg3: memref<28x32xf32, #tpu.memory_space<vmem>>, %arg4: memref<1x32xf32, #tpu.memory_space<vmem>>, %arg5: memref<4x64xf32, #tpu.memory_space<vmem>>, %arg6: memref<4x64xf32, #tpu.memory_space<vmem>>, %arg7: memref<4x64x32xf32, #tpu.memory_space<vmem>>, %arg8: memref<4x32xf32, #tpu.memory_space<vmem>>, %arg9: memref<1024x32xf32, #tpu.memory_space<vmem>>, %arg10: memref<1024x32xf32, #tpu.memory_space<vmem>>, %arg11: memref<1024x32xf32, #tpu.memory_space<vmem>>, %arg12: memref<1024x32xf32, #tpu.memory_space<vmem>>, %arg13: memref<1024x32xf32, #tpu.memory_space<vmem>>) attributes {dimension_semantics = [#tpu.dimension_semantics<arbitrary>], iteration_bounds = array<i64: 49>, scalar_prefetch = 0 : i64, scratch_operands = 0 : i64, tpu.core_type = #tpu.core_type<tc>, window_params = [{transform_indices = @transform_0, window_bounds = array<i64: 1024, 28>}, {transform_indices = @transform_1, window_bounds = array<i64: 2, 1024, 16>}, {pipeline_mode = #tpu.pipeline_mode<synchronous>, transform_indices = @transform_2, window_bounds = array<i64: 28, 32>}, {pipeline_mode = #tpu.pipeline_mode<synchronous>, transform_indices = @transform_3, window_bounds = array<i64: 1, 32>}, {pipeline_mode = #tpu.pipeline_mode<synchronous>, transform_indices = @transform_4, window_bounds = array<i64: 4, 64>}, {pipeline_mode = #tpu.pipeline_mode<synchronous>, transform_indices = @transform_5, window_bounds = array<i64: 4, 64>}, {pipeline_mode = #tpu.pipeline_mode<synchronous>, transform_indices = @transform_6, window_bounds = array<i64: 4, 64, 32>}, {pipeline_mode = #tpu.pipeline_mode<synchronous>, transform_indices = @transform_7, window_bounds = array<i64: 4, 32>}, {transform_indices = @transform_8, window_bounds = array<i64: 1024, 32>}, {transform_indices = @transform_9, window_bounds = array<i64: 1024, 32>}, {transform_indices = @transform_10, window_bounds = array<i64: 1024, 32>}, {transform_indices = @transform_11, window_bounds = array<i64: 1024, 32>}, {transform_indices = @transform_12, window_bounds = array<i64: 1024, 32>}]} {
    %get3A = arith.constant 0 : index
    %get3A_0 = arith.constant 0 : index
    %get3A_1 = vector.load %arg1[%get3A, %get3A_0] : memref<1024x28xf32, #tpu.memory_space<vmem>>, vector<1024x28xf32>
    %get3A_2 = arith.constant 0 : index
    %get3A_3 = arith.constant 0 : index
    %get3A_4 = vector.load %arg3[%get3A_2, %get3A_3] : memref<28x32xf32, #tpu.memory_space<vmem>>, vector<28x32xf32>
    %dot_general3A = arith.constant dense<0.000000e+00> : vector<1024x32xf32>
    %dot_general3A_5 = tpu.matmul %get3A_1, %get3A_4, %dot_general3A {dimension_numbers = #tpu.dot_dimension_numbers<[1], [0], [0], [1], [0, 0, 1, 1], [], []>, transpose_lhs_hint = false} : vector<1024x28xf32>, vector<28x32xf32>, vector<1024x32xf32> -> vector<1024x32xf32>
    %get3A_6 = arith.constant 0 : index
    %get3A_7 = arith.constant 0 : index
    %get3A_8 = vector.load %arg4[%get3A_6, %get3A_7] : memref<1x32xf32, #tpu.memory_space<vmem>>, vector<1x32xf32>
    %add3A = vector.broadcast %get3A_8 : vector<1x32xf32> to vector<1024x32xf32>
    %add3A_9 = arith.addf %dot_general3A_5, %add3A : vector<1024x32xf32>
    %swap3A = arith.constant 0 : index
    %swap3A_10 = arith.constant 0 : index
    %swap3A_11 = vector.load %arg9[%swap3A, %swap3A_10] : memref<1024x32xf32, #tpu.memory_space<vmem>>, vector<1024x32xf32>
    tpu.vector_store %arg9[%swap3A, %swap3A_10], %add3A_9 {strides = array<i32>} : memref<1024x32xf32, #tpu.memory_space<vmem>>, vector<1024x32xf32>,
    %get3A_12 = arith.constant 0 : index
    %get3A_13 = arith.constant 0 : index
    %get3A_14 = arith.constant 0 : index
    %get3A_15 = vector.load %arg2[%get3A_12, %get3A_13, %get3A_14] : memref<2x1024x16xf32, #tpu.memory_space<vmem>>, vector<1x1024x1xf32>
    %get3A_16 = vector.shape_cast %get3A_15 : vector<1x1024x1xf32> to vector<1024x1xf32>
    %get3A_17 = arith.constant 1 : index
    %get3A_18 = arith.constant 0 : index
    %get3A_19 = arith.constant 0 : index
    %get3A_20 = vector.load %arg2[%get3A_17, %get3A_18, %get3A_19] : memref<2x1024x16xf32, #tpu.memory_space<vmem>>, vector<1x1024x1xf32>
    %get3A_21 = vector.shape_cast %get3A_20 : vector<1x1024x1xf32> to vector<1024x1xf32>
    %add3A_22 = arith.addf %get3A_16, %get3A_21 : vector<1024x1xf32>
    %get3A_23 = arith.constant 0 : index
    %get3A_24 = arith.constant 0 : index
    %get3A_25 = vector.load %arg5[%get3A_23, %get3A_24] : memref<4x64xf32, #tpu.memory_space<vmem>>, vector<1x64xf32>
    %mul3A = vector.broadcast %add3A_22 : vector<1024x1xf32> to vector<1024x64xf32>
    %mul3A_26 = vector.broadcast %get3A_25 : vector<1x64xf32> to vector<1024x64xf32>
    %mul3A_27 = arith.mulf %mul3A, %mul3A_26 : vector<1024x64xf32>
    %get3A_28 = arith.constant 0 : index
    %get3A_29 = arith.constant 0 : index
    %get3A_30 = vector.load %arg6[%get3A_28, %get3A_29] : memref<4x64xf32, #tpu.memory_space<vmem>>, vector<1x64xf32>
    %add3A_31 = vector.broadcast %get3A_30 : vector<1x64xf32> to vector<1024x64xf32>
    %add3A_32 = arith.addf %mul3A_27, %add3A_31 : vector<1024x64xf32>
    %max3A = arith.constant 0.000000e+00 : f32
    %max3A_33 = vector.broadcast %max3A : f32 to vector<1024x64xf32>
    %max3A_34 = arith.maximumf %add3A_32, %max3A_33 : vector<1024x64xf32>
    %get3A_35 = arith.constant 0 : index
    %get3A_36 = arith.constant 0 : index
    %get3A_37 = arith.constant 0 : index
    %get3A_38 = vector.load %arg7[%get3A_35, %get3A_36, %get3A_37] : memref<4x64x32xf32, #tpu.memory_space<vmem>>, vector<1x64x32xf32>
    %get3A_39 = vector.shape_cast %get3A_38 : vector<1x64x32xf32> to vector<64x32xf32>
    %dot_general3A_40 = arith.constant dense<0.000000e+00> : vector<1024x32xf32>
    %dot_general3A_41 = tpu.matmul %max3A_34, %get3A_39, %dot_general3A_40 {dimension_numbers = #tpu.dot_dimension_numbers<[1], [0], [0], [1], [0, 0, 1, 1], [], []>, transpose_lhs_hint = false} : vector<1024x64xf32>, vector<64x32xf32>, vector<1024x32xf32> -> vector<1024x32xf32>
    %get3A_42 = arith.constant 0 : index
    %get3A_43 = arith.constant 0 : index
    %get3A_44 = vector.load %arg8[%get3A_42, %get3A_43] : memref<4x32xf32, #tpu.memory_space<vmem>>, vector<1x32xf32>
    %add3A_45 = vector.broadcast %get3A_44 : vector<1x32xf32> to vector<1024x32xf32>
    %add3A_46 = arith.addf %dot_general3A_41, %add3A_45 : vector<1024x32xf32>
    %swap3A_47 = arith.constant 0 : index
    %swap3A_48 = arith.constant 0 : index
    %swap3A_49 = vector.load %arg10[%swap3A_47, %swap3A_48] : memref<1024x32xf32, #tpu.memory_space<vmem>>, vector<1024x32xf32>
    tpu.vector_store %arg10[%swap3A_47, %swap3A_48], %add3A_46 {strides = array<i32>} : memref<1024x32xf32, #tpu.memory_space<vmem>>, vector<1024x32xf32>,
    %get3A_50 = arith.constant 1 : index
    %get3A_51 = arith.constant 0 : index
    %get3A_52 = vector.load %arg5[%get3A_50, %get3A_51] : memref<4x64xf32, #tpu.memory_space<vmem>>, vector<1x64xf32>
    %mul3A_53 = vector.broadcast %add3A_22 : vector<1024x1xf32> to vector<1024x64xf32>
    %mul3A_54 = vector.broadcast %get3A_52 : vector<1x64xf32> to vector<1024x64xf32>
    %mul3A_55 = arith.mulf %mul3A_53, %mul3A_54 : vector<1024x64xf32>
    %get3A_56 = arith.constant 1 : index
    %get3A_57 = arith.constant 0 : index
    %get3A_58 = vector.load %arg6[%get3A_56, %get3A_57] : memref<4x64xf32, #tpu.memory_space<vmem>>, vector<1x64xf32>
    %add3A_59 = vector.broadcast %get3A_58 : vector<1x64xf32> to vector<1024x64xf32>
    %add3A_60 = arith.addf %mul3A_55, %add3A_59 : vector<1024x64xf32>
    %max3A_61 = arith.constant 0.000000e+00 : f32
    %max3A_62 = vector.broadcast %max3A_61 : f32 to vector<1024x64xf32>
    %max3A_63 = arith.maximumf %add3A_60, %max3A_62 : vector<1024x64xf32>
    %get3A_64 = arith.constant 1 : index
    %get3A_65 = arith.constant 0 : index
    %get3A_66 = arith.constant 0 : index
    %get3A_67 = vector.load %arg7[%get3A_64, %get3A_65, %get3A_66] : memref<4x64x32xf32, #tpu.memory_space<vmem>>, vector<1x64x32xf32>
    %get3A_68 = vector.shape_cast %get3A_67 : vector<1x64x32xf32> to vector<64x32xf32>
    %dot_general3A_69 = arith.constant dense<0.000000e+00> : vector<1024x32xf32>
    %dot_general3A_70 = tpu.matmul %max3A_63, %get3A_68, %dot_general3A_69 {dimension_numbers = #tpu.dot_dimension_numbers<[1], [0], [0], [1], [0, 0, 1, 1], [], []>, transpose_lhs_hint = false} : vector<1024x64xf32>, vector<64x32xf32>, vector<1024x32xf32> -> vector<1024x32xf32>
    %get3A_71 = arith.constant 1 : index
    %get3A_72 = arith.constant 0 : index
    %get3A_73 = vector.load %arg8[%get3A_71, %get3A_72] : memref<4x32xf32, #tpu.memory_space<vmem>>, vector<1x32xf32>
    %add3A_74 = vector.broadcast %get3A_73 : vector<1x32xf32> to vector<1024x32xf32>
    %add3A_75 = arith.addf %dot_general3A_70, %add3A_74 : vector<1024x32xf32>
    %swap3A_76 = arith.constant 0 : index
    %swap3A_77 = arith.constant 0 : index
    %swap3A_78 = vector.load %arg11[%swap3A_76, %swap3A_77] : memref<1024x32xf32, #tpu.memory_space<vmem>>, vector<1024x32xf32>
    tpu.vector_store %arg11[%swap3A_76, %swap3A_77], %add3A_75 {strides = array<i32>} : memref<1024x32xf32, #tpu.memory_space<vmem>>, vector<1024x32xf32>,
    %get3A_79 = arith.constant 2 : index
    %get3A_80 = arith.constant 0 : index
    %get3A_81 = vector.load %arg5[%get3A_79, %get3A_80] : memref<4x64xf32, #tpu.memory_space<vmem>>, vector<1x64xf32>
    %mul3A_82 = vector.broadcast %add3A_22 : vector<1024x1xf32> to vector<1024x64xf32>
    %mul3A_83 = vector.broadcast %get3A_81 : vector<1x64xf32> to vector<1024x64xf32>
    %mul3A_84 = arith.mulf %mul3A_82, %mul3A_83 : vector<1024x64xf32>
    %get3A_85 = arith.constant 2 : index
    %get3A_86 = arith.constant 0 : index
    %get3A_87 = vector.load %arg6[%get3A_85, %get3A_86] : memref<4x64xf32, #tpu.memory_space<vmem>>, vector<1x64xf32>
    %add3A_88 = vector.broadcast %get3A_87 : vector<1x64xf32> to vector<1024x64xf32>
    %add3A_89 = arith.addf %mul3A_84, %add3A_88 : vector<1024x64xf32>
    %max3A_90 = arith.constant 0.000000e+00 : f32
    %max3A_91 = vector.broadcast %max3A_90 : f32 to vector<1024x64xf32>
    %max3A_92 = arith.maximumf %add3A_89, %max3A_91 : vector<1024x64xf32>
    %get3A_93 = arith.constant 2 : index
    %get3A_94 = arith.constant 0 : index
    %get3A_95 = arith.constant 0 : index
    %get3A_96 = vector.load %arg7[%get3A_93, %get3A_94, %get3A_95] : memref<4x64x32xf32, #tpu.memory_space<vmem>>, vector<1x64x32xf32>
    %get3A_97 = vector.shape_cast %get3A_96 : vector<1x64x32xf32> to vector<64x32xf32>
    %dot_general3A_98 = arith.constant dense<0.000000e+00> : vector<1024x32xf32>
    %dot_general3A_99 = tpu.matmul %max3A_92, %get3A_97, %dot_general3A_98 {dimension_numbers = #tpu.dot_dimension_numbers<[1], [0], [0], [1], [0, 0, 1, 1], [], []>, transpose_lhs_hint = false} : vector<1024x64xf32>, vector<64x32xf32>, vector<1024x32xf32> -> vector<1024x32xf32>
    %get3A_100 = arith.constant 2 : index
    %get3A_101 = arith.constant 0 : index
    %get3A_102 = vector.load %arg8[%get3A_100, %get3A_101] : memref<4x32xf32, #tpu.memory_space<vmem>>, vector<1x32xf32>
    %add3A_103 = vector.broadcast %get3A_102 : vector<1x32xf32> to vector<1024x32xf32>
    %add3A_104 = arith.addf %dot_general3A_99, %add3A_103 : vector<1024x32xf32>
    %swap3A_105 = arith.constant 0 : index
    %swap3A_106 = arith.constant 0 : index
    %swap3A_107 = vector.load %arg12[%swap3A_105, %swap3A_106] : memref<1024x32xf32, #tpu.memory_space<vmem>>, vector<1024x32xf32>
    tpu.vector_store %arg12[%swap3A_105, %swap3A_106], %add3A_104 {strides = array<i32>} : memref<1024x32xf32, #tpu.memory_space<vmem>>, vector<1024x32xf32>,
    %get3A_108 = arith.constant 3 : index
    %get3A_109 = arith.constant 0 : index
    %get3A_110 = vector.load %arg5[%get3A_108, %get3A_109] : memref<4x64xf32, #tpu.memory_space<vmem>>, vector<1x64xf32>
    %mul3A_111 = vector.broadcast %add3A_22 : vector<1024x1xf32> to vector<1024x64xf32>
    %mul3A_112 = vector.broadcast %get3A_110 : vector<1x64xf32> to vector<1024x64xf32>
    %mul3A_113 = arith.mulf %mul3A_111, %mul3A_112 : vector<1024x64xf32>
    %get3A_114 = arith.constant 3 : index
    %get3A_115 = arith.constant 0 : index
    %get3A_116 = vector.load %arg6[%get3A_114, %get3A_115] : memref<4x64xf32, #tpu.memory_space<vmem>>, vector<1x64xf32>
    %add3A_117 = vector.broadcast %get3A_116 : vector<1x64xf32> to vector<1024x64xf32>
    %add3A_118 = arith.addf %mul3A_113, %add3A_117 : vector<1024x64xf32>
    %max3A_119 = arith.constant 0.000000e+00 : f32
    %max3A_120 = vector.broadcast %max3A_119 : f32 to vector<1024x64xf32>
    %max3A_121 = arith.maximumf %add3A_118, %max3A_120 : vector<1024x64xf32>
    %get3A_122 = arith.constant 3 : index
    %get3A_123 = arith.constant 0 : index
    %get3A_124 = arith.constant 0 : index
    %get3A_125 = vector.load %arg7[%get3A_122, %get3A_123, %get3A_124] : memref<4x64x32xf32, #tpu.memory_space<vmem>>, vector<1x64x32xf32>
    %get3A_126 = vector.shape_cast %get3A_125 : vector<1x64x32xf32> to vector<64x32xf32>
    %dot_general3A_127 = arith.constant dense<0.000000e+00> : vector<1024x32xf32>
    %dot_general3A_128 = tpu.matmul %max3A_121, %get3A_126, %dot_general3A_127 {dimension_numbers = #tpu.dot_dimension_numbers<[1], [0], [0], [1], [0, 0, 1, 1], [], []>, transpose_lhs_hint = false} : vector<1024x64xf32>, vector<64x32xf32>, vector<1024x32xf32> -> vector<1024x32xf32>
    %get3A_129 = arith.constant 3 : index
    %get3A_130 = arith.constant 0 : index
    %get3A_131 = vector.load %arg8[%get3A_129, %get3A_130] : memref<4x32xf32, #tpu.memory_space<vmem>>, vector<1x32xf32>
    %add3A_132 = vector.broadcast %get3A_131 : vector<1x32xf32> to vector<1024x32xf32>
    %add3A_133 = arith.addf %dot_general3A_128, %add3A_132 : vector<1024x32xf32>
    %swap3A_134 = arith.constant 0 : index
    %swap3A_135 = arith.constant 0 : index
    %swap3A_136 = vector.load %arg13[%swap3A_134, %swap3A_135] : memref<1024x32xf32, #tpu.memory_space<vmem>>, vector<1024x32xf32>
    tpu.vector_store %arg13[%swap3A_134, %swap3A_135], %add3A_133 {strides = array<i32>} : memref<1024x32xf32, #tpu.memory_space<vmem>>, vector<1024x32xf32>,
    return
  }
  func.func @transform_0(%arg0: i32) -> (i32, i32) {
    %c0_i32 = arith.constant 0 : i32
    %c0_i32_0 = arith.constant 0 : i32
    return %arg0, %c0_i32 : i32, i32
  }
  func.func @transform_1(%arg0: i32) -> (i32, i32, i32) {
    %c0_i32 = arith.constant 0 : i32
    %c0_i32_0 = arith.constant 0 : i32
    %c0_i32_1 = arith.constant 0 : i32
    return %c0_i32, %arg0, %c0_i32_0 : i32, i32, i32
  }
  func.func @transform_2(%arg0: i32) -> (i32, i32) {
    %c0_i32 = arith.constant 0 : i32
    %c0_i32_0 = arith.constant 0 : i32
    %c0_i32_1 = arith.constant 0 : i32
    return %c0_i32, %c0_i32_0 : i32, i32
  }
  func.func @transform_3(%arg0: i32) -> (i32, i32) {
    %c0_i32 = arith.constant 0 : i32
    %c0_i32_0 = arith.constant 0 : i32
    %c0_i32_1 = arith.constant 0 : i32
    return %c0_i32, %c0_i32_0 : i32, i32
  }
  func.func @transform_4(%arg0: i32) -> (i32, i32) {
    %c0_i32 = arith.constant 0 : i32
    %c0_i32_0 = arith.constant 0 : i32
    %c0_i32_1 = arith.constant 0 : i32
    return %c0_i32, %c0_i32_0 : i32, i32
  }
  func.func @transform_5(%arg0: i32) -> (i32, i32) {
    %c0_i32 = arith.constant 0 : i32
    %c0_i32_0 = arith.constant 0 : i32
    %c0_i32_1 = arith.constant 0 : i32
    return %c0_i32, %c0_i32_0 : i32, i32
  }
  func.func @transform_6(%arg0: i32) -> (i32, i32, i32) {
    %c0_i32 = arith.constant 0 : i32
    %c0_i32_0 = arith.constant 0 : i32
    %c0_i32_1 = arith.constant 0 : i32
    %c0_i32_2 = arith.constant 0 : i32
    return %c0_i32, %c0_i32_0, %c0_i32_1 : i32, i32, i32
  }
  func.func @transform_7(%arg0: i32) -> (i32, i32) {
    %c0_i32 = arith.constant 0 : i32
    %c0_i32_0 = arith.constant 0 : i32
    %c0_i32_1 = arith.constant 0 : i32
    return %c0_i32, %c0_i32_0 : i32, i32
  }
  func.func @transform_8(%arg0: i32) -> (i32, i32) {
    %c0_i32 = arith.constant 0 : i32
    %c0_i32_0 = arith.constant 0 : i32
    return %arg0, %c0_i32 : i32, i32
  }
  func.func @transform_9(%arg0: i32) -> (i32, i32) {
    %c0_i32 = arith.constant 0 : i32
    %c0_i32_0 = arith.constant 0 : i32
    return %arg0, %c0_i32 : i32, i32
  }
  func.func @transform_10(%arg0: i32) -> (i32, i32) {
    %c0_i32 = arith.constant 0 : i32
    %c0_i32_0 = arith.constant 0 : i32
    return %arg0, %c0_i32 : i32, i32
  }
  func.func @transform_11(%arg0: i32) -> (i32, i32) {
    %c0_i32 = arith.constant 0 : i32
    %c0_i32_0 = arith.constant 0 : i32
    return %arg0, %c0_i32 : i32, i32
  }
  func.func @transform_12(%arg0: i32) -> (i32, i32) {
    %c0_i32 = arith.constant 0 : i32
    %c0_i32_0 = arith.constant 0 : i32
    return %arg0, %c0_i32 : i32, i32
  }
}

module attributes {stable_mosaic.version = 14 : i64} {
  func.func @_mm_body(%arg0: i32, %arg1: memref<1024x512xf32, #tpu.memory_space<vmem>>, %arg2: memref<1024x16xf32, #tpu.memory_space<vmem>>, %arg3: memref<1024x16xf32, #tpu.memory_space<vmem>>, %arg4: memref<1024x1xf32, #tpu.memory_space<vmem>>, %arg5: memref<512x32xf32, #tpu.memory_space<vmem>>, %arg6: memref<16x32xf32, #tpu.memory_space<vmem>>, %arg7: memref<1x32xf32, #tpu.memory_space<vmem>>, %arg8: memref<16x512xf32, #tpu.memory_space<vmem>>, %arg9: memref<1024x32xf32, #tpu.memory_space<vmem>>) attributes {dimension_semantics = [#tpu.dimension_semantics<arbitrary>], iteration_bounds = array<i64: 50>, scalar_prefetch = 0 : i64, scratch_operands = 0 : i64, tpu.core_type = #tpu.core_type<tc>, window_params = [{transform_indices = @transform_0, window_bounds = array<i64: 1024, 512>}, {transform_indices = @transform_1, window_bounds = array<i64: 1024, 16>}, {transform_indices = @transform_2, window_bounds = array<i64: 1024, 16>}, {transform_indices = @transform_3, window_bounds = array<i64: 1024, 1>}, {pipeline_mode = #tpu.pipeline_mode<synchronous>, transform_indices = @transform_4, window_bounds = array<i64: 512, 32>}, {pipeline_mode = #tpu.pipeline_mode<synchronous>, transform_indices = @transform_5, window_bounds = array<i64: 16, 32>}, {pipeline_mode = #tpu.pipeline_mode<synchronous>, transform_indices = @transform_6, window_bounds = array<i64: 1, 32>}, {pipeline_mode = #tpu.pipeline_mode<synchronous>, transform_indices = @transform_7, window_bounds = array<i64: 16, 512>}, {transform_indices = @transform_8, window_bounds = array<i64: 1024, 32>}]} {
    %get3A = arith.constant 0 : index
    %get3A_0 = arith.constant 0 : index
    %get3A_1 = vector.load %arg2[%get3A, %get3A_0] : memref<1024x16xf32, #tpu.memory_space<vmem>>, vector<1024x16xf32>
    %get3A_2 = arith.constant 0 : index
    %get3A_3 = arith.constant 0 : index
    %get3A_4 = vector.load %arg8[%get3A_2, %get3A_3] : memref<16x512xf32, #tpu.memory_space<vmem>>, vector<16x512xf32>
    %dot_general3A = arith.constant dense<0.000000e+00> : vector<1024x512xf32>
    %dot_general3A_5 = tpu.matmul %get3A_1, %get3A_4, %dot_general3A {dimension_numbers = #tpu.dot_dimension_numbers<[1], [0], [0], [1], [0, 0, 1, 1], [], []>, transpose_lhs_hint = false} : vector<1024x16xf32>, vector<16x512xf32>, vector<1024x512xf32> -> vector<1024x512xf32>
    %get3A_6 = arith.constant 0 : index
    %get3A_7 = arith.constant 0 : index
    %get3A_8 = vector.load %arg1[%get3A_6, %get3A_7] : memref<1024x512xf32, #tpu.memory_space<vmem>>, vector<1024x512xf32>
    %mul3A = arith.mulf %get3A_8, %dot_general3A_5 : vector<1024x512xf32>
    %get3A_9 = arith.constant 0 : index
    %get3A_10 = arith.constant 0 : index
    %get3A_11 = vector.load %arg5[%get3A_9, %get3A_10] : memref<512x32xf32, #tpu.memory_space<vmem>>, vector<512x32xf32>
    %dot_general3A_12 = arith.constant dense<0.000000e+00> : vector<1024x32xf32>
    %dot_general3A_13 = tpu.matmul %mul3A, %get3A_11, %dot_general3A_12 {dimension_numbers = #tpu.dot_dimension_numbers<[1], [0], [0], [1], [0, 0, 1, 1], [], []>, transpose_lhs_hint = false} : vector<1024x512xf32>, vector<512x32xf32>, vector<1024x32xf32> -> vector<1024x32xf32>
    %get3A_14 = arith.constant 0 : index
    %get3A_15 = arith.constant 0 : index
    %get3A_16 = vector.load %arg3[%get3A_14, %get3A_15] : memref<1024x16xf32, #tpu.memory_space<vmem>>, vector<1024x16xf32>
    %get3A_17 = arith.constant 0 : index
    %get3A_18 = arith.constant 0 : index
    %get3A_19 = vector.load %arg6[%get3A_17, %get3A_18] : memref<16x32xf32, #tpu.memory_space<vmem>>, vector<16x32xf32>
    %dot_general3A_20 = arith.constant dense<0.000000e+00> : vector<1024x32xf32>
    %dot_general3A_21 = tpu.matmul %get3A_16, %get3A_19, %dot_general3A_20 {dimension_numbers = #tpu.dot_dimension_numbers<[1], [0], [0], [1], [0, 0, 1, 1], [], []>, transpose_lhs_hint = false} : vector<1024x16xf32>, vector<16x32xf32>, vector<1024x32xf32> -> vector<1024x32xf32>
    %add3A = arith.addf %dot_general3A_13, %dot_general3A_21 : vector<1024x32xf32>
    %get3A_22 = arith.constant 0 : index
    %get3A_23 = arith.constant 0 : index
    %get3A_24 = vector.load %arg7[%get3A_22, %get3A_23] : memref<1x32xf32, #tpu.memory_space<vmem>>, vector<1x32xf32>
    %add3A_25 = vector.broadcast %get3A_24 : vector<1x32xf32> to vector<1024x32xf32>
    %add3A_26 = arith.addf %add3A, %add3A_25 : vector<1024x32xf32>
    %max3A = arith.constant 0.000000e+00 : f32
    %max3A_27 = vector.broadcast %max3A : f32 to vector<1024x32xf32>
    %max3A_28 = arith.maximumf %add3A_26, %max3A_27 : vector<1024x32xf32>
    %get3A_29 = arith.constant 0 : index
    %get3A_30 = arith.constant 0 : index
    %get3A_31 = vector.load %arg4[%get3A_29, %get3A_30] : memref<1024x1xf32, #tpu.memory_space<vmem>>, vector<1024x1xf32>
    %mul3A_32 = vector.broadcast %get3A_31 : vector<1024x1xf32> to vector<1024x32xf32>
    %mul3A_33 = arith.mulf %max3A_28, %mul3A_32 : vector<1024x32xf32>
    %mul3A_34 = arith.constant 1024 : i32
    %mul3A_35 = arith.muli %arg0, %mul3A_34 : i32
    %iota3A = tpu.iota {dimensions = array<i32: 0>} : vector<1024x32xi32>
    %add3A_36 = vector.broadcast %mul3A_35 : i32 to vector<1024x32xi32>
    %add3A_37 = arith.addi %add3A_36, %iota3A : vector<1024x32xi32>
    %lt3A = arith.constant 50000 : i32
    %lt3A_38 = vector.broadcast %lt3A : i32 to vector<1024x32xi32>
    %lt3A_39 = arith.cmpi slt, %add3A_37, %lt3A_38 : vector<1024x32xi32>
    %jit3A = arith.constant 0.000000e+00 : f32
    %broadcast_in_dim3A = vector.broadcast %jit3A : f32 to vector<1024x32xf32>
    %select_n3A = arith.select %lt3A_39, %mul3A_33, %broadcast_in_dim3A : vector<1024x32xi1>, vector<1024x32xf32>
    %swap3A = arith.constant 0 : index
    %swap3A_40 = arith.constant 0 : index
    %swap3A_41 = vector.load %arg9[%swap3A, %swap3A_40] : memref<1024x32xf32, #tpu.memory_space<vmem>>, vector<1024x32xf32>
    tpu.vector_store %arg9[%swap3A, %swap3A_40], %select_n3A {strides = array<i32>} : memref<1024x32xf32, #tpu.memory_space<vmem>>, vector<1024x32xf32>,
    return
  }
  func.func @transform_0(%arg0: i32) -> (i32, i32) {
    %min3A = arith.constant 48 : i32
    %min3A_0 = arith.minsi %arg0, %min3A : i32
    %c0_i32 = arith.constant 0 : i32
    %c0_i32_1 = arith.constant 0 : i32
    return %min3A_0, %c0_i32 : i32, i32
  }
  func.func @transform_1(%arg0: i32) -> (i32, i32) {
    %min3A = arith.constant 48 : i32
    %min3A_0 = arith.minsi %arg0, %min3A : i32
    %c0_i32 = arith.constant 0 : i32
    %c0_i32_1 = arith.constant 0 : i32
    return %min3A_0, %c0_i32 : i32, i32
  }
  func.func @transform_2(%arg0: i32) -> (i32, i32) {
    %min3A = arith.constant 48 : i32
    %min3A_0 = arith.minsi %arg0, %min3A : i32
    %c0_i32 = arith.constant 0 : i32
    %c0_i32_1 = arith.constant 0 : i32
    return %min3A_0, %c0_i32 : i32, i32
  }
  func.func @transform_3(%arg0: i32) -> (i32, i32) {
    %min3A = arith.constant 48 : i32
    %min3A_0 = arith.minsi %arg0, %min3A : i32
    %c0_i32 = arith.constant 0 : i32
    %c0_i32_1 = arith.constant 0 : i32
    return %min3A_0, %c0_i32 : i32, i32
  }
  func.func @transform_4(%arg0: i32) -> (i32, i32) {
    %c0_i32 = arith.constant 0 : i32
    %c0_i32_0 = arith.constant 0 : i32
    %c0_i32_1 = arith.constant 0 : i32
    return %c0_i32, %c0_i32_0 : i32, i32
  }
  func.func @transform_5(%arg0: i32) -> (i32, i32) {
    %c0_i32 = arith.constant 0 : i32
    %c0_i32_0 = arith.constant 0 : i32
    %c0_i32_1 = arith.constant 0 : i32
    return %c0_i32, %c0_i32_0 : i32, i32
  }
  func.func @transform_6(%arg0: i32) -> (i32, i32) {
    %c0_i32 = arith.constant 0 : i32
    %c0_i32_0 = arith.constant 0 : i32
    %c0_i32_1 = arith.constant 0 : i32
    return %c0_i32, %c0_i32_0 : i32, i32
  }
  func.func @transform_7(%arg0: i32) -> (i32, i32) {
    %c0_i32 = arith.constant 0 : i32
    %c0_i32_0 = arith.constant 0 : i32
    %c0_i32_1 = arith.constant 0 : i32
    return %c0_i32, %c0_i32_0 : i32, i32
  }
  func.func @transform_8(%arg0: i32) -> (i32, i32) {
    %c0_i32 = arith.constant 0 : i32
    %c0_i32_0 = arith.constant 0 : i32
    return %arg0, %c0_i32 : i32, i32
  }
}

</mosaic_0001>

<sc_bundles>
// kernel: kernel.16.cloned.1.call-start
scs
__scs_entry_jumppad:
0x0: {  	(pc) =	sbr.rel $0x88, $3  }
0x1: {  	(tag) =	ssettag $0x0;
	lr =	simm.s32 $0x1  }
0x2: {  	[smem:$0x3F90] =	sst lr;
	_ =	strace $0xD0000000  }
0x3: {  	_ = 	snop  }
0x4: {  	_ = 	snop  }
0x5: {  	_ = 	snop  }
0x6: {  	_ = 	snop  }
0x7: {  	_ = 	snop  }
__scs_overlays_trampoline_lowered:
0x8: {  	[smem:$0x3F9F] =	sst s0  }
0x9: {  	[smem:$0x3FA0] =	sst s1  }
0xa: {  	[smem:$0x3FA1] =	sst s2  }
0xb: {  	[smem:$0x3FA2] =	sst s3  }
0xc: {  	[smem:$0x3FA3] =	sst s4  }
0xd: {  	[smem:$0x3FA4] =	sst s5  }
0xe: {  	[smem:$0x3FA5] =	sst s6  }
0xf: {  	[smem:$0x3FA6] =	sst s7  }
0x10: {  	[smem:$0x3FA7] =	sst s8  }
0x11: {  	[smem:$0x3FA8] =	sst s9;
	s0 =	simm.s32 @!p0 $0x0  }
0x12: {  	s1 =	sld [smem:$0x3F8E];
	s0 =	simm.s32 @p0 $0x1  }
0x13: {  	[smem:$0x3FA9] =	sst s0;
	s0 =	simm.s32 @!p1 $0x0  }
0x14: {  	s2 =	sld [smem:$0x3F8D];
	s0 =	simm.s32 @p1 $0x1  }
0x15: {  	[smem:$0x3FAA] =	sst s0;
	s0 =	simm.s32 @!p2 $0x0  }
0x16: {  	s3 =	sld [smem:$0x3FDB];
	s0 =	simm.s32 @p2 $0x1  }
0x17: {  	s4 =	simm.s32 $0x1BF5;
	[smem:$0x3FAC] =	sst s0  }
0x18: {  	s0 =	sld [smem:$0x3F8F];
	_ =	swait.ge [sflag:s4], $0x0  }
0x19: {  	s7 =	sld [smem:$0x3F90]  }
0x1a: {  	s8 =	sadd.s32 $0xFFFFE003, lr  }
0x1b: {  	s9 =	sadd.s32 $0xFFFFFEF7, lr;
	s5 =	simm.s32 $0xFFFFFFFF;
	p2 =	slt.u32 s8, $0xFFFFF086  }
0x1c: {  	p1 =	slt.u32 s9, $0xF7A;
	s5 =	simm.s32 @!p2 $0x0  }
0x1d: {  	s5 =	simm.s32 @p1 $0x1;
	p0 =	seq.s32 s7, s2  }
0x1e: {  	s7 =	smul.u32 @!p0 $0xF7A, s2;
	p2 =	seq.s32 @!p0 s5, $0x0  }
0x1f: {  	s9 =	smul.u32 $0xF7A, s1;
	s8 =	simm.s32 @!p0 $0x1BF5;
	p2 =	por !p2, p0  }
0x20: {  	[sflag:s8] =	ssyncset.s32 @!p0 $0xFFFFF086;
	s6 =	sadd.s32 @!p0 s3, s7;
	s7 =	simm.s32 @!p0 $0x108  }
0x21: {  	s3 =	sadd.s32 s3, s9;
	s6 =	sadd.s32 @!p0 $0x88, s6;
	s7 =	simm.s32 @p2 $0x1082  }
0x22: {  	[simem:s7], [sflag:s8] =	dma.local @!p0 [hbm:s6], $0xF7A  }
0x23: {  	s9 =	sor.u32 $0xD0000000, s2;
	s6 =	simm.s32 $0x108;
	_ =	swait.ge @!p0 [sflag:s8], $0x0  }
0x24: {  	s3 =	sadd.s32 $0x88, s3;
	s6 =	simm.s32 @!p1 $0x1082;
	[sflag:s4] =	ssyncset.s32 $0xFFFFF086  }
0x25: {  	[simem:s6], [sflag:s4] =	dma.local [hbm:s3], $0xF7A  }
0x26: {  	[smem:$0x3F90] =	sst s1;
	(tag) =	ssettag s2;
	_ =	strace s9  }
0x27: {  	s1 =	sld [smem:$0x3FA0]  }
0x28: {  	s2 =	sld [smem:$0x3FA1]  }
0x29: {  	s4 =	sld [smem:$0x3FA3]  }
0x2a: {  	p0 =	seq.s32 s5, $0x0;
	s5 =	sld [smem:$0x3FA4]  }
0x2b: {  	s6 =	sld [smem:$0x3FA5]  }
0x2c: {  	s7 =	sld [smem:$0x3FA6]  }
0x2d: {  	s3 =	simm.s32 $0x108;
	s8 =	sld [smem:$0x3FA7]  }
0x2e: {  	s3 =	simm.s32 @!p0 $0x1082;
	s9 =	sld [smem:$0x3FA8]  }
0x2f: {  	lr =	sadd.s32 s0, s3;
	s0 =	sld [smem:$0x3F9F]  }
0x30: {  	s3 =	sld [smem:$0x3FA2]  }
0x31: {  	[smem:$0x3FAB] =	sst s10  }
0x32: {  	s10 =	sld [smem:$0x3FA9];
	_ =	sdelay $0x3  }
0x33: {  	p0 =	seq.s32 s10, $0x1;
	s10 =	sld [smem:$0x3FAB];
	_ =	sdelay $0x3  }
0x34: {  	[smem:$0x3FAB] =	sst s10  }
0x35: {  	s10 =	sld [smem:$0x3FAA];
	_ =	sdelay $0x3  }
0x36: {  	p1 =	seq.s32 s10, $0x1;
	s10 =	sld [smem:$0x3FAB];
	_ =	sdelay $0x3  }
0x37: {  	[smem:$0x3FAB] =	sst s10  }
0x38: {  	s10 =	sld [smem:$0x3FAC]  }
0x39: {  	_ = 	snop;
	(pc) =	sbr.ind lr, $3  }
0x3a: {  	_ = 	snop  }
0x3b: {  	_ = 	snop  }
0x3c: {  	p2 =	seq.s32 s10, $0x1;
	s10 =	sld [smem:$0x3FAB]  }
0x3d: {  	_ =	shalt  }
0x3e: {  	_ =	shalt  }
0x3f: {  	_ =	shalt  }
0x40: {  	_ =	shalt  }
0x41: {  	_ =	shalt  }
0x42: {  	_ =	shalt  }
0x43: {  	_ =	shalt  }
0x44: {  	_ =	shalt  }
0x45: {  	_ =	shalt  }
0x46: {  	_ =	shalt  }
0x47: {  	_ =	shalt  }
0x48: {  	_ =	shalt  }
0x49: {  	_ =	shalt  }
0x4a: {  	_ =	shalt  }
0x4b: {  	_ =	shalt  }
0x4c: {  	_ =	shalt  }
0x4d: {  	_ =	shalt  }
0x4e: {  	_ =	shalt  }
0x4f: {  	_ =	shalt  }
0x50: {  	_ =	shalt  }
0x51: {  	_ =	shalt  }
0x52: {  	_ =	shalt  }
0x53: {  	_ =	shalt  }
0x54: {  	_ =	shalt  }
0x55: {  	_ =	shalt  }
0x56: {  	_ =	shalt  }
0x57: {  	_ =	shalt  }
0x58: {  	_ =	shalt  }
0x59: {  	_ =	shalt  }
0x5a: {  	_ =	shalt  }
0x5b: {  	_ =	shalt  }
0x5c: {  	_ =	shalt  }
0x5d: {  	_ =	shalt  }
0x5e: {  	_ =	shalt  }
0x5f: {  	_ =	shalt  }
0x60: {  	_ =	shalt  }
0x61: {  	_ =	shalt  }
0x62: {  	_ =	shalt  }
0x63: {  	_ =	shalt  }
0x64: {  	_ =	shalt  }
0x65: {  	_ =	shalt  }
0x66: {  	_ =	shalt  }
0x67: {  	_ =	shalt  }
0x68: {  	_ =	shalt  }
0x69: {  	_ =	shalt  }
0x6a: {  	_ =	shalt  }
0x6b: {  	_ =	shalt  }
0x6c: {  	_ =	shalt  }
0x6d: {  	_ =	shalt  }
0x6e: {  	_ =	shalt  }
0x6f: {  	_ =	shalt  }
0x70: {  	_ =	shalt  }
0x71: {  	_ =	shalt  }
0x72: {  	_ =	shalt  }
0x73: {  	_ =	shalt  }
0x74: {  	_ =	shalt  }
0x75: {  	_ =	shalt  }
0x76: {  	_ =	shalt  }
0x77: {  	_ =	shalt  }
0x78: {  	_ =	shalt  }
0x79: {  	_ =	shalt  }
0x7a: {  	_ =	shalt  }
0x7b: {  	_ =	shalt  }
0x7c: {  	_ =	shalt  }
0x7d: {  	_ =	shalt  }
0x7e: {  	_ =	shalt  }
0x7f: {  	_ =	shalt  }
0x80: {  	_ =	shalt  }
0x81: {  	_ =	shalt  }
0x82: {  	_ =	shalt  }
0x83: {  	_ =	shalt  }
0x84: {  	_ =	shalt  }
0x85: {  	_ =	shalt  }
0x86: {  	_ =	shalt  }
0x87: {  	_ =	shalt  }
.Lfunc_end0:
.L_simem_size_0:
called_computation_lowered:
.L_overlay_start_0:
0x88: {  	s2 =	sld [smem:$0x3FD9]  }
0x89: {  	s3 =	sld [smem:$0x3FFE];
	_ =	sdelay $0x1  }
0x8a: {  	s1 =	srdreg.scid  }
0x8b: {  	s0 =	sand.u32 $0x1, s1  }
0x8c: {  	s17 =	sshll.u32 s0, $0xA;
	s2 =	sadd.s32 s3, s2  }
0x8d: {  	s2 =	sadd.s32 s2, s17  }
0x8e: {  	[smem:$0x3FB7] =	sst s2  }
0x8f: {  	_ = 	snop  }
0x90: {  	s2 =	sld [smem:$0x3FD0];
	(tm) =	ssettm $0x1  }
0x91: {  	s18 =	sld [smem:$0x3FFB];
	_ =	sdelay $0x3  }
0x92: {  	_ =	strace s18  }
0x93: {  	s3 =	sld [smem:$0x3FFC];
	_ =	sdelay $0x3  }
0x94: {  	_ =	strace s3  }
0x95: {  	s3 =	sld [smem:$0x3FFD];
	_ =	sdelay $0x3  }
0x96: {  	_ =	strace s3  }
0x97: {  	_ =	strace $0x8FFFFFFF  }
0x98: {  	s19 =	sld [smem:$0x3FDB];
	_ =	sdelay $0x1  }
0x99: {  	s4 =	simm.s32 $_scs_section_size  }
0x9a: {  	s5 =	simm.s32 $_size__tile_overlayer_lowered;
	s6 =	simm.s32 $_tile_overlayer_lowered  }
0x9b: {  	s22 =	simm.s32 $0x1BFF;
	s21 =	sshll.u32 s6, $0x1;
	s3 =	sadd.s32 s4, s19  }
0x9c: {  	s7 =	simm.s32 $0x0;
	s20 =	sshll.u32 s5, $0x1;
	s5 =	sadd.s32 s21, s3  }
0x9d: {  	[timem:s7], [sflag:s22] =	dma.local [hbm:s5], s20  }
0x9e: {  	_ =	swait.ge [sflag:s22], s20  }
0x9f: {  	s4 =	ssub.s32 $0x0, s20;
	[sflag:s22] =	ssyncset.done $0x0  }
0xa0: {  	[sflag:s22] =	ssyncadd.s32 s4;
	_ =	sdelay $0x1  }
0xa1: {  	s23 =	simm.s32 $0x1B8B  }
0xa2: {  	_ =	swait.ge [sflag:s23], $0x1  }
0xa3: {  	[sflag:s23] =	ssyncset.done $0x0  }
0xa4: {  	s25 =	simm.s32 $0x1B8E;
	s24 =	sld [smem:$0x3FFE];
	[sflag:s23] =	ssyncadd.s32 $0xFFFFFFFF  }
0xa5: {  	s26 =	simm.s32 $execute0_lowered;
	[smem:$0x3FD2] =	sst s25  }
0xa6: {  	s5 =	sshll.u32 s26, $0x1;
	_ =	strace $0x80000046;
	[dreg:$0x1] =	wrdreg $0xFFFFFFFF  }
0xa7: {  	s28 =	simm.s32 $_size_execute0_lowered;
	s3 =	sadd.s32 s3, s5;
	[dreg:$0x0] =	wrdreg $0x0  }
0xa8: {  	s5 =	sshll.u32 s28, $0x1;
	[dreg:$0x2] =	wrdreg s3  }
0xa9: {  	[dreg:$0x3] =	wrdreg s5  }
0xaa: {  	[dreg:$0x4] =	wrdreg $0xC0  }
0xab: {  	_ =	task [dreg:s7], $0x5FFFF  }
0xac: {  	[dreg:$0x1] =	wrdreg $0xFFFFFFFF  }
0xad: {  	[dreg:$0x0] =	wrdreg $0x60  }
0xae: {  	[dreg:$0x2] =	wrdreg s2  }
0xaf: {  	[dreg:$0x3] =	wrdreg s24  }
0xb0: {  	[dreg:$0x4] =	wrdreg $0x0  }
0xb1: {  	[dreg:$0x5] =	wrdreg $0x9  }
0xb2: {  	_ =	task.clear_ibuf [dreg:s7], $0x6FFFF;
	_ =	strace $0x90000046  }
0xb3: {  	s29 =	simm.s32 $0x9;
	_ =	strace $0x80000048  }
0xb4: {  	_ =	swait.ge [sflag:s29], $0x1  }
0xb5: {  	[sflag:s29] =	ssyncadd.s32 $0xFFFFFFFF  }
0xb6: {  	_ =	strace $0x90000048  }
0xb7: {  	_ =	sfence  }
0xb8: {  	s30 =	sld [smem:$0x0];
	_ =	sdelay $0x2  }
0xb9: {  	s31 =	sshll.u32 s1, $0xD;
	s1 =	sshrl.u32 s1, $0x2  }
0xba: {  	s3 =	sand.u32 $0x4000, s31;
	s1 =	sadd.s32 s1, s30  }
0xbb: {  	s0 =	sor.u32 s3, s0;
	s1 =	sshll.u32 s1, $0x11  }
0xbc: {  	s0 =	sor.u32 s1, s0  }
0xbd: {  	s0 =	sadd.s32 $0x8F2B, s0  }
0xbe: {  	[sflag:s0] =	ssyncadd.remote.s32 $0x1  }
0xbf: {  	_ =	sfence.sel $0xFFFF  }
0xc0: {  	[dreg:$0x0] =	wrdreg $0xFFFFFFFF;
	(pc) =	sbr.abs _section_cstart, $3  }
0xc1: {  	[dreg:$0x1] =	wrdreg $0xFFFFFFFF  }
0xc2: {  	_ =	task.clear_ibuf [dreg:s7], $0x2FFFF;
	_ =	strace $0x9FFFFFFF  }
0xc3: {  	(tm) =	ssettm $0x7FFFFFFF  }
tec
execute0_lowered:
.L_overlay_start_1:
0x0: {  	(tag) =	ssettag $0x1  }
0x1: {  	s0 =	rddreg [dreg:$0x0]  }
0x2: {  	s1 =	srdreg.scid;
	s9 =	stileid.u32  }
0x3: {  	s4 =	rddreg [dreg:$0x1];
	s6 =	smul.u32 $0xC400, s9  }
0x4: {  	s2 =	rddreg [dreg:$0x2];
	s7 =	smul.u32 $0x31000, s9  }
0x5: {  	s3 =	simm.s32 $0x0;
	s1 =	sand.u32 $0x1, s1;
	s9 =	smul.u32 $0xC80, s9  }
0x6: {  	[smem:$0x7FF] =	sst s3;
	s5 =	smul.u32 $0xC4000, s1  }
0x7: {  	_ =	strace $0x80000047;
	s8 =	smul.u32 $0xC800, s1;
	s1 =	ssub.s32 $0x2, s1  }
0x8: {  	s7 =	sshrl.u32 s7, $0x2;
	s10 =	sshrl.u32 s1, $0x1;
	s11 =	sadd.s32 s6, s2  }
0x9: {  	s5 =	sadd.s32 s6, s5;
	s1 =	ssub.s32 s1, s10;
	s9 =	sadd.s32 s9, s8  }
0xa: {  	s6 =	simm.s32 $0x1;
	s8 =	simm.s32 $0x12800;
	s0 =	sadd.s32 s0, s9  }
0xb: {  	s5 =	sshrl.u32 s5, $0x3;
	s1 =	smax.u32 s1, $0x1;
	[dreg:$0x5] =	wrdreg s0  }
0xc: {  	s5 =	sadd.s32 s5, s4;
	s4 =	sadd.s32 s7, s2;
	[dreg:$0x7] =	wrdreg s1  }
0xd: {  	s7 =	sadd.s32 $0xC000, s4;
	s10 =	sadd.s32 $0xD600, s5;
	s24 =	sadd.s32 $0x800, s4  }
0xe: {  	s25 =	sadd.s32 $0x1000, s4;
	s26 =	sadd.s32 $0x1800, s4;
	s12 =	sadd.s32 $0x2000, s4  }
0xf: {  	s13 =	sadd.s32 $0x2800, s4;
	s14 =	sadd.s32 $0x3000, s4;
	s15 =	sadd.s32 $0x3800, s4  }
0x10: {  	s16 =	sadd.s32 $0x4000, s4;
	s17 =	sadd.s32 $0x4800, s4;
	s18 =	sadd.s32 $0x5000, s4  }
0x11: {  	s19 =	sadd.s32 $0x5800, s4;
	s20 =	sadd.s32 $0x6000, s4;
	s21 =	sadd.s32 $0x6800, s4  }
0x12: {  	s22 =	sadd.s32 $0x7000, s4;
	s23 =	sadd.s32 $0x7800, s4;
	[dreg:$0x4] =	wrdreg s7  }
0x13: {  	s28 =	sadd.s32 $0x9000, s4;
	s29 =	sadd.s32 $0x9800, s4;
	[dreg:$0x6] =	wrdreg s10  }
0x14: {  	s30 =	sadd.s32 $0xA000, s4;
	s31 =	sadd.s32 $0xA800, s4;
	[dreg:$0x8] =	wrdreg s24  }
0x15: {  	s1 =	sadd.s32 $0xB000, s4;
	s0 =	sadd.s32 $0xB800, s4;
	[dreg:$0x9] =	wrdreg s25  }
0x16: {  	s5 =	simm.s32 $0x13000;
	[dreg:$0xa] =	wrdreg s26;
	s24 =	sadd.s32 $0x8000, s4  }
0x17: {  	v0 =	vimm.f32 $1.000000000e+00;
	v1 =	vimm.f32 $0.0e+00;
	s25 =	sshrl.u32 s11, $0x3;
	s26 =	sadd.s32 $0x8800, s4;
	s7 =	simm.s32 $0x80  }
.LBB2_1:
0x18: {  	s9 =	simm.s32 $0x40;
	s10 =	simm.s32 $0x0  }
.LBB2_2:
0x19: {  	p0 =	sne.s32 s9, $0x1FC0;
	[tilespmem:s10+$0x12800] =	vst v0;
	s11 =	smov.u32 s9;
	s9 =	sadd.s32 $0x40, s9  }
.Ltmp0:
0x1a: {  	[tilespmem:s10+$0x13000] =	vst v1;
	(pc) =	sbr.rel @p0 .LBB2_2-.Ltmp0, $2  }
0x1b: {  	_ =	sdelay $0x2  }
0x1c: {  	s10 =	sshra.s32 s11, $0x2  }
0x1d: {  	[tilespmem:s10+$0x12800] =	vst v0  }
0x1e: {  	[tilespmem:s10+$0x13000] =	vst v1  }
0x1f: {  	[spmem:s4] =	stream.linear.scatter [tilespmem:s5], [sflag:$0x1], $0x800, $0x38;
	[tilespmem:$0x13800] =	vst v63  }
0x20: {  	_ =	swait.ge [sflag:s6], $0x800  }
0x21: {  	[sflag:s6] =	ssyncset.done $0x0  }
0x22: {  	s9 =	rddreg [dreg:$0x8];
	[sflag:s6] =	ssyncadd.s32 $0xFFFFF800  }
0x23: {  	[spmem:s9] =	stream.linear.scatter [tilespmem:s5], [sflag:$0x1], $0x800, $0x38;
	[tilespmem:$0x13800] =	vst v63  }
0x24: {  	_ =	swait.ge [sflag:s6], $0x800  }
0x25: {  	[sflag:s6] =	ssyncset.done $0x0  }
0x26: {  	s10 =	rddreg [dreg:$0x9];
	[sflag:s6] =	ssyncadd.s32 $0xFFFFF800  }
0x27: {  	[spmem:s10] =	stream.linear.scatter [tilespmem:s5], [sflag:$0x1], $0x800, $0x38;
	[tilespmem:$0x13800] =	vst v63  }
0x28: {  	_ =	swait.ge [sflag:s6], $0x800  }
0x29: {  	[sflag:s6] =	ssyncset.done $0x0  }
0x2a: {  	s11 =	rddreg [dreg:$0xa];
	[sflag:s6] =	ssyncadd.s32 $0xFFFFF800  }
0x2b: {  	[spmem:s11] =	stream.linear.scatter [tilespmem:s5], [sflag:$0x1], $0x800, $0x38;
	[tilespmem:$0x13800] =	vst v63  }
0x2c: {  	_ =	swait.ge [sflag:s6], $0x800  }
0x2d: {  	[sflag:s6] =	ssyncset.done $0x0  }
0x2e: {  	[sflag:s6] =	ssyncadd.s32 $0xFFFFF800  }
0x2f: {  	[spmem:s12] =	stream.linear.scatter [tilespmem:s5], [sflag:$0x1], $0x800, $0x38;
	[tilespmem:$0x13800] =	vst v63  }
0x30: {  	_ =	swait.ge [sflag:s6], $0x800  }
0x31: {  	[sflag:s6] =	ssyncset.done $0x0  }
0x32: {  	[sflag:s6] =	ssyncadd.s32 $0xFFFFF800  }
0x33: {  	[spmem:s13] =	stream.linear.scatter [tilespmem:s5], [sflag:$0x1], $0x800, $0x38;
	[tilespmem:$0x13800] =	vst v63  }
0x34: {  	_ =	swait.ge [sflag:s6], $0x800  }
0x35: {  	[sflag:s6] =	ssyncset.done $0x0  }
0x36: {  	[sflag:s6] =	ssyncadd.s32 $0xFFFFF800  }
0x37: {  	[spmem:s14] =	stream.linear.scatter [tilespmem:s5], [sflag:$0x1], $0x800, $0x38;
	[tilespmem:$0x13800] =	vst v63  }
0x38: {  	_ =	swait.ge [sflag:s6], $0x800  }
0x39: {  	[sflag:s6] =	ssyncset.done $0x0  }
0x3a: {  	[sflag:s6] =	ssyncadd.s32 $0xFFFFF800  }
0x3b: {  	[spmem:s15] =	stream.linear.scatter [tilespmem:s5], [sflag:$0x1], $0x800, $0x38;
	[tilespmem:$0x13800] =	vst v63  }
0x3c: {  	_ =	swait.ge [sflag:s6], $0x800  }
0x3d: {  	[sflag:s6] =	ssyncset.done $0x0  }
0x3e: {  	[sflag:s6] =	ssyncadd.s32 $0xFFFFF800  }
0x3f: {  	[spmem:s16] =	stream.linear.scatter [tilespmem:s5], [sflag:$0x1], $0x800, $0x38;
	[tilespmem:$0x13800] =	vst v63  }
0x40: {  	_ =	swait.ge [sflag:s6], $0x800  }
0x41: {  	[sflag:s6] =	ssyncset.done $0x0  }
0x42: {  	[sflag:s6] =	ssyncadd.s32 $0xFFFFF800  }
0x43: {  	[spmem:s17] =	stream.linear.scatter [tilespmem:s5], [sflag:$0x1], $0x800, $0x38;
	[tilespmem:$0x13800] =	vst v63  }
0x44: {  	_ =	swait.ge [sflag:s6], $0x800  }
0x45: {  	[sflag:s6] =	ssyncset.done $0x0  }
0x46: {  	[sflag:s6] =	ssyncadd.s32 $0xFFFFF800  }
0x47: {  	[spmem:s18] =	stream.linear.scatter [tilespmem:s5], [sflag:$0x1], $0x800, $0x38;
	[tilespmem:$0x13800] =	vst v63  }
0x48: {  	_ =	swait.ge [sflag:s6], $0x800  }
0x49: {  	[sflag:s6] =	ssyncset.done $0x0  }
0x4a: {  	[sflag:s6] =	ssyncadd.s32 $0xFFFFF800  }
0x4b: {  	[spmem:s19] =	stream.linear.scatter [tilespmem:s5], [sflag:$0x1], $0x800, $0x38;
	[tilespmem:$0x13800] =	vst v63  }
0x4c: {  	_ =	swait.ge [sflag:s6], $0x800  }
0x4d: {  	[sflag:s6] =	ssyncset.done $0x0  }
0x4e: {  	[sflag:s6] =	ssyncadd.s32 $0xFFFFF800  }
0x4f: {  	[spmem:s20] =	stream.linear.scatter [tilespmem:s5], [sflag:$0x1], $0x800, $0x38;
	[tilespmem:$0x13800] =	vst v63  }
0x50: {  	_ =	swait.ge [sflag:s6], $0x800  }
0x51: {  	[sflag:s6] =	ssyncset.done $0x0  }
0x52: {  	[sflag:s6] =	ssyncadd.s32 $0xFFFFF800  }
0x53: {  	[spmem:s21] =	stream.linear.scatter [tilespmem:s5], [sflag:$0x1], $0x800, $0x38;
	[tilespmem:$0x13800] =	vst v63  }
0x54: {  	_ =	swait.ge [sflag:s6], $0x800  }
0x55: {  	[sflag:s6] =	ssyncset.done $0x0  }
0x56: {  	[sflag:s6] =	ssyncadd.s32 $0xFFFFF800  }
0x57: {  	[spmem:s22] =	stream.linear.scatter [tilespmem:s5], [sflag:$0x1], $0x800, $0x38;
	[tilespmem:$0x13800] =	vst v63  }
0x58: {  	_ =	swait.ge [sflag:s6], $0x800  }
0x59: {  	[sflag:s6] =	ssyncset.done $0x0  }
0x5a: {  	[sflag:s6] =	ssyncadd.s32 $0xFFFFF800  }
0x5b: {  	[spmem:s23] =	stream.linear.scatter [tilespmem:s5], [sflag:$0x1], $0x800, $0x38;
	[tilespmem:$0x13800] =	vst v63  }
0x5c: {  	_ =	swait.ge [sflag:s6], $0x800  }
0x5d: {  	[sflag:s6] =	ssyncset.done $0x0  }
0x5e: {  	[sflag:s6] =	ssyncadd.s32 $0xFFFFF800  }
0x5f: {  	[spmem:s24] =	stream.linear.scatter [tilespmem:s5], [sflag:$0x1], $0x800, $0x38;
	[tilespmem:$0x13800] =	vst v63  }
0x60: {  	_ =	swait.ge [sflag:s6], $0x800  }
0x61: {  	[sflag:s6] =	ssyncset.done $0x0  }
0x62: {  	[sflag:s6] =	ssyncadd.s32 $0xFFFFF800  }
0x63: {  	[spmem:s26] =	stream.linear.scatter [tilespmem:s5], [sflag:$0x1], $0x800, $0x38;
	[tilespmem:$0x13800] =	vst v63  }
0x64: {  	_ =	swait.ge [sflag:s6], $0x800  }
0x65: {  	[sflag:s6] =	ssyncset.done $0x0  }
0x66: {  	[sflag:s6] =	ssyncadd.s32 $0xFFFFF800  }
0x67: {  	[spmem:s28] =	stream.linear.scatter [tilespmem:s5], [sflag:$0x1], $0x800, $0x38;
	[tilespmem:$0x13800] =	vst v63  }
0x68: {  	_ =	swait.ge [sflag:s6], $0x800  }
0x69: {  	[sflag:s6] =	ssyncset.done $0x0  }
0x6a: {  	[sflag:s6] =	ssyncadd.s32 $0xFFFFF800  }
0x6b: {  	[spmem:s29] =	stream.linear.scatter [tilespmem:s5], [sflag:$0x1], $0x800, $0x38;
	[tilespmem:$0x13800] =	vst v63  }
0x6c: {  	_ =	swait.ge [sflag:s6], $0x800  }
0x6d: {  	[sflag:s6] =	ssyncset.done $0x0  }
0x6e: {  	[sflag:s6] =	ssyncadd.s32 $0xFFFFF800  }
0x6f: {  	[spmem:s30] =	stream.linear.scatter [tilespmem:s5], [sflag:$0x1], $0x800, $0x38;
	[tilespmem:$0x13800] =	vst v63  }
0x70: {  	_ =	swait.ge [sflag:s6], $0x800  }
0x71: {  	[sflag:s6] =	ssyncset.done $0x0  }
0x72: {  	[sflag:s6] =	ssyncadd.s32 $0xFFFFF800  }
0x73: {  	[spmem:s31] =	stream.linear.scatter [tilespmem:s5], [sflag:$0x1], $0x800, $0x38;
	[tilespmem:$0x13800] =	vst v63  }
0x74: {  	_ =	swait.ge [sflag:s6], $0x800  }
0x75: {  	[sflag:s6] =	ssyncset.done $0x0  }
0x76: {  	[sflag:s6] =	ssyncadd.s32 $0xFFFFF800  }
0x77: {  	[spmem:s1] =	stream.linear.scatter [tilespmem:s5], [sflag:$0x1], $0x800, $0x38;
	[tilespmem:$0x13800] =	vst v63  }
0x78: {  	_ =	swait.ge [sflag:s6], $0x800  }
0x79: {  	[sflag:s6] =	ssyncset.done $0x0  }
0x7a: {  	[sflag:s6] =	ssyncadd.s32 $0xFFFFF800  }
0x7b: {  	[spmem:s0] =	stream.linear.scatter [tilespmem:s5], [sflag:$0x1], $0x800, $0x38;
	[tilespmem:$0x13800] =	vst v63  }
0x7c: {  	_ =	swait.ge [sflag:s6], $0x800  }
0x7d: {  	[sflag:s6] =	ssyncset.done $0x0  }
0x7e: {  	s10 =	rddreg [dreg:$0x4];
	[sflag:s6] =	ssyncadd.s32 $0xFFFFF800  }
0x7f: {  	[spmem:s10] =	stream.linear.scatter [tilespmem:s5], [sflag:$0x1], $0x400, $0x38;
	[tilespmem:$0x13800] =	vst v63  }
0x80: {  	_ =	swait.ge [sflag:s6], $0x400  }
0x81: {  	[sflag:s6] =	ssyncset.done $0x0  }
0x82: {  	[sflag:s6] =	ssyncadd.s32 $0xFFFFFC00  }
0x83: {  	[bflag:$0x0] =	sbarrier.arrive $0xFFFF  }
0x84: {  	s9 =	simm.s32 $0x0;
	s11 =	simm.s32 $0xC400;
	s10 =	rddreg [dreg:$0x5]  }
0x85: {  	[tilespmem:s11], [sflag:$0x1] =	stream.linear.gather [hbm4b:s10+s9], $0x6400, $0x38;
	[tilespmem:$0x13800] =	vst v63  }
0x86: {  	_ =	swait.ge [sflag:s6], $0x6400  }
0x87: {  	[sflag:s6] =	ssyncset.done $0x0  }
0x88: {  	s11 =	simm.s32 $0xC400;
	[sflag:s6] =	ssyncadd.s32 $0xFFFF9C00  }
0x89: {  	[spmem:s2] =	stream.indirect.scatter.add.f32 [tilespmem:s8], [sflag:$0x1], $0x10, s11, s7, $0xb8;
	[tilespmem:$0x13800] =	vst v63  }
0x8a: {  	s9 =	simm.s32 $0x200;
	_ =	swait.ge [sflag:s6], $0x800  }
.LBB2_4:
0x8b: {  	s10 =	sshra.s32 s9, $0x2;
	[sflag:s6] =	ssyncset.done $0x0;
	p0 =	sne.s32 s9, $0x18E00  }
.Ltmp1:
0x8c: {  	s10 =	sadd.s32 $0xC400, s10;
	[sflag:s6] =	ssyncadd.s32 $0xFFFFF800;
	(pc) =	sbr.rel @p0 .LBB2_4-.Ltmp1, $3  }
0x8d: {  	[spmem:s2] =	stream.indirect.scatter.add.f32 [tilespmem:s8], [sflag:$0x1], $0x10, s10, s7, $0xb8;
	[tilespmem:$0x13800] =	vst v63  }
0x8e: {  	s9 =	sadd.s32 $0x200, s9;
	_ =	sdelay $0x1  }
0x8f: {  	_ =	swait.ge [sflag:s6], $0x800  }
0x90: {  	[sflag:s6] =	ssyncset.done $0x0  }
0x91: {  	s9 =	stileid.u32;
	[sflag:s6] =	ssyncadd.s32 $0xFFFFF800  }
0x92: {  	s9 =	sshll.u32 s9, $0x6;
	[bflag:$0x0] =	sbarrier.arrive $0xFFFF  }
0x93: {  	s9 =	sor.u32 $0x1C01, s9;
	s10 =	rddreg [dreg:$0x6]  }
0x94: {  	[hbm:s10], [sflag:s9] =	dma.local [spmem:s25], $0x1880  }
0x95: {  	_ =	swait.ge [sflag:s6], $0x1880  }
0x96: {  	s3 =	sadd.s32 $0x1, s3;
	s11 =	rddreg [dreg:$0x7]  }
0x97: {  	p0 =	sne.s32 s3, s11  }
.Ltmp2:
0x98: {  	_ = 	snop;
	(pc) =	sbr.rel @p0 .LBB2_1-.Ltmp2, $3  }
0x99: {  	_ =	sdelay $0x1  }
0x9a: {  	[sflag:s6] =	ssyncset.done $0x0  }
0x9b: {  	[sflag:s6] =	ssyncadd.s32 $0xFFFFE780  }
0x9c: {  	_ =	sfence.sel $0x180000  }
0x9d: {  	[bflag:$0x0] =	sbarrier.arrive $0xFFFF  }
0x9e: {  	_ =	strace $0x90000047  }
0x9f: {  	s0 =	stileid.u32;
	[bflag:$0x2] =	sbarrier.arrive $0xFFFF  }
0xa0: {  	p0 =	sne.s32 s0, $0x0;
	s0 =	rddreg [dreg:$0x3]  }
0xa1: {  	s0 =	sadd.s32 @!p0 $0x100000, s0  }
0xa2: {  	[sflag:s0] =	ssyncadd.tile.s32 @!p0 $0x1;
	_ =	shalt  }
.Lfunc_end2:
_tile_overlayer_lowered:
.L_overlay_start_2:
0xa3: {  	(tag) =	ssettag $0x2  }
0xa4: {  	s0 =	rddreg [dreg:$0x0];
	s2 =	stileid.u32  }
0xa5: {  	s1 =	rddreg [dreg:$0x1];
	p0 =	sne.s32 s2, $0x0  }
0xa6: {  	s3 =	rddreg [dreg:$0x2];
	[bflag:$0x3] =	sbarrier.arrive $0xFFFF;
	s2 =	simm.s32 @!p0 $0x1C01  }
0xa7: {  	[timem:s3], [sflag:s2] =	dma.local @!p0 [hbm:s0], s1  }
0xa8: {  	s0 =	simm.s32 @!p0 $0x1  }
0xa9: {  	_ =	swait.ge @!p0 [sflag:s0], s1  }
0xaa: {  	s1 =	ssub.s32 @!p0 $0x0, s1;
	[sflag:s0] =	ssyncset.done @!p0 $0x0  }
0xab: {  	[sflag:s0] =	ssyncadd.s32 @!p0 s1  }
0xac: {  	[bflag:$0x3] =	sbarrier.arrive $0xFFFF  }
0xad: {  	_ =	shalt  }

// kernel: kernel.19.cloned.1.call-start
scs
__scs_entry_jumppad:
0x0: {  	(pc) =	sbr.rel $0x88, $3  }
0x1: {  	(tag) =	ssettag $0x0;
	lr =	simm.s32 $0x1  }
0x2: {  	[smem:$0x3F90] =	sst lr;
	_ =	strace $0xD0000000  }
0x3: {  	_ = 	snop  }
0x4: {  	_ = 	snop  }
0x5: {  	_ = 	snop  }
0x6: {  	_ = 	snop  }
0x7: {  	_ = 	snop  }
__scs_overlays_trampoline_lowered:
0x8: {  	[smem:$0x3F9F] =	sst s0  }
0x9: {  	[smem:$0x3FA0] =	sst s1  }
0xa: {  	[smem:$0x3FA1] =	sst s2  }
0xb: {  	[smem:$0x3FA2] =	sst s3  }
0xc: {  	[smem:$0x3FA3] =	sst s4  }
0xd: {  	[smem:$0x3FA4] =	sst s5  }
0xe: {  	[smem:$0x3FA5] =	sst s6  }
0xf: {  	[smem:$0x3FA6] =	sst s7  }
0x10: {  	[smem:$0x3FA7] =	sst s8  }
0x11: {  	[smem:$0x3FA8] =	sst s9;
	s0 =	simm.s32 @!p0 $0x0  }
0x12: {  	s1 =	sld [smem:$0x3F8E];
	s0 =	simm.s32 @p0 $0x1  }
0x13: {  	[smem:$0x3FA9] =	sst s0;
	s0 =	simm.s32 @!p1 $0x0  }
0x14: {  	s2 =	sld [smem:$0x3F8D];
	s0 =	simm.s32 @p1 $0x1  }
0x15: {  	[smem:$0x3FAA] =	sst s0;
	s0 =	simm.s32 @!p2 $0x0  }
0x16: {  	s3 =	sld [smem:$0x3FDB];
	s0 =	simm.s32 @p2 $0x1  }
0x17: {  	s4 =	simm.s32 $0x1BF5;
	[smem:$0x3FAC] =	sst s0  }
0x18: {  	s0 =	sld [smem:$0x3F8F];
	_ =	swait.ge [sflag:s4], $0x0  }
0x19: {  	s7 =	sld [smem:$0x3F90]  }
0x1a: {  	s8 =	sadd.s32 $0xFFFFE003, lr  }
0x1b: {  	s9 =	sadd.s32 $0xFFFFFEF7, lr;
	s5 =	simm.s32 $0xFFFFFFFF;
	p2 =	slt.u32 s8, $0xFFFFF086  }
0x1c: {  	p1 =	slt.u32 s9, $0xF7A;
	s5 =	simm.s32 @!p2 $0x0  }
0x1d: {  	s5 =	simm.s32 @p1 $0x1;
	p0 =	seq.s32 s7, s2  }
0x1e: {  	s7 =	smul.u32 @!p0 $0xF7A, s2;
	p2 =	seq.s32 @!p0 s5, $0x0  }
0x1f: {  	s9 =	smul.u32 $0xF7A, s1;
	s8 =	simm.s32 @!p0 $0x1BF5;
	p2 =	por !p2, p0  }
0x20: {  	[sflag:s8] =	ssyncset.s32 @!p0 $0xFFFFF086;
	s6 =	sadd.s32 @!p0 s3, s7;
	s7 =	simm.s32 @!p0 $0x108  }
0x21: {  	s3 =	sadd.s32 s3, s9;
	s6 =	sadd.s32 @!p0 $0x88, s6;
	s7 =	simm.s32 @p2 $0x1082  }
0x22: {  	[simem:s7], [sflag:s8] =	dma.local @!p0 [hbm:s6], $0xF7A  }
0x23: {  	s9 =	sor.u32 $0xD0000000, s2;
	s6 =	simm.s32 $0x108;
	_ =	swait.ge @!p0 [sflag:s8], $0x0  }
0x24: {  	s3 =	sadd.s32 $0x88, s3;
	s6 =	simm.s32 @!p1 $0x1082;
	[sflag:s4] =	ssyncset.s32 $0xFFFFF086  }
0x25: {  	[simem:s6], [sflag:s4] =	dma.local [hbm:s3], $0xF7A  }
0x26: {  	[smem:$0x3F90] =	sst s1;
	(tag) =	ssettag s2;
	_ =	strace s9  }
0x27: {  	s1 =	sld [smem:$0x3FA0]  }
0x28: {  	s2 =	sld [smem:$0x3FA1]  }
0x29: {  	s4 =	sld [smem:$0x3FA3]  }
0x2a: {  	p0 =	seq.s32 s5, $0x0;
	s5 =	sld [smem:$0x3FA4]  }
0x2b: {  	s6 =	sld [smem:$0x3FA5]  }
0x2c: {  	s7 =	sld [smem:$0x3FA6]  }
0x2d: {  	s3 =	simm.s32 $0x108;
	s8 =	sld [smem:$0x3FA7]  }
0x2e: {  	s3 =	simm.s32 @!p0 $0x1082;
	s9 =	sld [smem:$0x3FA8]  }
0x2f: {  	lr =	sadd.s32 s0, s3;
	s0 =	sld [smem:$0x3F9F]  }
0x30: {  	s3 =	sld [smem:$0x3FA2]  }
0x31: {  	[smem:$0x3FAB] =	sst s10  }
0x32: {  	s10 =	sld [smem:$0x3FA9];
	_ =	sdelay $0x3  }
0x33: {  	p0 =	seq.s32 s10, $0x1;
	s10 =	sld [smem:$0x3FAB];
	_ =	sdelay $0x3  }
0x34: {  	[smem:$0x3FAB] =	sst s10  }
0x35: {  	s10 =	sld [smem:$0x3FAA];
	_ =	sdelay $0x3  }
0x36: {  	p1 =	seq.s32 s10, $0x1;
	s10 =	sld [smem:$0x3FAB];
	_ =	sdelay $0x3  }
0x37: {  	[smem:$0x3FAB] =	sst s10  }
0x38: {  	s10 =	sld [smem:$0x3FAC]  }
0x39: {  	_ = 	snop;
	(pc) =	sbr.ind lr, $3  }
0x3a: {  	_ = 	snop  }
0x3b: {  	_ = 	snop  }
0x3c: {  	p2 =	seq.s32 s10, $0x1;
	s10 =	sld [smem:$0x3FAB]  }
0x3d: {  	_ =	shalt  }
0x3e: {  	_ =	shalt  }
0x3f: {  	_ =	shalt  }
0x40: {  	_ =	shalt  }
0x41: {  	_ =	shalt  }
0x42: {  	_ =	shalt  }
0x43: {  	_ =	shalt  }
0x44: {  	_ =	shalt  }
0x45: {  	_ =	shalt  }
0x46: {  	_ =	shalt  }
0x47: {  	_ =	shalt  }
0x48: {  	_ =	shalt  }
0x49: {  	_ =	shalt  }
0x4a: {  	_ =	shalt  }
0x4b: {  	_ =	shalt  }
0x4c: {  	_ =	shalt  }
0x4d: {  	_ =	shalt  }
0x4e: {  	_ =	shalt  }
0x4f: {  	_ =	shalt  }
0x50: {  	_ =	shalt  }
0x51: {  	_ =	shalt  }
0x52: {  	_ =	shalt  }
0x53: {  	_ =	shalt  }
0x54: {  	_ =	shalt  }
0x55: {  	_ =	shalt  }
0x56: {  	_ =	shalt  }
0x57: {  	_ =	shalt  }
0x58: {  	_ =	shalt  }
0x59: {  	_ =	shalt  }
0x5a: {  	_ =	shalt  }
0x5b: {  	_ =	shalt  }
0x5c: {  	_ =	shalt  }
0x5d: {  	_ =	shalt  }
0x5e: {  	_ =	shalt  }
0x5f: {  	_ =	shalt  }
0x60: {  	_ =	shalt  }
0x61: {  	_ =	shalt  }
0x62: {  	_ =	shalt  }
0x63: {  	_ =	shalt  }
0x64: {  	_ =	shalt  }
0x65: {  	_ =	shalt  }
0x66: {  	_ =	shalt  }
0x67: {  	_ =	shalt  }
0x68: {  	_ =	shalt  }
0x69: {  	_ =	shalt  }
0x6a: {  	_ =	shalt  }
0x6b: {  	_ =	shalt  }
0x6c: {  	_ =	shalt  }
0x6d: {  	_ =	shalt  }
0x6e: {  	_ =	shalt  }
0x6f: {  	_ =	shalt  }
0x70: {  	_ =	shalt  }
0x71: {  	_ =	shalt  }
0x72: {  	_ =	shalt  }
0x73: {  	_ =	shalt  }
0x74: {  	_ =	shalt  }
0x75: {  	_ =	shalt  }
0x76: {  	_ =	shalt  }
0x77: {  	_ =	shalt  }
0x78: {  	_ =	shalt  }
0x79: {  	_ =	shalt  }
0x7a: {  	_ =	shalt  }
0x7b: {  	_ =	shalt  }
0x7c: {  	_ =	shalt  }
0x7d: {  	_ =	shalt  }
0x7e: {  	_ =	shalt  }
0x7f: {  	_ =	shalt  }
0x80: {  	_ =	shalt  }
0x81: {  	_ =	shalt  }
0x82: {  	_ =	shalt  }
0x83: {  	_ =	shalt  }
0x84: {  	_ =	shalt  }
0x85: {  	_ =	shalt  }
0x86: {  	_ =	shalt  }
0x87: {  	_ =	shalt  }
.Lfunc_end0:
.L_simem_size_0:
called_computation.1_lowered:
.L_overlay_start_0:
0x88: {  	s2 =	sld [smem:$0x3FD9]  }
0x89: {  	s3 =	sld [smem:$0x3FFE];
	_ =	sdelay $0x1  }
0x8a: {  	s1 =	srdreg.scid  }
0x8b: {  	s0 =	sand.u32 $0x1, s1  }
0x8c: {  	s17 =	sshll.u32 s0, $0xA;
	s2 =	sadd.s32 s3, s2  }
0x8d: {  	s2 =	sadd.s32 s2, s17  }
0x8e: {  	[smem:$0x3FB7] =	sst s2  }
0x8f: {  	_ = 	snop  }
0x90: {  	s2 =	sld [smem:$0x3FC7];
	(tm) =	ssettm $0x1  }
0x91: {  	s18 =	sld [smem:$0x3FFB];
	_ =	sdelay $0x3  }
0x92: {  	_ =	strace s18  }
0x93: {  	s3 =	sld [smem:$0x3FFC];
	_ =	sdelay $0x3  }
0x94: {  	_ =	strace s3  }
0x95: {  	s3 =	sld [smem:$0x3FFD];
	_ =	sdelay $0x3  }
0x96: {  	_ =	strace s3  }
0x97: {  	_ =	strace $0x8FFFFFFF  }
0x98: {  	s19 =	sld [smem:$0x3FDB];
	_ =	sdelay $0x1  }
0x99: {  	s4 =	simm.s32 $_scs_section_size  }
0x9a: {  	s5 =	simm.s32 $_size__tile_overlayer_lowered;
	s6 =	simm.s32 $_tile_overlayer_lowered  }
0x9b: {  	s22 =	simm.s32 $0x1BFF;
	s21 =	sshll.u32 s6, $0x1;
	s3 =	sadd.s32 s4, s19  }
0x9c: {  	s7 =	simm.s32 $0x0;
	s20 =	sshll.u32 s5, $0x1;
	s5 =	sadd.s32 s21, s3  }
0x9d: {  	[timem:s7], [sflag:s22] =	dma.local [hbm:s5], s20  }
0x9e: {  	_ =	swait.ge [sflag:s22], s20  }
0x9f: {  	s4 =	ssub.s32 $0x0, s20;
	[sflag:s22] =	ssyncset.done $0x0  }
0xa0: {  	[sflag:s22] =	ssyncadd.s32 s4;
	_ =	sdelay $0x1  }
0xa1: {  	s23 =	simm.s32 $0x1B8B  }
0xa2: {  	_ =	swait.ge [sflag:s23], $0x1  }
0xa3: {  	[sflag:s23] =	ssyncset.done $0x0  }
0xa4: {  	s25 =	simm.s32 $0x1B8E;
	s24 =	sld [smem:$0x3FFE];
	[sflag:s23] =	ssyncadd.s32 $0xFFFFFFFF  }
0xa5: {  	s26 =	simm.s32 $execute0_lowered;
	[smem:$0x3FD2] =	sst s25  }
0xa6: {  	s5 =	sshll.u32 s26, $0x1;
	_ =	strace $0x80000049;
	[dreg:$0x1] =	wrdreg $0xFFFFFFFF  }
0xa7: {  	s28 =	simm.s32 $_size_execute0_lowered;
	s3 =	sadd.s32 s3, s5;
	[dreg:$0x0] =	wrdreg $0x0  }
0xa8: {  	s5 =	sshll.u32 s28, $0x1;
	[dreg:$0x2] =	wrdreg s3  }
0xa9: {  	[dreg:$0x3] =	wrdreg s5  }
0xaa: {  	[dreg:$0x4] =	wrdreg $0xC0  }
0xab: {  	_ =	task [dreg:s7], $0x5FFFF  }
0xac: {  	[dreg:$0x1] =	wrdreg $0xFFFFFFFF  }
0xad: {  	[dreg:$0x0] =	wrdreg $0x60  }
0xae: {  	[dreg:$0x2] =	wrdreg s24  }
0xaf: {  	[dreg:$0x3] =	wrdreg s2  }
0xb0: {  	[dreg:$0x4] =	wrdreg $0x9  }
0xb1: {  	_ =	task.clear_ibuf [dreg:s7], $0x5FFFF;
	_ =	strace $0x90000049  }
0xb2: {  	s29 =	simm.s32 $0x9;
	_ =	strace $0x8000004B  }
0xb3: {  	_ =	swait.ge [sflag:s29], $0x1  }
0xb4: {  	[sflag:s29] =	ssyncadd.s32 $0xFFFFFFFF  }
0xb5: {  	_ =	strace $0x9000004B  }
0xb6: {  	_ =	sfence  }
0xb7: {  	s30 =	sld [smem:$0x0];
	_ =	sdelay $0x2  }
0xb8: {  	s31 =	sshll.u32 s1, $0xD;
	s1 =	sshrl.u32 s1, $0x2  }
0xb9: {  	s3 =	sand.u32 $0x4000, s31;
	s1 =	sadd.s32 s1, s30  }
0xba: {  	s0 =	sor.u32 s3, s0;
	s1 =	sshll.u32 s1, $0x11  }
0xbb: {  	s0 =	sor.u32 s1, s0  }
0xbc: {  	s0 =	sadd.s32 $0x8F2B, s0  }
0xbd: {  	[sflag:s0] =	ssyncadd.remote.s32 $0x1  }
0xbe: {  	_ =	sfence.sel $0xFFFF  }
0xbf: {  	[dreg:$0x0] =	wrdreg $0xFFFFFFFF;
	(pc) =	sbr.abs _section_cstart, $3  }
0xc0: {  	[dreg:$0x1] =	wrdreg $0xFFFFFFFF  }
0xc1: {  	_ =	task.clear_ibuf [dreg:s7], $0x2FFFF;
	_ =	strace $0x9FFFFFFF  }
0xc2: {  	(tm) =	ssettm $0x7FFFFFFF  }
0xc3: {  	_ =	shalt  }
tec
execute0_lowered:
.L_overlay_start_1:
0x0: {  	(tag) =	ssettag $0x1  }
0x1: {  	s4 =	rddreg [dreg:$0x0]  }
0x2: {  	s8 =	rddreg [dreg:$0x1]  }
0x3: {  	s0 =	rddreg [dreg:$0x2]  }
0x4: {  	s3 =	srdreg.scid;
	s1 =	stileid.u32;
	s2 =	simm.s32 $0x0  }
0x5: {  	s14 =	simm.s32 $0x85A8;
	s15 =	simm.s32 $0x0;
	s10 =	smul.u32 $0xC350, s1  }
0x6: {  	s6 =	sand.u32 $0x1, s3;
	s28 =	sshll.u32 s1, $0x1;
	s12 =	smul.u32 $0x30D40, s1  }
0x7: {  	[smem:$0x7FF] =	sst s2;
	s7 =	sadd.s32 $0x3E600, s4;
	s11 =	smul.u32 $0x61A8, s6  }
0x8: {  	s3 =	sor.u32 s6, s28;
	s29 =	ssub.s32 $0x2, s6;
	s13 =	smul.u32 $0x186A0, s6  }
0x9: {  	_ =	strace $0x8000004A;
	s5 =	smul.u32 $0x61A8, s3;
	s9 =	sshrl.u32 s29, $0x1  }
0xa: {  	s3 =	sadd.s32 $0xD600, s4;
	s9 =	ssub.s32 s29, s9;
	s10 =	sadd.s32 s11, s10  }
0xb: {  	s11 =	simm.s32 $0x1;
	s5 =	sadd.s32 $0x6000, s5;
	s6 =	smax.u32 s9, $0x1  }
0xc: {  	s31 =	sshrl.u32 s10, $0x3;
	s9 =	simm.s32 $0x2;
	s30 =	sshrl.u32 s5, $0x3  }
0xd: {  	s10 =	simm.s32 $0x400;
	s5 =	sshll.u32 s5, $0x2;
	s4 =	sadd.s32 s8, s30  }
0xe: {  	s5 =	sadd.s32 s7, s5;
	s7 =	sadd.s32 s12, s7;
	s8 =	sadd.s32 s31, s8  }
0xf: {  	s12 =	simm.s32 $0x8400;
	s7 =	sadd.s32 s13, s7;
	s13 =	simm.s32 $0x1A8  }
.LBB2_1:
0x10: {  	s16 =	sadd.s32 $0x0, s8  }
0x11: {  	[tilespmem:s2], [sflag:$0x2] =	stream.linear.gather [hbm4b:s16+s2], $0x400, $0x38;
	[tilespmem:$0xBAA8] =	vst v63  }
0x12: {  	_ =	swait.ge [sflag:s9], $0x400  }
0x13: {  	[sflag:s9] =	ssyncset.done $0x0  }
0x14: {  	[sflag:s9] =	ssyncadd.s32 $0xFFFFFC00  }
0x15: {  	[tilespmem:s10], [sflag:$0x1] =	stream.indirect.gather [hbm4b:s3+s10], $0x20, s2, s10, $0xb8;
	[tilespmem:$0xBAA8] =	vst v63  }
0x16: {  	_ =	swait.ge [sflag:s11], $0x8000  }
0x17: {  	[sflag:s11] =	ssyncset.done $0x0  }
0x18: {  	[sflag:s11] =	ssyncadd.s32 $0xFFFF8000  }
0x19: {  	[hbm4b:s7+s2] =	stream.linear.scatter [tilespmem:s10], [sflag:$0x2], $0x8000, $0x38;
	[tilespmem:$0xBAA8] =	vst v63  }
0x1a: {  	s17 =	simm.s32 $0x80;
	_ =	swait.ge [sflag:s9], $0x8000  }
0x1b: {  	s18 =	simm.s32 $0x100;
	s16 =	sadd.s32 $0x1000, s7;
	[sflag:s9] =	ssyncset.done $0x0  }
.LBB2_2:
0x1c: {  	s19 =	sadd.s32 s17, s8  }
0x1d: {  	[sflag:s9] =	ssyncadd.s32 $0xFFFF8000;
	s17 =	smov.u32 s18;
	s20 =	sadd.s32 $0x80, s18  }
0x1e: {  	[tilespmem:s2], [sflag:$0x2] =	stream.linear.gather [hbm4b:s19+s2], $0x400, $0x38;
	[tilespmem:$0xBAA8] =	vst v63  }
0x1f: {  	p0 =	sne.s32 s18, $0xB80;
	_ =	swait.ge [sflag:s9], $0x400  }
0x20: {  	[sflag:s9] =	ssyncset.done $0x0  }
0x21: {  	[sflag:s9] =	ssyncadd.s32 $0xFFFFFC00  }
0x22: {  	[tilespmem:s10], [sflag:$0x1] =	stream.indirect.gather [hbm4b:s3+s10], $0x20, s2, s10, $0xb8;
	[tilespmem:$0xBAA8] =	vst v63  }
0x23: {  	_ =	swait.ge [sflag:s11], $0x8000  }
.Ltmp0:
0x24: {  	[sflag:s11] =	ssyncset.done $0x0;
	(pc) =	sbr.rel @p0 .LBB2_2-.Ltmp0, $4  }
0x25: {  	[sflag:s11] =	ssyncadd.s32 $0xFFFF8000  }
0x26: {  	[hbm4b:s16+s2] =	stream.linear.scatter [tilespmem:s10], [sflag:$0x2], $0x8000, $0x38;
	[tilespmem:$0xBAA8] =	vst v63  }
0x27: {  	_ =	swait.ge [sflag:s9], $0x8000  }
0x28: {  	s18 =	smov.u32 s20;
	s16 =	sadd.s32 $0x1000, s16;
	[sflag:s9] =	ssyncset.done $0x0  }
0x29: {  	s17 =	sadd.s32 s17, s8;
	[sflag:s9] =	ssyncadd.s32 $0xFFFF8000  }
0x2a: {  	[tilespmem:s2], [sflag:$0x2] =	stream.linear.gather [hbm4b:s17+s2], $0x400, $0x38;
	[tilespmem:$0xBAA8] =	vst v63  }
0x2b: {  	_ =	swait.ge [sflag:s9], $0x400  }
0x2c: {  	[sflag:s9] =	ssyncset.done $0x0  }
0x2d: {  	[sflag:s9] =	ssyncadd.s32 $0xFFFFFC00  }
0x2e: {  	[tilespmem:s10], [sflag:$0x1] =	stream.indirect.gather [hbm4b:s3+s10], $0x20, s2, s10, $0xb8;
	[tilespmem:$0xBAA8] =	vst v63  }
0x2f: {  	_ =	swait.ge [sflag:s11], $0x8000  }
0x30: {  	[sflag:s11] =	ssyncset.done $0x0  }
0x31: {  	[sflag:s11] =	ssyncadd.s32 $0xFFFF8000  }
0x32: {  	[hbm4b:s16+s2] =	stream.linear.scatter [tilespmem:s10], [sflag:$0x2], $0x8000, $0x38;
	[tilespmem:$0xBAA8] =	vst v63  }
0x33: {  	_ =	swait.ge [sflag:s9], $0x8000  }
0x34: {  	[sflag:s9] =	ssyncset.done $0x0  }
0x35: {  	[sflag:s9] =	ssyncadd.s32 $0xFFFF8000  }
0x36: {  	[tilespmem:s12], [sflag:$0x2] =	stream.linear.gather [hbm4b:s4+s2], $0x1A8, $0x38;
	[tilespmem:$0xBAA8] =	vst v63  }
0x37: {  	_ =	swait.ge [sflag:s9], $0x1A8  }
0x38: {  	[sflag:s9] =	ssyncset.done $0x0  }
0x39: {  	[sflag:s9] =	ssyncadd.s32 $0xFFFFFE58  }
0x3a: {  	[tilespmem:s14], [sflag:$0x1] =	stream.indirect.gather [hbm4b:s3+s13], $0x20, s12, s13, $0xb8;
	[tilespmem:$0xBAA8] =	vst v63  }
0x3b: {  	s15 =	sadd.s32 $0x1, s15;
	_ =	swait.ge [sflag:s11], $0x3500  }
0x3c: {  	p0 =	sne.s32 s15, s6;
	[sflag:s11] =	ssyncset.done $0x0  }
.Ltmp1:
0x3d: {  	[sflag:s11] =	ssyncadd.s32 $0xFFFFCB00;
	(pc) =	sbr.rel @p0 .LBB2_1-.Ltmp1, $4  }
0x3e: {  	[hbm4b:s5+s2] =	stream.linear.scatter [tilespmem:s14], [sflag:$0x2], $0x3500, $0x38;
	[tilespmem:$0xBAA8] =	vst v63  }
0x3f: {  	_ =	swait.ge [sflag:s9], $0x3500  }
0x40: {  	[sflag:s9] =	ssyncset.done $0x0  }
0x41: {  	[sflag:s9] =	ssyncadd.s32 $0xFFFFCB00  }
0x42: {  	_ =	sfence.sel $0x180000  }
0x43: {  	[bflag:$0x0] =	sbarrier.arrive $0xFFFF  }
0x44: {  	p0 =	sne.s32 s1, $0x0;
	_ =	strace $0x9000004A  }
0x45: {  	s0 =	sadd.s32 @!p0 $0x100000, s0;
	[bflag:$0x2] =	sbarrier.arrive $0xFFFF  }
0x46: {  	[sflag:s0] =	ssyncadd.tile.s32 @!p0 $0x1;
	_ =	shalt  }
.Lfunc_end2:
_tile_overlayer_lowered:
.L_overlay_start_2:
0x47: {  	(tag) =	ssettag $0x2  }
0x48: {  	s0 =	rddreg [dreg:$0x0];
	s2 =	stileid.u32  }
0x49: {  	s1 =	rddreg [dreg:$0x1];
	p0 =	sne.s32 s2, $0x0  }
0x4a: {  	s3 =	rddreg [dreg:$0x2];
	[bflag:$0x3] =	sbarrier.arrive $0xFFFF;
	s2 =	simm.s32 @!p0 $0x1C02  }
0x4b: {  	[timem:s3], [sflag:s2] =	dma.local @!p0 [hbm:s0], s1  }
0x4c: {  	s0 =	simm.s32 @!p0 $0x2  }
0x4d: {  	_ =	swait.ge @!p0 [sflag:s0], s1  }
0x4e: {  	s1 =	ssub.s32 @!p0 $0x0, s1;
	[sflag:s0] =	ssyncset.done @!p0 $0x0  }
0x4f: {  	[sflag:s0] =	ssyncadd.s32 @!p0 s1  }
0x50: {  	[bflag:$0x3] =	sbarrier.arrive $0xFFFF  }
0x51: {  	_ =	shalt  }

// kernel: kernel.22.cloned.1.call-start
scs
__scs_entry_jumppad:
0x0: {  	(pc) =	sbr.rel $0x88, $3  }
0x1: {  	(tag) =	ssettag $0x0;
	lr =	simm.s32 $0x1  }
0x2: {  	[smem:$0x3F90] =	sst lr;
	_ =	strace $0xD0000000  }
0x3: {  	_ = 	snop  }
0x4: {  	_ = 	snop  }
0x5: {  	_ = 	snop  }
0x6: {  	_ = 	snop  }
0x7: {  	_ = 	snop  }
__scs_overlays_trampoline_lowered:
0x8: {  	[smem:$0x3F9F] =	sst s0  }
0x9: {  	[smem:$0x3FA0] =	sst s1  }
0xa: {  	[smem:$0x3FA1] =	sst s2  }
0xb: {  	[smem:$0x3FA2] =	sst s3  }
0xc: {  	[smem:$0x3FA3] =	sst s4  }
0xd: {  	[smem:$0x3FA4] =	sst s5  }
0xe: {  	[smem:$0x3FA5] =	sst s6  }
0xf: {  	[smem:$0x3FA6] =	sst s7  }
0x10: {  	[smem:$0x3FA7] =	sst s8  }
0x11: {  	[smem:$0x3FA8] =	sst s9;
	s0 =	simm.s32 @!p0 $0x0  }
0x12: {  	s1 =	sld [smem:$0x3F8E];
	s0 =	simm.s32 @p0 $0x1  }
0x13: {  	[smem:$0x3FA9] =	sst s0;
	s0 =	simm.s32 @!p1 $0x0  }
0x14: {  	s2 =	sld [smem:$0x3F8D];
	s0 =	simm.s32 @p1 $0x1  }
0x15: {  	[smem:$0x3FAA] =	sst s0;
	s0 =	simm.s32 @!p2 $0x0  }
0x16: {  	s3 =	sld [smem:$0x3FDB];
	s0 =	simm.s32 @p2 $0x1  }
0x17: {  	s4 =	simm.s32 $0x1BF5;
	[smem:$0x3FAC] =	sst s0  }
0x18: {  	s0 =	sld [smem:$0x3F8F];
	_ =	swait.ge [sflag:s4], $0x0  }
0x19: {  	s7 =	sld [smem:$0x3F90]  }
0x1a: {  	s8 =	sadd.s32 $0xFFFFE003, lr  }
0x1b: {  	s9 =	sadd.s32 $0xFFFFFEF7, lr;
	s5 =	simm.s32 $0xFFFFFFFF;
	p2 =	slt.u32 s8, $0xFFFFF086  }
0x1c: {  	p1 =	slt.u32 s9, $0xF7A;
	s5 =	simm.s32 @!p2 $0x0  }
0x1d: {  	s5 =	simm.s32 @p1 $0x1;
	p0 =	seq.s32 s7, s2  }
0x1e: {  	s7 =	smul.u32 @!p0 $0xF7A, s2;
	p2 =	seq.s32 @!p0 s5, $0x0  }
0x1f: {  	s9 =	smul.u32 $0xF7A, s1;
	s8 =	simm.s32 @!p0 $0x1BF5;
	p2 =	por !p2, p0  }
0x20: {  	[sflag:s8] =	ssyncset.s32 @!p0 $0xFFFFF086;
	s6 =	sadd.s32 @!p0 s3, s7;
	s7 =	simm.s32 @!p0 $0x108  }
0x21: {  	s3 =	sadd.s32 s3, s9;
	s6 =	sadd.s32 @!p0 $0x88, s6;
	s7 =	simm.s32 @p2 $0x1082  }
0x22: {  	[simem:s7], [sflag:s8] =	dma.local @!p0 [hbm:s6], $0xF7A  }
0x23: {  	s9 =	sor.u32 $0xD0000000, s2;
	s6 =	simm.s32 $0x108;
	_ =	swait.ge @!p0 [sflag:s8], $0x0  }
0x24: {  	s3 =	sadd.s32 $0x88, s3;
	s6 =	simm.s32 @!p1 $0x1082;
	[sflag:s4] =	ssyncset.s32 $0xFFFFF086  }
0x25: {  	[simem:s6], [sflag:s4] =	dma.local [hbm:s3], $0xF7A  }
0x26: {  	[smem:$0x3F90] =	sst s1;
	(tag) =	ssettag s2;
	_ =	strace s9  }
0x27: {  	s1 =	sld [smem:$0x3FA0]  }
0x28: {  	s2 =	sld [smem:$0x3FA1]  }
0x29: {  	s4 =	sld [smem:$0x3FA3]  }
0x2a: {  	p0 =	seq.s32 s5, $0x0;
	s5 =	sld [smem:$0x3FA4]  }
0x2b: {  	s6 =	sld [smem:$0x3FA5]  }
0x2c: {  	s7 =	sld [smem:$0x3FA6]  }
0x2d: {  	s3 =	simm.s32 $0x108;
	s8 =	sld [smem:$0x3FA7]  }
0x2e: {  	s3 =	simm.s32 @!p0 $0x1082;
	s9 =	sld [smem:$0x3FA8]  }
0x2f: {  	lr =	sadd.s32 s0, s3;
	s0 =	sld [smem:$0x3F9F]  }
0x30: {  	s3 =	sld [smem:$0x3FA2]  }
0x31: {  	[smem:$0x3FAB] =	sst s10  }
0x32: {  	s10 =	sld [smem:$0x3FA9];
	_ =	sdelay $0x3  }
0x33: {  	p0 =	seq.s32 s10, $0x1;
	s10 =	sld [smem:$0x3FAB];
	_ =	sdelay $0x3  }
0x34: {  	[smem:$0x3FAB] =	sst s10  }
0x35: {  	s10 =	sld [smem:$0x3FAA];
	_ =	sdelay $0x3  }
0x36: {  	p1 =	seq.s32 s10, $0x1;
	s10 =	sld [smem:$0x3FAB];
	_ =	sdelay $0x3  }
0x37: {  	[smem:$0x3FAB] =	sst s10  }
0x38: {  	s10 =	sld [smem:$0x3FAC]  }
0x39: {  	_ = 	snop;
	(pc) =	sbr.ind lr, $3  }
0x3a: {  	_ = 	snop  }
0x3b: {  	_ = 	snop  }
0x3c: {  	p2 =	seq.s32 s10, $0x1;
	s10 =	sld [smem:$0x3FAB]  }
0x3d: {  	_ =	shalt  }
0x3e: {  	_ =	shalt  }
0x3f: {  	_ =	shalt  }
0x40: {  	_ =	shalt  }
0x41: {  	_ =	shalt  }
0x42: {  	_ =	shalt  }
0x43: {  	_ =	shalt  }
0x44: {  	_ =	shalt  }
0x45: {  	_ =	shalt  }
0x46: {  	_ =	shalt  }
0x47: {  	_ =	shalt  }
0x48: {  	_ =	shalt  }
0x49: {  	_ =	shalt  }
0x4a: {  	_ =	shalt  }
0x4b: {  	_ =	shalt  }
0x4c: {  	_ =	shalt  }
0x4d: {  	_ =	shalt  }
0x4e: {  	_ =	shalt  }
0x4f: {  	_ =	shalt  }
0x50: {  	_ =	shalt  }
0x51: {  	_ =	shalt  }
0x52: {  	_ =	shalt  }
0x53: {  	_ =	shalt  }
0x54: {  	_ =	shalt  }
0x55: {  	_ =	shalt  }
0x56: {  	_ =	shalt  }
0x57: {  	_ =	shalt  }
0x58: {  	_ =	shalt  }
0x59: {  	_ =	shalt  }
0x5a: {  	_ =	shalt  }
0x5b: {  	_ =	shalt  }
0x5c: {  	_ =	shalt  }
0x5d: {  	_ =	shalt  }
0x5e: {  	_ =	shalt  }
0x5f: {  	_ =	shalt  }
0x60: {  	_ =	shalt  }
0x61: {  	_ =	shalt  }
0x62: {  	_ =	shalt  }
0x63: {  	_ =	shalt  }
0x64: {  	_ =	shalt  }
0x65: {  	_ =	shalt  }
0x66: {  	_ =	shalt  }
0x67: {  	_ =	shalt  }
0x68: {  	_ =	shalt  }
0x69: {  	_ =	shalt  }
0x6a: {  	_ =	shalt  }
0x6b: {  	_ =	shalt  }
0x6c: {  	_ =	shalt  }
0x6d: {  	_ =	shalt  }
0x6e: {  	_ =	shalt  }
0x6f: {  	_ =	shalt  }
0x70: {  	_ =	shalt  }
0x71: {  	_ =	shalt  }
0x72: {  	_ =	shalt  }
0x73: {  	_ =	shalt  }
0x74: {  	_ =	shalt  }
0x75: {  	_ =	shalt  }
0x76: {  	_ =	shalt  }
0x77: {  	_ =	shalt  }
0x78: {  	_ =	shalt  }
0x79: {  	_ =	shalt  }
0x7a: {  	_ =	shalt  }
0x7b: {  	_ =	shalt  }
0x7c: {  	_ =	shalt  }
0x7d: {  	_ =	shalt  }
0x7e: {  	_ =	shalt  }
0x7f: {  	_ =	shalt  }
0x80: {  	_ =	shalt  }
0x81: {  	_ =	shalt  }
0x82: {  	_ =	shalt  }
0x83: {  	_ =	shalt  }
0x84: {  	_ =	shalt  }
0x85: {  	_ =	shalt  }
0x86: {  	_ =	shalt  }
0x87: {  	_ =	shalt  }
.Lfunc_end0:
.L_simem_size_0:
called_computation.2_lowered:
.L_overlay_start_0:
0x88: {  	s2 =	sld [smem:$0x3FD9]  }
0x89: {  	s3 =	sld [smem:$0x3FFE];
	_ =	sdelay $0x1  }
0x8a: {  	s1 =	srdreg.scid  }
0x8b: {  	s0 =	sand.u32 $0x1, s1  }
0x8c: {  	s16 =	sshll.u32 s0, $0xA;
	s2 =	sadd.s32 s3, s2  }
0x8d: {  	s2 =	sadd.s32 s2, s16  }
0x8e: {  	[smem:$0x3FB7] =	sst s2  }
0x8f: {  	_ = 	snop  }
0x90: {  	(tm) =	ssettm $0x1  }
0x91: {  	s17 =	sld [smem:$0x3FFB];
	_ =	sdelay $0x3  }
0x92: {  	_ =	strace s17  }
0x93: {  	s2 =	sld [smem:$0x3FFC];
	_ =	sdelay $0x3  }
0x94: {  	_ =	strace s2  }
0x95: {  	s2 =	sld [smem:$0x3FFD];
	_ =	sdelay $0x3  }
0x96: {  	_ =	strace s2  }
0x97: {  	_ =	strace $0x8FFFFFFF  }
0x98: {  	s18 =	sld [smem:$0x3FDB];
	_ =	sdelay $0x1  }
0x99: {  	s19 =	simm.s32 $_scs_section_size  }
0x9a: {  	s4 =	simm.s32 $_size__tile_overlayer_lowered;
	s5 =	simm.s32 $_tile_overlayer_lowered  }
0x9b: {  	s22 =	simm.s32 $0x1BFF;
	s21 =	sshll.u32 s5, $0x1;
	s2 =	sadd.s32 s19, s18  }
0x9c: {  	s6 =	simm.s32 $0x0;
	s20 =	sshll.u32 s4, $0x1;
	s4 =	sadd.s32 s21, s2  }
0x9d: {  	[timem:s6], [sflag:s22] =	dma.local [hbm:s4], s20  }
0x9e: {  	_ =	swait.ge [sflag:s22], s20  }
0x9f: {  	s3 =	ssub.s32 $0x0, s20;
	[sflag:s22] =	ssyncset.done $0x0  }
0xa0: {  	[sflag:s22] =	ssyncadd.s32 s3;
	_ =	sdelay $0x1  }
0xa1: {  	s23 =	simm.s32 $0x1B8B  }
0xa2: {  	_ =	swait.ge [sflag:s23], $0x1  }
0xa3: {  	[sflag:s23] =	ssyncset.done $0x0  }
0xa4: {  	s25 =	simm.s32 $0x1B8E;
	s24 =	sld [smem:$0x3FFE];
	[sflag:s23] =	ssyncadd.s32 $0xFFFFFFFF  }
0xa5: {  	s26 =	simm.s32 $execute0_lowered;
	[smem:$0x3FD2] =	sst s25  }
0xa6: {  	s4 =	sshll.u32 s26, $0x1;
	_ =	strace $0x8000004C;
	[dreg:$0x1] =	wrdreg $0xFFFFFFFF  }
0xa7: {  	s28 =	simm.s32 $_size_execute0_lowered;
	s2 =	sadd.s32 s2, s4;
	[dreg:$0x0] =	wrdreg $0x0  }
0xa8: {  	s4 =	sshll.u32 s28, $0x1;
	[dreg:$0x2] =	wrdreg s2  }
0xa9: {  	[dreg:$0x3] =	wrdreg s4  }
0xaa: {  	[dreg:$0x4] =	wrdreg $0xC0  }
0xab: {  	_ =	task [dreg:s6], $0x5FFFF  }
0xac: {  	[dreg:$0x1] =	wrdreg $0xFFFFFFFF  }
0xad: {  	[dreg:$0x0] =	wrdreg $0x60  }
0xae: {  	[dreg:$0x2] =	wrdreg s24  }
0xaf: {  	[dreg:$0x3] =	wrdreg $0x0  }
0xb0: {  	[dreg:$0x4] =	wrdreg $0x9  }
0xb1: {  	_ =	task.clear_ibuf [dreg:s6], $0x5FFFF;
	_ =	strace $0x9000004C  }
0xb2: {  	s29 =	simm.s32 $0x9;
	_ =	strace $0x8000004E  }
0xb3: {  	_ =	swait.ge [sflag:s29], $0x1  }
0xb4: {  	[sflag:s29] =	ssyncadd.s32 $0xFFFFFFFF  }
0xb5: {  	_ =	strace $0x9000004E  }
0xb6: {  	_ =	sfence  }
0xb7: {  	s30 =	sld [smem:$0x0];
	_ =	sdelay $0x2  }
0xb8: {  	s31 =	sshll.u32 s1, $0xD;
	s1 =	sshrl.u32 s1, $0x2  }
0xb9: {  	s3 =	sand.u32 $0x4000, s31;
	s1 =	sadd.s32 s1, s30  }
0xba: {  	s0 =	sor.u32 s3, s0;
	s1 =	sshll.u32 s1, $0x11  }
0xbb: {  	s0 =	sor.u32 s1, s0  }
0xbc: {  	s0 =	sadd.s32 $0x8F2B, s0  }
0xbd: {  	[sflag:s0] =	ssyncadd.remote.s32 $0x1  }
0xbe: {  	_ =	sfence.sel $0xFFFF  }
0xbf: {  	[dreg:$0x0] =	wrdreg $0xFFFFFFFF;
	(pc) =	sbr.abs _section_cstart, $3  }
0xc0: {  	[dreg:$0x1] =	wrdreg $0xFFFFFFFF  }
0xc1: {  	_ =	task.clear_ibuf [dreg:s6], $0x2FFFF;
	_ =	strace $0x9FFFFFFF  }
0xc2: {  	(tm) =	ssettm $0x7FFFFFFF  }
0xc3: {  	_ =	shalt  }
tec
execute0_lowered:
.L_overlay_start_1:
0x0: {  	(tag) =	ssettag $0x1  }
0x1: {  	s1 =	srdreg.scid  }
0x2: {  	s1 =	sand.u32 $0x1, s1  }
0x3: {  	p0 =	seq.s32 s1, $0x1  }
.Ltmp0:
0x4: {  	_ = 	snop;
	(pc) =	sbr.rel @p0 .LBB2_14-.Ltmp0, $4  }
0x5: {  	s0 =	rddreg [dreg:$0x0]  }
0x6: {  	s3 =	rddreg [dreg:$0x1];
	s2 =	simm.s32 $0x0  }
0x7: {  	[smem:$0x7FF] =	sst s2  }
0x8: {  	s4 =	rddreg [dreg:$0x2];
	s14 =	stileid.u32;
	_ =	strace $0x8000004D  }
0x9: {  	s1 =	smul.u32 $0x62000, s14;
	s2 =	sadd.s32 $0x37EC00, s0  }
0xa: {  	s5 =	smul.u32 $0x18800, s14;
	s22 =	sadd.s32 $0x34BE00, s0  }
0xb: {  	s6 =	sadd.s32 $0x34DC00, s0;
	s7 =	sadd.s32 $0x3B0C00, s0;
	[dreg:$0x6] =	wrdreg s2  }
0xc: {  	s19 =	simm.s32 $0x80;
	[dreg:$0x7] =	wrdreg s22;
	s24 =	sadd.s32 $0x18000, s5  }
0xd: {  	s23 =	sshrl.u32 s1, $0x2;
	s25 =	sadd.s32 s24, s3;
	s26 =	sshrl.u32 s24, $0x3  }
0xe: {  	s11 =	sadd.s32 s23, s3;
	[dreg:$0x5] =	wrdreg s25;
	s1 =	sadd.s32 s6, s26  }
0xf: {  	s0 =	sadd.s32 s7, s26;
	s9 =	sadd.s32 $0x1000, s11;
	s8 =	sadd.s32 $0x2000, s11  }
0x10: {  	s4 =	sadd.s32 $0x3000, s11;
	s2 =	sadd.s32 $0x4000, s11;
	s31 =	sadd.s32 $0x6000, s11  }
0x11: {  	s30 =	sadd.s32 $0x7000, s11;
	s29 =	sadd.s32 $0x8000, s11;
	s28 =	sadd.s32 $0x9000, s11  }
0x12: {  	s26 =	sadd.s32 $0xA000, s11;
	s25 =	sadd.s32 $0xB000, s11;
	s24 =	sadd.s32 $0xC000, s11  }
0x13: {  	s23 =	sadd.s32 $0xD000, s11;
	s22 =	sadd.s32 $0xE000, s11;
	s21 =	sadd.s32 $0xF000, s11  }
0x14: {  	s20 =	sadd.s32 $0x10000, s11;
	s18 =	sadd.s32 $0x11000, s11;
	s17 =	sadd.s32 $0x12000, s11  }
0x15: {  	s16 =	sadd.s32 $0x13000, s11;
	s15 =	sadd.s32 $0x14000, s11;
	s14 =	sadd.s32 $0x15000, s11  }
0x16: {  	s13 =	sadd.s32 $0x16000, s11;
	s12 =	sadd.s32 $0x17000, s11;
	[dreg:$0x4] =	wrdreg s1  }
0x17: {  	v0 =	vimm.f32 $0.0e+00;
	[dreg:$0x3] =	wrdreg s0;
	s0 =	sadd.s32 $0x5000, s11;
	s1 =	simm.s32 $0x0  }
.LBB2_2:
0x18: {  	p0 =	sne.s32 s19, $0x3F80;
	[tilespmem:s1+$0x18800] =	vst v0;
	s10 =	smov.u32 s19;
	s19 =	sadd.s32 $0x80, s19  }
.Ltmp1:
0x19: {  	[tilespmem:s1+$0x18810] =	vst v0;
	(pc) =	sbr.rel @p0 .LBB2_2-.Ltmp1, $2  }
0x1a: {  	_ =	sdelay $0x2  }
0x1b: {  	s1 =	sshra.s32 s10, $0x2  }
0x1c: {  	[tilespmem:s1+$0x18800] =	vst v0  }
0x1d: {  	[tilespmem:s1+$0x18810] =	vst v0;
	s19 =	simm.s32 $0x18800  }
0x1e: {  	[spmem:s11] =	stream.linear.scatter [tilespmem:s19], [sflag:$0x1], $0x1000, $0x38;
	[tilespmem:$0x1C480] =	vst v63  }
0x1f: {  	s11 =	simm.s32 $0x1  }
0x20: {  	_ =	swait.ge [sflag:s11], $0x1000  }
0x21: {  	[sflag:s11] =	ssyncset.done $0x0  }
0x22: {  	[sflag:s11] =	ssyncadd.s32 $0xFFFFF000  }
0x23: {  	[spmem:s9] =	stream.linear.scatter [tilespmem:s19], [sflag:$0x1], $0x1000, $0x38;
	[tilespmem:$0x1C480] =	vst v63  }
0x24: {  	_ =	swait.ge [sflag:s11], $0x1000  }
0x25: {  	[sflag:s11] =	ssyncset.done $0x0  }
0x26: {  	[sflag:s11] =	ssyncadd.s32 $0xFFFFF000  }
0x27: {  	[spmem:s8] =	stream.linear.scatter [tilespmem:s19], [sflag:$0x1], $0x1000, $0x38;
	[tilespmem:$0x1C480] =	vst v63  }
0x28: {  	_ =	swait.ge [sflag:s11], $0x1000  }
0x29: {  	[sflag:s11] =	ssyncset.done $0x0  }
0x2a: {  	[sflag:s11] =	ssyncadd.s32 $0xFFFFF000  }
0x2b: {  	[spmem:s4] =	stream.linear.scatter [tilespmem:s19], [sflag:$0x1], $0x1000, $0x38;
	[tilespmem:$0x1C480] =	vst v63  }
0x2c: {  	_ =	swait.ge [sflag:s11], $0x1000  }
0x2d: {  	[sflag:s11] =	ssyncset.done $0x0  }
0x2e: {  	[sflag:s11] =	ssyncadd.s32 $0xFFFFF000  }
0x2f: {  	[spmem:s2] =	stream.linear.scatter [tilespmem:s19], [sflag:$0x1], $0x1000, $0x38;
	[tilespmem:$0x1C480] =	vst v63  }
0x30: {  	_ =	swait.ge [sflag:s11], $0x1000  }
0x31: {  	[sflag:s11] =	ssyncset.done $0x0  }
0x32: {  	[sflag:s11] =	ssyncadd.s32 $0xFFFFF000  }
0x33: {  	[spmem:s0] =	stream.linear.scatter [tilespmem:s19], [sflag:$0x1], $0x1000, $0x38;
	[tilespmem:$0x1C480] =	vst v63  }
0x34: {  	_ =	swait.ge [sflag:s11], $0x1000  }
0x35: {  	[sflag:s11] =	ssyncset.done $0x0  }
0x36: {  	[sflag:s11] =	ssyncadd.s32 $0xFFFFF000  }
0x37: {  	[spmem:s31] =	stream.linear.scatter [tilespmem:s19], [sflag:$0x1], $0x1000, $0x38;
	[tilespmem:$0x1C480] =	vst v63  }
0x38: {  	_ =	swait.ge [sflag:s11], $0x1000  }
0x39: {  	[sflag:s11] =	ssyncset.done $0x0  }
0x3a: {  	[sflag:s11] =	ssyncadd.s32 $0xFFFFF000  }
0x3b: {  	[spmem:s30] =	stream.linear.scatter [tilespmem:s19], [sflag:$0x1], $0x1000, $0x38;
	[tilespmem:$0x1C480] =	vst v63  }
0x3c: {  	_ =	swait.ge [sflag:s11], $0x1000  }
0x3d: {  	[sflag:s11] =	ssyncset.done $0x0  }
0x3e: {  	[sflag:s11] =	ssyncadd.s32 $0xFFFFF000  }
0x3f: {  	[spmem:s29] =	stream.linear.scatter [tilespmem:s19], [sflag:$0x1], $0x1000, $0x38;
	[tilespmem:$0x1C480] =	vst v63  }
0x40: {  	_ =	swait.ge [sflag:s11], $0x1000  }
0x41: {  	[sflag:s11] =	ssyncset.done $0x0  }
0x42: {  	[sflag:s11] =	ssyncadd.s32 $0xFFFFF000  }
0x43: {  	[spmem:s28] =	stream.linear.scatter [tilespmem:s19], [sflag:$0x1], $0x1000, $0x38;
	[tilespmem:$0x1C480] =	vst v63  }
0x44: {  	_ =	swait.ge [sflag:s11], $0x1000  }
0x45: {  	[sflag:s11] =	ssyncset.done $0x0  }
0x46: {  	[sflag:s11] =	ssyncadd.s32 $0xFFFFF000  }
0x47: {  	[spmem:s26] =	stream.linear.scatter [tilespmem:s19], [sflag:$0x1], $0x1000, $0x38;
	[tilespmem:$0x1C480] =	vst v63  }
0x48: {  	_ =	swait.ge [sflag:s11], $0x1000  }
0x49: {  	[sflag:s11] =	ssyncset.done $0x0  }
0x4a: {  	[sflag:s11] =	ssyncadd.s32 $0xFFFFF000  }
0x4b: {  	[spmem:s25] =	stream.linear.scatter [tilespmem:s19], [sflag:$0x1], $0x1000, $0x38;
	[tilespmem:$0x1C480] =	vst v63  }
0x4c: {  	_ =	swait.ge [sflag:s11], $0x1000  }
0x4d: {  	[sflag:s11] =	ssyncset.done $0x0  }
0x4e: {  	[sflag:s11] =	ssyncadd.s32 $0xFFFFF000  }
0x4f: {  	[spmem:s24] =	stream.linear.scatter [tilespmem:s19], [sflag:$0x1], $0x1000, $0x38;
	[tilespmem:$0x1C480] =	vst v63  }
0x50: {  	_ =	swait.ge [sflag:s11], $0x1000  }
0x51: {  	[sflag:s11] =	ssyncset.done $0x0  }
0x52: {  	[sflag:s11] =	ssyncadd.s32 $0xFFFFF000  }
0x53: {  	[spmem:s23] =	stream.linear.scatter [tilespmem:s19], [sflag:$0x1], $0x1000, $0x38;
	[tilespmem:$0x1C480] =	vst v63  }
0x54: {  	_ =	swait.ge [sflag:s11], $0x1000  }
0x55: {  	[sflag:s11] =	ssyncset.done $0x0  }
0x56: {  	[sflag:s11] =	ssyncadd.s32 $0xFFFFF000  }
0x57: {  	[spmem:s22] =	stream.linear.scatter [tilespmem:s19], [sflag:$0x1], $0x1000, $0x38;
	[tilespmem:$0x1C480] =	vst v63  }
0x58: {  	_ =	swait.ge [sflag:s11], $0x1000  }
0x59: {  	[sflag:s11] =	ssyncset.done $0x0  }
0x5a: {  	[sflag:s11] =	ssyncadd.s32 $0xFFFFF000  }
0x5b: {  	[spmem:s21] =	stream.linear.scatter [tilespmem:s19], [sflag:$0x1], $0x1000, $0x38;
	[tilespmem:$0x1C480] =	vst v63  }
0x5c: {  	_ =	swait.ge [sflag:s11], $0x1000  }
0x5d: {  	[sflag:s11] =	ssyncset.done $0x0  }
0x5e: {  	[sflag:s11] =	ssyncadd.s32 $0xFFFFF000  }
0x5f: {  	[spmem:s20] =	stream.linear.scatter [tilespmem:s19], [sflag:$0x1], $0x1000, $0x38;
	[tilespmem:$0x1C480] =	vst v63  }
0x60: {  	_ =	swait.ge [sflag:s11], $0x1000  }
0x61: {  	[sflag:s11] =	ssyncset.done $0x0  }
0x62: {  	[sflag:s11] =	ssyncadd.s32 $0xFFFFF000  }
0x63: {  	[spmem:s18] =	stream.linear.scatter [tilespmem:s19], [sflag:$0x1], $0x1000, $0x38;
	[tilespmem:$0x1C480] =	vst v63  }
0x64: {  	_ =	swait.ge [sflag:s11], $0x1000  }
0x65: {  	[sflag:s11] =	ssyncset.done $0x0  }
0x66: {  	[sflag:s11] =	ssyncadd.s32 $0xFFFFF000  }
0x67: {  	[spmem:s17] =	stream.linear.scatter [tilespmem:s19], [sflag:$0x1], $0x1000, $0x38;
	[tilespmem:$0x1C480] =	vst v63  }
0x68: {  	_ =	swait.ge [sflag:s11], $0x1000  }
0x69: {  	[sflag:s11] =	ssyncset.done $0x0  }
0x6a: {  	[sflag:s11] =	ssyncadd.s32 $0xFFFFF000  }
0x6b: {  	[spmem:s16] =	stream.linear.scatter [tilespmem:s19], [sflag:$0x1], $0x1000, $0x38;
	[tilespmem:$0x1C480] =	vst v63  }
0x6c: {  	_ =	swait.ge [sflag:s11], $0x1000  }
0x6d: {  	[sflag:s11] =	ssyncset.done $0x0  }
0x6e: {  	[sflag:s11] =	ssyncadd.s32 $0xFFFFF000  }
0x6f: {  	[spmem:s15] =	stream.linear.scatter [tilespmem:s19], [sflag:$0x1], $0x1000, $0x38;
	[tilespmem:$0x1C480] =	vst v63  }
0x70: {  	_ =	swait.ge [sflag:s11], $0x1000  }
0x71: {  	[sflag:s11] =	ssyncset.done $0x0  }
0x72: {  	[sflag:s11] =	ssyncadd.s32 $0xFFFFF000  }
0x73: {  	[spmem:s14] =	stream.linear.scatter [tilespmem:s19], [sflag:$0x1], $0x1000, $0x38;
	[tilespmem:$0x1C480] =	vst v63  }
0x74: {  	_ =	swait.ge [sflag:s11], $0x1000  }
0x75: {  	[sflag:s11] =	ssyncset.done $0x0  }
0x76: {  	[sflag:s11] =	ssyncadd.s32 $0xFFFFF000  }
0x77: {  	[spmem:s13] =	stream.linear.scatter [tilespmem:s19], [sflag:$0x1], $0x1000, $0x38;
	[tilespmem:$0x1C480] =	vst v63  }
0x78: {  	_ =	swait.ge [sflag:s11], $0x1000  }
0x79: {  	[sflag:s11] =	ssyncset.done $0x0  }
0x7a: {  	[sflag:s11] =	ssyncadd.s32 $0xFFFFF000  }
0x7b: {  	[spmem:s12] =	stream.linear.scatter [tilespmem:s19], [sflag:$0x1], $0x1000, $0x38;
	[tilespmem:$0x1C480] =	vst v63  }
0x7c: {  	_ =	swait.ge [sflag:s11], $0x1000  }
0x7d: {  	[sflag:s11] =	ssyncset.done $0x0  }
0x7e: {  	s15 =	rddreg [dreg:$0x5];
	[sflag:s11] =	ssyncadd.s32 $0xFFFFF000  }
0x7f: {  	[spmem:s15] =	stream.linear.scatter [tilespmem:s19], [sflag:$0x1], $0x800, $0x38;
	[tilespmem:$0x1C480] =	vst v63  }
0x80: {  	_ =	swait.ge [sflag:s11], $0x800  }
0x81: {  	[sflag:s11] =	ssyncset.done $0x0  }
0x82: {  	s14 =	stileid.u32;
	[sflag:s11] =	ssyncadd.s32 $0xFFFFF800  }
0x83: {  	s30 =	smul.u32 $0x190, s14;
	[bflag:$0x0] =	sbarrier.arrive $0xFFFF  }
0x84: {  	s31 =	rddreg [dreg:$0x7]  }
0x85: {  	s0 =	sadd.s32 s30, s31  }
0x86: {  	s4 =	simm.s32 $0x19800;
	s2 =	simm.s32 $0x0;
	s1 =	sadd.s32 $0x0, s0  }
0x87: {  	[tilespmem:s4], [sflag:$0x1] =	stream.linear.gather [hbm4b:s1+s2], $0x80, $0x38;
	[tilespmem:$0x1C480] =	vst v63  }
0x88: {  	_ =	swait.ge [sflag:s11], $0x80  }
0x89: {  	s8 =	simm.s32 $0x10;
	[sflag:s11] =	ssyncset.done $0x0  }
.LBB2_4:
0x8a: {  	s1 =	sadd.s32 s8, s0  }
0x8b: {  	[sflag:s11] =	ssyncadd.s32 $0xFFFFFF80;
	s4 =	sadd.s32 $0x80, s4;
	p0 =	sne.s32 s8, $0x180  }
0x8c: {  	[tilespmem:s4], [sflag:$0x1] =	stream.linear.gather [hbm4b:s1+s2], $0x80, $0x38;
	[tilespmem:$0x1C480] =	vst v63  }
.Ltmp2:
0x8d: {  	_ = 	snop;
	(pc) =	sbr.rel @p0 .LBB2_4-.Ltmp2, $4  }
0x8e: {  	_ = 	snop  }
0x8f: {  	s8 =	sadd.s32 $0x10, s8  }
0x90: {  	_ =	swait.ge [sflag:s11], $0x80  }
0x91: {  	[sflag:s11] =	ssyncset.done $0x0  }
0x92: {  	s0 =	smul.u32 $0x3200, s14  }
0x93: {  	s1 =	rddreg [dreg:$0x6]  }
0x94: {  	[sflag:s11] =	ssyncadd.s32 $0xFFFFFF80;
	s4 =	simm.s32 $0x0;
	s8 =	sadd.s32 s0, s1  }
0x95: {  	s2 =	simm.s32 $0x18800;
	s0 =	simm.s32 $0x1;
	s1 =	sadd.s32 $0x0, s8  }
0x96: {  	[tilespmem:s2], [sflag:$0x1] =	stream.linear.gather [hbm4b:s1+s4], $0x1000, $0x38;
	[tilespmem:$0x1C480] =	vst v63  }
0x97: {  	_ =	swait.ge [sflag:s0], $0x1000  }
0x98: {  	[sflag:s0] =	ssyncset.done $0x0  }
0x99: {  	s9 =	simm.s32 $0x80;
	s31 =	simm.s32 $0x19800;
	[sflag:s0] =	ssyncadd.s32 $0xFFFFF000  }
0x9a: {  	[spmem:s3] =	stream.indirect.scatter.add.f32 [tilespmem:s2], [sflag:$0x1], $0x20, s31, s9, $0xb8;
	[tilespmem:$0x1C480] =	vst v63  }
0x9b: {  	_ =	swait.ge [sflag:s0], $0x1000  }
0x9c: {  	s10 =	simm.s32 $0x200;
	s11 =	simm.s32 $0x400;
	[sflag:s0] =	ssyncset.done $0x0  }
.LBB2_6:
0x9d: {  	s1 =	sadd.s32 s10, s8  }
0x9e: {  	[sflag:s0] =	ssyncadd.s32 $0xFFFFF000;
	s12 =	smov.u32 s11;
	s13 =	sadd.s32 $0x200, s11  }
0x9f: {  	[tilespmem:s2], [sflag:$0x1] =	stream.linear.gather [hbm4b:s1+s4], $0x1000, $0x38;
	[tilespmem:$0x1C480] =	vst v63  }
0xa0: {  	p0 =	sne.s32 s11, $0x3000;
	_ =	swait.ge [sflag:s0], $0x1000  }
.Ltmp3:
0xa1: {  	s1 =	sshra.s32 s10, $0x2;
	[sflag:s0] =	ssyncset.done $0x0;
	(pc) =	sbr.rel @p0 .LBB2_6-.Ltmp3, $4  }
0xa2: {  	s10 =	smov.u32 s12;
	s1 =	sadd.s32 $0x19800, s1;
	[sflag:s0] =	ssyncadd.s32 $0xFFFFF000  }
0xa3: {  	[spmem:s3] =	stream.indirect.scatter.add.f32 [tilespmem:s2], [sflag:$0x1], $0x20, s1, s9, $0xb8;
	[tilespmem:$0x1C480] =	vst v63  }
0xa4: {  	_ =	swait.ge [sflag:s0], $0x1000  }
0xa5: {  	s11 =	smov.u32 s13;
	[sflag:s0] =	ssyncset.done $0x0  }
0xa6: {  	s1 =	sadd.s32 s10, s8;
	[sflag:s0] =	ssyncadd.s32 $0xFFFFF000  }
0xa7: {  	[tilespmem:s2], [sflag:$0x1] =	stream.linear.gather [hbm4b:s1+s4], $0x1000, $0x38;
	[tilespmem:$0x1C480] =	vst v63  }
0xa8: {  	_ =	swait.ge [sflag:s0], $0x1000  }
0xa9: {  	s31 =	sshra.s32 s10, $0x2;
	[sflag:s0] =	ssyncset.done $0x0  }
0xaa: {  	s1 =	sadd.s32 $0x19800, s31;
	[sflag:s0] =	ssyncadd.s32 $0xFFFFF000  }
0xab: {  	[spmem:s3] =	stream.indirect.scatter.add.f32 [tilespmem:s2], [sflag:$0x1], $0x20, s1, s9, $0xb8;
	[tilespmem:$0x1C480] =	vst v63  }
0xac: {  	_ =	swait.ge [sflag:s0], $0x1000  }
0xad: {  	s10 =	simm.s32 $0x1;
	[sflag:s0] =	ssyncset.done $0x0  }
0xae: {  	s11 =	simm.s32 $0x0;
	s9 =	simm.s32 $0x1A480;
	[sflag:s0] =	ssyncadd.s32 $0xFFFFF000  }
0xaf: {  	s2 =	simm.s32 $0x1B480;
	s0 =	simm.s32 $0x0;
	[bflag:$0x0] =	sbarrier.arrive $0xFFFF  }
.LBB2_8:
0xb0: {  	s1 =	sshll.u32 s11, $0xC  }
0xb1: {  	s1 =	sadd.s32 s5, s1  }
0xb2: {  	s4 =	sadd.s32 s1, s3  }
0xb3: {  	[tilespmem:s9], [sflag:$0x1] =	stream.linear.gather [spmem:s4], $0x1000, $0x38;
	[tilespmem:$0x1C480] =	vst v63  }
0xb4: {  	_ =	swait.ge [sflag:s10], $0x1000  }
0xb5: {  	s4 =	sshrl.u32 s1, $0x3;
	[sflag:s10] =	ssyncset.done $0x0  }
0xb6: {  	s1 =	sadd.s32 s6, s4;
	[sflag:s10] =	ssyncadd.s32 $0xFFFFF000  }
0xb7: {  	[tilespmem:s2], [sflag:$0x1] =	stream.linear.gather [hbm4b:s1+s0], $0x1000, $0x38;
	[tilespmem:$0x1C480] =	vst v63  }
0xb8: {  	_ =	swait.ge [sflag:s10], $0x1000  }
0xb9: {  	[sflag:s10] =	ssyncset.done $0x0  }
0xba: {  	s8 =	simm.s32 $0x0;
	[sflag:s10] =	ssyncadd.s32 $0xFFFFF000  }
0xbb: {  	v0 =	vld [tilespmem:s8+$0x1B480]  }
0xbc: {  	v1 =	vld [tilespmem:s8+$0x1B490]  }
0xbd: {  	s12 =	simm.s32 $0x80;
	v2 =	vld [tilespmem:s8+$0x1A480]  }
.LBB2_9:
0xbe: {  	p0 =	sne.s32 s12, $0x3F80;
	v3 =	vld [tilespmem:s8+$0x1A490];
	_ =	sdelay $0x2  }
.Ltmp4:
0xbf: {  	(pc) =	sbr.rel @p0 .LBB2_9-.Ltmp4, $4  }
0xc0: {  	s1 =	sshra.s32 s12, $0x2;
	v2 =	vmul.f32 v0, v2  }
0xc1: {  	v0 =	vld [tilespmem:s1+$0x1B480];
	v3 =	vmul.f32 v1, v3  }
0xc2: {  	v1 =	vld [tilespmem:s1+$0x1B490];
	[tilespmem:s8+$0x1A480] =	vst v2  }
0xc3: {  	s12 =	sadd.s32 $0x80, s12;
	v2 =	vld [tilespmem:s1+$0x1A480];
	[tilespmem:s8+$0x1A490] =	vst v3;
	s8 =	smov.u32 s1  }
0xc4: {  	v3 =	vld [tilespmem:s8+$0x1A490];
	_ =	sdelay $0x3  }
0xc5: {  	v0 =	vmul.f32 v0, v2  }
0xc6: {  	s11 =	sadd.s32 $0x1, s11;
	v1 =	vmul.f32 v1, v3  }
0xc7: {  	p0 =	sne.s32 s11, $0x18;
	[tilespmem:s8+$0x1A480] =	vst v0  }
.Ltmp5:
0xc8: {  	s1 =	sadd.s32 s7, s4;
	[tilespmem:s8+$0x1A490] =	vst v1;
	(pc) =	sbr.rel @p0 .LBB2_8-.Ltmp5, $4  }
0xc9: {  	[hbm4b:s1+s0] =	stream.linear.scatter [tilespmem:s9], [sflag:$0x1], $0x1000, $0x38;
	[tilespmem:$0x1C480] =	vst v63  }
0xca: {  	_ =	swait.ge [sflag:s10], $0x1000  }
0xcb: {  	[sflag:s10] =	ssyncset.done $0x0  }
0xcc: {  	[sflag:s10] =	ssyncadd.s32 $0xFFFFF000  }
0xcd: {  	s0 =	simm.s32 $0x1A480;
	s31 =	simm.s32 $0x1  }
0xce: {  	[tilespmem:s0], [sflag:$0x1] =	stream.linear.gather [spmem:s15], $0x800, $0x38;
	[tilespmem:$0x1C480] =	vst v63  }
0xcf: {  	_ =	swait.ge [sflag:s31], $0x800  }
0xd0: {  	s1 =	simm.s32 $0x0;
	[sflag:s31] =	ssyncset.done $0x0  }
0xd1: {  	s2 =	simm.s32 $0x1B480;
	s3 =	rddreg [dreg:$0x4];
	[sflag:s31] =	ssyncadd.s32 $0xFFFFF800  }
0xd2: {  	[tilespmem:s2], [sflag:$0x1] =	stream.linear.gather [hbm4b:s3+s1], $0x800, $0x38;
	[tilespmem:$0x1C480] =	vst v63  }
0xd3: {  	_ =	swait.ge [sflag:s31], $0x800  }
0xd4: {  	[sflag:s31] =	ssyncset.done $0x0  }
0xd5: {  	s0 =	simm.s32 $0x0;
	[sflag:s31] =	ssyncadd.s32 $0xFFFFF800  }
0xd6: {  	v0 =	vld [tilespmem:s0+$0x1B480]  }
0xd7: {  	v1 =	vld [tilespmem:s0+$0x1B490]  }
0xd8: {  	s2 =	simm.s32 $0x80;
	v2 =	vld [tilespmem:s0+$0x1A480]  }
.LBB2_12:
0xd9: {  	p0 =	sne.s32 s2, $0x1F80;
	v3 =	vld [tilespmem:s0+$0x1A490];
	_ =	sdelay $0x2  }
.Ltmp6:
0xda: {  	(pc) =	sbr.rel @p0 .LBB2_12-.Ltmp6, $4  }
0xdb: {  	s1 =	sshra.s32 s2, $0x2;
	v2 =	vmul.f32 v0, v2  }
0xdc: {  	v0 =	vld [tilespmem:s1+$0x1B480];
	v3 =	vmul.f32 v1, v3  }
0xdd: {  	v1 =	vld [tilespmem:s1+$0x1B490];
	[tilespmem:s0+$0x1A480] =	vst v2  }
0xde: {  	s2 =	sadd.s32 $0x80, s2;
	v2 =	vld [tilespmem:s1+$0x1A480];
	[tilespmem:s0+$0x1A490] =	vst v3;
	s0 =	smov.u32 s1  }
0xdf: {  	v3 =	vld [tilespmem:s0+$0x1A490];
	_ =	sdelay $0x3  }
0xe0: {  	v0 =	vmul.f32 v0, v2  }
0xe1: {  	v1 =	vmul.f32 v1, v3  }
0xe2: {  	s30 =	simm.s32 $0x0;
	[tilespmem:s0+$0x1A480] =	vst v0  }
0xe3: {  	s1 =	simm.s32 $0x1A480;
	s2 =	rddreg [dreg:$0x3];
	s31 =	simm.s32 $0x1;
	[tilespmem:s0+$0x1A490] =	vst v1  }
0xe4: {  	[hbm4b:s2+s30] =	stream.linear.scatter [tilespmem:s1], [sflag:$0x1], $0x800, $0x38;
	[tilespmem:$0x1C480] =	vst v63  }
0xe5: {  	_ =	swait.ge [sflag:s31], $0x800  }
0xe6: {  	[sflag:s31] =	ssyncset.done $0x0  }
0xe7: {  	[sflag:s31] =	ssyncadd.s32 $0xFFFFF800  }
0xe8: {  	s4 =	rddreg [dreg:$0x2]  }
.LBB2_14:
0xe9: {  	_ =	sfence.sel $0x180000  }
0xea: {  	[bflag:$0x0] =	sbarrier.arrive $0xFFFF  }
0xeb: {  	p0 =	sne.s32 s14, $0x0;
	_ =	strace $0x9000004D  }
0xec: {  	s0 =	sadd.s32 @!p0 $0x100000, s4;
	[bflag:$0x2] =	sbarrier.arrive $0xFFFF  }
0xed: {  	[sflag:s0] =	ssyncadd.tile.s32 @!p0 $0x1;
	_ =	shalt  }
.Lfunc_end2:
_tile_overlayer_lowered:
.L_overlay_start_2:
0xee: {  	(tag) =	ssettag $0x2  }
0xef: {  	s0 =	rddreg [dreg:$0x0];
	s2 =	stileid.u32  }
0xf0: {  	s1 =	rddreg [dreg:$0x1];
	p0 =	sne.s32 s2, $0x0  }
0xf1: {  	s3 =	rddreg [dreg:$0x2];
	[bflag:$0x3] =	sbarrier.arrive $0xFFFF;
	s2 =	simm.s32 @!p0 $0x1C01  }
0xf2: {  	[timem:s3], [sflag:s2] =	dma.local @!p0 [hbm:s0], s1  }
0xf3: {  	s0 =	simm.s32 @!p0 $0x1  }
0xf4: {  	_ =	swait.ge @!p0 [sflag:s0], s1  }
0xf5: {  	s1 =	ssub.s32 @!p0 $0x0, s1;
	[sflag:s0] =	ssyncset.done @!p0 $0x0  }
0xf6: {  	[sflag:s0] =	ssyncadd.s32 @!p0 s1  }
0xf7: {  	[bflag:$0x3] =	sbarrier.arrive $0xFFFF  }
0xf8: {  	_ =	shalt  }

// kernel: kernel.25.cloned.1.call-start
scs
__scs_entry_jumppad:
0x0: {  	(pc) =	sbr.rel $0x88, $3  }
0x1: {  	(tag) =	ssettag $0x0;
	lr =	simm.s32 $0x1  }
0x2: {  	[smem:$0x3F90] =	sst lr;
	_ =	strace $0xD0000000  }
0x3: {  	_ = 	snop  }
0x4: {  	_ = 	snop  }
0x5: {  	_ = 	snop  }
0x6: {  	_ = 	snop  }
0x7: {  	_ = 	snop  }
__scs_overlays_trampoline_lowered:
0x8: {  	[smem:$0x3F9F] =	sst s0  }
0x9: {  	[smem:$0x3FA0] =	sst s1  }
0xa: {  	[smem:$0x3FA1] =	sst s2  }
0xb: {  	[smem:$0x3FA2] =	sst s3  }
0xc: {  	[smem:$0x3FA3] =	sst s4  }
0xd: {  	[smem:$0x3FA4] =	sst s5  }
0xe: {  	[smem:$0x3FA5] =	sst s6  }
0xf: {  	[smem:$0x3FA6] =	sst s7  }
0x10: {  	[smem:$0x3FA7] =	sst s8  }
0x11: {  	[smem:$0x3FA8] =	sst s9;
	s0 =	simm.s32 @!p0 $0x0  }
0x12: {  	s1 =	sld [smem:$0x3F8E];
	s0 =	simm.s32 @p0 $0x1  }
0x13: {  	[smem:$0x3FA9] =	sst s0;
	s0 =	simm.s32 @!p1 $0x0  }
0x14: {  	s2 =	sld [smem:$0x3F8D];
	s0 =	simm.s32 @p1 $0x1  }
0x15: {  	[smem:$0x3FAA] =	sst s0;
	s0 =	simm.s32 @!p2 $0x0  }
0x16: {  	s3 =	sld [smem:$0x3FDB];
	s0 =	simm.s32 @p2 $0x1  }
0x17: {  	s4 =	simm.s32 $0x1BF5;
	[smem:$0x3FAC] =	sst s0  }
0x18: {  	s0 =	sld [smem:$0x3F8F];
	_ =	swait.ge [sflag:s4], $0x0  }
0x19: {  	s7 =	sld [smem:$0x3F90]  }
0x1a: {  	s8 =	sadd.s32 $0xFFFFE003, lr  }
0x1b: {  	s9 =	sadd.s32 $0xFFFFFEF7, lr;
	s5 =	simm.s32 $0xFFFFFFFF;
	p2 =	slt.u32 s8, $0xFFFFF086  }
0x1c: {  	p1 =	slt.u32 s9, $0xF7A;
	s5 =	simm.s32 @!p2 $0x0  }
0x1d: {  	s5 =	simm.s32 @p1 $0x1;
	p0 =	seq.s32 s7, s2  }
0x1e: {  	s7 =	smul.u32 @!p0 $0xF7A, s2;
	p2 =	seq.s32 @!p0 s5, $0x0  }
0x1f: {  	s9 =	smul.u32 $0xF7A, s1;
	s8 =	simm.s32 @!p0 $0x1BF5;
	p2 =	por !p2, p0  }
0x20: {  	[sflag:s8] =	ssyncset.s32 @!p0 $0xFFFFF086;
	s6 =	sadd.s32 @!p0 s3, s7;
	s7 =	simm.s32 @!p0 $0x108  }
0x21: {  	s3 =	sadd.s32 s3, s9;
	s6 =	sadd.s32 @!p0 $0x88, s6;
	s7 =	simm.s32 @p2 $0x1082  }
0x22: {  	[simem:s7], [sflag:s8] =	dma.local @!p0 [hbm:s6], $0xF7A  }
0x23: {  	s9 =	sor.u32 $0xD0000000, s2;
	s6 =	simm.s32 $0x108;
	_ =	swait.ge @!p0 [sflag:s8], $0x0  }
0x24: {  	s3 =	sadd.s32 $0x88, s3;
	s6 =	simm.s32 @!p1 $0x1082;
	[sflag:s4] =	ssyncset.s32 $0xFFFFF086  }
0x25: {  	[simem:s6], [sflag:s4] =	dma.local [hbm:s3], $0xF7A  }
0x26: {  	[smem:$0x3F90] =	sst s1;
	(tag) =	ssettag s2;
	_ =	strace s9  }
0x27: {  	s1 =	sld [smem:$0x3FA0]  }
0x28: {  	s2 =	sld [smem:$0x3FA1]  }
0x29: {  	s4 =	sld [smem:$0x3FA3]  }
0x2a: {  	p0 =	seq.s32 s5, $0x0;
	s5 =	sld [smem:$0x3FA4]  }
0x2b: {  	s6 =	sld [smem:$0x3FA5]  }
0x2c: {  	s7 =	sld [smem:$0x3FA6]  }
0x2d: {  	s3 =	simm.s32 $0x108;
	s8 =	sld [smem:$0x3FA7]  }
0x2e: {  	s3 =	simm.s32 @!p0 $0x1082;
	s9 =	sld [smem:$0x3FA8]  }
0x2f: {  	lr =	sadd.s32 s0, s3;
	s0 =	sld [smem:$0x3F9F]  }
0x30: {  	s3 =	sld [smem:$0x3FA2]  }
0x31: {  	[smem:$0x3FAB] =	sst s10  }
0x32: {  	s10 =	sld [smem:$0x3FA9];
	_ =	sdelay $0x3  }
0x33: {  	p0 =	seq.s32 s10, $0x1;
	s10 =	sld [smem:$0x3FAB];
	_ =	sdelay $0x3  }
0x34: {  	[smem:$0x3FAB] =	sst s10  }
0x35: {  	s10 =	sld [smem:$0x3FAA];
	_ =	sdelay $0x3  }
0x36: {  	p1 =	seq.s32 s10, $0x1;
	s10 =	sld [smem:$0x3FAB];
	_ =	sdelay $0x3  }
0x37: {  	[smem:$0x3FAB] =	sst s10  }
0x38: {  	s10 =	sld [smem:$0x3FAC]  }
0x39: {  	_ = 	snop;
	(pc) =	sbr.ind lr, $3  }
0x3a: {  	_ = 	snop  }
0x3b: {  	_ = 	snop  }
0x3c: {  	p2 =	seq.s32 s10, $0x1;
	s10 =	sld [smem:$0x3FAB]  }
0x3d: {  	_ =	shalt  }
0x3e: {  	_ =	shalt  }
0x3f: {  	_ =	shalt  }
0x40: {  	_ =	shalt  }
0x41: {  	_ =	shalt  }
0x42: {  	_ =	shalt  }
0x43: {  	_ =	shalt  }
0x44: {  	_ =	shalt  }
0x45: {  	_ =	shalt  }
0x46: {  	_ =	shalt  }
0x47: {  	_ =	shalt  }
0x48: {  	_ =	shalt  }
0x49: {  	_ =	shalt  }
0x4a: {  	_ =	shalt  }
0x4b: {  	_ =	shalt  }
0x4c: {  	_ =	shalt  }
0x4d: {  	_ =	shalt  }
0x4e: {  	_ =	shalt  }
0x4f: {  	_ =	shalt  }
0x50: {  	_ =	shalt  }
0x51: {  	_ =	shalt  }
0x52: {  	_ =	shalt  }
0x53: {  	_ =	shalt  }
0x54: {  	_ =	shalt  }
0x55: {  	_ =	shalt  }
0x56: {  	_ =	shalt  }
0x57: {  	_ =	shalt  }
0x58: {  	_ =	shalt  }
0x59: {  	_ =	shalt  }
0x5a: {  	_ =	shalt  }
0x5b: {  	_ =	shalt  }
0x5c: {  	_ =	shalt  }
0x5d: {  	_ =	shalt  }
0x5e: {  	_ =	shalt  }
0x5f: {  	_ =	shalt  }
0x60: {  	_ =	shalt  }
0x61: {  	_ =	shalt  }
0x62: {  	_ =	shalt  }
0x63: {  	_ =	shalt  }
0x64: {  	_ =	shalt  }
0x65: {  	_ =	shalt  }
0x66: {  	_ =	shalt  }
0x67: {  	_ =	shalt  }
0x68: {  	_ =	shalt  }
0x69: {  	_ =	shalt  }
0x6a: {  	_ =	shalt  }
0x6b: {  	_ =	shalt  }
0x6c: {  	_ =	shalt  }
0x6d: {  	_ =	shalt  }
0x6e: {  	_ =	shalt  }
0x6f: {  	_ =	shalt  }
0x70: {  	_ =	shalt  }
0x71: {  	_ =	shalt  }
0x72: {  	_ =	shalt  }
0x73: {  	_ =	shalt  }
0x74: {  	_ =	shalt  }
0x75: {  	_ =	shalt  }
0x76: {  	_ =	shalt  }
0x77: {  	_ =	shalt  }
0x78: {  	_ =	shalt  }
0x79: {  	_ =	shalt  }
0x7a: {  	_ =	shalt  }
0x7b: {  	_ =	shalt  }
0x7c: {  	_ =	shalt  }
0x7d: {  	_ =	shalt  }
0x7e: {  	_ =	shalt  }
0x7f: {  	_ =	shalt  }
0x80: {  	_ =	shalt  }
0x81: {  	_ =	shalt  }
0x82: {  	_ =	shalt  }
0x83: {  	_ =	shalt  }
0x84: {  	_ =	shalt  }
0x85: {  	_ =	shalt  }
0x86: {  	_ =	shalt  }
0x87: {  	_ =	shalt  }
.Lfunc_end0:
.L_simem_size_0:
called_computation.3_lowered:
.L_overlay_start_0:
0x88: {  	s2 =	sld [smem:$0x3FD9]  }
0x89: {  	s3 =	sld [smem:$0x3FFE];
	_ =	sdelay $0x1  }
0x8a: {  	s1 =	srdreg.scid  }
0x8b: {  	s0 =	sand.u32 $0x1, s1  }
0x8c: {  	s17 =	sshll.u32 s0, $0xA;
	s2 =	sadd.s32 s3, s2  }
0x8d: {  	s2 =	sadd.s32 s2, s17  }
0x8e: {  	[smem:$0x3FB7] =	sst s2  }
0x8f: {  	_ = 	snop  }
0x90: {  	s2 =	sld [smem:$0x3FC7];
	(tm) =	ssettm $0x1  }
0x91: {  	s18 =	sld [smem:$0x3FFB];
	_ =	sdelay $0x3  }
0x92: {  	_ =	strace s18  }
0x93: {  	s3 =	sld [smem:$0x3FFC];
	_ =	sdelay $0x3  }
0x94: {  	_ =	strace s3  }
0x95: {  	s3 =	sld [smem:$0x3FFD];
	_ =	sdelay $0x3  }
0x96: {  	_ =	strace s3  }
0x97: {  	_ =	strace $0x8FFFFFFF  }
0x98: {  	s19 =	sld [smem:$0x3FDB];
	_ =	sdelay $0x1  }
0x99: {  	s4 =	simm.s32 $_scs_section_size  }
0x9a: {  	s5 =	simm.s32 $_size__tile_overlayer_lowered;
	s6 =	simm.s32 $_tile_overlayer_lowered  }
0x9b: {  	s22 =	simm.s32 $0x1BFF;
	s21 =	sshll.u32 s6, $0x1;
	s3 =	sadd.s32 s4, s19  }
0x9c: {  	s7 =	simm.s32 $0x0;
	s20 =	sshll.u32 s5, $0x1;
	s5 =	sadd.s32 s21, s3  }
0x9d: {  	[timem:s7], [sflag:s22] =	dma.local [hbm:s5], s20  }
0x9e: {  	_ =	swait.ge [sflag:s22], s20  }
0x9f: {  	s4 =	ssub.s32 $0x0, s20;
	[sflag:s22] =	ssyncset.done $0x0  }
0xa0: {  	[sflag:s22] =	ssyncadd.s32 s4;
	_ =	sdelay $0x1  }
0xa1: {  	s23 =	simm.s32 $0x1B8B  }
0xa2: {  	_ =	swait.ge [sflag:s23], $0x1  }
0xa3: {  	[sflag:s23] =	ssyncset.done $0x0  }
0xa4: {  	s25 =	simm.s32 $0x1B8E;
	s24 =	sld [smem:$0x3FFE];
	[sflag:s23] =	ssyncadd.s32 $0xFFFFFFFF  }
0xa5: {  	s26 =	simm.s32 $execute0_lowered;
	[smem:$0x3FD2] =	sst s25  }
0xa6: {  	s5 =	sshll.u32 s26, $0x1;
	_ =	strace $0x8000004F;
	[dreg:$0x1] =	wrdreg $0xFFFFFFFF  }
0xa7: {  	s28 =	simm.s32 $_size_execute0_lowered;
	s3 =	sadd.s32 s3, s5;
	[dreg:$0x0] =	wrdreg $0x0  }
0xa8: {  	s5 =	sshll.u32 s28, $0x1;
	[dreg:$0x2] =	wrdreg s3  }
0xa9: {  	[dreg:$0x3] =	wrdreg s5  }
0xaa: {  	[dreg:$0x4] =	wrdreg $0xC0  }
0xab: {  	_ =	task [dreg:s7], $0x5FFFF  }
0xac: {  	[dreg:$0x1] =	wrdreg $0xFFFFFFFF  }
0xad: {  	[dreg:$0x0] =	wrdreg $0x60  }
0xae: {  	[dreg:$0x2] =	wrdreg s24  }
0xaf: {  	[dreg:$0x3] =	wrdreg s2  }
0xb0: {  	[dreg:$0x4] =	wrdreg $0x9  }
0xb1: {  	_ =	task.clear_ibuf [dreg:s7], $0x5FFFF;
	_ =	strace $0x9000004F  }
0xb2: {  	s29 =	simm.s32 $0x9;
	_ =	strace $0x80000051  }
0xb3: {  	_ =	swait.ge [sflag:s29], $0x1  }
0xb4: {  	[sflag:s29] =	ssyncadd.s32 $0xFFFFFFFF  }
0xb5: {  	_ =	strace $0x90000051  }
0xb6: {  	_ =	sfence  }
0xb7: {  	s30 =	sld [smem:$0x0];
	_ =	sdelay $0x2  }
0xb8: {  	s31 =	sshll.u32 s1, $0xD;
	s1 =	sshrl.u32 s1, $0x2  }
0xb9: {  	s3 =	sand.u32 $0x4000, s31;
	s1 =	sadd.s32 s1, s30  }
0xba: {  	s0 =	sor.u32 s3, s0;
	s1 =	sshll.u32 s1, $0x11  }
0xbb: {  	s0 =	sor.u32 s1, s0  }
0xbc: {  	s0 =	sadd.s32 $0x8F2B, s0  }
0xbd: {  	[sflag:s0] =	ssyncadd.remote.s32 $0x1  }
0xbe: {  	_ =	sfence.sel $0xFFFF  }
0xbf: {  	[dreg:$0x0] =	wrdreg $0xFFFFFFFF;
	(pc) =	sbr.abs _section_cstart, $3  }
0xc0: {  	[dreg:$0x1] =	wrdreg $0xFFFFFFFF  }
0xc1: {  	_ =	task.clear_ibuf [dreg:s7], $0x2FFFF;
	_ =	strace $0x9FFFFFFF  }
0xc2: {  	(tm) =	ssettm $0x7FFFFFFF  }
0xc3: {  	_ =	shalt  }
tec
execute0_lowered:
.L_overlay_start_1:
0x0: {  	(tag) =	ssettag $0x1  }
0x1: {  	s4 =	rddreg [dreg:$0x0]  }
0x2: {  	s8 =	rddreg [dreg:$0x1]  }
0x3: {  	s0 =	rddreg [dreg:$0x2]  }
0x4: {  	s3 =	srdreg.scid;
	s1 =	stileid.u32;
	s2 =	simm.s32 $0x0  }
0x5: {  	s14 =	simm.s32 $0x85A8;
	s15 =	simm.s32 $0x0;
	s10 =	smul.u32 $0xC350, s1  }
0x6: {  	s6 =	sand.u32 $0x1, s3;
	s28 =	sshll.u32 s1, $0x1;
	s12 =	smul.u32 $0x30D40, s1  }
0x7: {  	[smem:$0x7FF] =	sst s2;
	s7 =	sadd.s32 $0xD600, s4;
	s11 =	smul.u32 $0x61A8, s6  }
0x8: {  	s3 =	sor.u32 s6, s28;
	s29 =	ssub.s32 $0x2, s6;
	s13 =	smul.u32 $0x186A0, s6  }
0x9: {  	_ =	strace $0x80000050;
	s5 =	smul.u32 $0x61A8, s3;
	s9 =	sshrl.u32 s29, $0x1  }
0xa: {  	s3 =	sadd.s32 $0x3B0C00, s4;
	s9 =	ssub.s32 s29, s9;
	s10 =	sadd.s32 s11, s10  }
0xb: {  	s11 =	simm.s32 $0x1;
	s5 =	sadd.s32 $0x6000, s5;
	s6 =	smax.u32 s9, $0x1  }
0xc: {  	s31 =	sshrl.u32 s10, $0x3;
	s9 =	simm.s32 $0x2;
	s30 =	sshrl.u32 s5, $0x3  }
0xd: {  	s10 =	simm.s32 $0x400;
	s5 =	sshll.u32 s5, $0x2;
	s4 =	sadd.s32 s8, s30  }
0xe: {  	s5 =	sadd.s32 s7, s5;
	s7 =	sadd.s32 s12, s7;
	s8 =	sadd.s32 s31, s8  }
0xf: {  	s12 =	simm.s32 $0x8400;
	s7 =	sadd.s32 s13, s7;
	s13 =	simm.s32 $0x1A8  }
.LBB2_1:
0x10: {  	s16 =	sadd.s32 $0x0, s8  }
0x11: {  	[tilespmem:s2], [sflag:$0x2] =	stream.linear.gather [hbm4b:s16+s2], $0x400, $0x38;
	[tilespmem:$0xBAA8] =	vst v63  }
0x12: {  	_ =	swait.ge [sflag:s9], $0x400  }
0x13: {  	[sflag:s9] =	ssyncset.done $0x0  }
0x14: {  	[sflag:s9] =	ssyncadd.s32 $0xFFFFFC00  }
0x15: {  	[tilespmem:s10], [sflag:$0x1] =	stream.indirect.gather [hbm4b:s3+s10], $0x20, s2, s10, $0xb8;
	[tilespmem:$0xBAA8] =	vst v63  }
0x16: {  	_ =	swait.ge [sflag:s11], $0x8000  }
0x17: {  	[sflag:s11] =	ssyncset.done $0x0  }
0x18: {  	[sflag:s11] =	ssyncadd.s32 $0xFFFF8000  }
0x19: {  	[hbm4b:s7+s2] =	stream.linear.scatter [tilespmem:s10], [sflag:$0x2], $0x8000, $0x38;
	[tilespmem:$0xBAA8] =	vst v63  }
0x1a: {  	s17 =	simm.s32 $0x80;
	_ =	swait.ge [sflag:s9], $0x8000  }
0x1b: {  	s18 =	simm.s32 $0x100;
	s16 =	sadd.s32 $0x1000, s7;
	[sflag:s9] =	ssyncset.done $0x0  }
.LBB2_2:
0x1c: {  	s19 =	sadd.s32 s17, s8  }
0x1d: {  	[sflag:s9] =	ssyncadd.s32 $0xFFFF8000;
	s17 =	smov.u32 s18;
	s20 =	sadd.s32 $0x80, s18  }
0x1e: {  	[tilespmem:s2], [sflag:$0x2] =	stream.linear.gather [hbm4b:s19+s2], $0x400, $0x38;
	[tilespmem:$0xBAA8] =	vst v63  }
0x1f: {  	p0 =	sne.s32 s18, $0xB80;
	_ =	swait.ge [sflag:s9], $0x400  }
0x20: {  	[sflag:s9] =	ssyncset.done $0x0  }
0x21: {  	[sflag:s9] =	ssyncadd.s32 $0xFFFFFC00  }
0x22: {  	[tilespmem:s10], [sflag:$0x1] =	stream.indirect.gather [hbm4b:s3+s10], $0x20, s2, s10, $0xb8;
	[tilespmem:$0xBAA8] =	vst v63  }
0x23: {  	_ =	swait.ge [sflag:s11], $0x8000  }
.Ltmp0:
0x24: {  	[sflag:s11] =	ssyncset.done $0x0;
	(pc) =	sbr.rel @p0 .LBB2_2-.Ltmp0, $4  }
0x25: {  	[sflag:s11] =	ssyncadd.s32 $0xFFFF8000  }
0x26: {  	[hbm4b:s16+s2] =	stream.linear.scatter [tilespmem:s10], [sflag:$0x2], $0x8000, $0x38;
	[tilespmem:$0xBAA8] =	vst v63  }
0x27: {  	_ =	swait.ge [sflag:s9], $0x8000  }
0x28: {  	s18 =	smov.u32 s20;
	s16 =	sadd.s32 $0x1000, s16;
	[sflag:s9] =	ssyncset.done $0x0  }
0x29: {  	s17 =	sadd.s32 s17, s8;
	[sflag:s9] =	ssyncadd.s32 $0xFFFF8000  }
0x2a: {  	[tilespmem:s2], [sflag:$0x2] =	stream.linear.gather [hbm4b:s17+s2], $0x400, $0x38;
	[tilespmem:$0xBAA8] =	vst v63  }
0x2b: {  	_ =	swait.ge [sflag:s9], $0x400  }
0x2c: {  	[sflag:s9] =	ssyncset.done $0x0  }
0x2d: {  	[sflag:s9] =	ssyncadd.s32 $0xFFFFFC00  }
0x2e: {  	[tilespmem:s10], [sflag:$0x1] =	stream.indirect.gather [hbm4b:s3+s10], $0x20, s2, s10, $0xb8;
	[tilespmem:$0xBAA8] =	vst v63  }
0x2f: {  	_ =	swait.ge [sflag:s11], $0x8000  }
0x30: {  	[sflag:s11] =	ssyncset.done $0x0  }
0x31: {  	[sflag:s11] =	ssyncadd.s32 $0xFFFF8000  }
0x32: {  	[hbm4b:s16+s2] =	stream.linear.scatter [tilespmem:s10], [sflag:$0x2], $0x8000, $0x38;
	[tilespmem:$0xBAA8] =	vst v63  }
0x33: {  	_ =	swait.ge [sflag:s9], $0x8000  }
0x34: {  	[sflag:s9] =	ssyncset.done $0x0  }
0x35: {  	[sflag:s9] =	ssyncadd.s32 $0xFFFF8000  }
0x36: {  	[tilespmem:s12], [sflag:$0x2] =	stream.linear.gather [hbm4b:s4+s2], $0x1A8, $0x38;
	[tilespmem:$0xBAA8] =	vst v63  }
0x37: {  	_ =	swait.ge [sflag:s9], $0x1A8  }
0x38: {  	[sflag:s9] =	ssyncset.done $0x0  }
0x39: {  	[sflag:s9] =	ssyncadd.s32 $0xFFFFFE58  }
0x3a: {  	[tilespmem:s14], [sflag:$0x1] =	stream.indirect.gather [hbm4b:s3+s13], $0x20, s12, s13, $0xb8;
	[tilespmem:$0xBAA8] =	vst v63  }
0x3b: {  	s15 =	sadd.s32 $0x1, s15;
	_ =	swait.ge [sflag:s11], $0x3500  }
0x3c: {  	p0 =	sne.s32 s15, s6;
	[sflag:s11] =	ssyncset.done $0x0  }
.Ltmp1:
0x3d: {  	[sflag:s11] =	ssyncadd.s32 $0xFFFFCB00;
	(pc) =	sbr.rel @p0 .LBB2_1-.Ltmp1, $4  }
0x3e: {  	[hbm4b:s5+s2] =	stream.linear.scatter [tilespmem:s14], [sflag:$0x2], $0x3500, $0x38;
	[tilespmem:$0xBAA8] =	vst v63  }
0x3f: {  	_ =	swait.ge [sflag:s9], $0x3500  }
0x40: {  	[sflag:s9] =	ssyncset.done $0x0  }
0x41: {  	[sflag:s9] =	ssyncadd.s32 $0xFFFFCB00  }
0x42: {  	_ =	sfence.sel $0x180000  }
0x43: {  	[bflag:$0x0] =	sbarrier.arrive $0xFFFF  }
0x44: {  	p0 =	sne.s32 s1, $0x0;
	_ =	strace $0x90000050  }
0x45: {  	s0 =	sadd.s32 @!p0 $0x100000, s0;
	[bflag:$0x2] =	sbarrier.arrive $0xFFFF  }
0x46: {  	[sflag:s0] =	ssyncadd.tile.s32 @!p0 $0x1;
	_ =	shalt  }
.Lfunc_end2:
_tile_overlayer_lowered:
.L_overlay_start_2:
0x47: {  	(tag) =	ssettag $0x2  }
0x48: {  	s0 =	rddreg [dreg:$0x0];
	s2 =	stileid.u32  }
0x49: {  	s1 =	rddreg [dreg:$0x1];
	p0 =	sne.s32 s2, $0x0  }
0x4a: {  	s3 =	rddreg [dreg:$0x2];
	[bflag:$0x3] =	sbarrier.arrive $0xFFFF;
	s2 =	simm.s32 @!p0 $0x1C02  }
0x4b: {  	[timem:s3], [sflag:s2] =	dma.local @!p0 [hbm:s0], s1  }
0x4c: {  	s0 =	simm.s32 @!p0 $0x2  }
0x4d: {  	_ =	swait.ge @!p0 [sflag:s0], s1  }
0x4e: {  	s1 =	ssub.s32 @!p0 $0x0, s1;
	[sflag:s0] =	ssyncset.done @!p0 $0x0  }
0x4f: {  	[sflag:s0] =	ssyncadd.s32 @!p0 s1  }
0x50: {  	[bflag:$0x3] =	sbarrier.arrive $0xFFFF  }
0x51: {  	_ =	shalt  }

// kernel: kernel.28.cloned.1.call-start
scs
__scs_entry_jumppad:
0x0: {  	(pc) =	sbr.rel $0x88, $3  }
0x1: {  	(tag) =	ssettag $0x0;
	lr =	simm.s32 $0x1  }
0x2: {  	[smem:$0x3F90] =	sst lr;
	_ =	strace $0xD0000000  }
0x3: {  	_ = 	snop  }
0x4: {  	_ = 	snop  }
0x5: {  	_ = 	snop  }
0x6: {  	_ = 	snop  }
0x7: {  	_ = 	snop  }
__scs_overlays_trampoline_lowered:
0x8: {  	[smem:$0x3F9F] =	sst s0  }
0x9: {  	[smem:$0x3FA0] =	sst s1  }
0xa: {  	[smem:$0x3FA1] =	sst s2  }
0xb: {  	[smem:$0x3FA2] =	sst s3  }
0xc: {  	[smem:$0x3FA3] =	sst s4  }
0xd: {  	[smem:$0x3FA4] =	sst s5  }
0xe: {  	[smem:$0x3FA5] =	sst s6  }
0xf: {  	[smem:$0x3FA6] =	sst s7  }
0x10: {  	[smem:$0x3FA7] =	sst s8  }
0x11: {  	[smem:$0x3FA8] =	sst s9;
	s0 =	simm.s32 @!p0 $0x0  }
0x12: {  	s1 =	sld [smem:$0x3F8E];
	s0 =	simm.s32 @p0 $0x1  }
0x13: {  	[smem:$0x3FA9] =	sst s0;
	s0 =	simm.s32 @!p1 $0x0  }
0x14: {  	s2 =	sld [smem:$0x3F8D];
	s0 =	simm.s32 @p1 $0x1  }
0x15: {  	[smem:$0x3FAA] =	sst s0;
	s0 =	simm.s32 @!p2 $0x0  }
0x16: {  	s3 =	sld [smem:$0x3FDB];
	s0 =	simm.s32 @p2 $0x1  }
0x17: {  	s4 =	simm.s32 $0x1BF5;
	[smem:$0x3FAC] =	sst s0  }
0x18: {  	s0 =	sld [smem:$0x3F8F];
	_ =	swait.ge [sflag:s4], $0x0  }
0x19: {  	s7 =	sld [smem:$0x3F90]  }
0x1a: {  	s8 =	sadd.s32 $0xFFFFE003, lr  }
0x1b: {  	s9 =	sadd.s32 $0xFFFFFEF7, lr;
	s5 =	simm.s32 $0xFFFFFFFF;
	p2 =	slt.u32 s8, $0xFFFFF086  }
0x1c: {  	p1 =	slt.u32 s9, $0xF7A;
	s5 =	simm.s32 @!p2 $0x0  }
0x1d: {  	s5 =	simm.s32 @p1 $0x1;
	p0 =	seq.s32 s7, s2  }
0x1e: {  	s7 =	smul.u32 @!p0 $0xF7A, s2;
	p2 =	seq.s32 @!p0 s5, $0x0  }
0x1f: {  	s9 =	smul.u32 $0xF7A, s1;
	s8 =	simm.s32 @!p0 $0x1BF5;
	p2 =	por !p2, p0  }
0x20: {  	[sflag:s8] =	ssyncset.s32 @!p0 $0xFFFFF086;
	s6 =	sadd.s32 @!p0 s3, s7;
	s7 =	simm.s32 @!p0 $0x108  }
0x21: {  	s3 =	sadd.s32 s3, s9;
	s6 =	sadd.s32 @!p0 $0x88, s6;
	s7 =	simm.s32 @p2 $0x1082  }
0x22: {  	[simem:s7], [sflag:s8] =	dma.local @!p0 [hbm:s6], $0xF7A  }
0x23: {  	s9 =	sor.u32 $0xD0000000, s2;
	s6 =	simm.s32 $0x108;
	_ =	swait.ge @!p0 [sflag:s8], $0x0  }
0x24: {  	s3 =	sadd.s32 $0x88, s3;
	s6 =	simm.s32 @!p1 $0x1082;
	[sflag:s4] =	ssyncset.s32 $0xFFFFF086  }
0x25: {  	[simem:s6], [sflag:s4] =	dma.local [hbm:s3], $0xF7A  }
0x26: {  	[smem:$0x3F90] =	sst s1;
	(tag) =	ssettag s2;
	_ =	strace s9  }
0x27: {  	s1 =	sld [smem:$0x3FA0]  }
0x28: {  	s2 =	sld [smem:$0x3FA1]  }
0x29: {  	s4 =	sld [smem:$0x3FA3]  }
0x2a: {  	p0 =	seq.s32 s5, $0x0;
	s5 =	sld [smem:$0x3FA4]  }
0x2b: {  	s6 =	sld [smem:$0x3FA5]  }
0x2c: {  	s7 =	sld [smem:$0x3FA6]  }
0x2d: {  	s3 =	simm.s32 $0x108;
	s8 =	sld [smem:$0x3FA7]  }
0x2e: {  	s3 =	simm.s32 @!p0 $0x1082;
	s9 =	sld [smem:$0x3FA8]  }
0x2f: {  	lr =	sadd.s32 s0, s3;
	s0 =	sld [smem:$0x3F9F]  }
0x30: {  	s3 =	sld [smem:$0x3FA2]  }
0x31: {  	[smem:$0x3FAB] =	sst s10  }
0x32: {  	s10 =	sld [smem:$0x3FA9];
	_ =	sdelay $0x3  }
0x33: {  	p0 =	seq.s32 s10, $0x1;
	s10 =	sld [smem:$0x3FAB];
	_ =	sdelay $0x3  }
0x34: {  	[smem:$0x3FAB] =	sst s10  }
0x35: {  	s10 =	sld [smem:$0x3FAA];
	_ =	sdelay $0x3  }
0x36: {  	p1 =	seq.s32 s10, $0x1;
	s10 =	sld [smem:$0x3FAB];
	_ =	sdelay $0x3  }
0x37: {  	[smem:$0x3FAB] =	sst s10  }
0x38: {  	s10 =	sld [smem:$0x3FAC]  }
0x39: {  	_ = 	snop;
	(pc) =	sbr.ind lr, $3  }
0x3a: {  	_ = 	snop  }
0x3b: {  	_ = 	snop  }
0x3c: {  	p2 =	seq.s32 s10, $0x1;
	s10 =	sld [smem:$0x3FAB]  }
0x3d: {  	_ =	shalt  }
0x3e: {  	_ =	shalt  }
0x3f: {  	_ =	shalt  }
0x40: {  	_ =	shalt  }
0x41: {  	_ =	shalt  }
0x42: {  	_ =	shalt  }
0x43: {  	_ =	shalt  }
0x44: {  	_ =	shalt  }
0x45: {  	_ =	shalt  }
0x46: {  	_ =	shalt  }
0x47: {  	_ =	shalt  }
0x48: {  	_ =	shalt  }
0x49: {  	_ =	shalt  }
0x4a: {  	_ =	shalt  }
0x4b: {  	_ =	shalt  }
0x4c: {  	_ =	shalt  }
0x4d: {  	_ =	shalt  }
0x4e: {  	_ =	shalt  }
0x4f: {  	_ =	shalt  }
0x50: {  	_ =	shalt  }
0x51: {  	_ =	shalt  }
0x52: {  	_ =	shalt  }
0x53: {  	_ =	shalt  }
0x54: {  	_ =	shalt  }
0x55: {  	_ =	shalt  }
0x56: {  	_ =	shalt  }
0x57: {  	_ =	shalt  }
0x58: {  	_ =	shalt  }
0x59: {  	_ =	shalt  }
0x5a: {  	_ =	shalt  }
0x5b: {  	_ =	shalt  }
0x5c: {  	_ =	shalt  }
0x5d: {  	_ =	shalt  }
0x5e: {  	_ =	shalt  }
0x5f: {  	_ =	shalt  }
0x60: {  	_ =	shalt  }
0x61: {  	_ =	shalt  }
0x62: {  	_ =	shalt  }
0x63: {  	_ =	shalt  }
0x64: {  	_ =	shalt  }
0x65: {  	_ =	shalt  }
0x66: {  	_ =	shalt  }
0x67: {  	_ =	shalt  }
0x68: {  	_ =	shalt  }
0x69: {  	_ =	shalt  }
0x6a: {  	_ =	shalt  }
0x6b: {  	_ =	shalt  }
0x6c: {  	_ =	shalt  }
0x6d: {  	_ =	shalt  }
0x6e: {  	_ =	shalt  }
0x6f: {  	_ =	shalt  }
0x70: {  	_ =	shalt  }
0x71: {  	_ =	shalt  }
0x72: {  	_ =	shalt  }
0x73: {  	_ =	shalt  }
0x74: {  	_ =	shalt  }
0x75: {  	_ =	shalt  }
0x76: {  	_ =	shalt  }
0x77: {  	_ =	shalt  }
0x78: {  	_ =	shalt  }
0x79: {  	_ =	shalt  }
0x7a: {  	_ =	shalt  }
0x7b: {  	_ =	shalt  }
0x7c: {  	_ =	shalt  }
0x7d: {  	_ =	shalt  }
0x7e: {  	_ =	shalt  }
0x7f: {  	_ =	shalt  }
0x80: {  	_ =	shalt  }
0x81: {  	_ =	shalt  }
0x82: {  	_ =	shalt  }
0x83: {  	_ =	shalt  }
0x84: {  	_ =	shalt  }
0x85: {  	_ =	shalt  }
0x86: {  	_ =	shalt  }
0x87: {  	_ =	shalt  }
.Lfunc_end0:
.L_simem_size_0:
called_computation.4_lowered:
.L_overlay_start_0:
0x88: {  	s2 =	sld [smem:$0x3FD9]  }
0x89: {  	s3 =	sld [smem:$0x3FFE];
	_ =	sdelay $0x1  }
0x8a: {  	s1 =	srdreg.scid  }
0x8b: {  	s0 =	sand.u32 $0x1, s1  }
0x8c: {  	s16 =	sshll.u32 s0, $0xA;
	s2 =	sadd.s32 s3, s2  }
0x8d: {  	s2 =	sadd.s32 s2, s16  }
0x8e: {  	[smem:$0x3FB7] =	sst s2  }
0x8f: {  	_ = 	snop  }
0x90: {  	(tm) =	ssettm $0x1  }
0x91: {  	s17 =	sld [smem:$0x3FFB];
	_ =	sdelay $0x3  }
0x92: {  	_ =	strace s17  }
0x93: {  	s2 =	sld [smem:$0x3FFC];
	_ =	sdelay $0x3  }
0x94: {  	_ =	strace s2  }
0x95: {  	s2 =	sld [smem:$0x3FFD];
	_ =	sdelay $0x3  }
0x96: {  	_ =	strace s2  }
0x97: {  	_ =	strace $0x8FFFFFFF  }
0x98: {  	s18 =	sld [smem:$0x3FDB];
	_ =	sdelay $0x1  }
0x99: {  	s19 =	simm.s32 $_scs_section_size  }
0x9a: {  	s4 =	simm.s32 $_size__tile_overlayer_lowered;
	s5 =	simm.s32 $_tile_overlayer_lowered  }
0x9b: {  	s22 =	simm.s32 $0x1BFF;
	s21 =	sshll.u32 s5, $0x1;
	s2 =	sadd.s32 s19, s18  }
0x9c: {  	s6 =	simm.s32 $0x0;
	s20 =	sshll.u32 s4, $0x1;
	s4 =	sadd.s32 s21, s2  }
0x9d: {  	[timem:s6], [sflag:s22] =	dma.local [hbm:s4], s20  }
0x9e: {  	_ =	swait.ge [sflag:s22], s20  }
0x9f: {  	s3 =	ssub.s32 $0x0, s20;
	[sflag:s22] =	ssyncset.done $0x0  }
0xa0: {  	[sflag:s22] =	ssyncadd.s32 s3;
	_ =	sdelay $0x1  }
0xa1: {  	s23 =	simm.s32 $0x1B8B  }
0xa2: {  	_ =	swait.ge [sflag:s23], $0x1  }
0xa3: {  	[sflag:s23] =	ssyncset.done $0x0  }
0xa4: {  	s25 =	simm.s32 $0x1B8E;
	s24 =	sld [smem:$0x3FFE];
	[sflag:s23] =	ssyncadd.s32 $0xFFFFFFFF  }
0xa5: {  	s26 =	simm.s32 $execute0_lowered;
	[smem:$0x3FD2] =	sst s25  }
0xa6: {  	s4 =	sshll.u32 s26, $0x1;
	_ =	strace $0x80000052;
	[dreg:$0x1] =	wrdreg $0xFFFFFFFF  }
0xa7: {  	s28 =	simm.s32 $_size_execute0_lowered;
	s2 =	sadd.s32 s2, s4;
	[dreg:$0x0] =	wrdreg $0x0  }
0xa8: {  	s4 =	sshll.u32 s28, $0x1;
	[dreg:$0x2] =	wrdreg s2  }
0xa9: {  	[dreg:$0x3] =	wrdreg s4  }
0xaa: {  	[dreg:$0x4] =	wrdreg $0xC0  }
0xab: {  	_ =	task [dreg:s6], $0x5FFFF  }
0xac: {  	[dreg:$0x1] =	wrdreg $0xFFFFFFFF  }
0xad: {  	[dreg:$0x0] =	wrdreg $0x60  }
0xae: {  	[dreg:$0x2] =	wrdreg s24  }
0xaf: {  	[dreg:$0x3] =	wrdreg $0x0  }
0xb0: {  	[dreg:$0x4] =	wrdreg $0x9  }
0xb1: {  	_ =	task.clear_ibuf [dreg:s6], $0x5FFFF;
	_ =	strace $0x90000052  }
0xb2: {  	s29 =	simm.s32 $0x9;
	_ =	strace $0x80000054  }
0xb3: {  	_ =	swait.ge [sflag:s29], $0x1  }
0xb4: {  	[sflag:s29] =	ssyncadd.s32 $0xFFFFFFFF  }
0xb5: {  	_ =	strace $0x90000054  }
0xb6: {  	_ =	sfence  }
0xb7: {  	s30 =	sld [smem:$0x0];
	_ =	sdelay $0x2  }
0xb8: {  	s31 =	sshll.u32 s1, $0xD;
	s1 =	sshrl.u32 s1, $0x2  }
0xb9: {  	s3 =	sand.u32 $0x4000, s31;
	s1 =	sadd.s32 s1, s30  }
0xba: {  	s0 =	sor.u32 s3, s0;
	s1 =	sshll.u32 s1, $0x11  }
0xbb: {  	s0 =	sor.u32 s1, s0  }
0xbc: {  	s0 =	sadd.s32 $0x8F2B, s0  }
0xbd: {  	[sflag:s0] =	ssyncadd.remote.s32 $0x1  }
0xbe: {  	_ =	sfence.sel $0xFFFF  }
0xbf: {  	[dreg:$0x0] =	wrdreg $0xFFFFFFFF;
	(pc) =	sbr.abs _section_cstart, $3  }
0xc0: {  	[dreg:$0x1] =	wrdreg $0xFFFFFFFF  }
0xc1: {  	_ =	task.clear_ibuf [dreg:s6], $0x2FFFF;
	_ =	strace $0x9FFFFFFF  }
0xc2: {  	(tm) =	ssettm $0x7FFFFFFF  }
0xc3: {  	_ =	shalt  }
tec
execute0_lowered:
.L_overlay_start_1:
0x0: {  	(tag) =	ssettag $0x1  }
0x1: {  	s1 =	srdreg.scid  }
0x2: {  	s1 =	sand.u32 $0x1, s1  }
0x3: {  	p0 =	seq.s32 s1, $0x1  }
.Ltmp0:
0x4: {  	_ = 	snop;
	(pc) =	sbr.rel @p0 .LBB2_14-.Ltmp0, $4  }
0x5: {  	s0 =	rddreg [dreg:$0x0]  }
0x6: {  	s3 =	rddreg [dreg:$0x1];
	s2 =	simm.s32 $0x0  }
0x7: {  	[smem:$0x7FF] =	sst s2  }
0x8: {  	s4 =	rddreg [dreg:$0x2];
	s14 =	stileid.u32;
	_ =	strace $0x80000053  }
0x9: {  	s1 =	smul.u32 $0x62000, s14;
	s2 =	sadd.s32 $0x34DC00, s0  }
0xa: {  	s5 =	smul.u32 $0x18800, s14;
	s22 =	sadd.s32 $0x34BE00, s0  }
0xb: {  	s6 =	sadd.s32 $0x31AA00, s0;
	s7 =	sadd.s32 $0x37FC00, s0;
	[dreg:$0x6] =	wrdreg s2  }
0xc: {  	s19 =	simm.s32 $0x80;
	[dreg:$0x7] =	wrdreg s22;
	s24 =	sadd.s32 $0x18000, s5  }
0xd: {  	s23 =	sshrl.u32 s1, $0x2;
	s25 =	sadd.s32 s24, s3;
	s26 =	sshrl.u32 s24, $0x3  }
0xe: {  	s11 =	sadd.s32 s23, s3;
	[dreg:$0x5] =	wrdreg s25;
	s1 =	sadd.s32 s6, s26  }
0xf: {  	s0 =	sadd.s32 s7, s26;
	s9 =	sadd.s32 $0x1000, s11;
	s8 =	sadd.s32 $0x2000, s11  }
0x10: {  	s4 =	sadd.s32 $0x3000, s11;
	s2 =	sadd.s32 $0x4000, s11;
	s31 =	sadd.s32 $0x6000, s11  }
0x11: {  	s30 =	sadd.s32 $0x7000, s11;
	s29 =	sadd.s32 $0x8000, s11;
	s28 =	sadd.s32 $0x9000, s11  }
0x12: {  	s26 =	sadd.s32 $0xA000, s11;
	s25 =	sadd.s32 $0xB000, s11;
	s24 =	sadd.s32 $0xC000, s11  }
0x13: {  	s23 =	sadd.s32 $0xD000, s11;
	s22 =	sadd.s32 $0xE000, s11;
	s21 =	sadd.s32 $0xF000, s11  }
0x14: {  	s20 =	sadd.s32 $0x10000, s11;
	s18 =	sadd.s32 $0x11000, s11;
	s17 =	sadd.s32 $0x12000, s11  }
0x15: {  	s16 =	sadd.s32 $0x13000, s11;
	s15 =	sadd.s32 $0x14000, s11;
	s14 =	sadd.s32 $0x15000, s11  }
0x16: {  	s13 =	sadd.s32 $0x16000, s11;
	s12 =	sadd.s32 $0x17000, s11;
	[dreg:$0x4] =	wrdreg s1  }
0x17: {  	v0 =	vimm.f32 $0.0e+00;
	[dreg:$0x3] =	wrdreg s0;
	s0 =	sadd.s32 $0x5000, s11;
	s1 =	simm.s32 $0x0  }
.LBB2_2:
0x18: {  	p0 =	sne.s32 s19, $0x3F80;
	[tilespmem:s1+$0x18800] =	vst v0;
	s10 =	smov.u32 s19;
	s19 =	sadd.s32 $0x80, s19  }
.Ltmp1:
0x19: {  	[tilespmem:s1+$0x18810] =	vst v0;
	(pc) =	sbr.rel @p0 .LBB2_2-.Ltmp1, $2  }
0x1a: {  	_ =	sdelay $0x2  }
0x1b: {  	s1 =	sshra.s32 s10, $0x2  }
0x1c: {  	[tilespmem:s1+$0x18800] =	vst v0  }
0x1d: {  	[tilespmem:s1+$0x18810] =	vst v0;
	s19 =	simm.s32 $0x18800  }
0x1e: {  	[spmem:s11] =	stream.linear.scatter [tilespmem:s19], [sflag:$0x1], $0x1000, $0x38;
	[tilespmem:$0x1C480] =	vst v63  }
0x1f: {  	s11 =	simm.s32 $0x1  }
0x20: {  	_ =	swait.ge [sflag:s11], $0x1000  }
0x21: {  	[sflag:s11] =	ssyncset.done $0x0  }
0x22: {  	[sflag:s11] =	ssyncadd.s32 $0xFFFFF000  }
0x23: {  	[spmem:s9] =	stream.linear.scatter [tilespmem:s19], [sflag:$0x1], $0x1000, $0x38;
	[tilespmem:$0x1C480] =	vst v63  }
0x24: {  	_ =	swait.ge [sflag:s11], $0x1000  }
0x25: {  	[sflag:s11] =	ssyncset.done $0x0  }
0x26: {  	[sflag:s11] =	ssyncadd.s32 $0xFFFFF000  }
0x27: {  	[spmem:s8] =	stream.linear.scatter [tilespmem:s19], [sflag:$0x1], $0x1000, $0x38;
	[tilespmem:$0x1C480] =	vst v63  }
0x28: {  	_ =	swait.ge [sflag:s11], $0x1000  }
0x29: {  	[sflag:s11] =	ssyncset.done $0x0  }
0x2a: {  	[sflag:s11] =	ssyncadd.s32 $0xFFFFF000  }
0x2b: {  	[spmem:s4] =	stream.linear.scatter [tilespmem:s19], [sflag:$0x1], $0x1000, $0x38;
	[tilespmem:$0x1C480] =	vst v63  }
0x2c: {  	_ =	swait.ge [sflag:s11], $0x1000  }
0x2d: {  	[sflag:s11] =	ssyncset.done $0x0  }
0x2e: {  	[sflag:s11] =	ssyncadd.s32 $0xFFFFF000  }
0x2f: {  	[spmem:s2] =	stream.linear.scatter [tilespmem:s19], [sflag:$0x1], $0x1000, $0x38;
	[tilespmem:$0x1C480] =	vst v63  }
0x30: {  	_ =	swait.ge [sflag:s11], $0x1000  }
0x31: {  	[sflag:s11] =	ssyncset.done $0x0  }
0x32: {  	[sflag:s11] =	ssyncadd.s32 $0xFFFFF000  }
0x33: {  	[spmem:s0] =	stream.linear.scatter [tilespmem:s19], [sflag:$0x1], $0x1000, $0x38;
	[tilespmem:$0x1C480] =	vst v63  }
0x34: {  	_ =	swait.ge [sflag:s11], $0x1000  }
0x35: {  	[sflag:s11] =	ssyncset.done $0x0  }
0x36: {  	[sflag:s11] =	ssyncadd.s32 $0xFFFFF000  }
0x37: {  	[spmem:s31] =	stream.linear.scatter [tilespmem:s19], [sflag:$0x1], $0x1000, $0x38;
	[tilespmem:$0x1C480] =	vst v63  }
0x38: {  	_ =	swait.ge [sflag:s11], $0x1000  }
0x39: {  	[sflag:s11] =	ssyncset.done $0x0  }
0x3a: {  	[sflag:s11] =	ssyncadd.s32 $0xFFFFF000  }
0x3b: {  	[spmem:s30] =	stream.linear.scatter [tilespmem:s19], [sflag:$0x1], $0x1000, $0x38;
	[tilespmem:$0x1C480] =	vst v63  }
0x3c: {  	_ =	swait.ge [sflag:s11], $0x1000  }
0x3d: {  	[sflag:s11] =	ssyncset.done $0x0  }
0x3e: {  	[sflag:s11] =	ssyncadd.s32 $0xFFFFF000  }
0x3f: {  	[spmem:s29] =	stream.linear.scatter [tilespmem:s19], [sflag:$0x1], $0x1000, $0x38;
	[tilespmem:$0x1C480] =	vst v63  }
0x40: {  	_ =	swait.ge [sflag:s11], $0x1000  }
0x41: {  	[sflag:s11] =	ssyncset.done $0x0  }
0x42: {  	[sflag:s11] =	ssyncadd.s32 $0xFFFFF000  }
0x43: {  	[spmem:s28] =	stream.linear.scatter [tilespmem:s19], [sflag:$0x1], $0x1000, $0x38;
	[tilespmem:$0x1C480] =	vst v63  }
0x44: {  	_ =	swait.ge [sflag:s11], $0x1000  }
0x45: {  	[sflag:s11] =	ssyncset.done $0x0  }
0x46: {  	[sflag:s11] =	ssyncadd.s32 $0xFFFFF000  }
0x47: {  	[spmem:s26] =	stream.linear.scatter [tilespmem:s19], [sflag:$0x1], $0x1000, $0x38;
	[tilespmem:$0x1C480] =	vst v63  }
0x48: {  	_ =	swait.ge [sflag:s11], $0x1000  }
0x49: {  	[sflag:s11] =	ssyncset.done $0x0  }
0x4a: {  	[sflag:s11] =	ssyncadd.s32 $0xFFFFF000  }
0x4b: {  	[spmem:s25] =	stream.linear.scatter [tilespmem:s19], [sflag:$0x1], $0x1000, $0x38;
	[tilespmem:$0x1C480] =	vst v63  }
0x4c: {  	_ =	swait.ge [sflag:s11], $0x1000  }
0x4d: {  	[sflag:s11] =	ssyncset.done $0x0  }
0x4e: {  	[sflag:s11] =	ssyncadd.s32 $0xFFFFF000  }
0x4f: {  	[spmem:s24] =	stream.linear.scatter [tilespmem:s19], [sflag:$0x1], $0x1000, $0x38;
	[tilespmem:$0x1C480] =	vst v63  }
0x50: {  	_ =	swait.ge [sflag:s11], $0x1000  }
0x51: {  	[sflag:s11] =	ssyncset.done $0x0  }
0x52: {  	[sflag:s11] =	ssyncadd.s32 $0xFFFFF000  }
0x53: {  	[spmem:s23] =	stream.linear.scatter [tilespmem:s19], [sflag:$0x1], $0x1000, $0x38;
	[tilespmem:$0x1C480] =	vst v63  }
0x54: {  	_ =	swait.ge [sflag:s11], $0x1000  }
0x55: {  	[sflag:s11] =	ssyncset.done $0x0  }
0x56: {  	[sflag:s11] =	ssyncadd.s32 $0xFFFFF000  }
0x57: {  	[spmem:s22] =	stream.linear.scatter [tilespmem:s19], [sflag:$0x1], $0x1000, $0x38;
	[tilespmem:$0x1C480] =	vst v63  }
0x58: {  	_ =	swait.ge [sflag:s11], $0x1000  }
0x59: {  	[sflag:s11] =	ssyncset.done $0x0  }
0x5a: {  	[sflag:s11] =	ssyncadd.s32 $0xFFFFF000  }
0x5b: {  	[spmem:s21] =	stream.linear.scatter [tilespmem:s19], [sflag:$0x1], $0x1000, $0x38;
	[tilespmem:$0x1C480] =	vst v63  }
0x5c: {  	_ =	swait.ge [sflag:s11], $0x1000  }
0x5d: {  	[sflag:s11] =	ssyncset.done $0x0  }
0x5e: {  	[sflag:s11] =	ssyncadd.s32 $0xFFFFF000  }
0x5f: {  	[spmem:s20] =	stream.linear.scatter [tilespmem:s19], [sflag:$0x1], $0x1000, $0x38;
	[tilespmem:$0x1C480] =	vst v63  }
0x60: {  	_ =	swait.ge [sflag:s11], $0x1000  }
0x61: {  	[sflag:s11] =	ssyncset.done $0x0  }
0x62: {  	[sflag:s11] =	ssyncadd.s32 $0xFFFFF000  }
0x63: {  	[spmem:s18] =	stream.linear.scatter [tilespmem:s19], [sflag:$0x1], $0x1000, $0x38;
	[tilespmem:$0x1C480] =	vst v63  }
0x64: {  	_ =	swait.ge [sflag:s11], $0x1000  }
0x65: {  	[sflag:s11] =	ssyncset.done $0x0  }
0x66: {  	[sflag:s11] =	ssyncadd.s32 $0xFFFFF000  }
0x67: {  	[spmem:s17] =	stream.linear.scatter [tilespmem:s19], [sflag:$0x1], $0x1000, $0x38;
	[tilespmem:$0x1C480] =	vst v63  }
0x68: {  	_ =	swait.ge [sflag:s11], $0x1000  }
0x69: {  	[sflag:s11] =	ssyncset.done $0x0  }
0x6a: {  	[sflag:s11] =	ssyncadd.s32 $0xFFFFF000  }
0x6b: {  	[spmem:s16] =	stream.linear.scatter [tilespmem:s19], [sflag:$0x1], $0x1000, $0x38;
	[tilespmem:$0x1C480] =	vst v63  }
0x6c: {  	_ =	swait.ge [sflag:s11], $0x1000  }
0x6d: {  	[sflag:s11] =	ssyncset.done $0x0  }
0x6e: {  	[sflag:s11] =	ssyncadd.s32 $0xFFFFF000  }
0x6f: {  	[spmem:s15] =	stream.linear.scatter [tilespmem:s19], [sflag:$0x1], $0x1000, $0x38;
	[tilespmem:$0x1C480] =	vst v63  }
0x70: {  	_ =	swait.ge [sflag:s11], $0x1000  }
0x71: {  	[sflag:s11] =	ssyncset.done $0x0  }
0x72: {  	[sflag:s11] =	ssyncadd.s32 $0xFFFFF000  }
0x73: {  	[spmem:s14] =	stream.linear.scatter [tilespmem:s19], [sflag:$0x1], $0x1000, $0x38;
	[tilespmem:$0x1C480] =	vst v63  }
0x74: {  	_ =	swait.ge [sflag:s11], $0x1000  }
0x75: {  	[sflag:s11] =	ssyncset.done $0x0  }
0x76: {  	[sflag:s11] =	ssyncadd.s32 $0xFFFFF000  }
0x77: {  	[spmem:s13] =	stream.linear.scatter [tilespmem:s19], [sflag:$0x1], $0x1000, $0x38;
	[tilespmem:$0x1C480] =	vst v63  }
0x78: {  	_ =	swait.ge [sflag:s11], $0x1000  }
0x79: {  	[sflag:s11] =	ssyncset.done $0x0  }
0x7a: {  	[sflag:s11] =	ssyncadd.s32 $0xFFFFF000  }
0x7b: {  	[spmem:s12] =	stream.linear.scatter [tilespmem:s19], [sflag:$0x1], $0x1000, $0x38;
	[tilespmem:$0x1C480] =	vst v63  }
0x7c: {  	_ =	swait.ge [sflag:s11], $0x1000  }
0x7d: {  	[sflag:s11] =	ssyncset.done $0x0  }
0x7e: {  	s15 =	rddreg [dreg:$0x5];
	[sflag:s11] =	ssyncadd.s32 $0xFFFFF000  }
0x7f: {  	[spmem:s15] =	stream.linear.scatter [tilespmem:s19], [sflag:$0x1], $0x800, $0x38;
	[tilespmem:$0x1C480] =	vst v63  }
0x80: {  	_ =	swait.ge [sflag:s11], $0x800  }
0x81: {  	[sflag:s11] =	ssyncset.done $0x0  }
0x82: {  	s14 =	stileid.u32;
	[sflag:s11] =	ssyncadd.s32 $0xFFFFF800  }
0x83: {  	s30 =	smul.u32 $0x190, s14;
	[bflag:$0x0] =	sbarrier.arrive $0xFFFF  }
0x84: {  	s31 =	rddreg [dreg:$0x7]  }
0x85: {  	s0 =	sadd.s32 s30, s31  }
0x86: {  	s4 =	simm.s32 $0x19800;
	s2 =	simm.s32 $0x0;
	s1 =	sadd.s32 $0x0, s0  }
0x87: {  	[tilespmem:s4], [sflag:$0x1] =	stream.linear.gather [hbm4b:s1+s2], $0x80, $0x38;
	[tilespmem:$0x1C480] =	vst v63  }
0x88: {  	_ =	swait.ge [sflag:s11], $0x80  }
0x89: {  	s8 =	simm.s32 $0x10;
	[sflag:s11] =	ssyncset.done $0x0  }
.LBB2_4:
0x8a: {  	s1 =	sadd.s32 s8, s0  }
0x8b: {  	[sflag:s11] =	ssyncadd.s32 $0xFFFFFF80;
	s4 =	sadd.s32 $0x80, s4;
	p0 =	sne.s32 s8, $0x180  }
0x8c: {  	[tilespmem:s4], [sflag:$0x1] =	stream.linear.gather [hbm4b:s1+s2], $0x80, $0x38;
	[tilespmem:$0x1C480] =	vst v63  }
.Ltmp2:
0x8d: {  	_ = 	snop;
	(pc) =	sbr.rel @p0 .LBB2_4-.Ltmp2, $4  }
0x8e: {  	_ = 	snop  }
0x8f: {  	s8 =	sadd.s32 $0x10, s8  }
0x90: {  	_ =	swait.ge [sflag:s11], $0x80  }
0x91: {  	[sflag:s11] =	ssyncset.done $0x0  }
0x92: {  	s0 =	smul.u32 $0x3200, s14  }
0x93: {  	s1 =	rddreg [dreg:$0x6]  }
0x94: {  	[sflag:s11] =	ssyncadd.s32 $0xFFFFFF80;
	s4 =	simm.s32 $0x0;
	s8 =	sadd.s32 s0, s1  }
0x95: {  	s2 =	simm.s32 $0x18800;
	s0 =	simm.s32 $0x1;
	s1 =	sadd.s32 $0x0, s8  }
0x96: {  	[tilespmem:s2], [sflag:$0x1] =	stream.linear.gather [hbm4b:s1+s4], $0x1000, $0x38;
	[tilespmem:$0x1C480] =	vst v63  }
0x97: {  	_ =	swait.ge [sflag:s0], $0x1000  }
0x98: {  	[sflag:s0] =	ssyncset.done $0x0  }
0x99: {  	s9 =	simm.s32 $0x80;
	s31 =	simm.s32 $0x19800;
	[sflag:s0] =	ssyncadd.s32 $0xFFFFF000  }
0x9a: {  	[spmem:s3] =	stream.indirect.scatter.add.f32 [tilespmem:s2], [sflag:$0x1], $0x20, s31, s9, $0xb8;
	[tilespmem:$0x1C480] =	vst v63  }
0x9b: {  	_ =	swait.ge [sflag:s0], $0x1000  }
0x9c: {  	s10 =	simm.s32 $0x200;
	s11 =	simm.s32 $0x400;
	[sflag:s0] =	ssyncset.done $0x0  }
.LBB2_6:
0x9d: {  	s1 =	sadd.s32 s10, s8  }
0x9e: {  	[sflag:s0] =	ssyncadd.s32 $0xFFFFF000;
	s12 =	smov.u32 s11;
	s13 =	sadd.s32 $0x200, s11  }
0x9f: {  	[tilespmem:s2], [sflag:$0x1] =	stream.linear.gather [hbm4b:s1+s4], $0x1000, $0x38;
	[tilespmem:$0x1C480] =	vst v63  }
0xa0: {  	p0 =	sne.s32 s11, $0x3000;
	_ =	swait.ge [sflag:s0], $0x1000  }
.Ltmp3:
0xa1: {  	s1 =	sshra.s32 s10, $0x2;
	[sflag:s0] =	ssyncset.done $0x0;
	(pc) =	sbr.rel @p0 .LBB2_6-.Ltmp3, $4  }
0xa2: {  	s10 =	smov.u32 s12;
	s1 =	sadd.s32 $0x19800, s1;
	[sflag:s0] =	ssyncadd.s32 $0xFFFFF000  }
0xa3: {  	[spmem:s3] =	stream.indirect.scatter.add.f32 [tilespmem:s2], [sflag:$0x1], $0x20, s1, s9, $0xb8;
	[tilespmem:$0x1C480] =	vst v63  }
0xa4: {  	_ =	swait.ge [sflag:s0], $0x1000  }
0xa5: {  	s11 =	smov.u32 s13;
	[sflag:s0] =	ssyncset.done $0x0  }
0xa6: {  	s1 =	sadd.s32 s10, s8;
	[sflag:s0] =	ssyncadd.s32 $0xFFFFF000  }
0xa7: {  	[tilespmem:s2], [sflag:$0x1] =	stream.linear.gather [hbm4b:s1+s4], $0x1000, $0x38;
	[tilespmem:$0x1C480] =	vst v63  }
0xa8: {  	_ =	swait.ge [sflag:s0], $0x1000  }
0xa9: {  	s31 =	sshra.s32 s10, $0x2;
	[sflag:s0] =	ssyncset.done $0x0  }
0xaa: {  	s1 =	sadd.s32 $0x19800, s31;
	[sflag:s0] =	ssyncadd.s32 $0xFFFFF000  }
0xab: {  	[spmem:s3] =	stream.indirect.scatter.add.f32 [tilespmem:s2], [sflag:$0x1], $0x20, s1, s9, $0xb8;
	[tilespmem:$0x1C480] =	vst v63  }
0xac: {  	_ =	swait.ge [sflag:s0], $0x1000  }
0xad: {  	s10 =	simm.s32 $0x1;
	[sflag:s0] =	ssyncset.done $0x0  }
0xae: {  	s11 =	simm.s32 $0x0;
	s9 =	simm.s32 $0x1A480;
	[sflag:s0] =	ssyncadd.s32 $0xFFFFF000  }
0xaf: {  	s2 =	simm.s32 $0x1B480;
	s0 =	simm.s32 $0x0;
	[bflag:$0x0] =	sbarrier.arrive $0xFFFF  }
.LBB2_8:
0xb0: {  	s1 =	sshll.u32 s11, $0xC  }
0xb1: {  	s1 =	sadd.s32 s5, s1  }
0xb2: {  	s4 =	sadd.s32 s1, s3  }
0xb3: {  	[tilespmem:s9], [sflag:$0x1] =	stream.linear.gather [spmem:s4], $0x1000, $0x38;
	[tilespmem:$0x1C480] =	vst v63  }
0xb4: {  	_ =	swait.ge [sflag:s10], $0x1000  }
0xb5: {  	s4 =	sshrl.u32 s1, $0x3;
	[sflag:s10] =	ssyncset.done $0x0  }
0xb6: {  	s1 =	sadd.s32 s6, s4;
	[sflag:s10] =	ssyncadd.s32 $0xFFFFF000  }
0xb7: {  	[tilespmem:s2], [sflag:$0x1] =	stream.linear.gather [hbm4b:s1+s0], $0x1000, $0x38;
	[tilespmem:$0x1C480] =	vst v63  }
0xb8: {  	_ =	swait.ge [sflag:s10], $0x1000  }
0xb9: {  	[sflag:s10] =	ssyncset.done $0x0  }
0xba: {  	s8 =	simm.s32 $0x0;
	[sflag:s10] =	ssyncadd.s32 $0xFFFFF000  }
0xbb: {  	v0 =	vld [tilespmem:s8+$0x1B480]  }
0xbc: {  	v1 =	vld [tilespmem:s8+$0x1B490]  }
0xbd: {  	s12 =	simm.s32 $0x80;
	v2 =	vld [tilespmem:s8+$0x1A480]  }
.LBB2_9:
0xbe: {  	p0 =	sne.s32 s12, $0x3F80;
	v3 =	vld [tilespmem:s8+$0x1A490];
	_ =	sdelay $0x2  }
.Ltmp4:
0xbf: {  	(pc) =	sbr.rel @p0 .LBB2_9-.Ltmp4, $4  }
0xc0: {  	s1 =	sshra.s32 s12, $0x2;
	v2 =	vmul.f32 v0, v2  }
0xc1: {  	v0 =	vld [tilespmem:s1+$0x1B480];
	v3 =	vmul.f32 v1, v3  }
0xc2: {  	v1 =	vld [tilespmem:s1+$0x1B490];
	[tilespmem:s8+$0x1A480] =	vst v2  }
0xc3: {  	s12 =	sadd.s32 $0x80, s12;
	v2 =	vld [tilespmem:s1+$0x1A480];
	[tilespmem:s8+$0x1A490] =	vst v3;
	s8 =	smov.u32 s1  }
0xc4: {  	v3 =	vld [tilespmem:s8+$0x1A490];
	_ =	sdelay $0x3  }
0xc5: {  	v0 =	vmul.f32 v0, v2  }
0xc6: {  	s11 =	sadd.s32 $0x1, s11;
	v1 =	vmul.f32 v1, v3  }
0xc7: {  	p0 =	sne.s32 s11, $0x18;
	[tilespmem:s8+$0x1A480] =	vst v0  }
.Ltmp5:
0xc8: {  	s1 =	sadd.s32 s7, s4;
	[tilespmem:s8+$0x1A490] =	vst v1;
	(pc) =	sbr.rel @p0 .LBB2_8-.Ltmp5, $4  }
0xc9: {  	[hbm4b:s1+s0] =	stream.linear.scatter [tilespmem:s9], [sflag:$0x1], $0x1000, $0x38;
	[tilespmem:$0x1C480] =	vst v63  }
0xca: {  	_ =	swait.ge [sflag:s10], $0x1000  }
0xcb: {  	[sflag:s10] =	ssyncset.done $0x0  }
0xcc: {  	[sflag:s10] =	ssyncadd.s32 $0xFFFFF000  }
0xcd: {  	s0 =	simm.s32 $0x1A480;
	s31 =	simm.s32 $0x1  }
0xce: {  	[tilespmem:s0], [sflag:$0x1] =	stream.linear.gather [spmem:s15], $0x800, $0x38;
	[tilespmem:$0x1C480] =	vst v63  }
0xcf: {  	_ =	swait.ge [sflag:s31], $0x800  }
0xd0: {  	s1 =	simm.s32 $0x0;
	[sflag:s31] =	ssyncset.done $0x0  }
0xd1: {  	s2 =	simm.s32 $0x1B480;
	s3 =	rddreg [dreg:$0x4];
	[sflag:s31] =	ssyncadd.s32 $0xFFFFF800  }
0xd2: {  	[tilespmem:s2], [sflag:$0x1] =	stream.linear.gather [hbm4b:s3+s1], $0x800, $0x38;
	[tilespmem:$0x1C480] =	vst v63  }
0xd3: {  	_ =	swait.ge [sflag:s31], $0x800  }
0xd4: {  	[sflag:s31] =	ssyncset.done $0x0  }
0xd5: {  	s0 =	simm.s32 $0x0;
	[sflag:s31] =	ssyncadd.s32 $0xFFFFF800  }
0xd6: {  	v0 =	vld [tilespmem:s0+$0x1B480]  }
0xd7: {  	v1 =	vld [tilespmem:s0+$0x1B490]  }
0xd8: {  	s2 =	simm.s32 $0x80;
	v2 =	vld [tilespmem:s0+$0x1A480]  }
.LBB2_12:
0xd9: {  	p0 =	sne.s32 s2, $0x1F80;
	v3 =	vld [tilespmem:s0+$0x1A490];
	_ =	sdelay $0x2  }
.Ltmp6:
0xda: {  	(pc) =	sbr.rel @p0 .LBB2_12-.Ltmp6, $4  }
0xdb: {  	s1 =	sshra.s32 s2, $0x2;
	v2 =	vmul.f32 v0, v2  }
0xdc: {  	v0 =	vld [tilespmem:s1+$0x1B480];
	v3 =	vmul.f32 v1, v3  }
0xdd: {  	v1 =	vld [tilespmem:s1+$0x1B490];
	[tilespmem:s0+$0x1A480] =	vst v2  }
0xde: {  	s2 =	sadd.s32 $0x80, s2;
	v2 =	vld [tilespmem:s1+$0x1A480];
	[tilespmem:s0+$0x1A490] =	vst v3;
	s0 =	smov.u32 s1  }
0xdf: {  	v3 =	vld [tilespmem:s0+$0x1A490];
	_ =	sdelay $0x3  }
0xe0: {  	v0 =	vmul.f32 v0, v2  }
0xe1: {  	v1 =	vmul.f32 v1, v3  }
0xe2: {  	s30 =	simm.s32 $0x0;
	[tilespmem:s0+$0x1A480] =	vst v0  }
0xe3: {  	s1 =	simm.s32 $0x1A480;
	s2 =	rddreg [dreg:$0x3];
	s31 =	simm.s32 $0x1;
	[tilespmem:s0+$0x1A490] =	vst v1  }
0xe4: {  	[hbm4b:s2+s30] =	stream.linear.scatter [tilespmem:s1], [sflag:$0x1], $0x800, $0x38;
	[tilespmem:$0x1C480] =	vst v63  }
0xe5: {  	_ =	swait.ge [sflag:s31], $0x800  }
0xe6: {  	[sflag:s31] =	ssyncset.done $0x0  }
0xe7: {  	[sflag:s31] =	ssyncadd.s32 $0xFFFFF800  }
0xe8: {  	s4 =	rddreg [dreg:$0x2]  }
.LBB2_14:
0xe9: {  	_ =	sfence.sel $0x180000  }
0xea: {  	[bflag:$0x0] =	sbarrier.arrive $0xFFFF  }
0xeb: {  	p0 =	sne.s32 s14, $0x0;
	_ =	strace $0x90000053  }
0xec: {  	s0 =	sadd.s32 @!p0 $0x100000, s4;
	[bflag:$0x2] =	sbarrier.arrive $0xFFFF  }
0xed: {  	[sflag:s0] =	ssyncadd.tile.s32 @!p0 $0x1;
	_ =	shalt  }
.Lfunc_end2:
_tile_overlayer_lowered:
.L_overlay_start_2:
0xee: {  	(tag) =	ssettag $0x2  }
0xef: {  	s0 =	rddreg [dreg:$0x0];
	s2 =	stileid.u32  }
0xf0: {  	s1 =	rddreg [dreg:$0x1];
	p0 =	sne.s32 s2, $0x0  }
0xf1: {  	s3 =	rddreg [dreg:$0x2];
	[bflag:$0x3] =	sbarrier.arrive $0xFFFF;
	s2 =	simm.s32 @!p0 $0x1C01  }
0xf2: {  	[timem:s3], [sflag:s2] =	dma.local @!p0 [hbm:s0], s1  }
0xf3: {  	s0 =	simm.s32 @!p0 $0x1  }
0xf4: {  	_ =	swait.ge @!p0 [sflag:s0], s1  }
0xf5: {  	s1 =	ssub.s32 @!p0 $0x0, s1;
	[sflag:s0] =	ssyncset.done @!p0 $0x0  }
0xf6: {  	[sflag:s0] =	ssyncadd.s32 @!p0 s1  }
0xf7: {  	[bflag:$0x3] =	sbarrier.arrive $0xFFFF  }
0xf8: {  	_ =	shalt  }

// kernel: kernel.31.cloned.1.call-start
scs
__scs_entry_jumppad:
0x0: {  	(pc) =	sbr.rel $0x88, $3  }
0x1: {  	(tag) =	ssettag $0x0;
	lr =	simm.s32 $0x1  }
0x2: {  	[smem:$0x3F90] =	sst lr;
	_ =	strace $0xD0000000  }
0x3: {  	_ = 	snop  }
0x4: {  	_ = 	snop  }
0x5: {  	_ = 	snop  }
0x6: {  	_ = 	snop  }
0x7: {  	_ = 	snop  }
__scs_overlays_trampoline_lowered:
0x8: {  	[smem:$0x3F9F] =	sst s0  }
0x9: {  	[smem:$0x3FA0] =	sst s1  }
0xa: {  	[smem:$0x3FA1] =	sst s2  }
0xb: {  	[smem:$0x3FA2] =	sst s3  }
0xc: {  	[smem:$0x3FA3] =	sst s4  }
0xd: {  	[smem:$0x3FA4] =	sst s5  }
0xe: {  	[smem:$0x3FA5] =	sst s6  }
0xf: {  	[smem:$0x3FA6] =	sst s7  }
0x10: {  	[smem:$0x3FA7] =	sst s8  }
0x11: {  	[smem:$0x3FA8] =	sst s9;
	s0 =	simm.s32 @!p0 $0x0  }
0x12: {  	s1 =	sld [smem:$0x3F8E];
	s0 =	simm.s32 @p0 $0x1  }
0x13: {  	[smem:$0x3FA9] =	sst s0;
	s0 =	simm.s32 @!p1 $0x0  }
0x14: {  	s2 =	sld [smem:$0x3F8D];
	s0 =	simm.s32 @p1 $0x1  }
0x15: {  	[smem:$0x3FAA] =	sst s0;
	s0 =	simm.s32 @!p2 $0x0  }
0x16: {  	s3 =	sld [smem:$0x3FDB];
	s0 =	simm.s32 @p2 $0x1  }
0x17: {  	s4 =	simm.s32 $0x1BF5;
	[smem:$0x3FAC] =	sst s0  }
0x18: {  	s0 =	sld [smem:$0x3F8F];
	_ =	swait.ge [sflag:s4], $0x0  }
0x19: {  	s7 =	sld [smem:$0x3F90]  }
0x1a: {  	s8 =	sadd.s32 $0xFFFFE003, lr  }
0x1b: {  	s9 =	sadd.s32 $0xFFFFFEF7, lr;
	s5 =	simm.s32 $0xFFFFFFFF;
	p2 =	slt.u32 s8, $0xFFFFF086  }
0x1c: {  	p1 =	slt.u32 s9, $0xF7A;
	s5 =	simm.s32 @!p2 $0x0  }
0x1d: {  	s5 =	simm.s32 @p1 $0x1;
	p0 =	seq.s32 s7, s2  }
0x1e: {  	s7 =	smul.u32 @!p0 $0xF7A, s2;
	p2 =	seq.s32 @!p0 s5, $0x0  }
0x1f: {  	s9 =	smul.u32 $0xF7A, s1;
	s8 =	simm.s32 @!p0 $0x1BF5;
	p2 =	por !p2, p0  }
0x20: {  	[sflag:s8] =	ssyncset.s32 @!p0 $0xFFFFF086;
	s6 =	sadd.s32 @!p0 s3, s7;
	s7 =	simm.s32 @!p0 $0x108  }
0x21: {  	s3 =	sadd.s32 s3, s9;
	s6 =	sadd.s32 @!p0 $0x88, s6;
	s7 =	simm.s32 @p2 $0x1082  }
0x22: {  	[simem:s7], [sflag:s8] =	dma.local @!p0 [hbm:s6], $0xF7A  }
0x23: {  	s9 =	sor.u32 $0xD0000000, s2;
	s6 =	simm.s32 $0x108;
	_ =	swait.ge @!p0 [sflag:s8], $0x0  }
0x24: {  	s3 =	sadd.s32 $0x88, s3;
	s6 =	simm.s32 @!p1 $0x1082;
	[sflag:s4] =	ssyncset.s32 $0xFFFFF086  }
0x25: {  	[simem:s6], [sflag:s4] =	dma.local [hbm:s3], $0xF7A  }
0x26: {  	[smem:$0x3F90] =	sst s1;
	(tag) =	ssettag s2;
	_ =	strace s9  }
0x27: {  	s1 =	sld [smem:$0x3FA0]  }
0x28: {  	s2 =	sld [smem:$0x3FA1]  }
0x29: {  	s4 =	sld [smem:$0x3FA3]  }
0x2a: {  	p0 =	seq.s32 s5, $0x0;
	s5 =	sld [smem:$0x3FA4]  }
0x2b: {  	s6 =	sld [smem:$0x3FA5]  }
0x2c: {  	s7 =	sld [smem:$0x3FA6]  }
0x2d: {  	s3 =	simm.s32 $0x108;
	s8 =	sld [smem:$0x3FA7]  }
0x2e: {  	s3 =	simm.s32 @!p0 $0x1082;
	s9 =	sld [smem:$0x3FA8]  }
0x2f: {  	lr =	sadd.s32 s0, s3;
	s0 =	sld [smem:$0x3F9F]  }
0x30: {  	s3 =	sld [smem:$0x3FA2]  }
0x31: {  	[smem:$0x3FAB] =	sst s10  }
0x32: {  	s10 =	sld [smem:$0x3FA9];
	_ =	sdelay $0x3  }
0x33: {  	p0 =	seq.s32 s10, $0x1;
	s10 =	sld [smem:$0x3FAB];
	_ =	sdelay $0x3  }
0x34: {  	[smem:$0x3FAB] =	sst s10  }
0x35: {  	s10 =	sld [smem:$0x3FAA];
	_ =	sdelay $0x3  }
0x36: {  	p1 =	seq.s32 s10, $0x1;
	s10 =	sld [smem:$0x3FAB];
	_ =	sdelay $0x3  }
0x37: {  	[smem:$0x3FAB] =	sst s10  }
0x38: {  	s10 =	sld [smem:$0x3FAC]  }
0x39: {  	_ = 	snop;
	(pc) =	sbr.ind lr, $3  }
0x3a: {  	_ = 	snop  }
0x3b: {  	_ = 	snop  }
0x3c: {  	p2 =	seq.s32 s10, $0x1;
	s10 =	sld [smem:$0x3FAB]  }
0x3d: {  	_ =	shalt  }
0x3e: {  	_ =	shalt  }
0x3f: {  	_ =	shalt  }
0x40: {  	_ =	shalt  }
0x41: {  	_ =	shalt  }
0x42: {  	_ =	shalt  }
0x43: {  	_ =	shalt  }
0x44: {  	_ =	shalt  }
0x45: {  	_ =	shalt  }
0x46: {  	_ =	shalt  }
0x47: {  	_ =	shalt  }
0x48: {  	_ =	shalt  }
0x49: {  	_ =	shalt  }
0x4a: {  	_ =	shalt  }
0x4b: {  	_ =	shalt  }
0x4c: {  	_ =	shalt  }
0x4d: {  	_ =	shalt  }
0x4e: {  	_ =	shalt  }
0x4f: {  	_ =	shalt  }
0x50: {  	_ =	shalt  }
0x51: {  	_ =	shalt  }
0x52: {  	_ =	shalt  }
0x53: {  	_ =	shalt  }
0x54: {  	_ =	shalt  }
0x55: {  	_ =	shalt  }
0x56: {  	_ =	shalt  }
0x57: {  	_ =	shalt  }
0x58: {  	_ =	shalt  }
0x59: {  	_ =	shalt  }
0x5a: {  	_ =	shalt  }
0x5b: {  	_ =	shalt  }
0x5c: {  	_ =	shalt  }
0x5d: {  	_ =	shalt  }
0x5e: {  	_ =	shalt  }
0x5f: {  	_ =	shalt  }
0x60: {  	_ =	shalt  }
0x61: {  	_ =	shalt  }
0x62: {  	_ =	shalt  }
0x63: {  	_ =	shalt  }
0x64: {  	_ =	shalt  }
0x65: {  	_ =	shalt  }
0x66: {  	_ =	shalt  }
0x67: {  	_ =	shalt  }
0x68: {  	_ =	shalt  }
0x69: {  	_ =	shalt  }
0x6a: {  	_ =	shalt  }
0x6b: {  	_ =	shalt  }
0x6c: {  	_ =	shalt  }
0x6d: {  	_ =	shalt  }
0x6e: {  	_ =	shalt  }
0x6f: {  	_ =	shalt  }
0x70: {  	_ =	shalt  }
0x71: {  	_ =	shalt  }
0x72: {  	_ =	shalt  }
0x73: {  	_ =	shalt  }
0x74: {  	_ =	shalt  }
0x75: {  	_ =	shalt  }
0x76: {  	_ =	shalt  }
0x77: {  	_ =	shalt  }
0x78: {  	_ =	shalt  }
0x79: {  	_ =	shalt  }
0x7a: {  	_ =	shalt  }
0x7b: {  	_ =	shalt  }
0x7c: {  	_ =	shalt  }
0x7d: {  	_ =	shalt  }
0x7e: {  	_ =	shalt  }
0x7f: {  	_ =	shalt  }
0x80: {  	_ =	shalt  }
0x81: {  	_ =	shalt  }
0x82: {  	_ =	shalt  }
0x83: {  	_ =	shalt  }
0x84: {  	_ =	shalt  }
0x85: {  	_ =	shalt  }
0x86: {  	_ =	shalt  }
0x87: {  	_ =	shalt  }
.Lfunc_end0:
.L_simem_size_0:
called_computation.5_lowered:
.L_overlay_start_0:
0x88: {  	s2 =	sld [smem:$0x3FD9]  }
0x89: {  	s3 =	sld [smem:$0x3FFE];
	_ =	sdelay $0x1  }
0x8a: {  	s1 =	srdreg.scid  }
0x8b: {  	s0 =	sand.u32 $0x1, s1  }
0x8c: {  	s17 =	sshll.u32 s0, $0xA;
	s2 =	sadd.s32 s3, s2  }
0x8d: {  	s2 =	sadd.s32 s2, s17  }
0x8e: {  	[smem:$0x3FB7] =	sst s2  }
0x8f: {  	_ = 	snop  }
0x90: {  	s2 =	sld [smem:$0x3FC7];
	(tm) =	ssettm $0x1  }
0x91: {  	s18 =	sld [smem:$0x3FFB];
	_ =	sdelay $0x3  }
0x92: {  	_ =	strace s18  }
0x93: {  	s3 =	sld [smem:$0x3FFC];
	_ =	sdelay $0x3  }
0x94: {  	_ =	strace s3  }
0x95: {  	s3 =	sld [smem:$0x3FFD];
	_ =	sdelay $0x3  }
0x96: {  	_ =	strace s3  }
0x97: {  	_ =	strace $0x8FFFFFFF  }
0x98: {  	s19 =	sld [smem:$0x3FDB];
	_ =	sdelay $0x1  }
0x99: {  	s4 =	simm.s32 $_scs_section_size  }
0x9a: {  	s5 =	simm.s32 $_size__tile_overlayer_lowered;
	s6 =	simm.s32 $_tile_overlayer_lowered  }
0x9b: {  	s22 =	simm.s32 $0x1BFF;
	s21 =	sshll.u32 s6, $0x1;
	s3 =	sadd.s32 s4, s19  }
0x9c: {  	s7 =	simm.s32 $0x0;
	s20 =	sshll.u32 s5, $0x1;
	s5 =	sadd.s32 s21, s3  }
0x9d: {  	[timem:s7], [sflag:s22] =	dma.local [hbm:s5], s20  }
0x9e: {  	_ =	swait.ge [sflag:s22], s20  }
0x9f: {  	s4 =	ssub.s32 $0x0, s20;
	[sflag:s22] =	ssyncset.done $0x0  }
0xa0: {  	[sflag:s22] =	ssyncadd.s32 s4;
	_ =	sdelay $0x1  }
0xa1: {  	s23 =	simm.s32 $0x1B8B  }
0xa2: {  	_ =	swait.ge [sflag:s23], $0x1  }
0xa3: {  	[sflag:s23] =	ssyncset.done $0x0  }
0xa4: {  	s25 =	simm.s32 $0x1B8E;
	s24 =	sld [smem:$0x3FFE];
	[sflag:s23] =	ssyncadd.s32 $0xFFFFFFFF  }
0xa5: {  	s26 =	simm.s32 $execute0_lowered;
	[smem:$0x3FD2] =	sst s25  }
0xa6: {  	s5 =	sshll.u32 s26, $0x1;
	_ =	strace $0x80000055;
	[dreg:$0x1] =	wrdreg $0xFFFFFFFF  }
0xa7: {  	s28 =	simm.s32 $_size_execute0_lowered;
	s3 =	sadd.s32 s3, s5;
	[dreg:$0x0] =	wrdreg $0x0  }
0xa8: {  	s5 =	sshll.u32 s28, $0x1;
	[dreg:$0x2] =	wrdreg s3  }
0xa9: {  	[dreg:$0x3] =	wrdreg s5  }
0xaa: {  	[dreg:$0x4] =	wrdreg $0xC0  }
0xab: {  	_ =	task [dreg:s7], $0x5FFFF  }
0xac: {  	[dreg:$0x1] =	wrdreg $0xFFFFFFFF  }
0xad: {  	[dreg:$0x0] =	wrdreg $0x60  }
0xae: {  	[dreg:$0x2] =	wrdreg s24  }
0xaf: {  	[dreg:$0x3] =	wrdreg s2  }
0xb0: {  	[dreg:$0x4] =	wrdreg $0x9  }
0xb1: {  	_ =	task.clear_ibuf [dreg:s7], $0x5FFFF;
	_ =	strace $0x90000055  }
0xb2: {  	s29 =	simm.s32 $0x9;
	_ =	strace $0x80000057  }
0xb3: {  	_ =	swait.ge [sflag:s29], $0x1  }
0xb4: {  	[sflag:s29] =	ssyncadd.s32 $0xFFFFFFFF  }
0xb5: {  	_ =	strace $0x90000057  }
0xb6: {  	_ =	sfence  }
0xb7: {  	s30 =	sld [smem:$0x0];
	_ =	sdelay $0x2  }
0xb8: {  	s31 =	sshll.u32 s1, $0xD;
	s1 =	sshrl.u32 s1, $0x2  }
0xb9: {  	s3 =	sand.u32 $0x4000, s31;
	s1 =	sadd.s32 s1, s30  }
0xba: {  	s0 =	sor.u32 s3, s0;
	s1 =	sshll.u32 s1, $0x11  }
0xbb: {  	s0 =	sor.u32 s1, s0  }
0xbc: {  	s0 =	sadd.s32 $0x8F2B, s0  }
0xbd: {  	[sflag:s0] =	ssyncadd.remote.s32 $0x1  }
0xbe: {  	_ =	sfence.sel $0xFFFF  }
0xbf: {  	[dreg:$0x0] =	wrdreg $0xFFFFFFFF;
	(pc) =	sbr.abs _section_cstart, $3  }
0xc0: {  	[dreg:$0x1] =	wrdreg $0xFFFFFFFF  }
0xc1: {  	_ =	task.clear_ibuf [dreg:s7], $0x2FFFF;
	_ =	strace $0x9FFFFFFF  }
0xc2: {  	(tm) =	ssettm $0x7FFFFFFF  }
0xc3: {  	_ =	shalt  }
tec
execute0_lowered:
.L_overlay_start_1:
0x0: {  	(tag) =	ssettag $0x1  }
0x1: {  	s4 =	rddreg [dreg:$0x0]  }
0x2: {  	s8 =	rddreg [dreg:$0x1]  }
0x3: {  	s0 =	rddreg [dreg:$0x2]  }
0x4: {  	s3 =	srdreg.scid;
	s1 =	stileid.u32;
	s2 =	simm.s32 $0x0  }
0x5: {  	s14 =	simm.s32 $0x85A8;
	s15 =	simm.s32 $0x0;
	s10 =	smul.u32 $0xC350, s1  }
0x6: {  	s6 =	sand.u32 $0x1, s3;
	s28 =	sshll.u32 s1, $0x1;
	s12 =	smul.u32 $0x30D40, s1  }
0x7: {  	[smem:$0x7FF] =	sst s2;
	s7 =	sadd.s32 $0xD600, s4;
	s11 =	smul.u32 $0x61A8, s6  }
0x8: {  	s3 =	sor.u32 s6, s28;
	s29 =	ssub.s32 $0x2, s6;
	s13 =	smul.u32 $0x186A0, s6  }
0x9: {  	_ =	strace $0x80000056;
	s5 =	smul.u32 $0x61A8, s3;
	s9 =	sshrl.u32 s29, $0x1  }
0xa: {  	s3 =	sadd.s32 $0x37FC00, s4;
	s9 =	ssub.s32 s29, s9;
	s10 =	sadd.s32 s11, s10  }
0xb: {  	s11 =	simm.s32 $0x1;
	s5 =	sadd.s32 $0x6000, s5;
	s6 =	smax.u32 s9, $0x1  }
0xc: {  	s31 =	sshrl.u32 s10, $0x3;
	s9 =	simm.s32 $0x2;
	s30 =	sshrl.u32 s5, $0x3  }
0xd: {  	s10 =	simm.s32 $0x400;
	s5 =	sshll.u32 s5, $0x2;
	s4 =	sadd.s32 s8, s30  }
0xe: {  	s5 =	sadd.s32 s7, s5;
	s7 =	sadd.s32 s12, s7;
	s8 =	sadd.s32 s31, s8  }
0xf: {  	s12 =	simm.s32 $0x8400;
	s7 =	sadd.s32 s13, s7;
	s13 =	simm.s32 $0x1A8  }
.LBB2_1:
0x10: {  	s16 =	sadd.s32 $0x0, s8  }
0x11: {  	[tilespmem:s2], [sflag:$0x2] =	stream.linear.gather [hbm4b:s16+s2], $0x400, $0x38;
	[tilespmem:$0xBAA8] =	vst v63  }
0x12: {  	_ =	swait.ge [sflag:s9], $0x400  }
0x13: {  	[sflag:s9] =	ssyncset.done $0x0  }
0x14: {  	[sflag:s9] =	ssyncadd.s32 $0xFFFFFC00  }
0x15: {  	[tilespmem:s10], [sflag:$0x1] =	stream.indirect.gather [hbm4b:s3+s10], $0x20, s2, s10, $0xb8;
	[tilespmem:$0xBAA8] =	vst v63  }
0x16: {  	_ =	swait.ge [sflag:s11], $0x8000  }
0x17: {  	[sflag:s11] =	ssyncset.done $0x0  }
0x18: {  	[sflag:s11] =	ssyncadd.s32 $0xFFFF8000  }
0x19: {  	[hbm4b:s7+s2] =	stream.linear.scatter [tilespmem:s10], [sflag:$0x2], $0x8000, $0x38;
	[tilespmem:$0xBAA8] =	vst v63  }
0x1a: {  	s17 =	simm.s32 $0x80;
	_ =	swait.ge [sflag:s9], $0x8000  }
0x1b: {  	s18 =	simm.s32 $0x100;
	s16 =	sadd.s32 $0x1000, s7;
	[sflag:s9] =	ssyncset.done $0x0  }
.LBB2_2:
0x1c: {  	s19 =	sadd.s32 s17, s8  }
0x1d: {  	[sflag:s9] =	ssyncadd.s32 $0xFFFF8000;
	s17 =	smov.u32 s18;
	s20 =	sadd.s32 $0x80, s18  }
0x1e: {  	[tilespmem:s2], [sflag:$0x2] =	stream.linear.gather [hbm4b:s19+s2], $0x400, $0x38;
	[tilespmem:$0xBAA8] =	vst v63  }
0x1f: {  	p0 =	sne.s32 s18, $0xB80;
	_ =	swait.ge [sflag:s9], $0x400  }
0x20: {  	[sflag:s9] =	ssyncset.done $0x0  }
0x21: {  	[sflag:s9] =	ssyncadd.s32 $0xFFFFFC00  }
0x22: {  	[tilespmem:s10], [sflag:$0x1] =	stream.indirect.gather [hbm4b:s3+s10], $0x20, s2, s10, $0xb8;
	[tilespmem:$0xBAA8] =	vst v63  }
0x23: {  	_ =	swait.ge [sflag:s11], $0x8000  }
.Ltmp0:
0x24: {  	[sflag:s11] =	ssyncset.done $0x0;
	(pc) =	sbr.rel @p0 .LBB2_2-.Ltmp0, $4  }
0x25: {  	[sflag:s11] =	ssyncadd.s32 $0xFFFF8000  }
0x26: {  	[hbm4b:s16+s2] =	stream.linear.scatter [tilespmem:s10], [sflag:$0x2], $0x8000, $0x38;
	[tilespmem:$0xBAA8] =	vst v63  }
0x27: {  	_ =	swait.ge [sflag:s9], $0x8000  }
0x28: {  	s18 =	smov.u32 s20;
	s16 =	sadd.s32 $0x1000, s16;
	[sflag:s9] =	ssyncset.done $0x0  }
0x29: {  	s17 =	sadd.s32 s17, s8;
	[sflag:s9] =	ssyncadd.s32 $0xFFFF8000  }
0x2a: {  	[tilespmem:s2], [sflag:$0x2] =	stream.linear.gather [hbm4b:s17+s2], $0x400, $0x38;
	[tilespmem:$0xBAA8] =	vst v63  }
0x2b: {  	_ =	swait.ge [sflag:s9], $0x400  }
0x2c: {  	[sflag:s9] =	ssyncset.done $0x0  }
0x2d: {  	[sflag:s9] =	ssyncadd.s32 $0xFFFFFC00  }
0x2e: {  	[tilespmem:s10], [sflag:$0x1] =	stream.indirect.gather [hbm4b:s3+s10], $0x20, s2, s10, $0xb8;
	[tilespmem:$0xBAA8] =	vst v63  }
0x2f: {  	_ =	swait.ge [sflag:s11], $0x8000  }
0x30: {  	[sflag:s11] =	ssyncset.done $0x0  }
0x31: {  	[sflag:s11] =	ssyncadd.s32 $0xFFFF8000  }
0x32: {  	[hbm4b:s16+s2] =	stream.linear.scatter [tilespmem:s10], [sflag:$0x2], $0x8000, $0x38;
	[tilespmem:$0xBAA8] =	vst v63  }
0x33: {  	_ =	swait.ge [sflag:s9], $0x8000  }
0x34: {  	[sflag:s9] =	ssyncset.done $0x0  }
0x35: {  	[sflag:s9] =	ssyncadd.s32 $0xFFFF8000  }
0x36: {  	[tilespmem:s12], [sflag:$0x2] =	stream.linear.gather [hbm4b:s4+s2], $0x1A8, $0x38;
	[tilespmem:$0xBAA8] =	vst v63  }
0x37: {  	_ =	swait.ge [sflag:s9], $0x1A8  }
0x38: {  	[sflag:s9] =	ssyncset.done $0x0  }
0x39: {  	[sflag:s9] =	ssyncadd.s32 $0xFFFFFE58  }
0x3a: {  	[tilespmem:s14], [sflag:$0x1] =	stream.indirect.gather [hbm4b:s3+s13], $0x20, s12, s13, $0xb8;
	[tilespmem:$0xBAA8] =	vst v63  }
0x3b: {  	s15 =	sadd.s32 $0x1, s15;
	_ =	swait.ge [sflag:s11], $0x3500  }
0x3c: {  	p0 =	sne.s32 s15, s6;
	[sflag:s11] =	ssyncset.done $0x0  }
.Ltmp1:
0x3d: {  	[sflag:s11] =	ssyncadd.s32 $0xFFFFCB00;
	(pc) =	sbr.rel @p0 .LBB2_1-.Ltmp1, $4  }
0x3e: {  	[hbm4b:s5+s2] =	stream.linear.scatter [tilespmem:s14], [sflag:$0x2], $0x3500, $0x38;
	[tilespmem:$0xBAA8] =	vst v63  }
0x3f: {  	_ =	swait.ge [sflag:s9], $0x3500  }
0x40: {  	[sflag:s9] =	ssyncset.done $0x0  }
0x41: {  	[sflag:s9] =	ssyncadd.s32 $0xFFFFCB00  }
0x42: {  	_ =	sfence.sel $0x180000  }
0x43: {  	[bflag:$0x0] =	sbarrier.arrive $0xFFFF  }
0x44: {  	p0 =	sne.s32 s1, $0x0;
	_ =	strace $0x90000056  }
0x45: {  	s0 =	sadd.s32 @!p0 $0x100000, s0;
	[bflag:$0x2] =	sbarrier.arrive $0xFFFF  }
0x46: {  	[sflag:s0] =	ssyncadd.tile.s32 @!p0 $0x1;
	_ =	shalt  }
.Lfunc_end2:
_tile_overlayer_lowered:
.L_overlay_start_2:
0x47: {  	(tag) =	ssettag $0x2  }
0x48: {  	s0 =	rddreg [dreg:$0x0];
	s2 =	stileid.u32  }
0x49: {  	s1 =	rddreg [dreg:$0x1];
	p0 =	sne.s32 s2, $0x0  }
0x4a: {  	s3 =	rddreg [dreg:$0x2];
	[bflag:$0x3] =	sbarrier.arrive $0xFFFF;
	s2 =	simm.s32 @!p0 $0x1C02  }
0x4b: {  	[timem:s3], [sflag:s2] =	dma.local @!p0 [hbm:s0], s1  }
0x4c: {  	s0 =	simm.s32 @!p0 $0x2  }
0x4d: {  	_ =	swait.ge @!p0 [sflag:s0], s1  }
0x4e: {  	s1 =	ssub.s32 @!p0 $0x0, s1;
	[sflag:s0] =	ssyncset.done @!p0 $0x0  }
0x4f: {  	[sflag:s0] =	ssyncadd.s32 @!p0 s1  }
0x50: {  	[bflag:$0x3] =	sbarrier.arrive $0xFFFF  }
0x51: {  	_ =	shalt  }

// kernel: kernel.34.cloned.1.call-start
scs
__scs_entry_jumppad:
0x0: {  	(pc) =	sbr.rel $0x88, $3  }
0x1: {  	(tag) =	ssettag $0x0;
	lr =	simm.s32 $0x1  }
0x2: {  	[smem:$0x3F90] =	sst lr;
	_ =	strace $0xD0000000  }
0x3: {  	_ = 	snop  }
0x4: {  	_ = 	snop  }
0x5: {  	_ = 	snop  }
0x6: {  	_ = 	snop  }
0x7: {  	_ = 	snop  }
__scs_overlays_trampoline_lowered:
0x8: {  	[smem:$0x3F9F] =	sst s0  }
0x9: {  	[smem:$0x3FA0] =	sst s1  }
0xa: {  	[smem:$0x3FA1] =	sst s2  }
0xb: {  	[smem:$0x3FA2] =	sst s3  }
0xc: {  	[smem:$0x3FA3] =	sst s4  }
0xd: {  	[smem:$0x3FA4] =	sst s5  }
0xe: {  	[smem:$0x3FA5] =	sst s6  }
0xf: {  	[smem:$0x3FA6] =	sst s7  }
0x10: {  	[smem:$0x3FA7] =	sst s8  }
0x11: {  	[smem:$0x3FA8] =	sst s9;
	s0 =	simm.s32 @!p0 $0x0  }
0x12: {  	s1 =	sld [smem:$0x3F8E];
	s0 =	simm.s32 @p0 $0x1  }
0x13: {  	[smem:$0x3FA9] =	sst s0;
	s0 =	simm.s32 @!p1 $0x0  }
0x14: {  	s2 =	sld [smem:$0x3F8D];
	s0 =	simm.s32 @p1 $0x1  }
0x15: {  	[smem:$0x3FAA] =	sst s0;
	s0 =	simm.s32 @!p2 $0x0  }
0x16: {  	s3 =	sld [smem:$0x3FDB];
	s0 =	simm.s32 @p2 $0x1  }
0x17: {  	s4 =	simm.s32 $0x1BF5;
	[smem:$0x3FAC] =	sst s0  }
0x18: {  	s0 =	sld [smem:$0x3F8F];
	_ =	swait.ge [sflag:s4], $0x0  }
0x19: {  	s7 =	sld [smem:$0x3F90]  }
0x1a: {  	s8 =	sadd.s32 $0xFFFFE003, lr  }
0x1b: {  	s9 =	sadd.s32 $0xFFFFFEF7, lr;
	s5 =	simm.s32 $0xFFFFFFFF;
	p2 =	slt.u32 s8, $0xFFFFF086  }
0x1c: {  	p1 =	slt.u32 s9, $0xF7A;
	s5 =	simm.s32 @!p2 $0x0  }
0x1d: {  	s5 =	simm.s32 @p1 $0x1;
	p0 =	seq.s32 s7, s2  }
0x1e: {  	s7 =	smul.u32 @!p0 $0xF7A, s2;
	p2 =	seq.s32 @!p0 s5, $0x0  }
0x1f: {  	s9 =	smul.u32 $0xF7A, s1;
	s8 =	simm.s32 @!p0 $0x1BF5;
	p2 =	por !p2, p0  }
0x20: {  	[sflag:s8] =	ssyncset.s32 @!p0 $0xFFFFF086;
	s6 =	sadd.s32 @!p0 s3, s7;
	s7 =	simm.s32 @!p0 $0x108  }
0x21: {  	s3 =	sadd.s32 s3, s9;
	s6 =	sadd.s32 @!p0 $0x88, s6;
	s7 =	simm.s32 @p2 $0x1082  }
0x22: {  	[simem:s7], [sflag:s8] =	dma.local @!p0 [hbm:s6], $0xF7A  }
0x23: {  	s9 =	sor.u32 $0xD0000000, s2;
	s6 =	simm.s32 $0x108;
	_ =	swait.ge @!p0 [sflag:s8], $0x0  }
0x24: {  	s3 =	sadd.s32 $0x88, s3;
	s6 =	simm.s32 @!p1 $0x1082;
	[sflag:s4] =	ssyncset.s32 $0xFFFFF086  }
0x25: {  	[simem:s6], [sflag:s4] =	dma.local [hbm:s3], $0xF7A  }
0x26: {  	[smem:$0x3F90] =	sst s1;
	(tag) =	ssettag s2;
	_ =	strace s9  }
0x27: {  	s1 =	sld [smem:$0x3FA0]  }
0x28: {  	s2 =	sld [smem:$0x3FA1]  }
0x29: {  	s4 =	sld [smem:$0x3FA3]  }
0x2a: {  	p0 =	seq.s32 s5, $0x0;
	s5 =	sld [smem:$0x3FA4]  }
0x2b: {  	s6 =	sld [smem:$0x3FA5]  }
0x2c: {  	s7 =	sld [smem:$0x3FA6]  }
0x2d: {  	s3 =	simm.s32 $0x108;
	s8 =	sld [smem:$0x3FA7]  }
0x2e: {  	s3 =	simm.s32 @!p0 $0x1082;
	s9 =	sld [smem:$0x3FA8]  }
0x2f: {  	lr =	sadd.s32 s0, s3;
	s0 =	sld [smem:$0x3F9F]  }
0x30: {  	s3 =	sld [smem:$0x3FA2]  }
0x31: {  	[smem:$0x3FAB] =	sst s10  }
0x32: {  	s10 =	sld [smem:$0x3FA9];
	_ =	sdelay $0x3  }
0x33: {  	p0 =	seq.s32 s10, $0x1;
	s10 =	sld [smem:$0x3FAB];
	_ =	sdelay $0x3  }
0x34: {  	[smem:$0x3FAB] =	sst s10  }
0x35: {  	s10 =	sld [smem:$0x3FAA];
	_ =	sdelay $0x3  }
0x36: {  	p1 =	seq.s32 s10, $0x1;
	s10 =	sld [smem:$0x3FAB];
	_ =	sdelay $0x3  }
0x37: {  	[smem:$0x3FAB] =	sst s10  }
0x38: {  	s10 =	sld [smem:$0x3FAC]  }
0x39: {  	_ = 	snop;
	(pc) =	sbr.ind lr, $3  }
0x3a: {  	_ = 	snop  }
0x3b: {  	_ = 	snop  }
0x3c: {  	p2 =	seq.s32 s10, $0x1;
	s10 =	sld [smem:$0x3FAB]  }
0x3d: {  	_ =	shalt  }
0x3e: {  	_ =	shalt  }
0x3f: {  	_ =	shalt  }
0x40: {  	_ =	shalt  }
0x41: {  	_ =	shalt  }
0x42: {  	_ =	shalt  }
0x43: {  	_ =	shalt  }
0x44: {  	_ =	shalt  }
0x45: {  	_ =	shalt  }
0x46: {  	_ =	shalt  }
0x47: {  	_ =	shalt  }
0x48: {  	_ =	shalt  }
0x49: {  	_ =	shalt  }
0x4a: {  	_ =	shalt  }
0x4b: {  	_ =	shalt  }
0x4c: {  	_ =	shalt  }
0x4d: {  	_ =	shalt  }
0x4e: {  	_ =	shalt  }
0x4f: {  	_ =	shalt  }
0x50: {  	_ =	shalt  }
0x51: {  	_ =	shalt  }
0x52: {  	_ =	shalt  }
0x53: {  	_ =	shalt  }
0x54: {  	_ =	shalt  }
0x55: {  	_ =	shalt  }
0x56: {  	_ =	shalt  }
0x57: {  	_ =	shalt  }
0x58: {  	_ =	shalt  }
0x59: {  	_ =	shalt  }
0x5a: {  	_ =	shalt  }
0x5b: {  	_ =	shalt  }
0x5c: {  	_ =	shalt  }
0x5d: {  	_ =	shalt  }
0x5e: {  	_ =	shalt  }
0x5f: {  	_ =	shalt  }
0x60: {  	_ =	shalt  }
0x61: {  	_ =	shalt  }
0x62: {  	_ =	shalt  }
0x63: {  	_ =	shalt  }
0x64: {  	_ =	shalt  }
0x65: {  	_ =	shalt  }
0x66: {  	_ =	shalt  }
0x67: {  	_ =	shalt  }
0x68: {  	_ =	shalt  }
0x69: {  	_ =	shalt  }
0x6a: {  	_ =	shalt  }
0x6b: {  	_ =	shalt  }
0x6c: {  	_ =	shalt  }
0x6d: {  	_ =	shalt  }
0x6e: {  	_ =	shalt  }
0x6f: {  	_ =	shalt  }
0x70: {  	_ =	shalt  }
0x71: {  	_ =	shalt  }
0x72: {  	_ =	shalt  }
0x73: {  	_ =	shalt  }
0x74: {  	_ =	shalt  }
0x75: {  	_ =	shalt  }
0x76: {  	_ =	shalt  }
0x77: {  	_ =	shalt  }
0x78: {  	_ =	shalt  }
0x79: {  	_ =	shalt  }
0x7a: {  	_ =	shalt  }
0x7b: {  	_ =	shalt  }
0x7c: {  	_ =	shalt  }
0x7d: {  	_ =	shalt  }
0x7e: {  	_ =	shalt  }
0x7f: {  	_ =	shalt  }
0x80: {  	_ =	shalt  }
0x81: {  	_ =	shalt  }
0x82: {  	_ =	shalt  }
0x83: {  	_ =	shalt  }
0x84: {  	_ =	shalt  }
0x85: {  	_ =	shalt  }
0x86: {  	_ =	shalt  }
0x87: {  	_ =	shalt  }
.Lfunc_end0:
.L_simem_size_0:
called_computation.6_lowered:
.L_overlay_start_0:
0x88: {  	s2 =	sld [smem:$0x3FD9]  }
0x89: {  	s3 =	sld [smem:$0x3FFE];
	_ =	sdelay $0x1  }
0x8a: {  	s1 =	srdreg.scid  }
0x8b: {  	s0 =	sand.u32 $0x1, s1  }
0x8c: {  	s16 =	sshll.u32 s0, $0xA;
	s2 =	sadd.s32 s3, s2  }
0x8d: {  	s2 =	sadd.s32 s2, s16  }
0x8e: {  	[smem:$0x3FB7] =	sst s2  }
0x8f: {  	_ = 	snop  }
0x90: {  	(tm) =	ssettm $0x1  }
0x91: {  	s17 =	sld [smem:$0x3FFB];
	_ =	sdelay $0x3  }
0x92: {  	_ =	strace s17  }
0x93: {  	s2 =	sld [smem:$0x3FFC];
	_ =	sdelay $0x3  }
0x94: {  	_ =	strace s2  }
0x95: {  	s2 =	sld [smem:$0x3FFD];
	_ =	sdelay $0x3  }
0x96: {  	_ =	strace s2  }
0x97: {  	_ =	strace $0x8FFFFFFF  }
0x98: {  	s18 =	sld [smem:$0x3FDB];
	_ =	sdelay $0x1  }
0x99: {  	s19 =	simm.s32 $_scs_section_size  }
0x9a: {  	s4 =	simm.s32 $_size__tile_overlayer_lowered;
	s5 =	simm.s32 $_tile_overlayer_lowered  }
0x9b: {  	s22 =	simm.s32 $0x1BFF;
	s21 =	sshll.u32 s5, $0x1;
	s2 =	sadd.s32 s19, s18  }
0x9c: {  	s6 =	simm.s32 $0x0;
	s20 =	sshll.u32 s4, $0x1;
	s4 =	sadd.s32 s21, s2  }
0x9d: {  	[timem:s6], [sflag:s22] =	dma.local [hbm:s4], s20  }
0x9e: {  	_ =	swait.ge [sflag:s22], s20  }
0x9f: {  	s3 =	ssub.s32 $0x0, s20;
	[sflag:s22] =	ssyncset.done $0x0  }
0xa0: {  	[sflag:s22] =	ssyncadd.s32 s3;
	_ =	sdelay $0x1  }
0xa1: {  	s23 =	simm.s32 $0x1B8B  }
0xa2: {  	_ =	swait.ge [sflag:s23], $0x1  }
0xa3: {  	[sflag:s23] =	ssyncset.done $0x0  }
0xa4: {  	s25 =	simm.s32 $0x1B8E;
	s24 =	sld [smem:$0x3FFE];
	[sflag:s23] =	ssyncadd.s32 $0xFFFFFFFF  }
0xa5: {  	s26 =	simm.s32 $execute0_lowered;
	[smem:$0x3FD2] =	sst s25  }
0xa6: {  	s4 =	sshll.u32 s26, $0x1;
	_ =	strace $0x80000058;
	[dreg:$0x1] =	wrdreg $0xFFFFFFFF  }
0xa7: {  	s28 =	simm.s32 $_size_execute0_lowered;
	s2 =	sadd.s32 s2, s4;
	[dreg:$0x0] =	wrdreg $0x0  }
0xa8: {  	s4 =	sshll.u32 s28, $0x1;
	[dreg:$0x2] =	wrdreg s2  }
0xa9: {  	[dreg:$0x3] =	wrdreg s4  }
0xaa: {  	[dreg:$0x4] =	wrdreg $0xC0  }
0xab: {  	_ =	task [dreg:s6], $0x5FFFF  }
0xac: {  	[dreg:$0x1] =	wrdreg $0xFFFFFFFF  }
0xad: {  	[dreg:$0x0] =	wrdreg $0x60  }
0xae: {  	[dreg:$0x2] =	wrdreg s24  }
0xaf: {  	[dreg:$0x3] =	wrdreg $0x0  }
0xb0: {  	[dreg:$0x4] =	wrdreg $0x9  }
0xb1: {  	_ =	task.clear_ibuf [dreg:s6], $0x5FFFF;
	_ =	strace $0x90000058  }
0xb2: {  	s29 =	simm.s32 $0x9;
	_ =	strace $0x8000005A  }
0xb3: {  	_ =	swait.ge [sflag:s29], $0x1  }
0xb4: {  	[sflag:s29] =	ssyncadd.s32 $0xFFFFFFFF  }
0xb5: {  	_ =	strace $0x9000005A  }
0xb6: {  	_ =	sfence  }
0xb7: {  	s30 =	sld [smem:$0x0];
	_ =	sdelay $0x2  }
0xb8: {  	s31 =	sshll.u32 s1, $0xD;
	s1 =	sshrl.u32 s1, $0x2  }
0xb9: {  	s3 =	sand.u32 $0x4000, s31;
	s1 =	sadd.s32 s1, s30  }
0xba: {  	s0 =	sor.u32 s3, s0;
	s1 =	sshll.u32 s1, $0x11  }
0xbb: {  	s0 =	sor.u32 s1, s0  }
0xbc: {  	s0 =	sadd.s32 $0x8F2B, s0  }
0xbd: {  	[sflag:s0] =	ssyncadd.remote.s32 $0x1  }
0xbe: {  	_ =	sfence.sel $0xFFFF  }
0xbf: {  	[dreg:$0x0] =	wrdreg $0xFFFFFFFF;
	(pc) =	sbr.abs _section_cstart, $3  }
0xc0: {  	[dreg:$0x1] =	wrdreg $0xFFFFFFFF  }
0xc1: {  	_ =	task.clear_ibuf [dreg:s6], $0x2FFFF;
	_ =	strace $0x9FFFFFFF  }
0xc2: {  	(tm) =	ssettm $0x7FFFFFFF  }
0xc3: {  	_ =	shalt  }
tec
execute0_lowered:
.L_overlay_start_1:
0x0: {  	(tag) =	ssettag $0x1  }
0x1: {  	s1 =	srdreg.scid  }
0x2: {  	s1 =	sand.u32 $0x1, s1  }
0x3: {  	p0 =	seq.s32 s1, $0x1  }
.Ltmp0:
0x4: {  	_ = 	snop;
	(pc) =	sbr.rel @p0 .LBB2_14-.Ltmp0, $4  }
0x5: {  	s0 =	rddreg [dreg:$0x0]  }
0x6: {  	s3 =	rddreg [dreg:$0x1];
	s2 =	simm.s32 $0x0  }
0x7: {  	[smem:$0x7FF] =	sst s2  }
0x8: {  	s4 =	rddreg [dreg:$0x2];
	s14 =	stileid.u32;
	_ =	strace $0x80000059  }
0x9: {  	s1 =	smul.u32 $0x62000, s14;
	s2 =	sadd.s32 $0x415800, s0  }
0xa: {  	s5 =	smul.u32 $0x18800, s14;
	s22 =	sadd.s32 $0x34BE00, s0  }
0xb: {  	s6 =	sadd.s32 $0x31AA00, s0;
	s7 =	sadd.s32 $0x34D800, s0;
	[dreg:$0x6] =	wrdreg s2  }
0xc: {  	s19 =	simm.s32 $0x80;
	[dreg:$0x7] =	wrdreg s22;
	s24 =	sadd.s32 $0x18000, s5  }
0xd: {  	s23 =	sshrl.u32 s1, $0x2;
	s25 =	sadd.s32 s24, s3;
	s26 =	sshrl.u32 s24, $0x3  }
0xe: {  	s11 =	sadd.s32 s23, s3;
	[dreg:$0x5] =	wrdreg s25;
	s1 =	sadd.s32 s6, s26  }
0xf: {  	s0 =	sadd.s32 s7, s26;
	s9 =	sadd.s32 $0x1000, s11;
	s8 =	sadd.s32 $0x2000, s11  }
0x10: {  	s4 =	sadd.s32 $0x3000, s11;
	s2 =	sadd.s32 $0x4000, s11;
	s31 =	sadd.s32 $0x6000, s11  }
0x11: {  	s30 =	sadd.s32 $0x7000, s11;
	s29 =	sadd.s32 $0x8000, s11;
	s28 =	sadd.s32 $0x9000, s11  }
0x12: {  	s26 =	sadd.s32 $0xA000, s11;
	s25 =	sadd.s32 $0xB000, s11;
	s24 =	sadd.s32 $0xC000, s11  }
0x13: {  	s23 =	sadd.s32 $0xD000, s11;
	s22 =	sadd.s32 $0xE000, s11;
	s21 =	sadd.s32 $0xF000, s11  }
0x14: {  	s20 =	sadd.s32 $0x10000, s11;
	s18 =	sadd.s32 $0x11000, s11;
	s17 =	sadd.s32 $0x12000, s11  }
0x15: {  	s16 =	sadd.s32 $0x13000, s11;
	s15 =	sadd.s32 $0x14000, s11;
	s14 =	sadd.s32 $0x15000, s11  }
0x16: {  	s13 =	sadd.s32 $0x16000, s11;
	s12 =	sadd.s32 $0x17000, s11;
	[dreg:$0x4] =	wrdreg s1  }
0x17: {  	v0 =	vimm.f32 $0.0e+00;
	[dreg:$0x3] =	wrdreg s0;
	s0 =	sadd.s32 $0x5000, s11;
	s1 =	simm.s32 $0x0  }
.LBB2_2:
0x18: {  	p0 =	sne.s32 s19, $0x3F80;
	[tilespmem:s1+$0x18800] =	vst v0;
	s10 =	smov.u32 s19;
	s19 =	sadd.s32 $0x80, s19  }
.Ltmp1:
0x19: {  	[tilespmem:s1+$0x18810] =	vst v0;
	(pc) =	sbr.rel @p0 .LBB2_2-.Ltmp1, $2  }
0x1a: {  	_ =	sdelay $0x2  }
0x1b: {  	s1 =	sshra.s32 s10, $0x2  }
0x1c: {  	[tilespmem:s1+$0x18800] =	vst v0  }
0x1d: {  	[tilespmem:s1+$0x18810] =	vst v0;
	s19 =	simm.s32 $0x18800  }
0x1e: {  	[spmem:s11] =	stream.linear.scatter [tilespmem:s19], [sflag:$0x1], $0x1000, $0x38;
	[tilespmem:$0x1C480] =	vst v63  }
0x1f: {  	s11 =	simm.s32 $0x1  }
0x20: {  	_ =	swait.ge [sflag:s11], $0x1000  }
0x21: {  	[sflag:s11] =	ssyncset.done $0x0  }
0x22: {  	[sflag:s11] =	ssyncadd.s32 $0xFFFFF000  }
0x23: {  	[spmem:s9] =	stream.linear.scatter [tilespmem:s19], [sflag:$0x1], $0x1000, $0x38;
	[tilespmem:$0x1C480] =	vst v63  }
0x24: {  	_ =	swait.ge [sflag:s11], $0x1000  }
0x25: {  	[sflag:s11] =	ssyncset.done $0x0  }
0x26: {  	[sflag:s11] =	ssyncadd.s32 $0xFFFFF000  }
0x27: {  	[spmem:s8] =	stream.linear.scatter [tilespmem:s19], [sflag:$0x1], $0x1000, $0x38;
	[tilespmem:$0x1C480] =	vst v63  }
0x28: {  	_ =	swait.ge [sflag:s11], $0x1000  }
0x29: {  	[sflag:s11] =	ssyncset.done $0x0  }
0x2a: {  	[sflag:s11] =	ssyncadd.s32 $0xFFFFF000  }
0x2b: {  	[spmem:s4] =	stream.linear.scatter [tilespmem:s19], [sflag:$0x1], $0x1000, $0x38;
	[tilespmem:$0x1C480] =	vst v63  }
0x2c: {  	_ =	swait.ge [sflag:s11], $0x1000  }
0x2d: {  	[sflag:s11] =	ssyncset.done $0x0  }
0x2e: {  	[sflag:s11] =	ssyncadd.s32 $0xFFFFF000  }
0x2f: {  	[spmem:s2] =	stream.linear.scatter [tilespmem:s19], [sflag:$0x1], $0x1000, $0x38;
	[tilespmem:$0x1C480] =	vst v63  }
0x30: {  	_ =	swait.ge [sflag:s11], $0x1000  }
0x31: {  	[sflag:s11] =	ssyncset.done $0x0  }
0x32: {  	[sflag:s11] =	ssyncadd.s32 $0xFFFFF000  }
0x33: {  	[spmem:s0] =	stream.linear.scatter [tilespmem:s19], [sflag:$0x1], $0x1000, $0x38;
	[tilespmem:$0x1C480] =	vst v63  }
0x34: {  	_ =	swait.ge [sflag:s11], $0x1000  }
0x35: {  	[sflag:s11] =	ssyncset.done $0x0  }
0x36: {  	[sflag:s11] =	ssyncadd.s32 $0xFFFFF000  }
0x37: {  	[spmem:s31] =	stream.linear.scatter [tilespmem:s19], [sflag:$0x1], $0x1000, $0x38;
	[tilespmem:$0x1C480] =	vst v63  }
0x38: {  	_ =	swait.ge [sflag:s11], $0x1000  }
0x39: {  	[sflag:s11] =	ssyncset.done $0x0  }
0x3a: {  	[sflag:s11] =	ssyncadd.s32 $0xFFFFF000  }
0x3b: {  	[spmem:s30] =	stream.linear.scatter [tilespmem:s19], [sflag:$0x1], $0x1000, $0x38;
	[tilespmem:$0x1C480] =	vst v63  }
0x3c: {  	_ =	swait.ge [sflag:s11], $0x1000  }
0x3d: {  	[sflag:s11] =	ssyncset.done $0x0  }
0x3e: {  	[sflag:s11] =	ssyncadd.s32 $0xFFFFF000  }
0x3f: {  	[spmem:s29] =	stream.linear.scatter [tilespmem:s19], [sflag:$0x1], $0x1000, $0x38;
	[tilespmem:$0x1C480] =	vst v63  }
0x40: {  	_ =	swait.ge [sflag:s11], $0x1000  }
0x41: {  	[sflag:s11] =	ssyncset.done $0x0  }
0x42: {  	[sflag:s11] =	ssyncadd.s32 $0xFFFFF000  }
0x43: {  	[spmem:s28] =	stream.linear.scatter [tilespmem:s19], [sflag:$0x1], $0x1000, $0x38;
	[tilespmem:$0x1C480] =	vst v63  }
0x44: {  	_ =	swait.ge [sflag:s11], $0x1000  }
0x45: {  	[sflag:s11] =	ssyncset.done $0x0  }
0x46: {  	[sflag:s11] =	ssyncadd.s32 $0xFFFFF000  }
0x47: {  	[spmem:s26] =	stream.linear.scatter [tilespmem:s19], [sflag:$0x1], $0x1000, $0x38;
	[tilespmem:$0x1C480] =	vst v63  }
0x48: {  	_ =	swait.ge [sflag:s11], $0x1000  }
0x49: {  	[sflag:s11] =	ssyncset.done $0x0  }
0x4a: {  	[sflag:s11] =	ssyncadd.s32 $0xFFFFF000  }
0x4b: {  	[spmem:s25] =	stream.linear.scatter [tilespmem:s19], [sflag:$0x1], $0x1000, $0x38;
	[tilespmem:$0x1C480] =	vst v63  }
0x4c: {  	_ =	swait.ge [sflag:s11], $0x1000  }
0x4d: {  	[sflag:s11] =	ssyncset.done $0x0  }
0x4e: {  	[sflag:s11] =	ssyncadd.s32 $0xFFFFF000  }
0x4f: {  	[spmem:s24] =	stream.linear.scatter [tilespmem:s19], [sflag:$0x1], $0x1000, $0x38;
	[tilespmem:$0x1C480] =	vst v63  }
0x50: {  	_ =	swait.ge [sflag:s11], $0x1000  }
0x51: {  	[sflag:s11] =	ssyncset.done $0x0  }
0x52: {  	[sflag:s11] =	ssyncadd.s32 $0xFFFFF000  }
0x53: {  	[spmem:s23] =	stream.linear.scatter [tilespmem:s19], [sflag:$0x1], $0x1000, $0x38;
	[tilespmem:$0x1C480] =	vst v63  }
0x54: {  	_ =	swait.ge [sflag:s11], $0x1000  }
0x55: {  	[sflag:s11] =	ssyncset.done $0x0  }
0x56: {  	[sflag:s11] =	ssyncadd.s32 $0xFFFFF000  }
0x57: {  	[spmem:s22] =	stream.linear.scatter [tilespmem:s19], [sflag:$0x1], $0x1000, $0x38;
	[tilespmem:$0x1C480] =	vst v63  }
0x58: {  	_ =	swait.ge [sflag:s11], $0x1000  }
0x59: {  	[sflag:s11] =	ssyncset.done $0x0  }
0x5a: {  	[sflag:s11] =	ssyncadd.s32 $0xFFFFF000  }
0x5b: {  	[spmem:s21] =	stream.linear.scatter [tilespmem:s19], [sflag:$0x1], $0x1000, $0x38;
	[tilespmem:$0x1C480] =	vst v63  }
0x5c: {  	_ =	swait.ge [sflag:s11], $0x1000  }
0x5d: {  	[sflag:s11] =	ssyncset.done $0x0  }
0x5e: {  	[sflag:s11] =	ssyncadd.s32 $0xFFFFF000  }
0x5f: {  	[spmem:s20] =	stream.linear.scatter [tilespmem:s19], [sflag:$0x1], $0x1000, $0x38;
	[tilespmem:$0x1C480] =	vst v63  }
0x60: {  	_ =	swait.ge [sflag:s11], $0x1000  }
0x61: {  	[sflag:s11] =	ssyncset.done $0x0  }
0x62: {  	[sflag:s11] =	ssyncadd.s32 $0xFFFFF000  }
0x63: {  	[spmem:s18] =	stream.linear.scatter [tilespmem:s19], [sflag:$0x1], $0x1000, $0x38;
	[tilespmem:$0x1C480] =	vst v63  }
0x64: {  	_ =	swait.ge [sflag:s11], $0x1000  }
0x65: {  	[sflag:s11] =	ssyncset.done $0x0  }
0x66: {  	[sflag:s11] =	ssyncadd.s32 $0xFFFFF000  }
0x67: {  	[spmem:s17] =	stream.linear.scatter [tilespmem:s19], [sflag:$0x1], $0x1000, $0x38;
	[tilespmem:$0x1C480] =	vst v63  }
0x68: {  	_ =	swait.ge [sflag:s11], $0x1000  }
0x69: {  	[sflag:s11] =	ssyncset.done $0x0  }
0x6a: {  	[sflag:s11] =	ssyncadd.s32 $0xFFFFF000  }
0x6b: {  	[spmem:s16] =	stream.linear.scatter [tilespmem:s19], [sflag:$0x1], $0x1000, $0x38;
	[tilespmem:$0x1C480] =	vst v63  }
0x6c: {  	_ =	swait.ge [sflag:s11], $0x1000  }
0x6d: {  	[sflag:s11] =	ssyncset.done $0x0  }
0x6e: {  	[sflag:s11] =	ssyncadd.s32 $0xFFFFF000  }
0x6f: {  	[spmem:s15] =	stream.linear.scatter [tilespmem:s19], [sflag:$0x1], $0x1000, $0x38;
	[tilespmem:$0x1C480] =	vst v63  }
0x70: {  	_ =	swait.ge [sflag:s11], $0x1000  }
0x71: {  	[sflag:s11] =	ssyncset.done $0x0  }
0x72: {  	[sflag:s11] =	ssyncadd.s32 $0xFFFFF000  }
0x73: {  	[spmem:s14] =	stream.linear.scatter [tilespmem:s19], [sflag:$0x1], $0x1000, $0x38;
	[tilespmem:$0x1C480] =	vst v63  }
0x74: {  	_ =	swait.ge [sflag:s11], $0x1000  }
0x75: {  	[sflag:s11] =	ssyncset.done $0x0  }
0x76: {  	[sflag:s11] =	ssyncadd.s32 $0xFFFFF000  }
0x77: {  	[spmem:s13] =	stream.linear.scatter [tilespmem:s19], [sflag:$0x1], $0x1000, $0x38;
	[tilespmem:$0x1C480] =	vst v63  }
0x78: {  	_ =	swait.ge [sflag:s11], $0x1000  }
0x79: {  	[sflag:s11] =	ssyncset.done $0x0  }
0x7a: {  	[sflag:s11] =	ssyncadd.s32 $0xFFFFF000  }
0x7b: {  	[spmem:s12] =	stream.linear.scatter [tilespmem:s19], [sflag:$0x1], $0x1000, $0x38;
	[tilespmem:$0x1C480] =	vst v63  }
0x7c: {  	_ =	swait.ge [sflag:s11], $0x1000  }
0x7d: {  	[sflag:s11] =	ssyncset.done $0x0  }
0x7e: {  	s15 =	rddreg [dreg:$0x5];
	[sflag:s11] =	ssyncadd.s32 $0xFFFFF000  }
0x7f: {  	[spmem:s15] =	stream.linear.scatter [tilespmem:s19], [sflag:$0x1], $0x800, $0x38;
	[tilespmem:$0x1C480] =	vst v63  }
0x80: {  	_ =	swait.ge [sflag:s11], $0x800  }
0x81: {  	[sflag:s11] =	ssyncset.done $0x0  }
0x82: {  	s14 =	stileid.u32;
	[sflag:s11] =	ssyncadd.s32 $0xFFFFF800  }
0x83: {  	s30 =	smul.u32 $0x190, s14;
	[bflag:$0x0] =	sbarrier.arrive $0xFFFF  }
0x84: {  	s31 =	rddreg [dreg:$0x7]  }
0x85: {  	s0 =	sadd.s32 s30, s31  }
0x86: {  	s4 =	simm.s32 $0x19800;
	s2 =	simm.s32 $0x0;
	s1 =	sadd.s32 $0x0, s0  }
0x87: {  	[tilespmem:s4], [sflag:$0x1] =	stream.linear.gather [hbm4b:s1+s2], $0x80, $0x38;
	[tilespmem:$0x1C480] =	vst v63  }
0x88: {  	_ =	swait.ge [sflag:s11], $0x80  }
0x89: {  	s8 =	simm.s32 $0x10;
	[sflag:s11] =	ssyncset.done $0x0  }
.LBB2_4:
0x8a: {  	s1 =	sadd.s32 s8, s0  }
0x8b: {  	[sflag:s11] =	ssyncadd.s32 $0xFFFFFF80;
	s4 =	sadd.s32 $0x80, s4;
	p0 =	sne.s32 s8, $0x180  }
0x8c: {  	[tilespmem:s4], [sflag:$0x1] =	stream.linear.gather [hbm4b:s1+s2], $0x80, $0x38;
	[tilespmem:$0x1C480] =	vst v63  }
.Ltmp2:
0x8d: {  	_ = 	snop;
	(pc) =	sbr.rel @p0 .LBB2_4-.Ltmp2, $4  }
0x8e: {  	_ = 	snop  }
0x8f: {  	s8 =	sadd.s32 $0x10, s8  }
0x90: {  	_ =	swait.ge [sflag:s11], $0x80  }
0x91: {  	[sflag:s11] =	ssyncset.done $0x0  }
0x92: {  	s0 =	smul.u32 $0x3200, s14  }
0x93: {  	s1 =	rddreg [dreg:$0x6]  }
0x94: {  	[sflag:s11] =	ssyncadd.s32 $0xFFFFFF80;
	s4 =	simm.s32 $0x0;
	s8 =	sadd.s32 s0, s1  }
0x95: {  	s2 =	simm.s32 $0x18800;
	s0 =	simm.s32 $0x1;
	s1 =	sadd.s32 $0x0, s8  }
0x96: {  	[tilespmem:s2], [sflag:$0x1] =	stream.linear.gather [hbm4b:s1+s4], $0x1000, $0x38;
	[tilespmem:$0x1C480] =	vst v63  }
0x97: {  	_ =	swait.ge [sflag:s0], $0x1000  }
0x98: {  	[sflag:s0] =	ssyncset.done $0x0  }
0x99: {  	s9 =	simm.s32 $0x80;
	s31 =	simm.s32 $0x19800;
	[sflag:s0] =	ssyncadd.s32 $0xFFFFF000  }
0x9a: {  	[spmem:s3] =	stream.indirect.scatter.add.f32 [tilespmem:s2], [sflag:$0x1], $0x20, s31, s9, $0xb8;
	[tilespmem:$0x1C480] =	vst v63  }
0x9b: {  	_ =	swait.ge [sflag:s0], $0x1000  }
0x9c: {  	s10 =	simm.s32 $0x200;
	s11 =	simm.s32 $0x400;
	[sflag:s0] =	ssyncset.done $0x0  }
.LBB2_6:
0x9d: {  	s1 =	sadd.s32 s10, s8  }
0x9e: {  	[sflag:s0] =	ssyncadd.s32 $0xFFFFF000;
	s12 =	smov.u32 s11;
	s13 =	sadd.s32 $0x200, s11  }
0x9f: {  	[tilespmem:s2], [sflag:$0x1] =	stream.linear.gather [hbm4b:s1+s4], $0x1000, $0x38;
	[tilespmem:$0x1C480] =	vst v63  }
0xa0: {  	p0 =	sne.s32 s11, $0x3000;
	_ =	swait.ge [sflag:s0], $0x1000  }
.Ltmp3:
0xa1: {  	s1 =	sshra.s32 s10, $0x2;
	[sflag:s0] =	ssyncset.done $0x0;
	(pc) =	sbr.rel @p0 .LBB2_6-.Ltmp3, $4  }
0xa2: {  	s10 =	smov.u32 s12;
	s1 =	sadd.s32 $0x19800, s1;
	[sflag:s0] =	ssyncadd.s32 $0xFFFFF000  }
0xa3: {  	[spmem:s3] =	stream.indirect.scatter.add.f32 [tilespmem:s2], [sflag:$0x1], $0x20, s1, s9, $0xb8;
	[tilespmem:$0x1C480] =	vst v63  }
0xa4: {  	_ =	swait.ge [sflag:s0], $0x1000  }
0xa5: {  	s11 =	smov.u32 s13;
	[sflag:s0] =	ssyncset.done $0x0  }
0xa6: {  	s1 =	sadd.s32 s10, s8;
	[sflag:s0] =	ssyncadd.s32 $0xFFFFF000  }
0xa7: {  	[tilespmem:s2], [sflag:$0x1] =	stream.linear.gather [hbm4b:s1+s4], $0x1000, $0x38;
	[tilespmem:$0x1C480] =	vst v63  }
0xa8: {  	_ =	swait.ge [sflag:s0], $0x1000  }
0xa9: {  	s31 =	sshra.s32 s10, $0x2;
	[sflag:s0] =	ssyncset.done $0x0  }
0xaa: {  	s1 =	sadd.s32 $0x19800, s31;
	[sflag:s0] =	ssyncadd.s32 $0xFFFFF000  }
0xab: {  	[spmem:s3] =	stream.indirect.scatter.add.f32 [tilespmem:s2], [sflag:$0x1], $0x20, s1, s9, $0xb8;
	[tilespmem:$0x1C480] =	vst v63  }
0xac: {  	_ =	swait.ge [sflag:s0], $0x1000  }
0xad: {  	s10 =	simm.s32 $0x1;
	[sflag:s0] =	ssyncset.done $0x0  }
0xae: {  	s11 =	simm.s32 $0x0;
	s9 =	simm.s32 $0x1A480;
	[sflag:s0] =	ssyncadd.s32 $0xFFFFF000  }
0xaf: {  	s2 =	simm.s32 $0x1B480;
	s0 =	simm.s32 $0x0;
	[bflag:$0x0] =	sbarrier.arrive $0xFFFF  }
.LBB2_8:
0xb0: {  	s1 =	sshll.u32 s11, $0xC  }
0xb1: {  	s1 =	sadd.s32 s5, s1  }
0xb2: {  	s4 =	sadd.s32 s1, s3  }
0xb3: {  	[tilespmem:s9], [sflag:$0x1] =	stream.linear.gather [spmem:s4], $0x1000, $0x38;
	[tilespmem:$0x1C480] =	vst v63  }
0xb4: {  	_ =	swait.ge [sflag:s10], $0x1000  }
0xb5: {  	s4 =	sshrl.u32 s1, $0x3;
	[sflag:s10] =	ssyncset.done $0x0  }
0xb6: {  	s1 =	sadd.s32 s6, s4;
	[sflag:s10] =	ssyncadd.s32 $0xFFFFF000  }
0xb7: {  	[tilespmem:s2], [sflag:$0x1] =	stream.linear.gather [hbm4b:s1+s0], $0x1000, $0x38;
	[tilespmem:$0x1C480] =	vst v63  }
0xb8: {  	_ =	swait.ge [sflag:s10], $0x1000  }
0xb9: {  	[sflag:s10] =	ssyncset.done $0x0  }
0xba: {  	s8 =	simm.s32 $0x0;
	[sflag:s10] =	ssyncadd.s32 $0xFFFFF000  }
0xbb: {  	v0 =	vld [tilespmem:s8+$0x1B480]  }
0xbc: {  	v1 =	vld [tilespmem:s8+$0x1B490]  }
0xbd: {  	s12 =	simm.s32 $0x80;
	v2 =	vld [tilespmem:s8+$0x1A480]  }
.LBB2_9:
0xbe: {  	p0 =	sne.s32 s12, $0x3F80;
	v3 =	vld [tilespmem:s8+$0x1A490];
	_ =	sdelay $0x2  }
.Ltmp4:
0xbf: {  	(pc) =	sbr.rel @p0 .LBB2_9-.Ltmp4, $4  }
0xc0: {  	s1 =	sshra.s32 s12, $0x2;
	v2 =	vmul.f32 v0, v2  }
0xc1: {  	v0 =	vld [tilespmem:s1+$0x1B480];
	v3 =	vmul.f32 v1, v3  }
0xc2: {  	v1 =	vld [tilespmem:s1+$0x1B490];
	[tilespmem:s8+$0x1A480] =	vst v2  }
0xc3: {  	s12 =	sadd.s32 $0x80, s12;
	v2 =	vld [tilespmem:s1+$0x1A480];
	[tilespmem:s8+$0x1A490] =	vst v3;
	s8 =	smov.u32 s1  }
0xc4: {  	v3 =	vld [tilespmem:s8+$0x1A490];
	_ =	sdelay $0x3  }
0xc5: {  	v0 =	vmul.f32 v0, v2  }
0xc6: {  	s11 =	sadd.s32 $0x1, s11;
	v1 =	vmul.f32 v1, v3  }
0xc7: {  	p0 =	sne.s32 s11, $0x18;
	[tilespmem:s8+$0x1A480] =	vst v0  }
.Ltmp5:
0xc8: {  	s1 =	sadd.s32 s7, s4;
	[tilespmem:s8+$0x1A490] =	vst v1;
	(pc) =	sbr.rel @p0 .LBB2_8-.Ltmp5, $4  }
0xc9: {  	[hbm4b:s1+s0] =	stream.linear.scatter [tilespmem:s9], [sflag:$0x1], $0x1000, $0x38;
	[tilespmem:$0x1C480] =	vst v63  }
0xca: {  	_ =	swait.ge [sflag:s10], $0x1000  }
0xcb: {  	[sflag:s10] =	ssyncset.done $0x0  }
0xcc: {  	[sflag:s10] =	ssyncadd.s32 $0xFFFFF000  }
0xcd: {  	s0 =	simm.s32 $0x1A480;
	s31 =	simm.s32 $0x1  }
0xce: {  	[tilespmem:s0], [sflag:$0x1] =	stream.linear.gather [spmem:s15], $0x800, $0x38;
	[tilespmem:$0x1C480] =	vst v63  }
0xcf: {  	_ =	swait.ge [sflag:s31], $0x800  }
0xd0: {  	s1 =	simm.s32 $0x0;
	[sflag:s31] =	ssyncset.done $0x0  }
0xd1: {  	s2 =	simm.s32 $0x1B480;
	s3 =	rddreg [dreg:$0x4];
	[sflag:s31] =	ssyncadd.s32 $0xFFFFF800  }
0xd2: {  	[tilespmem:s2], [sflag:$0x1] =	stream.linear.gather [hbm4b:s3+s1], $0x800, $0x38;
	[tilespmem:$0x1C480] =	vst v63  }
0xd3: {  	_ =	swait.ge [sflag:s31], $0x800  }
0xd4: {  	[sflag:s31] =	ssyncset.done $0x0  }
0xd5: {  	s0 =	simm.s32 $0x0;
	[sflag:s31] =	ssyncadd.s32 $0xFFFFF800  }
0xd6: {  	v0 =	vld [tilespmem:s0+$0x1B480]  }
0xd7: {  	v1 =	vld [tilespmem:s0+$0x1B490]  }
0xd8: {  	s2 =	simm.s32 $0x80;
	v2 =	vld [tilespmem:s0+$0x1A480]  }
.LBB2_12:
0xd9: {  	p0 =	sne.s32 s2, $0x1F80;
	v3 =	vld [tilespmem:s0+$0x1A490];
	_ =	sdelay $0x2  }
.Ltmp6:
0xda: {  	(pc) =	sbr.rel @p0 .LBB2_12-.Ltmp6, $4  }
0xdb: {  	s1 =	sshra.s32 s2, $0x2;
	v2 =	vmul.f32 v0, v2  }
0xdc: {  	v0 =	vld [tilespmem:s1+$0x1B480];
	v3 =	vmul.f32 v1, v3  }
0xdd: {  	v1 =	vld [tilespmem:s1+$0x1B490];
	[tilespmem:s0+$0x1A480] =	vst v2  }
0xde: {  	s2 =	sadd.s32 $0x80, s2;
	v2 =	vld [tilespmem:s1+$0x1A480];
	[tilespmem:s0+$0x1A490] =	vst v3;
	s0 =	smov.u32 s1  }
0xdf: {  	v3 =	vld [tilespmem:s0+$0x1A490];
	_ =	sdelay $0x3  }
0xe0: {  	v0 =	vmul.f32 v0, v2  }
0xe1: {  	v1 =	vmul.f32 v1, v3  }
0xe2: {  	s30 =	simm.s32 $0x0;
	[tilespmem:s0+$0x1A480] =	vst v0  }
0xe3: {  	s1 =	simm.s32 $0x1A480;
	s2 =	rddreg [dreg:$0x3];
	s31 =	simm.s32 $0x1;
	[tilespmem:s0+$0x1A490] =	vst v1  }
0xe4: {  	[hbm4b:s2+s30] =	stream.linear.scatter [tilespmem:s1], [sflag:$0x1], $0x800, $0x38;
	[tilespmem:$0x1C480] =	vst v63  }
0xe5: {  	_ =	swait.ge [sflag:s31], $0x800  }
0xe6: {  	[sflag:s31] =	ssyncset.done $0x0  }
0xe7: {  	[sflag:s31] =	ssyncadd.s32 $0xFFFFF800  }
0xe8: {  	s4 =	rddreg [dreg:$0x2]  }
.LBB2_14:
0xe9: {  	_ =	sfence.sel $0x180000  }
0xea: {  	[bflag:$0x0] =	sbarrier.arrive $0xFFFF  }
0xeb: {  	p0 =	sne.s32 s14, $0x0;
	_ =	strace $0x90000059  }
0xec: {  	s0 =	sadd.s32 @!p0 $0x100000, s4;
	[bflag:$0x2] =	sbarrier.arrive $0xFFFF  }
0xed: {  	[sflag:s0] =	ssyncadd.tile.s32 @!p0 $0x1;
	_ =	shalt  }
.Lfunc_end2:
_tile_overlayer_lowered:
.L_overlay_start_2:
0xee: {  	(tag) =	ssettag $0x2  }
0xef: {  	s0 =	rddreg [dreg:$0x0];
	s2 =	stileid.u32  }
0xf0: {  	s1 =	rddreg [dreg:$0x1];
	p0 =	sne.s32 s2, $0x0  }
0xf1: {  	s3 =	rddreg [dreg:$0x2];
	[bflag:$0x3] =	sbarrier.arrive $0xFFFF;
	s2 =	simm.s32 @!p0 $0x1C01  }
0xf2: {  	[timem:s3], [sflag:s2] =	dma.local @!p0 [hbm:s0], s1  }
0xf3: {  	s0 =	simm.s32 @!p0 $0x1  }
0xf4: {  	_ =	swait.ge @!p0 [sflag:s0], s1  }
0xf5: {  	s1 =	ssub.s32 @!p0 $0x0, s1;
	[sflag:s0] =	ssyncset.done @!p0 $0x0  }
0xf6: {  	[sflag:s0] =	ssyncadd.s32 @!p0 s1  }
0xf7: {  	[bflag:$0x3] =	sbarrier.arrive $0xFFFF  }
0xf8: {  	_ =	shalt  }

// kernel: kernel.37.cloned.1.call-start
scs
__scs_entry_jumppad:
0x0: {  	(pc) =	sbr.rel $0x88, $3  }
0x1: {  	(tag) =	ssettag $0x0;
	lr =	simm.s32 $0x1  }
0x2: {  	[smem:$0x3F90] =	sst lr;
	_ =	strace $0xD0000000  }
0x3: {  	_ = 	snop  }
0x4: {  	_ = 	snop  }
0x5: {  	_ = 	snop  }
0x6: {  	_ = 	snop  }
0x7: {  	_ = 	snop  }
__scs_overlays_trampoline_lowered:
0x8: {  	[smem:$0x3F9F] =	sst s0  }
0x9: {  	[smem:$0x3FA0] =	sst s1  }
0xa: {  	[smem:$0x3FA1] =	sst s2  }
0xb: {  	[smem:$0x3FA2] =	sst s3  }
0xc: {  	[smem:$0x3FA3] =	sst s4  }
0xd: {  	[smem:$0x3FA4] =	sst s5  }
0xe: {  	[smem:$0x3FA5] =	sst s6  }
0xf: {  	[smem:$0x3FA6] =	sst s7  }
0x10: {  	[smem:$0x3FA7] =	sst s8  }
0x11: {  	[smem:$0x3FA8] =	sst s9;
	s0 =	simm.s32 @!p0 $0x0  }
0x12: {  	s1 =	sld [smem:$0x3F8E];
	s0 =	simm.s32 @p0 $0x1  }
0x13: {  	[smem:$0x3FA9] =	sst s0;
	s0 =	simm.s32 @!p1 $0x0  }
0x14: {  	s2 =	sld [smem:$0x3F8D];
	s0 =	simm.s32 @p1 $0x1  }
0x15: {  	[smem:$0x3FAA] =	sst s0;
	s0 =	simm.s32 @!p2 $0x0  }
0x16: {  	s3 =	sld [smem:$0x3FDB];
	s0 =	simm.s32 @p2 $0x1  }
0x17: {  	s4 =	simm.s32 $0x1BF5;
	[smem:$0x3FAC] =	sst s0  }
0x18: {  	s0 =	sld [smem:$0x3F8F];
	_ =	swait.ge [sflag:s4], $0x0  }
0x19: {  	s7 =	sld [smem:$0x3F90]  }
0x1a: {  	s8 =	sadd.s32 $0xFFFFE003, lr  }
0x1b: {  	s9 =	sadd.s32 $0xFFFFFEF7, lr;
	s5 =	simm.s32 $0xFFFFFFFF;
	p2 =	slt.u32 s8, $0xFFFFF086  }
0x1c: {  	p1 =	slt.u32 s9, $0xF7A;
	s5 =	simm.s32 @!p2 $0x0  }
0x1d: {  	s5 =	simm.s32 @p1 $0x1;
	p0 =	seq.s32 s7, s2  }
0x1e: {  	s7 =	smul.u32 @!p0 $0xF7A, s2;
	p2 =	seq.s32 @!p0 s5, $0x0  }
0x1f: {  	s9 =	smul.u32 $0xF7A, s1;
	s8 =	simm.s32 @!p0 $0x1BF5;
	p2 =	por !p2, p0  }
0x20: {  	[sflag:s8] =	ssyncset.s32 @!p0 $0xFFFFF086;
	s6 =	sadd.s32 @!p0 s3, s7;
	s7 =	simm.s32 @!p0 $0x108  }
0x21: {  	s3 =	sadd.s32 s3, s9;
	s6 =	sadd.s32 @!p0 $0x88, s6;
	s7 =	simm.s32 @p2 $0x1082  }
0x22: {  	[simem:s7], [sflag:s8] =	dma.local @!p0 [hbm:s6], $0xF7A  }
0x23: {  	s9 =	sor.u32 $0xD0000000, s2;
	s6 =	simm.s32 $0x108;
	_ =	swait.ge @!p0 [sflag:s8], $0x0  }
0x24: {  	s3 =	sadd.s32 $0x88, s3;
	s6 =	simm.s32 @!p1 $0x1082;
	[sflag:s4] =	ssyncset.s32 $0xFFFFF086  }
0x25: {  	[simem:s6], [sflag:s4] =	dma.local [hbm:s3], $0xF7A  }
0x26: {  	[smem:$0x3F90] =	sst s1;
	(tag) =	ssettag s2;
	_ =	strace s9  }
0x27: {  	s1 =	sld [smem:$0x3FA0]  }
0x28: {  	s2 =	sld [smem:$0x3FA1]  }
0x29: {  	s4 =	sld [smem:$0x3FA3]  }
0x2a: {  	p0 =	seq.s32 s5, $0x0;
	s5 =	sld [smem:$0x3FA4]  }
0x2b: {  	s6 =	sld [smem:$0x3FA5]  }
0x2c: {  	s7 =	sld [smem:$0x3FA6]  }
0x2d: {  	s3 =	simm.s32 $0x108;
	s8 =	sld [smem:$0x3FA7]  }
0x2e: {  	s3 =	simm.s32 @!p0 $0x1082;
	s9 =	sld [smem:$0x3FA8]  }
0x2f: {  	lr =	sadd.s32 s0, s3;
	s0 =	sld [smem:$0x3F9F]  }
0x30: {  	s3 =	sld [smem:$0x3FA2]  }
0x31: {  	[smem:$0x3FAB] =	sst s10  }
0x32: {  	s10 =	sld [smem:$0x3FA9];
	_ =	sdelay $0x3  }
0x33: {  	p0 =	seq.s32 s10, $0x1;
	s10 =	sld [smem:$0x3FAB];
	_ =	sdelay $0x3  }
0x34: {  	[smem:$0x3FAB] =	sst s10  }
0x35: {  	s10 =	sld [smem:$0x3FAA];
	_ =	sdelay $0x3  }
0x36: {  	p1 =	seq.s32 s10, $0x1;
	s10 =	sld [smem:$0x3FAB];
	_ =	sdelay $0x3  }
0x37: {  	[smem:$0x3FAB] =	sst s10  }
0x38: {  	s10 =	sld [smem:$0x3FAC]  }
0x39: {  	_ = 	snop;
	(pc) =	sbr.ind lr, $3  }
0x3a: {  	_ = 	snop  }
0x3b: {  	_ = 	snop  }
0x3c: {  	p2 =	seq.s32 s10, $0x1;
	s10 =	sld [smem:$0x3FAB]  }
0x3d: {  	_ =	shalt  }
0x3e: {  	_ =	shalt  }
0x3f: {  	_ =	shalt  }
0x40: {  	_ =	shalt  }
0x41: {  	_ =	shalt  }
0x42: {  	_ =	shalt  }
0x43: {  	_ =	shalt  }
0x44: {  	_ =	shalt  }
0x45: {  	_ =	shalt  }
0x46: {  	_ =	shalt  }
0x47: {  	_ =	shalt  }
0x48: {  	_ =	shalt  }
0x49: {  	_ =	shalt  }
0x4a: {  	_ =	shalt  }
0x4b: {  	_ =	shalt  }
0x4c: {  	_ =	shalt  }
0x4d: {  	_ =	shalt  }
0x4e: {  	_ =	shalt  }
0x4f: {  	_ =	shalt  }
0x50: {  	_ =	shalt  }
0x51: {  	_ =	shalt  }
0x52: {  	_ =	shalt  }
0x53: {  	_ =	shalt  }
0x54: {  	_ =	shalt  }
0x55: {  	_ =	shalt  }
0x56: {  	_ =	shalt  }
0x57: {  	_ =	shalt  }
0x58: {  	_ =	shalt  }
0x59: {  	_ =	shalt  }
0x5a: {  	_ =	shalt  }
0x5b: {  	_ =	shalt  }
0x5c: {  	_ =	shalt  }
0x5d: {  	_ =	shalt  }
0x5e: {  	_ =	shalt  }
0x5f: {  	_ =	shalt  }
0x60: {  	_ =	shalt  }
0x61: {  	_ =	shalt  }
0x62: {  	_ =	shalt  }
0x63: {  	_ =	shalt  }
0x64: {  	_ =	shalt  }
0x65: {  	_ =	shalt  }
0x66: {  	_ =	shalt  }
0x67: {  	_ =	shalt  }
0x68: {  	_ =	shalt  }
0x69: {  	_ =	shalt  }
0x6a: {  	_ =	shalt  }
0x6b: {  	_ =	shalt  }
0x6c: {  	_ =	shalt  }
0x6d: {  	_ =	shalt  }
0x6e: {  	_ =	shalt  }
0x6f: {  	_ =	shalt  }
0x70: {  	_ =	shalt  }
0x71: {  	_ =	shalt  }
0x72: {  	_ =	shalt  }
0x73: {  	_ =	shalt  }
0x74: {  	_ =	shalt  }
0x75: {  	_ =	shalt  }
0x76: {  	_ =	shalt  }
0x77: {  	_ =	shalt  }
0x78: {  	_ =	shalt  }
0x79: {  	_ =	shalt  }
0x7a: {  	_ =	shalt  }
0x7b: {  	_ =	shalt  }
0x7c: {  	_ =	shalt  }
0x7d: {  	_ =	shalt  }
0x7e: {  	_ =	shalt  }
0x7f: {  	_ =	shalt  }
0x80: {  	_ =	shalt  }
0x81: {  	_ =	shalt  }
0x82: {  	_ =	shalt  }
0x83: {  	_ =	shalt  }
0x84: {  	_ =	shalt  }
0x85: {  	_ =	shalt  }
0x86: {  	_ =	shalt  }
0x87: {  	_ =	shalt  }
.Lfunc_end0:
.L_simem_size_0:
called_computation.7_lowered:
.L_overlay_start_0:
0x88: {  	s2 =	sld [smem:$0x3FD9]  }
0x89: {  	s3 =	sld [smem:$0x3FFE];
	_ =	sdelay $0x1  }
0x8a: {  	s1 =	srdreg.scid  }
0x8b: {  	s0 =	sand.u32 $0x1, s1  }
0x8c: {  	s17 =	sshll.u32 s0, $0xA;
	s2 =	sadd.s32 s3, s2  }
0x8d: {  	s2 =	sadd.s32 s2, s17  }
0x8e: {  	[smem:$0x3FB7] =	sst s2  }
0x8f: {  	_ = 	snop  }
0x90: {  	s2 =	sld [smem:$0x3FC7];
	(tm) =	ssettm $0x1  }
0x91: {  	s18 =	sld [smem:$0x3FFB];
	_ =	sdelay $0x3  }
0x92: {  	_ =	strace s18  }
0x93: {  	s3 =	sld [smem:$0x3FFC];
	_ =	sdelay $0x3  }
0x94: {  	_ =	strace s3  }
0x95: {  	s3 =	sld [smem:$0x3FFD];
	_ =	sdelay $0x3  }
0x96: {  	_ =	strace s3  }
0x97: {  	_ =	strace $0x8FFFFFFF  }
0x98: {  	s19 =	sld [smem:$0x3FDB];
	_ =	sdelay $0x1  }
0x99: {  	s4 =	simm.s32 $_scs_section_size  }
0x9a: {  	s5 =	simm.s32 $_size__tile_overlayer_lowered;
	s6 =	simm.s32 $_tile_overlayer_lowered  }
0x9b: {  	s22 =	simm.s32 $0x1BFF;
	s21 =	sshll.u32 s6, $0x1;
	s3 =	sadd.s32 s4, s19  }
0x9c: {  	s7 =	simm.s32 $0x0;
	s20 =	sshll.u32 s5, $0x1;
	s5 =	sadd.s32 s21, s3  }
0x9d: {  	[timem:s7], [sflag:s22] =	dma.local [hbm:s5], s20  }
0x9e: {  	_ =	swait.ge [sflag:s22], s20  }
0x9f: {  	s4 =	ssub.s32 $0x0, s20;
	[sflag:s22] =	ssyncset.done $0x0  }
0xa0: {  	[sflag:s22] =	ssyncadd.s32 s4;
	_ =	sdelay $0x1  }
0xa1: {  	s23 =	simm.s32 $0x1B8B  }
0xa2: {  	_ =	swait.ge [sflag:s23], $0x1  }
0xa3: {  	[sflag:s23] =	ssyncset.done $0x0  }
0xa4: {  	s25 =	simm.s32 $0x1B8E;
	s24 =	sld [smem:$0x3FFE];
	[sflag:s23] =	ssyncadd.s32 $0xFFFFFFFF  }
0xa5: {  	s26 =	simm.s32 $execute0_lowered;
	[smem:$0x3FD2] =	sst s25  }
0xa6: {  	s5 =	sshll.u32 s26, $0x1;
	_ =	strace $0x8000005B;
	[dreg:$0x1] =	wrdreg $0xFFFFFFFF  }
0xa7: {  	s28 =	simm.s32 $_size_execute0_lowered;
	s3 =	sadd.s32 s3, s5;
	[dreg:$0x0] =	wrdreg $0x0  }
0xa8: {  	s5 =	sshll.u32 s28, $0x1;
	[dreg:$0x2] =	wrdreg s3  }
0xa9: {  	[dreg:$0x3] =	wrdreg s5  }
0xaa: {  	[dreg:$0x4] =	wrdreg $0xC0  }
0xab: {  	_ =	task [dreg:s7], $0x5FFFF  }
0xac: {  	[dreg:$0x1] =	wrdreg $0xFFFFFFFF  }
0xad: {  	[dreg:$0x0] =	wrdreg $0x60  }
0xae: {  	[dreg:$0x2] =	wrdreg s24  }
0xaf: {  	[dreg:$0x3] =	wrdreg s2  }
0xb0: {  	[dreg:$0x4] =	wrdreg $0x9  }
0xb1: {  	_ =	task.clear_ibuf [dreg:s7], $0x5FFFF;
	_ =	strace $0x9000005B  }
0xb2: {  	s29 =	simm.s32 $0x9;
	_ =	strace $0x8000005D  }
0xb3: {  	_ =	swait.ge [sflag:s29], $0x1  }
0xb4: {  	[sflag:s29] =	ssyncadd.s32 $0xFFFFFFFF  }
0xb5: {  	_ =	strace $0x9000005D  }
0xb6: {  	_ =	sfence  }
0xb7: {  	s30 =	sld [smem:$0x0];
	_ =	sdelay $0x2  }
0xb8: {  	s31 =	sshll.u32 s1, $0xD;
	s1 =	sshrl.u32 s1, $0x2  }
0xb9: {  	s3 =	sand.u32 $0x4000, s31;
	s1 =	sadd.s32 s1, s30  }
0xba: {  	s0 =	sor.u32 s3, s0;
	s1 =	sshll.u32 s1, $0x11  }
0xbb: {  	s0 =	sor.u32 s1, s0  }
0xbc: {  	s0 =	sadd.s32 $0x8F2B, s0  }
0xbd: {  	[sflag:s0] =	ssyncadd.remote.s32 $0x1  }
0xbe: {  	_ =	sfence.sel $0xFFFF  }
0xbf: {  	[dreg:$0x0] =	wrdreg $0xFFFFFFFF;
	(pc) =	sbr.abs _section_cstart, $3  }
0xc0: {  	[dreg:$0x1] =	wrdreg $0xFFFFFFFF  }
0xc1: {  	_ =	task.clear_ibuf [dreg:s7], $0x2FFFF;
	_ =	strace $0x9FFFFFFF  }
0xc2: {  	(tm) =	ssettm $0x7FFFFFFF  }
0xc3: {  	_ =	shalt  }
tec
execute0_lowered:
.L_overlay_start_1:
0x0: {  	(tag) =	ssettag $0x1  }
0x1: {  	s4 =	rddreg [dreg:$0x0]  }
0x2: {  	s8 =	rddreg [dreg:$0x1]  }
0x3: {  	s0 =	rddreg [dreg:$0x2]  }
0x4: {  	s3 =	srdreg.scid;
	s1 =	stileid.u32;
	s2 =	simm.s32 $0x0  }
0x5: {  	s14 =	simm.s32 $0x85A8;
	s15 =	simm.s32 $0x0;
	s10 =	smul.u32 $0xC350, s1  }
0x6: {  	s6 =	sand.u32 $0x1, s3;
	s28 =	sshll.u32 s1, $0x1;
	s12 =	smul.u32 $0x30D40, s1  }
0x7: {  	[smem:$0x7FF] =	sst s2;
	s7 =	sadd.s32 $0xD600, s4;
	s11 =	smul.u32 $0x61A8, s6  }
0x8: {  	s3 =	sor.u32 s6, s28;
	s29 =	ssub.s32 $0x2, s6;
	s13 =	smul.u32 $0x186A0, s6  }
0x9: {  	_ =	strace $0x8000005C;
	s5 =	smul.u32 $0x61A8, s3;
	s9 =	sshrl.u32 s29, $0x1  }
0xa: {  	s3 =	sadd.s32 $0x34D800, s4;
	s9 =	ssub.s32 s29, s9;
	s10 =	sadd.s32 s11, s10  }
0xb: {  	s11 =	simm.s32 $0x1;
	s5 =	sadd.s32 $0x6000, s5;
	s6 =	smax.u32 s9, $0x1  }
0xc: {  	s31 =	sshrl.u32 s10, $0x3;
	s9 =	simm.s32 $0x2;
	s30 =	sshrl.u32 s5, $0x3  }
0xd: {  	s10 =	simm.s32 $0x400;
	s5 =	sshll.u32 s5, $0x2;
	s4 =	sadd.s32 s8, s30  }
0xe: {  	s5 =	sadd.s32 s7, s5;
	s7 =	sadd.s32 s12, s7;
	s8 =	sadd.s32 s31, s8  }
0xf: {  	s12 =	simm.s32 $0x8400;
	s7 =	sadd.s32 s13, s7;
	s13 =	simm.s32 $0x1A8  }
.LBB2_1:
0x10: {  	s16 =	sadd.s32 $0x0, s8  }
0x11: {  	[tilespmem:s2], [sflag:$0x2] =	stream.linear.gather [hbm4b:s16+s2], $0x400, $0x38;
	[tilespmem:$0xBAA8] =	vst v63  }
0x12: {  	_ =	swait.ge [sflag:s9], $0x400  }
0x13: {  	[sflag:s9] =	ssyncset.done $0x0  }
0x14: {  	[sflag:s9] =	ssyncadd.s32 $0xFFFFFC00  }
0x15: {  	[tilespmem:s10], [sflag:$0x1] =	stream.indirect.gather [hbm4b:s3+s10], $0x20, s2, s10, $0xb8;
	[tilespmem:$0xBAA8] =	vst v63  }
0x16: {  	_ =	swait.ge [sflag:s11], $0x8000  }
0x17: {  	[sflag:s11] =	ssyncset.done $0x0  }
0x18: {  	[sflag:s11] =	ssyncadd.s32 $0xFFFF8000  }
0x19: {  	[hbm4b:s7+s2] =	stream.linear.scatter [tilespmem:s10], [sflag:$0x2], $0x8000, $0x38;
	[tilespmem:$0xBAA8] =	vst v63  }
0x1a: {  	s17 =	simm.s32 $0x80;
	_ =	swait.ge [sflag:s9], $0x8000  }
0x1b: {  	s18 =	simm.s32 $0x100;
	s16 =	sadd.s32 $0x1000, s7;
	[sflag:s9] =	ssyncset.done $0x0  }
.LBB2_2:
0x1c: {  	s19 =	sadd.s32 s17, s8  }
0x1d: {  	[sflag:s9] =	ssyncadd.s32 $0xFFFF8000;
	s17 =	smov.u32 s18;
	s20 =	sadd.s32 $0x80, s18  }
0x1e: {  	[tilespmem:s2], [sflag:$0x2] =	stream.linear.gather [hbm4b:s19+s2], $0x400, $0x38;
	[tilespmem:$0xBAA8] =	vst v63  }
0x1f: {  	p0 =	sne.s32 s18, $0xB80;
	_ =	swait.ge [sflag:s9], $0x400  }
0x20: {  	[sflag:s9] =	ssyncset.done $0x0  }
0x21: {  	[sflag:s9] =	ssyncadd.s32 $0xFFFFFC00  }
0x22: {  	[tilespmem:s10], [sflag:$0x1] =	stream.indirect.gather [hbm4b:s3+s10], $0x20, s2, s10, $0xb8;
	[tilespmem:$0xBAA8] =	vst v63  }
0x23: {  	_ =	swait.ge [sflag:s11], $0x8000  }
.Ltmp0:
0x24: {  	[sflag:s11] =	ssyncset.done $0x0;
	(pc) =	sbr.rel @p0 .LBB2_2-.Ltmp0, $4  }
0x25: {  	[sflag:s11] =	ssyncadd.s32 $0xFFFF8000  }
0x26: {  	[hbm4b:s16+s2] =	stream.linear.scatter [tilespmem:s10], [sflag:$0x2], $0x8000, $0x38;
	[tilespmem:$0xBAA8] =	vst v63  }
0x27: {  	_ =	swait.ge [sflag:s9], $0x8000  }
0x28: {  	s18 =	smov.u32 s20;
	s16 =	sadd.s32 $0x1000, s16;
	[sflag:s9] =	ssyncset.done $0x0  }
0x29: {  	s17 =	sadd.s32 s17, s8;
	[sflag:s9] =	ssyncadd.s32 $0xFFFF8000  }
0x2a: {  	[tilespmem:s2], [sflag:$0x2] =	stream.linear.gather [hbm4b:s17+s2], $0x400, $0x38;
	[tilespmem:$0xBAA8] =	vst v63  }
0x2b: {  	_ =	swait.ge [sflag:s9], $0x400  }
0x2c: {  	[sflag:s9] =	ssyncset.done $0x0  }
0x2d: {  	[sflag:s9] =	ssyncadd.s32 $0xFFFFFC00  }
0x2e: {  	[tilespmem:s10], [sflag:$0x1] =	stream.indirect.gather [hbm4b:s3+s10], $0x20, s2, s10, $0xb8;
	[tilespmem:$0xBAA8] =	vst v63  }
0x2f: {  	_ =	swait.ge [sflag:s11], $0x8000  }
0x30: {  	[sflag:s11] =	ssyncset.done $0x0  }
0x31: {  	[sflag:s11] =	ssyncadd.s32 $0xFFFF8000  }
0x32: {  	[hbm4b:s16+s2] =	stream.linear.scatter [tilespmem:s10], [sflag:$0x2], $0x8000, $0x38;
	[tilespmem:$0xBAA8] =	vst v63  }
0x33: {  	_ =	swait.ge [sflag:s9], $0x8000  }
0x34: {  	[sflag:s9] =	ssyncset.done $0x0  }
0x35: {  	[sflag:s9] =	ssyncadd.s32 $0xFFFF8000  }
0x36: {  	[tilespmem:s12], [sflag:$0x2] =	stream.linear.gather [hbm4b:s4+s2], $0x1A8, $0x38;
	[tilespmem:$0xBAA8] =	vst v63  }
0x37: {  	_ =	swait.ge [sflag:s9], $0x1A8  }
0x38: {  	[sflag:s9] =	ssyncset.done $0x0  }
0x39: {  	[sflag:s9] =	ssyncadd.s32 $0xFFFFFE58  }
0x3a: {  	[tilespmem:s14], [sflag:$0x1] =	stream.indirect.gather [hbm4b:s3+s13], $0x20, s12, s13, $0xb8;
	[tilespmem:$0xBAA8] =	vst v63  }
0x3b: {  	s15 =	sadd.s32 $0x1, s15;
	_ =	swait.ge [sflag:s11], $0x3500  }
0x3c: {  	p0 =	sne.s32 s15, s6;
	[sflag:s11] =	ssyncset.done $0x0  }
.Ltmp1:
0x3d: {  	[sflag:s11] =	ssyncadd.s32 $0xFFFFCB00;
	(pc) =	sbr.rel @p0 .LBB2_1-.Ltmp1, $4  }
0x3e: {  	[hbm4b:s5+s2] =	stream.linear.scatter [tilespmem:s14], [sflag:$0x2], $0x3500, $0x38;
	[tilespmem:$0xBAA8] =	vst v63  }
0x3f: {  	_ =	swait.ge [sflag:s9], $0x3500  }
0x40: {  	[sflag:s9] =	ssyncset.done $0x0  }
0x41: {  	[sflag:s9] =	ssyncadd.s32 $0xFFFFCB00  }
0x42: {  	_ =	sfence.sel $0x180000  }
0x43: {  	[bflag:$0x0] =	sbarrier.arrive $0xFFFF  }
0x44: {  	p0 =	sne.s32 s1, $0x0;
	_ =	strace $0x9000005C  }
0x45: {  	s0 =	sadd.s32 @!p0 $0x100000, s0;
	[bflag:$0x2] =	sbarrier.arrive $0xFFFF  }
0x46: {  	[sflag:s0] =	ssyncadd.tile.s32 @!p0 $0x1;
	_ =	shalt  }
.Lfunc_end2:
_tile_overlayer_lowered:
.L_overlay_start_2:
0x47: {  	(tag) =	ssettag $0x2  }
0x48: {  	s0 =	rddreg [dreg:$0x0];
	s2 =	stileid.u32  }
0x49: {  	s1 =	rddreg [dreg:$0x1];
	p0 =	sne.s32 s2, $0x0  }
0x4a: {  	s3 =	rddreg [dreg:$0x2];
	[bflag:$0x3] =	sbarrier.arrive $0xFFFF;
	s2 =	simm.s32 @!p0 $0x1C02  }
0x4b: {  	[timem:s3], [sflag:s2] =	dma.local @!p0 [hbm:s0], s1  }
0x4c: {  	s0 =	simm.s32 @!p0 $0x2  }
0x4d: {  	_ =	swait.ge @!p0 [sflag:s0], s1  }
0x4e: {  	s1 =	ssub.s32 @!p0 $0x0, s1;
	[sflag:s0] =	ssyncset.done @!p0 $0x0  }
0x4f: {  	[sflag:s0] =	ssyncadd.s32 @!p0 s1  }
0x50: {  	[bflag:$0x3] =	sbarrier.arrive $0xFFFF  }
0x51: {  	_ =	shalt  }

// kernel: kernel.40.cloned.1.call-start
scs
__scs_entry_jumppad:
0x0: {  	(pc) =	sbr.rel $0x88, $3  }
0x1: {  	(tag) =	ssettag $0x0;
	lr =	simm.s32 $0x1  }
0x2: {  	[smem:$0x3F90] =	sst lr;
	_ =	strace $0xD0000000  }
0x3: {  	_ = 	snop  }
0x4: {  	_ = 	snop  }
0x5: {  	_ = 	snop  }
0x6: {  	_ = 	snop  }
0x7: {  	_ = 	snop  }
__scs_overlays_trampoline_lowered:
0x8: {  	[smem:$0x3F9F] =	sst s0  }
0x9: {  	[smem:$0x3FA0] =	sst s1  }
0xa: {  	[smem:$0x3FA1] =	sst s2  }
0xb: {  	[smem:$0x3FA2] =	sst s3  }
0xc: {  	[smem:$0x3FA3] =	sst s4  }
0xd: {  	[smem:$0x3FA4] =	sst s5  }
0xe: {  	[smem:$0x3FA5] =	sst s6  }
0xf: {  	[smem:$0x3FA6] =	sst s7  }
0x10: {  	[smem:$0x3FA7] =	sst s8  }
0x11: {  	[smem:$0x3FA8] =	sst s9;
	s0 =	simm.s32 @!p0 $0x0  }
0x12: {  	s1 =	sld [smem:$0x3F8E];
	s0 =	simm.s32 @p0 $0x1  }
0x13: {  	[smem:$0x3FA9] =	sst s0;
	s0 =	simm.s32 @!p1 $0x0  }
0x14: {  	s2 =	sld [smem:$0x3F8D];
	s0 =	simm.s32 @p1 $0x1  }
0x15: {  	[smem:$0x3FAA] =	sst s0;
	s0 =	simm.s32 @!p2 $0x0  }
0x16: {  	s3 =	sld [smem:$0x3FDB];
	s0 =	simm.s32 @p2 $0x1  }
0x17: {  	s4 =	simm.s32 $0x1BF5;
	[smem:$0x3FAC] =	sst s0  }
0x18: {  	s0 =	sld [smem:$0x3F8F];
	_ =	swait.ge [sflag:s4], $0x0  }
0x19: {  	s7 =	sld [smem:$0x3F90]  }
0x1a: {  	s8 =	sadd.s32 $0xFFFFE003, lr  }
0x1b: {  	s9 =	sadd.s32 $0xFFFFFEF7, lr;
	s5 =	simm.s32 $0xFFFFFFFF;
	p2 =	slt.u32 s8, $0xFFFFF086  }
0x1c: {  	p1 =	slt.u32 s9, $0xF7A;
	s5 =	simm.s32 @!p2 $0x0  }
0x1d: {  	s5 =	simm.s32 @p1 $0x1;
	p0 =	seq.s32 s7, s2  }
0x1e: {  	s7 =	smul.u32 @!p0 $0xF7A, s2;
	p2 =	seq.s32 @!p0 s5, $0x0  }
0x1f: {  	s9 =	smul.u32 $0xF7A, s1;
	s8 =	simm.s32 @!p0 $0x1BF5;
	p2 =	por !p2, p0  }
0x20: {  	[sflag:s8] =	ssyncset.s32 @!p0 $0xFFFFF086;
	s6 =	sadd.s32 @!p0 s3, s7;
	s7 =	simm.s32 @!p0 $0x108  }
0x21: {  	s3 =	sadd.s32 s3, s9;
	s6 =	sadd.s32 @!p0 $0x88, s6;
	s7 =	simm.s32 @p2 $0x1082  }
0x22: {  	[simem:s7], [sflag:s8] =	dma.local @!p0 [hbm:s6], $0xF7A  }
0x23: {  	s9 =	sor.u32 $0xD0000000, s2;
	s6 =	simm.s32 $0x108;
	_ =	swait.ge @!p0 [sflag:s8], $0x0  }
0x24: {  	s3 =	sadd.s32 $0x88, s3;
	s6 =	simm.s32 @!p1 $0x1082;
	[sflag:s4] =	ssyncset.s32 $0xFFFFF086  }
0x25: {  	[simem:s6], [sflag:s4] =	dma.local [hbm:s3], $0xF7A  }
0x26: {  	[smem:$0x3F90] =	sst s1;
	(tag) =	ssettag s2;
	_ =	strace s9  }
0x27: {  	s1 =	sld [smem:$0x3FA0]  }
0x28: {  	s2 =	sld [smem:$0x3FA1]  }
0x29: {  	s4 =	sld [smem:$0x3FA3]  }
0x2a: {  	p0 =	seq.s32 s5, $0x0;
	s5 =	sld [smem:$0x3FA4]  }
0x2b: {  	s6 =	sld [smem:$0x3FA5]  }
0x2c: {  	s7 =	sld [smem:$0x3FA6]  }
0x2d: {  	s3 =	simm.s32 $0x108;
	s8 =	sld [smem:$0x3FA7]  }
0x2e: {  	s3 =	simm.s32 @!p0 $0x1082;
	s9 =	sld [smem:$0x3FA8]  }
0x2f: {  	lr =	sadd.s32 s0, s3;
	s0 =	sld [smem:$0x3F9F]  }
0x30: {  	s3 =	sld [smem:$0x3FA2]  }
0x31: {  	[smem:$0x3FAB] =	sst s10  }
0x32: {  	s10 =	sld [smem:$0x3FA9];
	_ =	sdelay $0x3  }
0x33: {  	p0 =	seq.s32 s10, $0x1;
	s10 =	sld [smem:$0x3FAB];
	_ =	sdelay $0x3  }
0x34: {  	[smem:$0x3FAB] =	sst s10  }
0x35: {  	s10 =	sld [smem:$0x3FAA];
	_ =	sdelay $0x3  }
0x36: {  	p1 =	seq.s32 s10, $0x1;
	s10 =	sld [smem:$0x3FAB];
	_ =	sdelay $0x3  }
0x37: {  	[smem:$0x3FAB] =	sst s10  }
0x38: {  	s10 =	sld [smem:$0x3FAC]  }
0x39: {  	_ = 	snop;
	(pc) =	sbr.ind lr, $3  }
0x3a: {  	_ = 	snop  }
0x3b: {  	_ = 	snop  }
0x3c: {  	p2 =	seq.s32 s10, $0x1;
	s10 =	sld [smem:$0x3FAB]  }
0x3d: {  	_ =	shalt  }
0x3e: {  	_ =	shalt  }
0x3f: {  	_ =	shalt  }
0x40: {  	_ =	shalt  }
0x41: {  	_ =	shalt  }
0x42: {  	_ =	shalt  }
0x43: {  	_ =	shalt  }
0x44: {  	_ =	shalt  }
0x45: {  	_ =	shalt  }
0x46: {  	_ =	shalt  }
0x47: {  	_ =	shalt  }
0x48: {  	_ =	shalt  }
0x49: {  	_ =	shalt  }
0x4a: {  	_ =	shalt  }
0x4b: {  	_ =	shalt  }
0x4c: {  	_ =	shalt  }
0x4d: {  	_ =	shalt  }
0x4e: {  	_ =	shalt  }
0x4f: {  	_ =	shalt  }
0x50: {  	_ =	shalt  }
0x51: {  	_ =	shalt  }
0x52: {  	_ =	shalt  }
0x53: {  	_ =	shalt  }
0x54: {  	_ =	shalt  }
0x55: {  	_ =	shalt  }
0x56: {  	_ =	shalt  }
0x57: {  	_ =	shalt  }
0x58: {  	_ =	shalt  }
0x59: {  	_ =	shalt  }
0x5a: {  	_ =	shalt  }
0x5b: {  	_ =	shalt  }
0x5c: {  	_ =	shalt  }
0x5d: {  	_ =	shalt  }
0x5e: {  	_ =	shalt  }
0x5f: {  	_ =	shalt  }
0x60: {  	_ =	shalt  }
0x61: {  	_ =	shalt  }
0x62: {  	_ =	shalt  }
0x63: {  	_ =	shalt  }
0x64: {  	_ =	shalt  }
0x65: {  	_ =	shalt  }
0x66: {  	_ =	shalt  }
0x67: {  	_ =	shalt  }
0x68: {  	_ =	shalt  }
0x69: {  	_ =	shalt  }
0x6a: {  	_ =	shalt  }
0x6b: {  	_ =	shalt  }
0x6c: {  	_ =	shalt  }
0x6d: {  	_ =	shalt  }
0x6e: {  	_ =	shalt  }
0x6f: {  	_ =	shalt  }
0x70: {  	_ =	shalt  }
0x71: {  	_ =	shalt  }
0x72: {  	_ =	shalt  }
0x73: {  	_ =	shalt  }
0x74: {  	_ =	shalt  }
0x75: {  	_ =	shalt  }
0x76: {  	_ =	shalt  }
0x77: {  	_ =	shalt  }
0x78: {  	_ =	shalt  }
0x79: {  	_ =	shalt  }
0x7a: {  	_ =	shalt  }
0x7b: {  	_ =	shalt  }
0x7c: {  	_ =	shalt  }
0x7d: {  	_ =	shalt  }
0x7e: {  	_ =	shalt  }
0x7f: {  	_ =	shalt  }
0x80: {  	_ =	shalt  }
0x81: {  	_ =	shalt  }
0x82: {  	_ =	shalt  }
0x83: {  	_ =	shalt  }
0x84: {  	_ =	shalt  }
0x85: {  	_ =	shalt  }
0x86: {  	_ =	shalt  }
0x87: {  	_ =	shalt  }
.Lfunc_end0:
.L_simem_size_0:
called_computation.8_lowered:
.L_overlay_start_0:
0x88: {  	s2 =	sld [smem:$0x3FD9]  }
0x89: {  	s3 =	sld [smem:$0x3FFE];
	_ =	sdelay $0x1  }
0x8a: {  	s1 =	srdreg.scid  }
0x8b: {  	s0 =	sand.u32 $0x1, s1  }
0x8c: {  	s16 =	sshll.u32 s0, $0xA;
	s2 =	sadd.s32 s3, s2  }
0x8d: {  	s2 =	sadd.s32 s2, s16  }
0x8e: {  	[smem:$0x3FB7] =	sst s2  }
0x8f: {  	_ = 	snop  }
0x90: {  	(tm) =	ssettm $0x1  }
0x91: {  	s17 =	sld [smem:$0x3FFB];
	_ =	sdelay $0x3  }
0x92: {  	_ =	strace s17  }
0x93: {  	s2 =	sld [smem:$0x3FFC];
	_ =	sdelay $0x3  }
0x94: {  	_ =	strace s2  }
0x95: {  	s2 =	sld [smem:$0x3FFD];
	_ =	sdelay $0x3  }
0x96: {  	_ =	strace s2  }
0x97: {  	_ =	strace $0x8FFFFFFF  }
0x98: {  	s18 =	sld [smem:$0x3FDB];
	_ =	sdelay $0x1  }
0x99: {  	s19 =	simm.s32 $_scs_section_size  }
0x9a: {  	s4 =	simm.s32 $_size__tile_overlayer_lowered;
	s5 =	simm.s32 $_tile_overlayer_lowered  }
0x9b: {  	s22 =	simm.s32 $0x1BFF;
	s21 =	sshll.u32 s5, $0x1;
	s2 =	sadd.s32 s19, s18  }
0x9c: {  	s6 =	simm.s32 $0x0;
	s20 =	sshll.u32 s4, $0x1;
	s4 =	sadd.s32 s21, s2  }
0x9d: {  	[timem:s6], [sflag:s22] =	dma.local [hbm:s4], s20  }
0x9e: {  	_ =	swait.ge [sflag:s22], s20  }
0x9f: {  	s3 =	ssub.s32 $0x0, s20;
	[sflag:s22] =	ssyncset.done $0x0  }
0xa0: {  	[sflag:s22] =	ssyncadd.s32 s3;
	_ =	sdelay $0x1  }
0xa1: {  	s23 =	simm.s32 $0x1B8B  }
0xa2: {  	_ =	swait.ge [sflag:s23], $0x1  }
0xa3: {  	[sflag:s23] =	ssyncset.done $0x0  }
0xa4: {  	s25 =	simm.s32 $0x1B8E;
	s24 =	sld [smem:$0x3FFE];
	[sflag:s23] =	ssyncadd.s32 $0xFFFFFFFF  }
0xa5: {  	s26 =	simm.s32 $execute0_lowered;
	[smem:$0x3FD2] =	sst s25  }
0xa6: {  	s4 =	sshll.u32 s26, $0x1;
	_ =	strace $0x8000005E;
	[dreg:$0x1] =	wrdreg $0xFFFFFFFF  }
0xa7: {  	s28 =	simm.s32 $_size_execute0_lowered;
	s2 =	sadd.s32 s2, s4;
	[dreg:$0x0] =	wrdreg $0x0  }
0xa8: {  	s4 =	sshll.u32 s28, $0x1;
	[dreg:$0x2] =	wrdreg s2  }
0xa9: {  	[dreg:$0x3] =	wrdreg s4  }
0xaa: {  	[dreg:$0x4] =	wrdreg $0xC0  }
0xab: {  	_ =	task [dreg:s6], $0x5FFFF  }
0xac: {  	[dreg:$0x1] =	wrdreg $0xFFFFFFFF  }
0xad: {  	[dreg:$0x0] =	wrdreg $0x60  }
0xae: {  	[dreg:$0x2] =	wrdreg s24  }
0xaf: {  	[dreg:$0x3] =	wrdreg $0x0  }
0xb0: {  	[dreg:$0x4] =	wrdreg $0x9  }
0xb1: {  	_ =	task.clear_ibuf [dreg:s6], $0x5FFFF;
	_ =	strace $0x9000005E  }
0xb2: {  	s29 =	simm.s32 $0x9;
	_ =	strace $0x80000060  }
0xb3: {  	_ =	swait.ge [sflag:s29], $0x1  }
0xb4: {  	[sflag:s29] =	ssyncadd.s32 $0xFFFFFFFF  }
0xb5: {  	_ =	strace $0x90000060  }
0xb6: {  	_ =	sfence  }
0xb7: {  	s30 =	sld [smem:$0x0];
	_ =	sdelay $0x2  }
0xb8: {  	s31 =	sshll.u32 s1, $0xD;
	s1 =	sshrl.u32 s1, $0x2  }
0xb9: {  	s3 =	sand.u32 $0x4000, s31;
	s1 =	sadd.s32 s1, s30  }
0xba: {  	s0 =	sor.u32 s3, s0;
	s1 =	sshll.u32 s1, $0x11  }
0xbb: {  	s0 =	sor.u32 s1, s0  }
0xbc: {  	s0 =	sadd.s32 $0x8F2B, s0  }
0xbd: {  	[sflag:s0] =	ssyncadd.remote.s32 $0x1  }
0xbe: {  	_ =	sfence.sel $0xFFFF  }
0xbf: {  	[dreg:$0x0] =	wrdreg $0xFFFFFFFF;
	(pc) =	sbr.abs _section_cstart, $3  }
0xc0: {  	[dreg:$0x1] =	wrdreg $0xFFFFFFFF  }
0xc1: {  	_ =	task.clear_ibuf [dreg:s6], $0x2FFFF;
	_ =	strace $0x9FFFFFFF  }
0xc2: {  	(tm) =	ssettm $0x7FFFFFFF  }
0xc3: {  	_ =	shalt  }
tec
execute0_lowered:
.L_overlay_start_1:
0x0: {  	(tag) =	ssettag $0x1  }
0x1: {  	s1 =	srdreg.scid  }
0x2: {  	s1 =	sand.u32 $0x1, s1  }
0x3: {  	p0 =	seq.s32 s1, $0x1  }
.Ltmp0:
0x4: {  	_ = 	snop;
	(pc) =	sbr.rel @p0 .LBB2_14-.Ltmp0, $4  }
0x5: {  	s0 =	rddreg [dreg:$0x0]  }
0x6: {  	s3 =	rddreg [dreg:$0x1];
	s2 =	simm.s32 $0x0  }
0x7: {  	[smem:$0x7FF] =	sst s2  }
0x8: {  	s4 =	rddreg [dreg:$0x2];
	s14 =	stileid.u32;
	_ =	strace $0x8000005F  }
0x9: {  	s1 =	smul.u32 $0x62000, s14  }
0xa: {  	s2 =	sadd.s32 $0xD5600, s0;
	s5 =	smul.u32 $0x18800, s14;
	s22 =	sadd.s32 $0x34BE00, s0  }
0xb: {  	s6 =	sadd.s32 $0x31AA00, s0;
	s7 =	sadd.s32 $0xD600, s0;
	[dreg:$0x6] =	wrdreg s2  }
0xc: {  	s19 =	simm.s32 $0x80;
	[dreg:$0x7] =	wrdreg s22;
	s24 =	sadd.s32 $0x18000, s5  }
0xd: {  	s23 =	sshrl.u32 s1, $0x2;
	s25 =	sadd.s32 s24, s3;
	s26 =	sshrl.u32 s24, $0x3  }
0xe: {  	s11 =	sadd.s32 s23, s3;
	[dreg:$0x5] =	wrdreg s25;
	s1 =	sadd.s32 s6, s26  }
0xf: {  	s0 =	sadd.s32 s7, s26;
	s9 =	sadd.s32 $0x1000, s11;
	s8 =	sadd.s32 $0x2000, s11  }
0x10: {  	s4 =	sadd.s32 $0x3000, s11;
	s2 =	sadd.s32 $0x4000, s11;
	s31 =	sadd.s32 $0x6000, s11  }
0x11: {  	s30 =	sadd.s32 $0x7000, s11;
	s29 =	sadd.s32 $0x8000, s11;
	s28 =	sadd.s32 $0x9000, s11  }
0x12: {  	s26 =	sadd.s32 $0xA000, s11;
	s25 =	sadd.s32 $0xB000, s11;
	s24 =	sadd.s32 $0xC000, s11  }
0x13: {  	s23 =	sadd.s32 $0xD000, s11;
	s22 =	sadd.s32 $0xE000, s11;
	s21 =	sadd.s32 $0xF000, s11  }
0x14: {  	s20 =	sadd.s32 $0x10000, s11;
	s18 =	sadd.s32 $0x11000, s11;
	s17 =	sadd.s32 $0x12000, s11  }
0x15: {  	s16 =	sadd.s32 $0x13000, s11;
	s15 =	sadd.s32 $0x14000, s11;
	s14 =	sadd.s32 $0x15000, s11  }
0x16: {  	s13 =	sadd.s32 $0x16000, s11;
	s12 =	sadd.s32 $0x17000, s11;
	[dreg:$0x4] =	wrdreg s1  }
0x17: {  	v0 =	vimm.f32 $0.0e+00;
	[dreg:$0x3] =	wrdreg s0;
	s0 =	sadd.s32 $0x5000, s11;
	s1 =	simm.s32 $0x0  }
.LBB2_2:
0x18: {  	p0 =	sne.s32 s19, $0x3F80;
	[tilespmem:s1+$0x18800] =	vst v0;
	s10 =	smov.u32 s19;
	s19 =	sadd.s32 $0x80, s19  }
.Ltmp1:
0x19: {  	[tilespmem:s1+$0x18810] =	vst v0;
	(pc) =	sbr.rel @p0 .LBB2_2-.Ltmp1, $2  }
0x1a: {  	_ =	sdelay $0x2  }
0x1b: {  	s1 =	sshra.s32 s10, $0x2  }
0x1c: {  	[tilespmem:s1+$0x18800] =	vst v0  }
0x1d: {  	[tilespmem:s1+$0x18810] =	vst v0;
	s19 =	simm.s32 $0x18800  }
0x1e: {  	[spmem:s11] =	stream.linear.scatter [tilespmem:s19], [sflag:$0x1], $0x1000, $0x38;
	[tilespmem:$0x1C480] =	vst v63  }
0x1f: {  	s11 =	simm.s32 $0x1  }
0x20: {  	_ =	swait.ge [sflag:s11], $0x1000  }
0x21: {  	[sflag:s11] =	ssyncset.done $0x0  }
0x22: {  	[sflag:s11] =	ssyncadd.s32 $0xFFFFF000  }
0x23: {  	[spmem:s9] =	stream.linear.scatter [tilespmem:s19], [sflag:$0x1], $0x1000, $0x38;
	[tilespmem:$0x1C480] =	vst v63  }
0x24: {  	_ =	swait.ge [sflag:s11], $0x1000  }
0x25: {  	[sflag:s11] =	ssyncset.done $0x0  }
0x26: {  	[sflag:s11] =	ssyncadd.s32 $0xFFFFF000  }
0x27: {  	[spmem:s8] =	stream.linear.scatter [tilespmem:s19], [sflag:$0x1], $0x1000, $0x38;
	[tilespmem:$0x1C480] =	vst v63  }
0x28: {  	_ =	swait.ge [sflag:s11], $0x1000  }
0x29: {  	[sflag:s11] =	ssyncset.done $0x0  }
0x2a: {  	[sflag:s11] =	ssyncadd.s32 $0xFFFFF000  }
0x2b: {  	[spmem:s4] =	stream.linear.scatter [tilespmem:s19], [sflag:$0x1], $0x1000, $0x38;
	[tilespmem:$0x1C480] =	vst v63  }
0x2c: {  	_ =	swait.ge [sflag:s11], $0x1000  }
0x2d: {  	[sflag:s11] =	ssyncset.done $0x0  }
0x2e: {  	[sflag:s11] =	ssyncadd.s32 $0xFFFFF000  }
0x2f: {  	[spmem:s2] =	stream.linear.scatter [tilespmem:s19], [sflag:$0x1], $0x1000, $0x38;
	[tilespmem:$0x1C480] =	vst v63  }
0x30: {  	_ =	swait.ge [sflag:s11], $0x1000  }
0x31: {  	[sflag:s11] =	ssyncset.done $0x0  }
0x32: {  	[sflag:s11] =	ssyncadd.s32 $0xFFFFF000  }
0x33: {  	[spmem:s0] =	stream.linear.scatter [tilespmem:s19], [sflag:$0x1], $0x1000, $0x38;
	[tilespmem:$0x1C480] =	vst v63  }
0x34: {  	_ =	swait.ge [sflag:s11], $0x1000  }
0x35: {  	[sflag:s11] =	ssyncset.done $0x0  }
0x36: {  	[sflag:s11] =	ssyncadd.s32 $0xFFFFF000  }
0x37: {  	[spmem:s31] =	stream.linear.scatter [tilespmem:s19], [sflag:$0x1], $0x1000, $0x38;
	[tilespmem:$0x1C480] =	vst v63  }
0x38: {  	_ =	swait.ge [sflag:s11], $0x1000  }
0x39: {  	[sflag:s11] =	ssyncset.done $0x0  }
0x3a: {  	[sflag:s11] =	ssyncadd.s32 $0xFFFFF000  }
0x3b: {  	[spmem:s30] =	stream.linear.scatter [tilespmem:s19], [sflag:$0x1], $0x1000, $0x38;
	[tilespmem:$0x1C480] =	vst v63  }
0x3c: {  	_ =	swait.ge [sflag:s11], $0x1000  }
0x3d: {  	[sflag:s11] =	ssyncset.done $0x0  }
0x3e: {  	[sflag:s11] =	ssyncadd.s32 $0xFFFFF000  }
0x3f: {  	[spmem:s29] =	stream.linear.scatter [tilespmem:s19], [sflag:$0x1], $0x1000, $0x38;
	[tilespmem:$0x1C480] =	vst v63  }
0x40: {  	_ =	swait.ge [sflag:s11], $0x1000  }
0x41: {  	[sflag:s11] =	ssyncset.done $0x0  }
0x42: {  	[sflag:s11] =	ssyncadd.s32 $0xFFFFF000  }
0x43: {  	[spmem:s28] =	stream.linear.scatter [tilespmem:s19], [sflag:$0x1], $0x1000, $0x38;
	[tilespmem:$0x1C480] =	vst v63  }
0x44: {  	_ =	swait.ge [sflag:s11], $0x1000  }
0x45: {  	[sflag:s11] =	ssyncset.done $0x0  }
0x46: {  	[sflag:s11] =	ssyncadd.s32 $0xFFFFF000  }
0x47: {  	[spmem:s26] =	stream.linear.scatter [tilespmem:s19], [sflag:$0x1], $0x1000, $0x38;
	[tilespmem:$0x1C480] =	vst v63  }
0x48: {  	_ =	swait.ge [sflag:s11], $0x1000  }
0x49: {  	[sflag:s11] =	ssyncset.done $0x0  }
0x4a: {  	[sflag:s11] =	ssyncadd.s32 $0xFFFFF000  }
0x4b: {  	[spmem:s25] =	stream.linear.scatter [tilespmem:s19], [sflag:$0x1], $0x1000, $0x38;
	[tilespmem:$0x1C480] =	vst v63  }
0x4c: {  	_ =	swait.ge [sflag:s11], $0x1000  }
0x4d: {  	[sflag:s11] =	ssyncset.done $0x0  }
0x4e: {  	[sflag:s11] =	ssyncadd.s32 $0xFFFFF000  }
0x4f: {  	[spmem:s24] =	stream.linear.scatter [tilespmem:s19], [sflag:$0x1], $0x1000, $0x38;
	[tilespmem:$0x1C480] =	vst v63  }
0x50: {  	_ =	swait.ge [sflag:s11], $0x1000  }
0x51: {  	[sflag:s11] =	ssyncset.done $0x0  }
0x52: {  	[sflag:s11] =	ssyncadd.s32 $0xFFFFF000  }
0x53: {  	[spmem:s23] =	stream.linear.scatter [tilespmem:s19], [sflag:$0x1], $0x1000, $0x38;
	[tilespmem:$0x1C480] =	vst v63  }
0x54: {  	_ =	swait.ge [sflag:s11], $0x1000  }
0x55: {  	[sflag:s11] =	ssyncset.done $0x0  }
0x56: {  	[sflag:s11] =	ssyncadd.s32 $0xFFFFF000  }
0x57: {  	[spmem:s22] =	stream.linear.scatter [tilespmem:s19], [sflag:$0x1], $0x1000, $0x38;
	[tilespmem:$0x1C480] =	vst v63  }
0x58: {  	_ =	swait.ge [sflag:s11], $0x1000  }
0x59: {  	[sflag:s11] =	ssyncset.done $0x0  }
0x5a: {  	[sflag:s11] =	ssyncadd.s32 $0xFFFFF000  }
0x5b: {  	[spmem:s21] =	stream.linear.scatter [tilespmem:s19], [sflag:$0x1], $0x1000, $0x38;
	[tilespmem:$0x1C480] =	vst v63  }
0x5c: {  	_ =	swait.ge [sflag:s11], $0x1000  }
0x5d: {  	[sflag:s11] =	ssyncset.done $0x0  }
0x5e: {  	[sflag:s11] =	ssyncadd.s32 $0xFFFFF000  }
0x5f: {  	[spmem:s20] =	stream.linear.scatter [tilespmem:s19], [sflag:$0x1], $0x1000, $0x38;
	[tilespmem:$0x1C480] =	vst v63  }
0x60: {  	_ =	swait.ge [sflag:s11], $0x1000  }
0x61: {  	[sflag:s11] =	ssyncset.done $0x0  }
0x62: {  	[sflag:s11] =	ssyncadd.s32 $0xFFFFF000  }
0x63: {  	[spmem:s18] =	stream.linear.scatter [tilespmem:s19], [sflag:$0x1], $0x1000, $0x38;
	[tilespmem:$0x1C480] =	vst v63  }
0x64: {  	_ =	swait.ge [sflag:s11], $0x1000  }
0x65: {  	[sflag:s11] =	ssyncset.done $0x0  }
0x66: {  	[sflag:s11] =	ssyncadd.s32 $0xFFFFF000  }
0x67: {  	[spmem:s17] =	stream.linear.scatter [tilespmem:s19], [sflag:$0x1], $0x1000, $0x38;
	[tilespmem:$0x1C480] =	vst v63  }
0x68: {  	_ =	swait.ge [sflag:s11], $0x1000  }
0x69: {  	[sflag:s11] =	ssyncset.done $0x0  }
0x6a: {  	[sflag:s11] =	ssyncadd.s32 $0xFFFFF000  }
0x6b: {  	[spmem:s16] =	stream.linear.scatter [tilespmem:s19], [sflag:$0x1], $0x1000, $0x38;
	[tilespmem:$0x1C480] =	vst v63  }
0x6c: {  	_ =	swait.ge [sflag:s11], $0x1000  }
0x6d: {  	[sflag:s11] =	ssyncset.done $0x0  }
0x6e: {  	[sflag:s11] =	ssyncadd.s32 $0xFFFFF000  }
0x6f: {  	[spmem:s15] =	stream.linear.scatter [tilespmem:s19], [sflag:$0x1], $0x1000, $0x38;
	[tilespmem:$0x1C480] =	vst v63  }
0x70: {  	_ =	swait.ge [sflag:s11], $0x1000  }
0x71: {  	[sflag:s11] =	ssyncset.done $0x0  }
0x72: {  	[sflag:s11] =	ssyncadd.s32 $0xFFFFF000  }
0x73: {  	[spmem:s14] =	stream.linear.scatter [tilespmem:s19], [sflag:$0x1], $0x1000, $0x38;
	[tilespmem:$0x1C480] =	vst v63  }
0x74: {  	_ =	swait.ge [sflag:s11], $0x1000  }
0x75: {  	[sflag:s11] =	ssyncset.done $0x0  }
0x76: {  	[sflag:s11] =	ssyncadd.s32 $0xFFFFF000  }
0x77: {  	[spmem:s13] =	stream.linear.scatter [tilespmem:s19], [sflag:$0x1], $0x1000, $0x38;
	[tilespmem:$0x1C480] =	vst v63  }
0x78: {  	_ =	swait.ge [sflag:s11], $0x1000  }
0x79: {  	[sflag:s11] =	ssyncset.done $0x0  }
0x7a: {  	[sflag:s11] =	ssyncadd.s32 $0xFFFFF000  }
0x7b: {  	[spmem:s12] =	stream.linear.scatter [tilespmem:s19], [sflag:$0x1], $0x1000, $0x38;
	[tilespmem:$0x1C480] =	vst v63  }
0x7c: {  	_ =	swait.ge [sflag:s11], $0x1000  }
0x7d: {  	[sflag:s11] =	ssyncset.done $0x0  }
0x7e: {  	s15 =	rddreg [dreg:$0x5];
	[sflag:s11] =	ssyncadd.s32 $0xFFFFF000  }
0x7f: {  	[spmem:s15] =	stream.linear.scatter [tilespmem:s19], [sflag:$0x1], $0x800, $0x38;
	[tilespmem:$0x1C480] =	vst v63  }
0x80: {  	_ =	swait.ge [sflag:s11], $0x800  }
0x81: {  	[sflag:s11] =	ssyncset.done $0x0  }
0x82: {  	s14 =	stileid.u32;
	[sflag:s11] =	ssyncadd.s32 $0xFFFFF800  }
0x83: {  	s30 =	smul.u32 $0x190, s14;
	[bflag:$0x0] =	sbarrier.arrive $0xFFFF  }
0x84: {  	s31 =	rddreg [dreg:$0x7]  }
0x85: {  	s0 =	sadd.s32 s30, s31  }
0x86: {  	s4 =	simm.s32 $0x19800;
	s2 =	simm.s32 $0x0;
	s1 =	sadd.s32 $0x0, s0  }
0x87: {  	[tilespmem:s4], [sflag:$0x1] =	stream.linear.gather [hbm4b:s1+s2], $0x80, $0x38;
	[tilespmem:$0x1C480] =	vst v63  }
0x88: {  	_ =	swait.ge [sflag:s11], $0x80  }
0x89: {  	s8 =	simm.s32 $0x10;
	[sflag:s11] =	ssyncset.done $0x0  }
.LBB2_4:
0x8a: {  	s1 =	sadd.s32 s8, s0  }
0x8b: {  	[sflag:s11] =	ssyncadd.s32 $0xFFFFFF80;
	s4 =	sadd.s32 $0x80, s4;
	p0 =	sne.s32 s8, $0x180  }
0x8c: {  	[tilespmem:s4], [sflag:$0x1] =	stream.linear.gather [hbm4b:s1+s2], $0x80, $0x38;
	[tilespmem:$0x1C480] =	vst v63  }
.Ltmp2:
0x8d: {  	_ = 	snop;
	(pc) =	sbr.rel @p0 .LBB2_4-.Ltmp2, $4  }
0x8e: {  	_ = 	snop  }
0x8f: {  	s8 =	sadd.s32 $0x10, s8  }
0x90: {  	_ =	swait.ge [sflag:s11], $0x80  }
0x91: {  	[sflag:s11] =	ssyncset.done $0x0  }
0x92: {  	s0 =	smul.u32 $0x3200, s14  }
0x93: {  	s1 =	rddreg [dreg:$0x6]  }
0x94: {  	[sflag:s11] =	ssyncadd.s32 $0xFFFFFF80;
	s4 =	simm.s32 $0x0;
	s8 =	sadd.s32 s0, s1  }
0x95: {  	s2 =	simm.s32 $0x18800;
	s0 =	simm.s32 $0x1;
	s1 =	sadd.s32 $0x0, s8  }
0x96: {  	[tilespmem:s2], [sflag:$0x1] =	stream.linear.gather [hbm4b:s1+s4], $0x1000, $0x38;
	[tilespmem:$0x1C480] =	vst v63  }
0x97: {  	_ =	swait.ge [sflag:s0], $0x1000  }
0x98: {  	[sflag:s0] =	ssyncset.done $0x0  }
0x99: {  	s9 =	simm.s32 $0x80;
	s31 =	simm.s32 $0x19800;
	[sflag:s0] =	ssyncadd.s32 $0xFFFFF000  }
0x9a: {  	[spmem:s3] =	stream.indirect.scatter.add.f32 [tilespmem:s2], [sflag:$0x1], $0x20, s31, s9, $0xb8;
	[tilespmem:$0x1C480] =	vst v63  }
0x9b: {  	_ =	swait.ge [sflag:s0], $0x1000  }
0x9c: {  	s10 =	simm.s32 $0x200;
	s11 =	simm.s32 $0x400;
	[sflag:s0] =	ssyncset.done $0x0  }
.LBB2_6:
0x9d: {  	s1 =	sadd.s32 s10, s8  }
0x9e: {  	[sflag:s0] =	ssyncadd.s32 $0xFFFFF000;
	s12 =	smov.u32 s11;
	s13 =	sadd.s32 $0x200, s11  }
0x9f: {  	[tilespmem:s2], [sflag:$0x1] =	stream.linear.gather [hbm4b:s1+s4], $0x1000, $0x38;
	[tilespmem:$0x1C480] =	vst v63  }
0xa0: {  	p0 =	sne.s32 s11, $0x3000;
	_ =	swait.ge [sflag:s0], $0x1000  }
.Ltmp3:
0xa1: {  	s1 =	sshra.s32 s10, $0x2;
	[sflag:s0] =	ssyncset.done $0x0;
	(pc) =	sbr.rel @p0 .LBB2_6-.Ltmp3, $4  }
0xa2: {  	s10 =	smov.u32 s12;
	s1 =	sadd.s32 $0x19800, s1;
	[sflag:s0] =	ssyncadd.s32 $0xFFFFF000  }
0xa3: {  	[spmem:s3] =	stream.indirect.scatter.add.f32 [tilespmem:s2], [sflag:$0x1], $0x20, s1, s9, $0xb8;
	[tilespmem:$0x1C480] =	vst v63  }
0xa4: {  	_ =	swait.ge [sflag:s0], $0x1000  }
0xa5: {  	s11 =	smov.u32 s13;
	[sflag:s0] =	ssyncset.done $0x0  }
0xa6: {  	s1 =	sadd.s32 s10, s8;
	[sflag:s0] =	ssyncadd.s32 $0xFFFFF000  }
0xa7: {  	[tilespmem:s2], [sflag:$0x1] =	stream.linear.gather [hbm4b:s1+s4], $0x1000, $0x38;
	[tilespmem:$0x1C480] =	vst v63  }
0xa8: {  	_ =	swait.ge [sflag:s0], $0x1000  }
0xa9: {  	s31 =	sshra.s32 s10, $0x2;
	[sflag:s0] =	ssyncset.done $0x0  }
0xaa: {  	s1 =	sadd.s32 $0x19800, s31;
	[sflag:s0] =	ssyncadd.s32 $0xFFFFF000  }
0xab: {  	[spmem:s3] =	stream.indirect.scatter.add.f32 [tilespmem:s2], [sflag:$0x1], $0x20, s1, s9, $0xb8;
	[tilespmem:$0x1C480] =	vst v63  }
0xac: {  	_ =	swait.ge [sflag:s0], $0x1000  }
0xad: {  	s10 =	simm.s32 $0x1;
	[sflag:s0] =	ssyncset.done $0x0  }
0xae: {  	s11 =	simm.s32 $0x0;
	s9 =	simm.s32 $0x1A480;
	[sflag:s0] =	ssyncadd.s32 $0xFFFFF000  }
0xaf: {  	s2 =	simm.s32 $0x1B480;
	s0 =	simm.s32 $0x0;
	[bflag:$0x0] =	sbarrier.arrive $0xFFFF  }
.LBB2_8:
0xb0: {  	s1 =	sshll.u32 s11, $0xC  }
0xb1: {  	s1 =	sadd.s32 s5, s1  }
0xb2: {  	s4 =	sadd.s32 s1, s3  }
0xb3: {  	[tilespmem:s9], [sflag:$0x1] =	stream.linear.gather [spmem:s4], $0x1000, $0x38;
	[tilespmem:$0x1C480] =	vst v63  }
0xb4: {  	_ =	swait.ge [sflag:s10], $0x1000  }
0xb5: {  	s4 =	sshrl.u32 s1, $0x3;
	[sflag:s10] =	ssyncset.done $0x0  }
0xb6: {  	s1 =	sadd.s32 s6, s4;
	[sflag:s10] =	ssyncadd.s32 $0xFFFFF000  }
0xb7: {  	[tilespmem:s2], [sflag:$0x1] =	stream.linear.gather [hbm4b:s1+s0], $0x1000, $0x38;
	[tilespmem:$0x1C480] =	vst v63  }
0xb8: {  	_ =	swait.ge [sflag:s10], $0x1000  }
0xb9: {  	[sflag:s10] =	ssyncset.done $0x0  }
0xba: {  	s8 =	simm.s32 $0x0;
	[sflag:s10] =	ssyncadd.s32 $0xFFFFF000  }
0xbb: {  	v0 =	vld [tilespmem:s8+$0x1B480]  }
0xbc: {  	v1 =	vld [tilespmem:s8+$0x1B490]  }
0xbd: {  	s12 =	simm.s32 $0x80;
	v2 =	vld [tilespmem:s8+$0x1A480]  }
.LBB2_9:
0xbe: {  	p0 =	sne.s32 s12, $0x3F80;
	v3 =	vld [tilespmem:s8+$0x1A490];
	_ =	sdelay $0x2  }
.Ltmp4:
0xbf: {  	(pc) =	sbr.rel @p0 .LBB2_9-.Ltmp4, $4  }
0xc0: {  	s1 =	sshra.s32 s12, $0x2;
	v2 =	vmul.f32 v0, v2  }
0xc1: {  	v0 =	vld [tilespmem:s1+$0x1B480];
	v3 =	vmul.f32 v1, v3  }
0xc2: {  	v1 =	vld [tilespmem:s1+$0x1B490];
	[tilespmem:s8+$0x1A480] =	vst v2  }
0xc3: {  	s12 =	sadd.s32 $0x80, s12;
	v2 =	vld [tilespmem:s1+$0x1A480];
	[tilespmem:s8+$0x1A490] =	vst v3;
	s8 =	smov.u32 s1  }
0xc4: {  	v3 =	vld [tilespmem:s8+$0x1A490];
	_ =	sdelay $0x3  }
0xc5: {  	v0 =	vmul.f32 v0, v2  }
0xc6: {  	s11 =	sadd.s32 $0x1, s11;
	v1 =	vmul.f32 v1, v3  }
0xc7: {  	p0 =	sne.s32 s11, $0x18;
	[tilespmem:s8+$0x1A480] =	vst v0  }
.Ltmp5:
0xc8: {  	s1 =	sadd.s32 s7, s4;
	[tilespmem:s8+$0x1A490] =	vst v1;
	(pc) =	sbr.rel @p0 .LBB2_8-.Ltmp5, $4  }
0xc9: {  	[hbm4b:s1+s0] =	stream.linear.scatter [tilespmem:s9], [sflag:$0x1], $0x1000, $0x38;
	[tilespmem:$0x1C480] =	vst v63  }
0xca: {  	_ =	swait.ge [sflag:s10], $0x1000  }
0xcb: {  	[sflag:s10] =	ssyncset.done $0x0  }
0xcc: {  	[sflag:s10] =	ssyncadd.s32 $0xFFFFF000  }
0xcd: {  	s0 =	simm.s32 $0x1A480;
	s31 =	simm.s32 $0x1  }
0xce: {  	[tilespmem:s0], [sflag:$0x1] =	stream.linear.gather [spmem:s15], $0x800, $0x38;
	[tilespmem:$0x1C480] =	vst v63  }
0xcf: {  	_ =	swait.ge [sflag:s31], $0x800  }
0xd0: {  	s1 =	simm.s32 $0x0;
	[sflag:s31] =	ssyncset.done $0x0  }
0xd1: {  	s2 =	simm.s32 $0x1B480;
	s3 =	rddreg [dreg:$0x4];
	[sflag:s31] =	ssyncadd.s32 $0xFFFFF800  }
0xd2: {  	[tilespmem:s2], [sflag:$0x1] =	stream.linear.gather [hbm4b:s3+s1], $0x800, $0x38;
	[tilespmem:$0x1C480] =	vst v63  }
0xd3: {  	_ =	swait.ge [sflag:s31], $0x800  }
0xd4: {  	[sflag:s31] =	ssyncset.done $0x0  }
0xd5: {  	s0 =	simm.s32 $0x0;
	[sflag:s31] =	ssyncadd.s32 $0xFFFFF800  }
0xd6: {  	v0 =	vld [tilespmem:s0+$0x1B480]  }
0xd7: {  	v1 =	vld [tilespmem:s0+$0x1B490]  }
0xd8: {  	s2 =	simm.s32 $0x80;
	v2 =	vld [tilespmem:s0+$0x1A480]  }
.LBB2_12:
0xd9: {  	p0 =	sne.s32 s2, $0x1F80;
	v3 =	vld [tilespmem:s0+$0x1A490];
	_ =	sdelay $0x2  }
.Ltmp6:
0xda: {  	(pc) =	sbr.rel @p0 .LBB2_12-.Ltmp6, $4  }
0xdb: {  	s1 =	sshra.s32 s2, $0x2;
	v2 =	vmul.f32 v0, v2  }
0xdc: {  	v0 =	vld [tilespmem:s1+$0x1B480];
	v3 =	vmul.f32 v1, v3  }
0xdd: {  	v1 =	vld [tilespmem:s1+$0x1B490];
	[tilespmem:s0+$0x1A480] =	vst v2  }
0xde: {  	s2 =	sadd.s32 $0x80, s2;
	v2 =	vld [tilespmem:s1+$0x1A480];
	[tilespmem:s0+$0x1A490] =	vst v3;
	s0 =	smov.u32 s1  }
0xdf: {  	v3 =	vld [tilespmem:s0+$0x1A490];
	_ =	sdelay $0x3  }
0xe0: {  	v0 =	vmul.f32 v0, v2  }
0xe1: {  	v1 =	vmul.f32 v1, v3  }
0xe2: {  	s30 =	simm.s32 $0x0;
	[tilespmem:s0+$0x1A480] =	vst v0  }
0xe3: {  	s1 =	simm.s32 $0x1A480;
	s2 =	rddreg [dreg:$0x3];
	s31 =	simm.s32 $0x1;
	[tilespmem:s0+$0x1A490] =	vst v1  }
0xe4: {  	[hbm4b:s2+s30] =	stream.linear.scatter [tilespmem:s1], [sflag:$0x1], $0x800, $0x38;
	[tilespmem:$0x1C480] =	vst v63  }
0xe5: {  	_ =	swait.ge [sflag:s31], $0x800  }
0xe6: {  	[sflag:s31] =	ssyncset.done $0x0  }
0xe7: {  	[sflag:s31] =	ssyncadd.s32 $0xFFFFF800  }
0xe8: {  	s4 =	rddreg [dreg:$0x2]  }
.LBB2_14:
0xe9: {  	_ =	sfence.sel $0x180000  }
0xea: {  	[bflag:$0x0] =	sbarrier.arrive $0xFFFF  }
0xeb: {  	p0 =	sne.s32 s14, $0x0;
	_ =	strace $0x9000005F  }
0xec: {  	s0 =	sadd.s32 @!p0 $0x100000, s4;
	[bflag:$0x2] =	sbarrier.arrive $0xFFFF  }
0xed: {  	[sflag:s0] =	ssyncadd.tile.s32 @!p0 $0x1;
	_ =	shalt  }
.Lfunc_end2:
_tile_overlayer_lowered:
.L_overlay_start_2:
0xee: {  	(tag) =	ssettag $0x2  }
0xef: {  	s0 =	rddreg [dreg:$0x0];
	s2 =	stileid.u32  }
0xf0: {  	s1 =	rddreg [dreg:$0x1];
	p0 =	sne.s32 s2, $0x0  }
0xf1: {  	s3 =	rddreg [dreg:$0x2];
	[bflag:$0x3] =	sbarrier.arrive $0xFFFF;
	s2 =	simm.s32 @!p0 $0x1C01  }
0xf2: {  	[timem:s3], [sflag:s2] =	dma.local @!p0 [hbm:s0], s1  }
0xf3: {  	s0 =	simm.s32 @!p0 $0x1  }
0xf4: {  	_ =	swait.ge @!p0 [sflag:s0], s1  }
0xf5: {  	s1 =	ssub.s32 @!p0 $0x0, s1;
	[sflag:s0] =	ssyncset.done @!p0 $0x0  }
0xf6: {  	[sflag:s0] =	ssyncadd.s32 @!p0 s1  }
0xf7: {  	[bflag:$0x3] =	sbarrier.arrive $0xFFFF  }
0xf8: {  	_ =	shalt  }

</sc_bundles>
